<compile_context>
chip_gen: v7x
topology: tpu7x:2x2x1
jax: 0.10.2.dev20260603
libtpu: 0.0.44.dev20260713+nightly
codegen_flags: <defaults>
</compile_context>

<pallas_src>
import jax
import jax.numpy as jnp
from jax.experimental import pallas as pl
from jax.experimental.pallas import tpu as pltpu
from jax.experimental.pallas import tpu_sc as plsc

_INNER_PRUNE = 0.3
_CROSS_PRUNE = 0.1
_HI = jax.lax.Precision.HIGHEST

_B = 128
_N = 78
_T = 10
_GN = _T + _N
_D = 128
_E = 1248
_GB = 32
_NPROG = _B // _GB
_R = _GB * _GN

_NC = 2
_NS = 16
_GPW = _B // (_NC * _NS)
_GG = _GN * _GN


def _adj_sc(ei_hbm, a_hbm, ei_v, acc_v):
    wid = jax.lax.axis_index("s") * _NC + jax.lax.axis_index("c")
    base = wid * _GPW
    ones = jnp.ones((16,), jnp.float32)
    zeros = jnp.zeros((16,), jnp.float32)
    for gg in range(_GPW):
        g = base + gg
        pltpu.sync_copy(ei_hbm.at[g], ei_v)

        def zbody(j, c):
            acc_v[pl.ds(pl.multiple_of(j * 16, 16), 16)] = zeros
            return c
        jax.lax.fori_loop(0, _GG // 16, zbody, 0)

        def ebody(j, c):
            o = pl.multiple_of(j * 16, 16)
            src = ei_v[0, pl.ds(o, 16)]
            dst = ei_v[1, pl.ds(o, 16)]
            plsc.addupdate_scatter(acc_v, [dst * _GN + src], ones)
            return c
        jax.lax.fori_loop(0, _E // 16, ebody, 0)

        pltpu.sync_copy(acc_v, a_hbm.at[g])


def _kern(x_ref, a_ref, tok_ref, rcross_ref, ccols_ref,
          wA1, bA1, wA2, bA2,
          waT, ba, out_ref,
          pscr, var, hr, lwr, pr, xs):
    tok = tok_ref[:]

    for g in range(_GB):
        r0 = g * _GN
        xs[r0:r0 + _N, :] = x_ref[g]
        xs[r0 + _N:r0 + _GN, :] = tok

    g_tt = jax.lax.dot_general(tok, tok, (((1,), (1,)), ((), ())),
                               precision=_HI)
    wtt = jnp.where(jax.nn.sigmoid(g_tt) >= _INNER_PRUNE, 1.0, 0.0)
    wttpad = jnp.pad(wtt, ((_N, 0), (_N, 0)))

    xf = xs[:]
    zc = jax.lax.dot(xf, rcross_ref[:], precision=_HI)
    cw = jnp.where(jax.nn.sigmoid(zc) >= _CROSS_PRUNE, 1.0, 0.0)
    cw = cw.reshape(_GB, _GN, _GN) * ccols_ref[:][None]
    wall = cw + wttpad[None]

    for g in range(_GB):
        lwr[g] = jnp.log(a_ref[g] + wall[g])

    var[:, _D:] = jnp.ones((_R, _D), jnp.float32)
    pscr[:] = jax.lax.dot(xf, wA1[:], precision=_HI) + bA1[:]
    var[:, :_D] = pscr[:, 2 * _D:3 * _D]

    for g in range(_GB):
        r0 = g * _GN
        qg = pscr[r0:r0 + _GN, 0:_D]
        kg = pscr[r0:r0 + _GN, _D:2 * _D]
        L = jax.lax.dot_general(qg, kg, (((1,), (1,)), ((), ())),
                                precision=_HI)
        ex = jnp.exp(L + lwr[g])
        ad = jax.lax.dot(ex, var[r0:r0 + _GN], precision=_HI)
        o = (ad[:, :_D] / jnp.maximum(ad[:, _D:], 1e-16)
             + pscr[r0:r0 + _GN, 3 * _D:])
        hr[r0:r0 + _GN, :] = jnp.where(o >= 0.0, o, 0.01 * o)

    hf = hr[:]
    pscr[:] = jax.lax.dot(hf, wA2[:], precision=_HI) + bA2[:]
    var[:, :_D] = pscr[:, 2 * _D:3 * _D]

    for g in range(_GB):
        r0 = g * _GN
        qg = pscr[r0:r0 + _GN, 0:_D]
        kg = pscr[r0:r0 + _GN, _D:2 * _D]
        L = jax.lax.dot_general(qg, kg, (((1,), (1,)), ((), ())),
                                precision=_HI)
        ex = jnp.exp(L + lwr[g])
        ad = jax.lax.dot(ex, var[r0:r0 + _GN], precision=_HI)
        o = (ad[:, :_D] / jnp.maximum(ad[:, _D:], 1e-16)
             + pscr[r0:r0 + _GN, 3 * _D:])
        pr[g:g + 1, :] = jnp.sum(o, axis=0, keepdims=True)

    Z = jax.lax.dot(pr[:], waT[:], precision=_HI) + ba[:]
    mz = jnp.max(Z, axis=1, keepdims=True)
    ez = jnp.exp(Z - mz)
    out_ref[:] = ez / jnp.sum(ez, axis=1, keepdims=True)


def kernel(x, edge_index, tokens,
           Wq1, bq1, Wk1, bk1, Wv1, bv1, Ws1, bs1,
           Wq2, bq2, Wk2, bk2, Wv2, bv2, Ws2, bs2, Wa, ba):
    C = Wa.shape[0]
    inv = 1.0 / jnp.sqrt(jnp.float32(_D))
    ei = edge_index.astype(jnp.int32)

    mesh = plsc.VectorSubcoreMesh(core_axis_name="c", subcore_axis_name="s")
    adj = pl.kernel(
        _adj_sc,
        out_type=jax.ShapeDtypeStruct((_B, _GG), jnp.float32),
        mesh=mesh,
        scratch_types=[
            pltpu.VMEM((2, _E), jnp.int32),
            pltpu.VMEM((_GG,), jnp.float32),
        ],
        compiler_params=pltpu.CompilerParams(needs_layout_passes=False),
    )(ei)
    A3 = adj.reshape(_B, _GN, _GN)

    rcross = jnp.concatenate(
        [jnp.zeros((_D, _N), jnp.float32), tokens.T], axis=1)
    ccols = jnp.zeros((_GN, _GN), jnp.float32)
    ccols = ccols.at[:_N, _N:].set(1.0)

    wA1 = jnp.concatenate([Wq1.T * inv, Wk1.T, Wv1.T, Ws1.T], axis=1)
    bA1 = jnp.concatenate([bq1 * inv, bk1, bv1, bs1]).reshape(1, -1)
    wA2 = jnp.concatenate([Wq2.T * inv, Wk2.T, Wv2.T, Ws2.T], axis=1)
    bA2 = jnp.concatenate([bq2 * inv, bk2, bv2, bs2]).reshape(1, -1)

    args = [x, A3, tokens, rcross, ccols,
            wA1, bA1, wA2, bA2,
            Wa.T / jnp.float32(_GN), ba.reshape(1, -1)]

    full = lambda i: (0, 0)
    in_specs = [
        pl.BlockSpec((_GB, _N, _D), lambda i: (i, 0, 0)),
        pl.BlockSpec((_GB, _GN, _GN), lambda i: (i, 0, 0)),
        pl.BlockSpec((_T, _D), full),
        pl.BlockSpec((_D, _GN), full),
        pl.BlockSpec((_GN, _GN), full),
    ]
    for _ in range(2):
        in_specs.append(pl.BlockSpec((_D, 4 * _D), full))
        in_specs.append(pl.BlockSpec((1, 4 * _D), full))
    in_specs.append(pl.BlockSpec((_D, C), full))
    in_specs.append(pl.BlockSpec((1, C), full))

    f32 = jnp.float32
    scratch = [
        pltpu.VMEM((_R, 4 * _D), f32),
        pltpu.VMEM((_R, 2 * _D), f32),
        pltpu.VMEM((_R, _D), f32),
        pltpu.VMEM((_GB, _GN, _GN), f32),
        pltpu.VMEM((_GB, _D), f32),
        pltpu.VMEM((_R, _D), f32),
    ]
    return pl.pallas_call(
        _kern,
        grid=(_NPROG,),
        in_specs=in_specs,
        out_specs=pl.BlockSpec((_GB, C), lambda i: (i, 0)),
        out_shape=jax.ShapeDtypeStruct((_B, C), jnp.float32),
        scratch_shapes=scratch,
        compiler_params=pltpu.CompilerParams(
            dimension_semantics=("parallel",)),
    )(*args)

# --- scband reference (transcript-rebuilt; emitter-appended) ---
"""Pipeline reference for scband-pipeline-21973052686424 (READ-ONLY COPY).

The authoritative reference and input builder live on the scoring server;
editing this copy changes nothing except your own understanding.
"""

import jax, jax.numpy as jnp
import numpy as np

INNER_PRUNE = 0.3
CROSS_PRUNE = 0.1

def _transformer_conv(x, src, dst, mask, Wq, bq, Wk, bk, Wv, bv, Ws, bs):
    # PyG TransformerConv, heads=1, concat=True, root_weight=True
    N = x.shape[0]
    q = x @ Wq.T + bq
    k = x @ Wk.T + bk
    v = x @ Wv.T + bv
    dh = q.shape[1]
    logits = jnp.sum(q[dst] * k[src], axis=1) / jnp.sqrt(float(dh))
    logits = jnp.where(mask, logits, -jnp.inf)
    m = jax.ops.segment_max(logits, dst, num_segments=N)
    m = jnp.where(jnp.isfinite(m), m, 0.0)
    ex = jnp.exp(logits - m[dst])
    denom = jax.ops.segment_sum(ex, dst, num_segments=N)
    alpha = ex / jnp.maximum(denom[dst], 1e-16)
    agg = jax.ops.segment_sum(alpha[:, None] * v[src], dst, num_segments=N)
    return agg + x @ Ws.T + bs

def _build_prompted_edges(tokens, x, edge_index):
    # HeavyPrompt: inner token graph + original edges (+T offset) + pruned cross edges
    T = tokens.shape[0]
    B, n, d = x.shape
    gn = T + n
    inner = jax.nn.sigmoid(tokens @ tokens.T)
    inner = jnp.where(inner < INNER_PRUNE, 0.0, inner)
    ig = jnp.indices((T, T))
    ir = ig[0].reshape(-1)
    ic = ig[1].reshape(-1)
    inner_ei = jnp.stack([ir, ic]).astype(jnp.int32)
    inner_mask = (inner != 0.0).reshape(-1)
    cg = jnp.indices((T, n))
    cr = cg[0].reshape(-1).astype(jnp.int32)
    cc = cg[1].reshape(-1).astype(jnp.int32)
    edges = []
    masks = []
    for g in range(B):
        g_ei = edge_index[g].astype(jnp.int32) + T
        cross = jax.nn.sigmoid(tokens @ x[g].T)
        cross = jnp.where(cross < CROSS_PRUNE, 0.0, cross)
        cross_mask = (cross != 0.0).reshape(-1)
        cross_ei = jnp.stack([cr, cc + T])
        e = jnp.concatenate([inner_ei, g_ei, cross_ei], axis=1) + g * gn
        m = jnp.concatenate([inner_mask, jnp.ones((g_ei.shape[1],), bool), cross_mask])
        edges.append(e)
        masks.append(m)
    return jnp.concatenate(edges, axis=1), jnp.concatenate(masks)

def setup_inputs(seed: int = 0):
    key = jax.random.key(seed)
    ks = jax.random.split(key, 32)
    B, n, d, T, H, C, Epg = 128, 78, 128, 10, 128, 10, 1248
    x = jax.random.normal(ks[0], (B, n, d), dtype=jnp.float32)
    edge_index = jax.random.randint(ks[1], (B, 2, Epg), 0, n)
    bound = (6.0 / ((1.0 + 0.01 ** 2) * d)) ** 0.5
    tokens = jax.random.uniform(ks[2], (T, d), minval=-bound, maxval=bound, dtype=jnp.float32)
    def lin(k, o, i):
        return (jax.random.normal(k, (o, i), dtype=jnp.float32) / np.sqrt(i)).astype(jnp.float32)
    inp = {"x": x, "edge_index": edge_index, "tokens": tokens}
    inp["Wq1"] = lin(ks[3], H, d); inp["bq1"] = jnp.zeros((H,), jnp.float32)
    inp["Wk1"] = lin(ks[4], H, d); inp["bk1"] = jnp.zeros((H,), jnp.float32)
    inp["Wv1"] = lin(ks[5], H, d); inp["bv1"] = jnp.zeros((H,), jnp.float32)
    inp["Ws1"] = lin(ks[6], H, d); inp["bs1"] = jnp.zeros((H,), jnp.float32)
    inp["Wq2"] = lin(ks[7], H, H); inp["bq2"] = jnp.zeros((H,), jnp.float32)
    inp["Wk2"] = lin(ks[8], H, H); inp["bk2"] = jnp.zeros((H,), jnp.float32)
    inp["Wv2"] = lin(ks[9], H, H); inp["bv2"] = jnp.zeros((H,), jnp.float32)
    inp["Ws2"] = lin(ks[10], H, H); inp["bs2"] = jnp.zeros((H,), jnp.float32)
    inp["Wa"] = lin(ks[11], C, H); inp["ba"] = jnp.zeros((C,), jnp.float32)
    return inp

def reference(x, edge_index, tokens, Wq1, bq1, Wk1, bk1, Wv1, bv1, Ws1, bs1, Wq2, bq2, Wk2, bk2, Wv2, bv2, Ws2, bs2, Wa, ba):
    B, n, d = x.shape
    T = tokens.shape[0]
    gn = T + n
    big_ei, edge_mask = _build_prompted_edges(tokens, x, edge_index)
    src, dst = big_ei[0], big_ei[1]
    big_x = jnp.concatenate([jnp.broadcast_to(tokens[None], (B, T, d)), x], axis=1).reshape(B * gn, d)
    h = _transformer_conv(big_x, src, dst, edge_mask, Wq1, bq1, Wk1, bk1, Wv1, bv1, Ws1, bs1)
    h = jax.nn.leaky_relu(h, negative_slope=0.01)  # act(); dropout is no-op in eval
    node_emb = _transformer_conv(h, src, dst, edge_mask, Wq2, bq2, Wk2, bk2, Wv2, bv2, Ws2, bs2)
    batch_ids = jnp.repeat(jnp.arange(B), gn)
    graph_emb = jax.ops.segment_sum(node_emb, batch_ids, num_segments=B) / float(gn)  # global_mean_pool
    return jax.nn.softmax(graph_emb @ Wa.T + ba, axis=1)

if __name__ == "__main__":
    import jax
    _d = setup_inputs()
    print(jax.jit(kernel)(*tuple(_d.values())))

</pallas_src>

<mosaic_0001>
#map = affine_map<(d0, d1) -> (0, 0, 0)>
#map1 = affine_map<(d0, d1) -> (0, 0)>
module attributes {stable_mosaic.version = 14 : i64} {
  func.func @_adj_sc(%arg0: i32, %arg1: i32, %arg2: memref<128x2x1248xi32, #tpu.memory_space<hbm>>, %arg3: memref<128x7744xf32, #tpu.memory_space<hbm>>, %arg4: memref<2x1248xi32, #tpu.memory_space<vmem>>, %arg5: memref<7744xf32, #tpu.memory_space<vmem>>) attributes {dimension_semantics = [#tpu.dimension_semantics<core_parallel>, #tpu.dimension_semantics<subcore_parallel>], iteration_bounds = array<i64: 2, 16>, scalar_prefetch = 0 : i64, scratch_operands = 2 : i64, tpu.core_type = #tpu.core_type<sc_vector_subcore>, window_params = [{transform_indices = #map}, {transform_indices = #map1}]} {
    %mul3A = arith.constant 2 : i32
    %mul3A_0 = arith.muli %arg1, %mul3A : i32
    %add3A = arith.addi %mul3A_0, %arg0 : i32
    %mul3A_1 = arith.constant 4 : i32
    %mul3A_2 = arith.muli %add3A, %mul3A_1 : i32
    %broadcast_in_dim3A = arith.constant 1.000000e+00 : f32
    %broadcast_in_dim3A_3 = vector.broadcast %broadcast_in_dim3A : f32 to vector<16xf32>
    %broadcast_in_dim3A_4 = arith.constant 0.000000e+00 : f32
    %broadcast_in_dim3A_5 = vector.broadcast %broadcast_in_dim3A_4 : f32 to vector<16xf32>
    %add3A_6 = arith.constant 0 : i32
    %add3A_7 = arith.addi %mul3A_2, %add3A_6 : i32
    "tpu.region"() ({
      %run_scoped3A = tpu.sem_alloc : memref<!tpu.dma_semaphore, #tpu.memory_space<semaphore_mem>>
      %dma_start3A = arith.constant 0 : i32
      %dma_start3A_61 = arith.constant 0 : i32
      %dma_start3A_62 = tpu.memref_slice %arg2[%add3A_7, %dma_start3A, %dma_start3A_61] : memref<128x2x1248xi32, #tpu.memory_space<hbm>> -> memref<1x2x1248xi32, #tpu.memory_space<hbm>>
      %dma_start3A_63 = tpu.memref_squeeze %dma_start3A_62 : memref<1x2x1248xi32, #tpu.memory_space<hbm>> -> memref<2x1248xi32, #tpu.memory_space<hbm>>
      %dma_start3A_64 = arith.constant 0 : i32
      %dma_start3A_65 = arith.constant 0 : i32
      %dma_start3A_66 = tpu.memref_slice %arg2[%add3A_7, %dma_start3A_64, %dma_start3A_65] : memref<128x2x1248xi32, #tpu.memory_space<hbm>> -> memref<1x2x1248xi32, #tpu.memory_space<hbm>>
      %dma_start3A_67 = tpu.memref_squeeze %dma_start3A_66 : memref<1x2x1248xi32, #tpu.memory_space<hbm>> -> memref<2x1248xi32, #tpu.memory_space<hbm>>
      tpu.enqueue_dma source(%dma_start3A_67 : memref<2x1248xi32, #tpu.memory_space<hbm>>) target(%arg4 : memref<2x1248xi32, #tpu.memory_space<vmem>>) target_semaphore(%run_scoped3A : memref<!tpu.dma_semaphore, #tpu.memory_space<semaphore_mem>>)
      %dma_wait3A = arith.constant 0 : i32
      %dma_wait3A_68 = arith.constant 0 : i32
      %dma_wait3A_69 = tpu.memref_slice %arg2[%add3A_7, %dma_wait3A, %dma_wait3A_68] : memref<128x2x1248xi32, #tpu.memory_space<hbm>> -> memref<1x2x1248xi32, #tpu.memory_space<hbm>>
      %dma_wait3A_70 = tpu.memref_squeeze %dma_wait3A_69 : memref<1x2x1248xi32, #tpu.memory_space<hbm>> -> memref<2x1248xi32, #tpu.memory_space<hbm>>
      %dma_wait3A_71 = arith.constant 0 : i32
      %dma_wait3A_72 = arith.constant 0 : i32
      %dma_wait3A_73 = tpu.memref_slice %arg2[%add3A_7, %dma_wait3A_71, %dma_wait3A_72] : memref<128x2x1248xi32, #tpu.memory_space<hbm>> -> memref<1x2x1248xi32, #tpu.memory_space<hbm>>
      %dma_wait3A_74 = tpu.memref_squeeze %dma_wait3A_73 : memref<1x2x1248xi32, #tpu.memory_space<hbm>> -> memref<2x1248xi32, #tpu.memory_space<hbm>>
      tpu.wait_dma2 semaphore(%run_scoped3A : memref<!tpu.dma_semaphore, #tpu.memory_space<semaphore_mem>>) src(%dma_wait3A_74 : memref<2x1248xi32, #tpu.memory_space<hbm>>) dst(%arg4 : memref<2x1248xi32, #tpu.memory_space<vmem>>)
      tpu.yield
    }) : () -> ()
    %scan3A = arith.constant 0 : i32
    %scan3A_8 = arith.constant 0 : i32
    %scan3A_9 = arith.constant 484 : i32
    %scan3A_10 = arith.addi %scan3A_8, %scan3A_9 : i32
    %scan3A_11 = arith.constant 1 : i32
    scf.for %scan3A_61 = %scan3A_8 to %scan3A_10 step %scan3A_11  : i32 {
      %mul3A_62 = arith.constant 16 : i32
      %mul3A_63 = arith.muli %scan3A_61, %mul3A_62 : i32
      %multiple_of3A = tpu.assume_multiple %mul3A_63, 16 : i32
      %swap3A = arith.index_cast %multiple_of3A : i32 to index
      %swap3A_64 = tpu.vector_load %arg5[%swap3A] {strides = array<i32>} : memref<7744xf32, #tpu.memory_space<vmem>>, vector<16xf32>,
      tpu.vector_store %arg5[%swap3A], %broadcast_in_dim3A_5 {strides = array<i32>} : memref<7744xf32, #tpu.memory_space<vmem>>, vector<16xf32>,
    }
    %scan3A_12 = arith.constant 484 : i32
    %scan3A_13 = arith.constant 0 : i32
    %scan3A_14 = arith.constant 0 : i32
    %scan3A_15 = arith.constant 78 : i32
    %scan3A_16 = arith.addi %scan3A_14, %scan3A_15 : i32
    %scan3A_17 = arith.constant 1 : i32
    scf.for %scan3A_61 = %scan3A_14 to %scan3A_16 step %scan3A_17  : i32 {
      %mul3A_62 = arith.constant 16 : i32
      %mul3A_63 = arith.muli %scan3A_61, %mul3A_62 : i32
      %multiple_of3A = tpu.assume_multiple %mul3A_63, 16 : i32
      %get3A = arith.constant 0 : i32
      %get3A_64 = arith.index_cast %get3A : i32 to index
      %get3A_65 = arith.index_cast %multiple_of3A : i32 to index
      %get3A_66 = tpu.vector_load %arg4[%get3A_64, %get3A_65] {strides = array<i32>} : memref<2x1248xi32, #tpu.memory_space<vmem>>, vector<16xi32>,
      %get3A_67 = arith.constant 1 : i32
      %get3A_68 = arith.index_cast %get3A_67 : i32 to index
      %get3A_69 = arith.index_cast %multiple_of3A : i32 to index
      %get3A_70 = tpu.vector_load %arg4[%get3A_68, %get3A_69] {strides = array<i32>} : memref<2x1248xi32, #tpu.memory_space<vmem>>, vector<16xi32>,
      %mul3A_71 = arith.constant 88 : i32
      %mul3A_72 = vector.broadcast %mul3A_71 : i32 to vector<16xi32>
      %mul3A_73 = arith.muli %get3A_70, %mul3A_72 : vector<16xi32>
      %add3A_74 = arith.addi %mul3A_73, %get3A_66 : vector<16xi32>
      tpu.vector_store_idx %arg5[%add3A_74], %broadcast_in_dim3A_3 {add = true} : memref<7744xf32, #tpu.memory_space<vmem>>[vector<16xi32>], vector<16xf32>,
    }
    %scan3A_18 = arith.constant 78 : i32
    "tpu.region"() ({
      %run_scoped3A = tpu.sem_alloc : memref<!tpu.dma_semaphore, #tpu.memory_space<semaphore_mem>>
      %dma_start3A = arith.constant 0 : i32
      %dma_start3A_61 = tpu.memref_slice %arg3[%add3A_7, %dma_start3A] : memref<128x7744xf32, #tpu.memory_space<hbm>> -> memref<1x7744xf32, #tpu.memory_space<hbm>>
      %dma_start3A_62 = tpu.memref_squeeze %dma_start3A_61 : memref<1x7744xf32, #tpu.memory_space<hbm>> -> memref<7744xf32, #tpu.memory_space<hbm>>
      %dma_start3A_63 = arith.constant 0 : i32
      %dma_start3A_64 = tpu.memref_slice %arg3[%add3A_7, %dma_start3A_63] : memref<128x7744xf32, #tpu.memory_space<hbm>> -> memref<1x7744xf32, #tpu.memory_space<hbm>>
      %dma_start3A_65 = tpu.memref_squeeze %dma_start3A_64 : memref<1x7744xf32, #tpu.memory_space<hbm>> -> memref<7744xf32, #tpu.memory_space<hbm>>
      tpu.enqueue_dma source(%arg5 : memref<7744xf32, #tpu.memory_space<vmem>>) target(%dma_start3A_65 : memref<7744xf32, #tpu.memory_space<hbm>>) target_semaphore(%run_scoped3A : memref<!tpu.dma_semaphore, #tpu.memory_space<semaphore_mem>>)
      %dma_wait3A = arith.constant 0 : i32
      %dma_wait3A_66 = tpu.memref_slice %arg3[%add3A_7, %dma_wait3A] : memref<128x7744xf32, #tpu.memory_space<hbm>> -> memref<1x7744xf32, #tpu.memory_space<hbm>>
      %dma_wait3A_67 = tpu.memref_squeeze %dma_wait3A_66 : memref<1x7744xf32, #tpu.memory_space<hbm>> -> memref<7744xf32, #tpu.memory_space<hbm>>
      %dma_wait3A_68 = arith.constant 0 : i32
      %dma_wait3A_69 = tpu.memref_slice %arg3[%add3A_7, %dma_wait3A_68] : memref<128x7744xf32, #tpu.memory_space<hbm>> -> memref<1x7744xf32, #tpu.memory_space<hbm>>
      %dma_wait3A_70 = tpu.memref_squeeze %dma_wait3A_69 : memref<1x7744xf32, #tpu.memory_space<hbm>> -> memref<7744xf32, #tpu.memory_space<hbm>>
      tpu.wait_dma2 semaphore(%run_scoped3A : memref<!tpu.dma_semaphore, #tpu.memory_space<semaphore_mem>>) src(%arg5 : memref<7744xf32, #tpu.memory_space<vmem>>) dst(%dma_wait3A_70 : memref<7744xf32, #tpu.memory_space<hbm>>)
      tpu.yield
    }) : () -> ()
    %add3A_19 = arith.constant 1 : i32
    %add3A_20 = arith.addi %mul3A_2, %add3A_19 : i32
    "tpu.region"() ({
      %run_scoped3A = tpu.sem_alloc : memref<!tpu.dma_semaphore, #tpu.memory_space<semaphore_mem>>
      %dma_start3A = arith.constant 0 : i32
      %dma_start3A_61 = arith.constant 0 : i32
      %dma_start3A_62 = tpu.memref_slice %arg2[%add3A_20, %dma_start3A, %dma_start3A_61] : memref<128x2x1248xi32, #tpu.memory_space<hbm>> -> memref<1x2x1248xi32, #tpu.memory_space<hbm>>
      %dma_start3A_63 = tpu.memref_squeeze %dma_start3A_62 : memref<1x2x1248xi32, #tpu.memory_space<hbm>> -> memref<2x1248xi32, #tpu.memory_space<hbm>>
      %dma_start3A_64 = arith.constant 0 : i32
      %dma_start3A_65 = arith.constant 0 : i32
      %dma_start3A_66 = tpu.memref_slice %arg2[%add3A_20, %dma_start3A_64, %dma_start3A_65] : memref<128x2x1248xi32, #tpu.memory_space<hbm>> -> memref<1x2x1248xi32, #tpu.memory_space<hbm>>
      %dma_start3A_67 = tpu.memref_squeeze %dma_start3A_66 : memref<1x2x1248xi32, #tpu.memory_space<hbm>> -> memref<2x1248xi32, #tpu.memory_space<hbm>>
      tpu.enqueue_dma source(%dma_start3A_67 : memref<2x1248xi32, #tpu.memory_space<hbm>>) target(%arg4 : memref<2x1248xi32, #tpu.memory_space<vmem>>) target_semaphore(%run_scoped3A : memref<!tpu.dma_semaphore, #tpu.memory_space<semaphore_mem>>)
      %dma_wait3A = arith.constant 0 : i32
      %dma_wait3A_68 = arith.constant 0 : i32
      %dma_wait3A_69 = tpu.memref_slice %arg2[%add3A_20, %dma_wait3A, %dma_wait3A_68] : memref<128x2x1248xi32, #tpu.memory_space<hbm>> -> memref<1x2x1248xi32, #tpu.memory_space<hbm>>
      %dma_wait3A_70 = tpu.memref_squeeze %dma_wait3A_69 : memref<1x2x1248xi32, #tpu.memory_space<hbm>> -> memref<2x1248xi32, #tpu.memory_space<hbm>>
      %dma_wait3A_71 = arith.constant 0 : i32
      %dma_wait3A_72 = arith.constant 0 : i32
      %dma_wait3A_73 = tpu.memref_slice %arg2[%add3A_20, %dma_wait3A_71, %dma_wait3A_72] : memref<128x2x1248xi32, #tpu.memory_space<hbm>> -> memref<1x2x1248xi32, #tpu.memory_space<hbm>>
      %dma_wait3A_74 = tpu.memref_squeeze %dma_wait3A_73 : memref<1x2x1248xi32, #tpu.memory_space<hbm>> -> memref<2x1248xi32, #tpu.memory_space<hbm>>
      tpu.wait_dma2 semaphore(%run_scoped3A : memref<!tpu.dma_semaphore, #tpu.memory_space<semaphore_mem>>) src(%dma_wait3A_74 : memref<2x1248xi32, #tpu.memory_space<hbm>>) dst(%arg4 : memref<2x1248xi32, #tpu.memory_space<vmem>>)
      tpu.yield
    }) : () -> ()
    %scan3A_21 = arith.constant 0 : i32
    %scan3A_22 = arith.constant 0 : i32
    %scan3A_23 = arith.constant 484 : i32
    %scan3A_24 = arith.addi %scan3A_22, %scan3A_23 : i32
    %scan3A_25 = arith.constant 1 : i32
    scf.for %scan3A_61 = %scan3A_22 to %scan3A_24 step %scan3A_25  : i32 {
      %mul3A_62 = arith.constant 16 : i32
      %mul3A_63 = arith.muli %scan3A_61, %mul3A_62 : i32
      %multiple_of3A = tpu.assume_multiple %mul3A_63, 16 : i32
      %swap3A = arith.index_cast %multiple_of3A : i32 to index
      %swap3A_64 = tpu.vector_load %arg5[%swap3A] {strides = array<i32>} : memref<7744xf32, #tpu.memory_space<vmem>>, vector<16xf32>,
      tpu.vector_store %arg5[%swap3A], %broadcast_in_dim3A_5 {strides = array<i32>} : memref<7744xf32, #tpu.memory_space<vmem>>, vector<16xf32>,
    }
    %scan3A_26 = arith.constant 484 : i32
    %scan3A_27 = arith.constant 0 : i32
    %scan3A_28 = arith.constant 0 : i32
    %scan3A_29 = arith.constant 78 : i32
    %scan3A_30 = arith.addi %scan3A_28, %scan3A_29 : i32
    %scan3A_31 = arith.constant 1 : i32
    scf.for %scan3A_61 = %scan3A_28 to %scan3A_30 step %scan3A_31  : i32 {
      %mul3A_62 = arith.constant 16 : i32
      %mul3A_63 = arith.muli %scan3A_61, %mul3A_62 : i32
      %multiple_of3A = tpu.assume_multiple %mul3A_63, 16 : i32
      %get3A = arith.constant 0 : i32
      %get3A_64 = arith.index_cast %get3A : i32 to index
      %get3A_65 = arith.index_cast %multiple_of3A : i32 to index
      %get3A_66 = tpu.vector_load %arg4[%get3A_64, %get3A_65] {strides = array<i32>} : memref<2x1248xi32, #tpu.memory_space<vmem>>, vector<16xi32>,
      %get3A_67 = arith.constant 1 : i32
      %get3A_68 = arith.index_cast %get3A_67 : i32 to index
      %get3A_69 = arith.index_cast %multiple_of3A : i32 to index
      %get3A_70 = tpu.vector_load %arg4[%get3A_68, %get3A_69] {strides = array<i32>} : memref<2x1248xi32, #tpu.memory_space<vmem>>, vector<16xi32>,
      %mul3A_71 = arith.constant 88 : i32
      %mul3A_72 = vector.broadcast %mul3A_71 : i32 to vector<16xi32>
      %mul3A_73 = arith.muli %get3A_70, %mul3A_72 : vector<16xi32>
      %add3A_74 = arith.addi %mul3A_73, %get3A_66 : vector<16xi32>
      tpu.vector_store_idx %arg5[%add3A_74], %broadcast_in_dim3A_3 {add = true} : memref<7744xf32, #tpu.memory_space<vmem>>[vector<16xi32>], vector<16xf32>,
    }
    %scan3A_32 = arith.constant 78 : i32
    "tpu.region"() ({
      %run_scoped3A = tpu.sem_alloc : memref<!tpu.dma_semaphore, #tpu.memory_space<semaphore_mem>>
      %dma_start3A = arith.constant 0 : i32
      %dma_start3A_61 = tpu.memref_slice %arg3[%add3A_20, %dma_start3A] : memref<128x7744xf32, #tpu.memory_space<hbm>> -> memref<1x7744xf32, #tpu.memory_space<hbm>>
      %dma_start3A_62 = tpu.memref_squeeze %dma_start3A_61 : memref<1x7744xf32, #tpu.memory_space<hbm>> -> memref<7744xf32, #tpu.memory_space<hbm>>
      %dma_start3A_63 = arith.constant 0 : i32
      %dma_start3A_64 = tpu.memref_slice %arg3[%add3A_20, %dma_start3A_63] : memref<128x7744xf32, #tpu.memory_space<hbm>> -> memref<1x7744xf32, #tpu.memory_space<hbm>>
      %dma_start3A_65 = tpu.memref_squeeze %dma_start3A_64 : memref<1x7744xf32, #tpu.memory_space<hbm>> -> memref<7744xf32, #tpu.memory_space<hbm>>
      tpu.enqueue_dma source(%arg5 : memref<7744xf32, #tpu.memory_space<vmem>>) target(%dma_start3A_65 : memref<7744xf32, #tpu.memory_space<hbm>>) target_semaphore(%run_scoped3A : memref<!tpu.dma_semaphore, #tpu.memory_space<semaphore_mem>>)
      %dma_wait3A = arith.constant 0 : i32
      %dma_wait3A_66 = tpu.memref_slice %arg3[%add3A_20, %dma_wait3A] : memref<128x7744xf32, #tpu.memory_space<hbm>> -> memref<1x7744xf32, #tpu.memory_space<hbm>>
      %dma_wait3A_67 = tpu.memref_squeeze %dma_wait3A_66 : memref<1x7744xf32, #tpu.memory_space<hbm>> -> memref<7744xf32, #tpu.memory_space<hbm>>
      %dma_wait3A_68 = arith.constant 0 : i32
      %dma_wait3A_69 = tpu.memref_slice %arg3[%add3A_20, %dma_wait3A_68] : memref<128x7744xf32, #tpu.memory_space<hbm>> -> memref<1x7744xf32, #tpu.memory_space<hbm>>
      %dma_wait3A_70 = tpu.memref_squeeze %dma_wait3A_69 : memref<1x7744xf32, #tpu.memory_space<hbm>> -> memref<7744xf32, #tpu.memory_space<hbm>>
      tpu.wait_dma2 semaphore(%run_scoped3A : memref<!tpu.dma_semaphore, #tpu.memory_space<semaphore_mem>>) src(%arg5 : memref<7744xf32, #tpu.memory_space<vmem>>) dst(%dma_wait3A_70 : memref<7744xf32, #tpu.memory_space<hbm>>)
      tpu.yield
    }) : () -> ()
    %add3A_33 = arith.constant 2 : i32
    %add3A_34 = arith.addi %mul3A_2, %add3A_33 : i32
    "tpu.region"() ({
      %run_scoped3A = tpu.sem_alloc : memref<!tpu.dma_semaphore, #tpu.memory_space<semaphore_mem>>
      %dma_start3A = arith.constant 0 : i32
      %dma_start3A_61 = arith.constant 0 : i32
      %dma_start3A_62 = tpu.memref_slice %arg2[%add3A_34, %dma_start3A, %dma_start3A_61] : memref<128x2x1248xi32, #tpu.memory_space<hbm>> -> memref<1x2x1248xi32, #tpu.memory_space<hbm>>
      %dma_start3A_63 = tpu.memref_squeeze %dma_start3A_62 : memref<1x2x1248xi32, #tpu.memory_space<hbm>> -> memref<2x1248xi32, #tpu.memory_space<hbm>>
      %dma_start3A_64 = arith.constant 0 : i32
      %dma_start3A_65 = arith.constant 0 : i32
      %dma_start3A_66 = tpu.memref_slice %arg2[%add3A_34, %dma_start3A_64, %dma_start3A_65] : memref<128x2x1248xi32, #tpu.memory_space<hbm>> -> memref<1x2x1248xi32, #tpu.memory_space<hbm>>
      %dma_start3A_67 = tpu.memref_squeeze %dma_start3A_66 : memref<1x2x1248xi32, #tpu.memory_space<hbm>> -> memref<2x1248xi32, #tpu.memory_space<hbm>>
      tpu.enqueue_dma source(%dma_start3A_67 : memref<2x1248xi32, #tpu.memory_space<hbm>>) target(%arg4 : memref<2x1248xi32, #tpu.memory_space<vmem>>) target_semaphore(%run_scoped3A : memref<!tpu.dma_semaphore, #tpu.memory_space<semaphore_mem>>)
      %dma_wait3A = arith.constant 0 : i32
      %dma_wait3A_68 = arith.constant 0 : i32
      %dma_wait3A_69 = tpu.memref_slice %arg2[%add3A_34, %dma_wait3A, %dma_wait3A_68] : memref<128x2x1248xi32, #tpu.memory_space<hbm>> -> memref<1x2x1248xi32, #tpu.memory_space<hbm>>
      %dma_wait3A_70 = tpu.memref_squeeze %dma_wait3A_69 : memref<1x2x1248xi32, #tpu.memory_space<hbm>> -> memref<2x1248xi32, #tpu.memory_space<hbm>>
      %dma_wait3A_71 = arith.constant 0 : i32
      %dma_wait3A_72 = arith.constant 0 : i32
      %dma_wait3A_73 = tpu.memref_slice %arg2[%add3A_34, %dma_wait3A_71, %dma_wait3A_72] : memref<128x2x1248xi32, #tpu.memory_space<hbm>> -> memref<1x2x1248xi32, #tpu.memory_space<hbm>>
      %dma_wait3A_74 = tpu.memref_squeeze %dma_wait3A_73 : memref<1x2x1248xi32, #tpu.memory_space<hbm>> -> memref<2x1248xi32, #tpu.memory_space<hbm>>
      tpu.wait_dma2 semaphore(%run_scoped3A : memref<!tpu.dma_semaphore, #tpu.memory_space<semaphore_mem>>) src(%dma_wait3A_74 : memref<2x1248xi32, #tpu.memory_space<hbm>>) dst(%arg4 : memref<2x1248xi32, #tpu.memory_space<vmem>>)
      tpu.yield
    }) : () -> ()
    %scan3A_35 = arith.constant 0 : i32
    %scan3A_36 = arith.constant 0 : i32
    %scan3A_37 = arith.constant 484 : i32
    %scan3A_38 = arith.addi %scan3A_36, %scan3A_37 : i32
    %scan3A_39 = arith.constant 1 : i32
    scf.for %scan3A_61 = %scan3A_36 to %scan3A_38 step %scan3A_39  : i32 {
      %mul3A_62 = arith.constant 16 : i32
      %mul3A_63 = arith.muli %scan3A_61, %mul3A_62 : i32
      %multiple_of3A = tpu.assume_multiple %mul3A_63, 16 : i32
      %swap3A = arith.index_cast %multiple_of3A : i32 to index
      %swap3A_64 = tpu.vector_load %arg5[%swap3A] {strides = array<i32>} : memref<7744xf32, #tpu.memory_space<vmem>>, vector<16xf32>,
      tpu.vector_store %arg5[%swap3A], %broadcast_in_dim3A_5 {strides = array<i32>} : memref<7744xf32, #tpu.memory_space<vmem>>, vector<16xf32>,
    }
    %scan3A_40 = arith.constant 484 : i32
    %scan3A_41 = arith.constant 0 : i32
    %scan3A_42 = arith.constant 0 : i32
    %scan3A_43 = arith.constant 78 : i32
    %scan3A_44 = arith.addi %scan3A_42, %scan3A_43 : i32
    %scan3A_45 = arith.constant 1 : i32
    scf.for %scan3A_61 = %scan3A_42 to %scan3A_44 step %scan3A_45  : i32 {
      %mul3A_62 = arith.constant 16 : i32
      %mul3A_63 = arith.muli %scan3A_61, %mul3A_62 : i32
      %multiple_of3A = tpu.assume_multiple %mul3A_63, 16 : i32
      %get3A = arith.constant 0 : i32
      %get3A_64 = arith.index_cast %get3A : i32 to index
      %get3A_65 = arith.index_cast %multiple_of3A : i32 to index
      %get3A_66 = tpu.vector_load %arg4[%get3A_64, %get3A_65] {strides = array<i32>} : memref<2x1248xi32, #tpu.memory_space<vmem>>, vector<16xi32>,
      %get3A_67 = arith.constant 1 : i32
      %get3A_68 = arith.index_cast %get3A_67 : i32 to index
      %get3A_69 = arith.index_cast %multiple_of3A : i32 to index
      %get3A_70 = tpu.vector_load %arg4[%get3A_68, %get3A_69] {strides = array<i32>} : memref<2x1248xi32, #tpu.memory_space<vmem>>, vector<16xi32>,
      %mul3A_71 = arith.constant 88 : i32
      %mul3A_72 = vector.broadcast %mul3A_71 : i32 to vector<16xi32>
      %mul3A_73 = arith.muli %get3A_70, %mul3A_72 : vector<16xi32>
      %add3A_74 = arith.addi %mul3A_73, %get3A_66 : vector<16xi32>
      tpu.vector_store_idx %arg5[%add3A_74], %broadcast_in_dim3A_3 {add = true} : memref<7744xf32, #tpu.memory_space<vmem>>[vector<16xi32>], vector<16xf32>,
    }
    %scan3A_46 = arith.constant 78 : i32
    "tpu.region"() ({
      %run_scoped3A = tpu.sem_alloc : memref<!tpu.dma_semaphore, #tpu.memory_space<semaphore_mem>>
      %dma_start3A = arith.constant 0 : i32
      %dma_start3A_61 = tpu.memref_slice %arg3[%add3A_34, %dma_start3A] : memref<128x7744xf32, #tpu.memory_space<hbm>> -> memref<1x7744xf32, #tpu.memory_space<hbm>>
      %dma_start3A_62 = tpu.memref_squeeze %dma_start3A_61 : memref<1x7744xf32, #tpu.memory_space<hbm>> -> memref<7744xf32, #tpu.memory_space<hbm>>
      %dma_start3A_63 = arith.constant 0 : i32
      %dma_start3A_64 = tpu.memref_slice %arg3[%add3A_34, %dma_start3A_63] : memref<128x7744xf32, #tpu.memory_space<hbm>> -> memref<1x7744xf32, #tpu.memory_space<hbm>>
      %dma_start3A_65 = tpu.memref_squeeze %dma_start3A_64 : memref<1x7744xf32, #tpu.memory_space<hbm>> -> memref<7744xf32, #tpu.memory_space<hbm>>
      tpu.enqueue_dma source(%arg5 : memref<7744xf32, #tpu.memory_space<vmem>>) target(%dma_start3A_65 : memref<7744xf32, #tpu.memory_space<hbm>>) target_semaphore(%run_scoped3A : memref<!tpu.dma_semaphore, #tpu.memory_space<semaphore_mem>>)
      %dma_wait3A = arith.constant 0 : i32
      %dma_wait3A_66 = tpu.memref_slice %arg3[%add3A_34, %dma_wait3A] : memref<128x7744xf32, #tpu.memory_space<hbm>> -> memref<1x7744xf32, #tpu.memory_space<hbm>>
      %dma_wait3A_67 = tpu.memref_squeeze %dma_wait3A_66 : memref<1x7744xf32, #tpu.memory_space<hbm>> -> memref<7744xf32, #tpu.memory_space<hbm>>
      %dma_wait3A_68 = arith.constant 0 : i32
      %dma_wait3A_69 = tpu.memref_slice %arg3[%add3A_34, %dma_wait3A_68] : memref<128x7744xf32, #tpu.memory_space<hbm>> -> memref<1x7744xf32, #tpu.memory_space<hbm>>
      %dma_wait3A_70 = tpu.memref_squeeze %dma_wait3A_69 : memref<1x7744xf32, #tpu.memory_space<hbm>> -> memref<7744xf32, #tpu.memory_space<hbm>>
      tpu.wait_dma2 semaphore(%run_scoped3A : memref<!tpu.dma_semaphore, #tpu.memory_space<semaphore_mem>>) src(%arg5 : memref<7744xf32, #tpu.memory_space<vmem>>) dst(%dma_wait3A_70 : memref<7744xf32, #tpu.memory_space<hbm>>)
      tpu.yield
    }) : () -> ()
    %add3A_47 = arith.constant 3 : i32
    %add3A_48 = arith.addi %mul3A_2, %add3A_47 : i32
    "tpu.region"() ({
      %run_scoped3A = tpu.sem_alloc : memref<!tpu.dma_semaphore, #tpu.memory_space<semaphore_mem>>
      %dma_start3A = arith.constant 0 : i32
      %dma_start3A_61 = arith.constant 0 : i32
      %dma_start3A_62 = tpu.memref_slice %arg2[%add3A_48, %dma_start3A, %dma_start3A_61] : memref<128x2x1248xi32, #tpu.memory_space<hbm>> -> memref<1x2x1248xi32, #tpu.memory_space<hbm>>
      %dma_start3A_63 = tpu.memref_squeeze %dma_start3A_62 : memref<1x2x1248xi32, #tpu.memory_space<hbm>> -> memref<2x1248xi32, #tpu.memory_space<hbm>>
      %dma_start3A_64 = arith.constant 0 : i32
      %dma_start3A_65 = arith.constant 0 : i32
      %dma_start3A_66 = tpu.memref_slice %arg2[%add3A_48, %dma_start3A_64, %dma_start3A_65] : memref<128x2x1248xi32, #tpu.memory_space<hbm>> -> memref<1x2x1248xi32, #tpu.memory_space<hbm>>
      %dma_start3A_67 = tpu.memref_squeeze %dma_start3A_66 : memref<1x2x1248xi32, #tpu.memory_space<hbm>> -> memref<2x1248xi32, #tpu.memory_space<hbm>>
      tpu.enqueue_dma source(%dma_start3A_67 : memref<2x1248xi32, #tpu.memory_space<hbm>>) target(%arg4 : memref<2x1248xi32, #tpu.memory_space<vmem>>) target_semaphore(%run_scoped3A : memref<!tpu.dma_semaphore, #tpu.memory_space<semaphore_mem>>)
      %dma_wait3A = arith.constant 0 : i32
      %dma_wait3A_68 = arith.constant 0 : i32
      %dma_wait3A_69 = tpu.memref_slice %arg2[%add3A_48, %dma_wait3A, %dma_wait3A_68] : memref<128x2x1248xi32, #tpu.memory_space<hbm>> -> memref<1x2x1248xi32, #tpu.memory_space<hbm>>
      %dma_wait3A_70 = tpu.memref_squeeze %dma_wait3A_69 : memref<1x2x1248xi32, #tpu.memory_space<hbm>> -> memref<2x1248xi32, #tpu.memory_space<hbm>>
      %dma_wait3A_71 = arith.constant 0 : i32
      %dma_wait3A_72 = arith.constant 0 : i32
      %dma_wait3A_73 = tpu.memref_slice %arg2[%add3A_48, %dma_wait3A_71, %dma_wait3A_72] : memref<128x2x1248xi32, #tpu.memory_space<hbm>> -> memref<1x2x1248xi32, #tpu.memory_space<hbm>>
      %dma_wait3A_74 = tpu.memref_squeeze %dma_wait3A_73 : memref<1x2x1248xi32, #tpu.memory_space<hbm>> -> memref<2x1248xi32, #tpu.memory_space<hbm>>
      tpu.wait_dma2 semaphore(%run_scoped3A : memref<!tpu.dma_semaphore, #tpu.memory_space<semaphore_mem>>) src(%dma_wait3A_74 : memref<2x1248xi32, #tpu.memory_space<hbm>>) dst(%arg4 : memref<2x1248xi32, #tpu.memory_space<vmem>>)
      tpu.yield
    }) : () -> ()
    %scan3A_49 = arith.constant 0 : i32
    %scan3A_50 = arith.constant 0 : i32
    %scan3A_51 = arith.constant 484 : i32
    %scan3A_52 = arith.addi %scan3A_50, %scan3A_51 : i32
    %scan3A_53 = arith.constant 1 : i32
    scf.for %scan3A_61 = %scan3A_50 to %scan3A_52 step %scan3A_53  : i32 {
      %mul3A_62 = arith.constant 16 : i32
      %mul3A_63 = arith.muli %scan3A_61, %mul3A_62 : i32
      %multiple_of3A = tpu.assume_multiple %mul3A_63, 16 : i32
      %swap3A = arith.index_cast %multiple_of3A : i32 to index
      %swap3A_64 = tpu.vector_load %arg5[%swap3A] {strides = array<i32>} : memref<7744xf32, #tpu.memory_space<vmem>>, vector<16xf32>,
      tpu.vector_store %arg5[%swap3A], %broadcast_in_dim3A_5 {strides = array<i32>} : memref<7744xf32, #tpu.memory_space<vmem>>, vector<16xf32>,
    }
    %scan3A_54 = arith.constant 484 : i32
    %scan3A_55 = arith.constant 0 : i32
    %scan3A_56 = arith.constant 0 : i32
    %scan3A_57 = arith.constant 78 : i32
    %scan3A_58 = arith.addi %scan3A_56, %scan3A_57 : i32
    %scan3A_59 = arith.constant 1 : i32
    scf.for %scan3A_61 = %scan3A_56 to %scan3A_58 step %scan3A_59  : i32 {
      %mul3A_62 = arith.constant 16 : i32
      %mul3A_63 = arith.muli %scan3A_61, %mul3A_62 : i32
      %multiple_of3A = tpu.assume_multiple %mul3A_63, 16 : i32
      %get3A = arith.constant 0 : i32
      %get3A_64 = arith.index_cast %get3A : i32 to index
      %get3A_65 = arith.index_cast %multiple_of3A : i32 to index
      %get3A_66 = tpu.vector_load %arg4[%get3A_64, %get3A_65] {strides = array<i32>} : memref<2x1248xi32, #tpu.memory_space<vmem>>, vector<16xi32>,
      %get3A_67 = arith.constant 1 : i32
      %get3A_68 = arith.index_cast %get3A_67 : i32 to index
      %get3A_69 = arith.index_cast %multiple_of3A : i32 to index
      %get3A_70 = tpu.vector_load %arg4[%get3A_68, %get3A_69] {strides = array<i32>} : memref<2x1248xi32, #tpu.memory_space<vmem>>, vector<16xi32>,
      %mul3A_71 = arith.constant 88 : i32
      %mul3A_72 = vector.broadcast %mul3A_71 : i32 to vector<16xi32>
      %mul3A_73 = arith.muli %get3A_70, %mul3A_72 : vector<16xi32>
      %add3A_74 = arith.addi %mul3A_73, %get3A_66 : vector<16xi32>
      tpu.vector_store_idx %arg5[%add3A_74], %broadcast_in_dim3A_3 {add = true} : memref<7744xf32, #tpu.memory_space<vmem>>[vector<16xi32>], vector<16xf32>,
    }
    %scan3A_60 = arith.constant 78 : i32
    "tpu.region"() ({
      %run_scoped3A = tpu.sem_alloc : memref<!tpu.dma_semaphore, #tpu.memory_space<semaphore_mem>>
      %dma_start3A = arith.constant 0 : i32
      %dma_start3A_61 = tpu.memref_slice %arg3[%add3A_48, %dma_start3A] : memref<128x7744xf32, #tpu.memory_space<hbm>> -> memref<1x7744xf32, #tpu.memory_space<hbm>>
      %dma_start3A_62 = tpu.memref_squeeze %dma_start3A_61 : memref<1x7744xf32, #tpu.memory_space<hbm>> -> memref<7744xf32, #tpu.memory_space<hbm>>
      %dma_start3A_63 = arith.constant 0 : i32
      %dma_start3A_64 = tpu.memref_slice %arg3[%add3A_48, %dma_start3A_63] : memref<128x7744xf32, #tpu.memory_space<hbm>> -> memref<1x7744xf32, #tpu.memory_space<hbm>>
      %dma_start3A_65 = tpu.memref_squeeze %dma_start3A_64 : memref<1x7744xf32, #tpu.memory_space<hbm>> -> memref<7744xf32, #tpu.memory_space<hbm>>
      tpu.enqueue_dma source(%arg5 : memref<7744xf32, #tpu.memory_space<vmem>>) target(%dma_start3A_65 : memref<7744xf32, #tpu.memory_space<hbm>>) target_semaphore(%run_scoped3A : memref<!tpu.dma_semaphore, #tpu.memory_space<semaphore_mem>>)
      %dma_wait3A = arith.constant 0 : i32
      %dma_wait3A_66 = tpu.memref_slice %arg3[%add3A_48, %dma_wait3A] : memref<128x7744xf32, #tpu.memory_space<hbm>> -> memref<1x7744xf32, #tpu.memory_space<hbm>>
      %dma_wait3A_67 = tpu.memref_squeeze %dma_wait3A_66 : memref<1x7744xf32, #tpu.memory_space<hbm>> -> memref<7744xf32, #tpu.memory_space<hbm>>
      %dma_wait3A_68 = arith.constant 0 : i32
      %dma_wait3A_69 = tpu.memref_slice %arg3[%add3A_48, %dma_wait3A_68] : memref<128x7744xf32, #tpu.memory_space<hbm>> -> memref<1x7744xf32, #tpu.memory_space<hbm>>
      %dma_wait3A_70 = tpu.memref_squeeze %dma_wait3A_69 : memref<1x7744xf32, #tpu.memory_space<hbm>> -> memref<7744xf32, #tpu.memory_space<hbm>>
      tpu.wait_dma2 semaphore(%run_scoped3A : memref<!tpu.dma_semaphore, #tpu.memory_space<semaphore_mem>>) src(%arg5 : memref<7744xf32, #tpu.memory_space<vmem>>) dst(%dma_wait3A_70 : memref<7744xf32, #tpu.memory_space<hbm>>)
      tpu.yield
    }) : () -> ()
    return
  }
}

module attributes {stable_mosaic.version = 14 : i64} {
  func.func @_kern(%arg0: i32, %arg1: memref<32x78x128xf32, #tpu.memory_space<vmem>>, %arg2: memref<32x88x88xf32, #tpu.memory_space<vmem>>, %arg3: memref<10x128xf32, #tpu.memory_space<vmem>>, %arg4: memref<128x88xf32, #tpu.memory_space<vmem>>, %arg5: memref<88x88xf32, #tpu.memory_space<vmem>>, %arg6: memref<128x512xf32, #tpu.memory_space<vmem>>, %arg7: memref<1x512xf32, #tpu.memory_space<vmem>>, %arg8: memref<128x512xf32, #tpu.memory_space<vmem>>, %arg9: memref<1x512xf32, #tpu.memory_space<vmem>>, %arg10: memref<128x10xf32, #tpu.memory_space<vmem>>, %arg11: memref<1x10xf32, #tpu.memory_space<vmem>>, %arg12: memref<32x10xf32, #tpu.memory_space<vmem>>, %arg13: memref<2816x512xf32, #tpu.memory_space<vmem>>, %arg14: memref<2816x256xf32, #tpu.memory_space<vmem>>, %arg15: memref<2816x128xf32, #tpu.memory_space<vmem>>, %arg16: memref<32x88x88xf32, #tpu.memory_space<vmem>>, %arg17: memref<32x128xf32, #tpu.memory_space<vmem>>, %arg18: memref<2816x128xf32, #tpu.memory_space<vmem>>) attributes {dimension_semantics = [#tpu.dimension_semantics<parallel>], iteration_bounds = array<i64: 4>, scalar_prefetch = 0 : i64, scratch_operands = 6 : i64, tpu.core_type = #tpu.core_type<tc>, window_params = [{transform_indices = @transform_0, window_bounds = array<i64: 32, 78, 128>}, {transform_indices = @transform_1, window_bounds = array<i64: 32, 88, 88>}, {pipeline_mode = #tpu.pipeline_mode<synchronous>, transform_indices = @transform_2, window_bounds = array<i64: 10, 128>}, {pipeline_mode = #tpu.pipeline_mode<synchronous>, transform_indices = @transform_3, window_bounds = array<i64: 128, 88>}, {pipeline_mode = #tpu.pipeline_mode<synchronous>, transform_indices = @transform_4, window_bounds = array<i64: 88, 88>}, {pipeline_mode = #tpu.pipeline_mode<synchronous>, transform_indices = @transform_5, window_bounds = array<i64: 128, 512>}, {pipeline_mode = #tpu.pipeline_mode<synchronous>, transform_indices = @transform_6, window_bounds = array<i64: 1, 512>}, {pipeline_mode = #tpu.pipeline_mode<synchronous>, transform_indices = @transform_7, window_bounds = array<i64: 128, 512>}, {pipeline_mode = #tpu.pipeline_mode<synchronous>, transform_indices = @transform_8, window_bounds = array<i64: 1, 512>}, {pipeline_mode = #tpu.pipeline_mode<synchronous>, transform_indices = @transform_9, window_bounds = array<i64: 128, 10>}, {pipeline_mode = #tpu.pipeline_mode<synchronous>, transform_indices = @transform_10, window_bounds = array<i64: 1, 10>}, {transform_indices = @transform_11, window_bounds = array<i64: 32, 10>}]} {
    %get3A = arith.constant 0 : index
    %get3A_0 = arith.constant 0 : index
    %get3A_1 = vector.load %arg3[%get3A, %get3A_0] : memref<10x128xf32, #tpu.memory_space<vmem>>, vector<10x128xf32>
    %get3A_2 = arith.constant 0 : index
    %get3A_3 = arith.constant 0 : index
    %get3A_4 = arith.constant 0 : index
    %get3A_5 = vector.load %arg1[%get3A_2, %get3A_3, %get3A_4] : memref<32x78x128xf32, #tpu.memory_space<vmem>>, vector<1x78x128xf32>
    %get3A_6 = vector.shape_cast %get3A_5 : vector<1x78x128xf32> to vector<78x128xf32>
    %swap3A = arith.constant 0 : index
    %swap3A_7 = arith.constant 0 : index
    %swap3A_8 = vector.load %arg18[%swap3A, %swap3A_7] : memref<2816x128xf32, #tpu.memory_space<vmem>>, vector<78x128xf32>
    tpu.vector_store %arg18[%swap3A, %swap3A_7], %get3A_6 {strides = array<i32>} : memref<2816x128xf32, #tpu.memory_space<vmem>>, vector<78x128xf32>,
    %swap3A_9 = arith.constant 78 : index
    %swap3A_10 = arith.constant 0 : index
    %swap3A_11 = vector.load %arg18[%swap3A_9, %swap3A_10] : memref<2816x128xf32, #tpu.memory_space<vmem>>, vector<10x128xf32>
    tpu.vector_store %arg18[%swap3A_9, %swap3A_10], %get3A_1 {strides = array<i32>} : memref<2816x128xf32, #tpu.memory_space<vmem>>, vector<10x128xf32>,
    %get3A_12 = arith.constant 1 : index
    %get3A_13 = arith.constant 0 : index
    %get3A_14 = arith.constant 0 : index
    %get3A_15 = vector.load %arg1[%get3A_12, %get3A_13, %get3A_14] : memref<32x78x128xf32, #tpu.memory_space<vmem>>, vector<1x78x128xf32>
    %get3A_16 = vector.shape_cast %get3A_15 : vector<1x78x128xf32> to vector<78x128xf32>
    %swap3A_17 = arith.constant 88 : index
    %swap3A_18 = arith.constant 0 : index
    %swap3A_19 = vector.load %arg18[%swap3A_17, %swap3A_18] : memref<2816x128xf32, #tpu.memory_space<vmem>>, vector<78x128xf32>
    tpu.vector_store %arg18[%swap3A_17, %swap3A_18], %get3A_16 {strides = array<i32>} : memref<2816x128xf32, #tpu.memory_space<vmem>>, vector<78x128xf32>,
    %swap3A_20 = arith.constant 166 : index
    %swap3A_21 = arith.constant 0 : index
    %swap3A_22 = vector.load %arg18[%swap3A_20, %swap3A_21] : memref<2816x128xf32, #tpu.memory_space<vmem>>, vector<10x128xf32>
    tpu.vector_store %arg18[%swap3A_20, %swap3A_21], %get3A_1 {strides = array<i32>} : memref<2816x128xf32, #tpu.memory_space<vmem>>, vector<10x128xf32>,
    %get3A_23 = arith.constant 2 : index
    %get3A_24 = arith.constant 0 : index
    %get3A_25 = arith.constant 0 : index
    %get3A_26 = vector.load %arg1[%get3A_23, %get3A_24, %get3A_25] : memref<32x78x128xf32, #tpu.memory_space<vmem>>, vector<1x78x128xf32>
    %get3A_27 = vector.shape_cast %get3A_26 : vector<1x78x128xf32> to vector<78x128xf32>
    %swap3A_28 = arith.constant 176 : index
    %swap3A_29 = arith.constant 0 : index
    %swap3A_30 = vector.load %arg18[%swap3A_28, %swap3A_29] : memref<2816x128xf32, #tpu.memory_space<vmem>>, vector<78x128xf32>
    tpu.vector_store %arg18[%swap3A_28, %swap3A_29], %get3A_27 {strides = array<i32>} : memref<2816x128xf32, #tpu.memory_space<vmem>>, vector<78x128xf32>,
    %swap3A_31 = arith.constant 254 : index
    %swap3A_32 = arith.constant 0 : index
    %swap3A_33 = vector.load %arg18[%swap3A_31, %swap3A_32] : memref<2816x128xf32, #tpu.memory_space<vmem>>, vector<10x128xf32>
    tpu.vector_store %arg18[%swap3A_31, %swap3A_32], %get3A_1 {strides = array<i32>} : memref<2816x128xf32, #tpu.memory_space<vmem>>, vector<10x128xf32>,
    %get3A_34 = arith.constant 3 : index
    %get3A_35 = arith.constant 0 : index
    %get3A_36 = arith.constant 0 : index
    %get3A_37 = vector.load %arg1[%get3A_34, %get3A_35, %get3A_36] : memref<32x78x128xf32, #tpu.memory_space<vmem>>, vector<1x78x128xf32>
    %get3A_38 = vector.shape_cast %get3A_37 : vector<1x78x128xf32> to vector<78x128xf32>
    %swap3A_39 = arith.constant 264 : index
    %swap3A_40 = arith.constant 0 : index
    %swap3A_41 = vector.load %arg18[%swap3A_39, %swap3A_40] : memref<2816x128xf32, #tpu.memory_space<vmem>>, vector<78x128xf32>
    tpu.vector_store %arg18[%swap3A_39, %swap3A_40], %get3A_38 {strides = array<i32>} : memref<2816x128xf32, #tpu.memory_space<vmem>>, vector<78x128xf32>,
    %swap3A_42 = arith.constant 342 : index
    %swap3A_43 = arith.constant 0 : index
    %swap3A_44 = vector.load %arg18[%swap3A_42, %swap3A_43] : memref<2816x128xf32, #tpu.memory_space<vmem>>, vector<10x128xf32>
    tpu.vector_store %arg18[%swap3A_42, %swap3A_43], %get3A_1 {strides = array<i32>} : memref<2816x128xf32, #tpu.memory_space<vmem>>, vector<10x128xf32>,
    %get3A_45 = arith.constant 4 : index
    %get3A_46 = arith.constant 0 : index
    %get3A_47 = arith.constant 0 : index
    %get3A_48 = vector.load %arg1[%get3A_45, %get3A_46, %get3A_47] : memref<32x78x128xf32, #tpu.memory_space<vmem>>, vector<1x78x128xf32>
    %get3A_49 = vector.shape_cast %get3A_48 : vector<1x78x128xf32> to vector<78x128xf32>
    %swap3A_50 = arith.constant 352 : index
    %swap3A_51 = arith.constant 0 : index
    %swap3A_52 = vector.load %arg18[%swap3A_50, %swap3A_51] : memref<2816x128xf32, #tpu.memory_space<vmem>>, vector<78x128xf32>
    tpu.vector_store %arg18[%swap3A_50, %swap3A_51], %get3A_49 {strides = array<i32>} : memref<2816x128xf32, #tpu.memory_space<vmem>>, vector<78x128xf32>,
    %swap3A_53 = arith.constant 430 : index
    %swap3A_54 = arith.constant 0 : index
    %swap3A_55 = vector.load %arg18[%swap3A_53, %swap3A_54] : memref<2816x128xf32, #tpu.memory_space<vmem>>, vector<10x128xf32>
    tpu.vector_store %arg18[%swap3A_53, %swap3A_54], %get3A_1 {strides = array<i32>} : memref<2816x128xf32, #tpu.memory_space<vmem>>, vector<10x128xf32>,
    %get3A_56 = arith.constant 5 : index
    %get3A_57 = arith.constant 0 : index
    %get3A_58 = arith.constant 0 : index
    %get3A_59 = vector.load %arg1[%get3A_56, %get3A_57, %get3A_58] : memref<32x78x128xf32, #tpu.memory_space<vmem>>, vector<1x78x128xf32>
    %get3A_60 = vector.shape_cast %get3A_59 : vector<1x78x128xf32> to vector<78x128xf32>
    %swap3A_61 = arith.constant 440 : index
    %swap3A_62 = arith.constant 0 : index
    %swap3A_63 = vector.load %arg18[%swap3A_61, %swap3A_62] : memref<2816x128xf32, #tpu.memory_space<vmem>>, vector<78x128xf32>
    tpu.vector_store %arg18[%swap3A_61, %swap3A_62], %get3A_60 {strides = array<i32>} : memref<2816x128xf32, #tpu.memory_space<vmem>>, vector<78x128xf32>,
    %swap3A_64 = arith.constant 518 : index
    %swap3A_65 = arith.constant 0 : index
    %swap3A_66 = vector.load %arg18[%swap3A_64, %swap3A_65] : memref<2816x128xf32, #tpu.memory_space<vmem>>, vector<10x128xf32>
    tpu.vector_store %arg18[%swap3A_64, %swap3A_65], %get3A_1 {strides = array<i32>} : memref<2816x128xf32, #tpu.memory_space<vmem>>, vector<10x128xf32>,
    %get3A_67 = arith.constant 6 : index
    %get3A_68 = arith.constant 0 : index
    %get3A_69 = arith.constant 0 : index
    %get3A_70 = vector.load %arg1[%get3A_67, %get3A_68, %get3A_69] : memref<32x78x128xf32, #tpu.memory_space<vmem>>, vector<1x78x128xf32>
    %get3A_71 = vector.shape_cast %get3A_70 : vector<1x78x128xf32> to vector<78x128xf32>
    %swap3A_72 = arith.constant 528 : index
    %swap3A_73 = arith.constant 0 : index
    %swap3A_74 = vector.load %arg18[%swap3A_72, %swap3A_73] : memref<2816x128xf32, #tpu.memory_space<vmem>>, vector<78x128xf32>
    tpu.vector_store %arg18[%swap3A_72, %swap3A_73], %get3A_71 {strides = array<i32>} : memref<2816x128xf32, #tpu.memory_space<vmem>>, vector<78x128xf32>,
    %swap3A_75 = arith.constant 606 : index
    %swap3A_76 = arith.constant 0 : index
    %swap3A_77 = vector.load %arg18[%swap3A_75, %swap3A_76] : memref<2816x128xf32, #tpu.memory_space<vmem>>, vector<10x128xf32>
    tpu.vector_store %arg18[%swap3A_75, %swap3A_76], %get3A_1 {strides = array<i32>} : memref<2816x128xf32, #tpu.memory_space<vmem>>, vector<10x128xf32>,
    %get3A_78 = arith.constant 7 : index
    %get3A_79 = arith.constant 0 : index
    %get3A_80 = arith.constant 0 : index
    %get3A_81 = vector.load %arg1[%get3A_78, %get3A_79, %get3A_80] : memref<32x78x128xf32, #tpu.memory_space<vmem>>, vector<1x78x128xf32>
    %get3A_82 = vector.shape_cast %get3A_81 : vector<1x78x128xf32> to vector<78x128xf32>
    %swap3A_83 = arith.constant 616 : index
    %swap3A_84 = arith.constant 0 : index
    %swap3A_85 = vector.load %arg18[%swap3A_83, %swap3A_84] : memref<2816x128xf32, #tpu.memory_space<vmem>>, vector<78x128xf32>
    tpu.vector_store %arg18[%swap3A_83, %swap3A_84], %get3A_82 {strides = array<i32>} : memref<2816x128xf32, #tpu.memory_space<vmem>>, vector<78x128xf32>,
    %swap3A_86 = arith.constant 694 : index
    %swap3A_87 = arith.constant 0 : index
    %swap3A_88 = vector.load %arg18[%swap3A_86, %swap3A_87] : memref<2816x128xf32, #tpu.memory_space<vmem>>, vector<10x128xf32>
    tpu.vector_store %arg18[%swap3A_86, %swap3A_87], %get3A_1 {strides = array<i32>} : memref<2816x128xf32, #tpu.memory_space<vmem>>, vector<10x128xf32>,
    %get3A_89 = arith.constant 8 : index
    %get3A_90 = arith.constant 0 : index
    %get3A_91 = arith.constant 0 : index
    %get3A_92 = vector.load %arg1[%get3A_89, %get3A_90, %get3A_91] : memref<32x78x128xf32, #tpu.memory_space<vmem>>, vector<1x78x128xf32>
    %get3A_93 = vector.shape_cast %get3A_92 : vector<1x78x128xf32> to vector<78x128xf32>
    %swap3A_94 = arith.constant 704 : index
    %swap3A_95 = arith.constant 0 : index
    %swap3A_96 = vector.load %arg18[%swap3A_94, %swap3A_95] : memref<2816x128xf32, #tpu.memory_space<vmem>>, vector<78x128xf32>
    tpu.vector_store %arg18[%swap3A_94, %swap3A_95], %get3A_93 {strides = array<i32>} : memref<2816x128xf32, #tpu.memory_space<vmem>>, vector<78x128xf32>,
    %swap3A_97 = arith.constant 782 : index
    %swap3A_98 = arith.constant 0 : index
    %swap3A_99 = vector.load %arg18[%swap3A_97, %swap3A_98] : memref<2816x128xf32, #tpu.memory_space<vmem>>, vector<10x128xf32>
    tpu.vector_store %arg18[%swap3A_97, %swap3A_98], %get3A_1 {strides = array<i32>} : memref<2816x128xf32, #tpu.memory_space<vmem>>, vector<10x128xf32>,
    %get3A_100 = arith.constant 9 : index
    %get3A_101 = arith.constant 0 : index
    %get3A_102 = arith.constant 0 : index
    %get3A_103 = vector.load %arg1[%get3A_100, %get3A_101, %get3A_102] : memref<32x78x128xf32, #tpu.memory_space<vmem>>, vector<1x78x128xf32>
    %get3A_104 = vector.shape_cast %get3A_103 : vector<1x78x128xf32> to vector<78x128xf32>
    %swap3A_105 = arith.constant 792 : index
    %swap3A_106 = arith.constant 0 : index
    %swap3A_107 = vector.load %arg18[%swap3A_105, %swap3A_106] : memref<2816x128xf32, #tpu.memory_space<vmem>>, vector<78x128xf32>
    tpu.vector_store %arg18[%swap3A_105, %swap3A_106], %get3A_104 {strides = array<i32>} : memref<2816x128xf32, #tpu.memory_space<vmem>>, vector<78x128xf32>,
    %swap3A_108 = arith.constant 870 : index
    %swap3A_109 = arith.constant 0 : index
    %swap3A_110 = vector.load %arg18[%swap3A_108, %swap3A_109] : memref<2816x128xf32, #tpu.memory_space<vmem>>, vector<10x128xf32>
    tpu.vector_store %arg18[%swap3A_108, %swap3A_109], %get3A_1 {strides = array<i32>} : memref<2816x128xf32, #tpu.memory_space<vmem>>, vector<10x128xf32>,
    %get3A_111 = arith.constant 10 : index
    %get3A_112 = arith.constant 0 : index
    %get3A_113 = arith.constant 0 : index
    %get3A_114 = vector.load %arg1[%get3A_111, %get3A_112, %get3A_113] : memref<32x78x128xf32, #tpu.memory_space<vmem>>, vector<1x78x128xf32>
    %get3A_115 = vector.shape_cast %get3A_114 : vector<1x78x128xf32> to vector<78x128xf32>
    %swap3A_116 = arith.constant 880 : index
    %swap3A_117 = arith.constant 0 : index
    %swap3A_118 = vector.load %arg18[%swap3A_116, %swap3A_117] : memref<2816x128xf32, #tpu.memory_space<vmem>>, vector<78x128xf32>
    tpu.vector_store %arg18[%swap3A_116, %swap3A_117], %get3A_115 {strides = array<i32>} : memref<2816x128xf32, #tpu.memory_space<vmem>>, vector<78x128xf32>,
    %swap3A_119 = arith.constant 958 : index
    %swap3A_120 = arith.constant 0 : index
    %swap3A_121 = vector.load %arg18[%swap3A_119, %swap3A_120] : memref<2816x128xf32, #tpu.memory_space<vmem>>, vector<10x128xf32>
    tpu.vector_store %arg18[%swap3A_119, %swap3A_120], %get3A_1 {strides = array<i32>} : memref<2816x128xf32, #tpu.memory_space<vmem>>, vector<10x128xf32>,
    %get3A_122 = arith.constant 11 : index
    %get3A_123 = arith.constant 0 : index
    %get3A_124 = arith.constant 0 : index
    %get3A_125 = vector.load %arg1[%get3A_122, %get3A_123, %get3A_124] : memref<32x78x128xf32, #tpu.memory_space<vmem>>, vector<1x78x128xf32>
    %get3A_126 = vector.shape_cast %get3A_125 : vector<1x78x128xf32> to vector<78x128xf32>
    %swap3A_127 = arith.constant 968 : index
    %swap3A_128 = arith.constant 0 : index
    %swap3A_129 = vector.load %arg18[%swap3A_127, %swap3A_128] : memref<2816x128xf32, #tpu.memory_space<vmem>>, vector<78x128xf32>
    tpu.vector_store %arg18[%swap3A_127, %swap3A_128], %get3A_126 {strides = array<i32>} : memref<2816x128xf32, #tpu.memory_space<vmem>>, vector<78x128xf32>,
    %swap3A_130 = arith.constant 1046 : index
    %swap3A_131 = arith.constant 0 : index
    %swap3A_132 = vector.load %arg18[%swap3A_130, %swap3A_131] : memref<2816x128xf32, #tpu.memory_space<vmem>>, vector<10x128xf32>
    tpu.vector_store %arg18[%swap3A_130, %swap3A_131], %get3A_1 {strides = array<i32>} : memref<2816x128xf32, #tpu.memory_space<vmem>>, vector<10x128xf32>,
    %get3A_133 = arith.constant 12 : index
    %get3A_134 = arith.constant 0 : index
    %get3A_135 = arith.constant 0 : index
    %get3A_136 = vector.load %arg1[%get3A_133, %get3A_134, %get3A_135] : memref<32x78x128xf32, #tpu.memory_space<vmem>>, vector<1x78x128xf32>
    %get3A_137 = vector.shape_cast %get3A_136 : vector<1x78x128xf32> to vector<78x128xf32>
    %swap3A_138 = arith.constant 1056 : index
    %swap3A_139 = arith.constant 0 : index
    %swap3A_140 = vector.load %arg18[%swap3A_138, %swap3A_139] : memref<2816x128xf32, #tpu.memory_space<vmem>>, vector<78x128xf32>
    tpu.vector_store %arg18[%swap3A_138, %swap3A_139], %get3A_137 {strides = array<i32>} : memref<2816x128xf32, #tpu.memory_space<vmem>>, vector<78x128xf32>,
    %swap3A_141 = arith.constant 1134 : index
    %swap3A_142 = arith.constant 0 : index
    %swap3A_143 = vector.load %arg18[%swap3A_141, %swap3A_142] : memref<2816x128xf32, #tpu.memory_space<vmem>>, vector<10x128xf32>
    tpu.vector_store %arg18[%swap3A_141, %swap3A_142], %get3A_1 {strides = array<i32>} : memref<2816x128xf32, #tpu.memory_space<vmem>>, vector<10x128xf32>,
    %get3A_144 = arith.constant 13 : index
    %get3A_145 = arith.constant 0 : index
    %get3A_146 = arith.constant 0 : index
    %get3A_147 = vector.load %arg1[%get3A_144, %get3A_145, %get3A_146] : memref<32x78x128xf32, #tpu.memory_space<vmem>>, vector<1x78x128xf32>
    %get3A_148 = vector.shape_cast %get3A_147 : vector<1x78x128xf32> to vector<78x128xf32>
    %swap3A_149 = arith.constant 1144 : index
    %swap3A_150 = arith.constant 0 : index
    %swap3A_151 = vector.load %arg18[%swap3A_149, %swap3A_150] : memref<2816x128xf32, #tpu.memory_space<vmem>>, vector<78x128xf32>
    tpu.vector_store %arg18[%swap3A_149, %swap3A_150], %get3A_148 {strides = array<i32>} : memref<2816x128xf32, #tpu.memory_space<vmem>>, vector<78x128xf32>,
    %swap3A_152 = arith.constant 1222 : index
    %swap3A_153 = arith.constant 0 : index
    %swap3A_154 = vector.load %arg18[%swap3A_152, %swap3A_153] : memref<2816x128xf32, #tpu.memory_space<vmem>>, vector<10x128xf32>
    tpu.vector_store %arg18[%swap3A_152, %swap3A_153], %get3A_1 {strides = array<i32>} : memref<2816x128xf32, #tpu.memory_space<vmem>>, vector<10x128xf32>,
    %get3A_155 = arith.constant 14 : index
    %get3A_156 = arith.constant 0 : index
    %get3A_157 = arith.constant 0 : index
    %get3A_158 = vector.load %arg1[%get3A_155, %get3A_156, %get3A_157] : memref<32x78x128xf32, #tpu.memory_space<vmem>>, vector<1x78x128xf32>
    %get3A_159 = vector.shape_cast %get3A_158 : vector<1x78x128xf32> to vector<78x128xf32>
    %swap3A_160 = arith.constant 1232 : index
    %swap3A_161 = arith.constant 0 : index
    %swap3A_162 = vector.load %arg18[%swap3A_160, %swap3A_161] : memref<2816x128xf32, #tpu.memory_space<vmem>>, vector<78x128xf32>
    tpu.vector_store %arg18[%swap3A_160, %swap3A_161], %get3A_159 {strides = array<i32>} : memref<2816x128xf32, #tpu.memory_space<vmem>>, vector<78x128xf32>,
    %swap3A_163 = arith.constant 1310 : index
    %swap3A_164 = arith.constant 0 : index
    %swap3A_165 = vector.load %arg18[%swap3A_163, %swap3A_164] : memref<2816x128xf32, #tpu.memory_space<vmem>>, vector<10x128xf32>
    tpu.vector_store %arg18[%swap3A_163, %swap3A_164], %get3A_1 {strides = array<i32>} : memref<2816x128xf32, #tpu.memory_space<vmem>>, vector<10x128xf32>,
    %get3A_166 = arith.constant 15 : index
    %get3A_167 = arith.constant 0 : index
    %get3A_168 = arith.constant 0 : index
    %get3A_169 = vector.load %arg1[%get3A_166, %get3A_167, %get3A_168] : memref<32x78x128xf32, #tpu.memory_space<vmem>>, vector<1x78x128xf32>
    %get3A_170 = vector.shape_cast %get3A_169 : vector<1x78x128xf32> to vector<78x128xf32>
    %swap3A_171 = arith.constant 1320 : index
    %swap3A_172 = arith.constant 0 : index
    %swap3A_173 = vector.load %arg18[%swap3A_171, %swap3A_172] : memref<2816x128xf32, #tpu.memory_space<vmem>>, vector<78x128xf32>
    tpu.vector_store %arg18[%swap3A_171, %swap3A_172], %get3A_170 {strides = array<i32>} : memref<2816x128xf32, #tpu.memory_space<vmem>>, vector<78x128xf32>,
    %swap3A_174 = arith.constant 1398 : index
    %swap3A_175 = arith.constant 0 : index
    %swap3A_176 = vector.load %arg18[%swap3A_174, %swap3A_175] : memref<2816x128xf32, #tpu.memory_space<vmem>>, vector<10x128xf32>
    tpu.vector_store %arg18[%swap3A_174, %swap3A_175], %get3A_1 {strides = array<i32>} : memref<2816x128xf32, #tpu.memory_space<vmem>>, vector<10x128xf32>,
    %get3A_177 = arith.constant 16 : index
    %get3A_178 = arith.constant 0 : index
    %get3A_179 = arith.constant 0 : index
    %get3A_180 = vector.load %arg1[%get3A_177, %get3A_178, %get3A_179] : memref<32x78x128xf32, #tpu.memory_space<vmem>>, vector<1x78x128xf32>
    %get3A_181 = vector.shape_cast %get3A_180 : vector<1x78x128xf32> to vector<78x128xf32>
    %swap3A_182 = arith.constant 1408 : index
    %swap3A_183 = arith.constant 0 : index
    %swap3A_184 = vector.load %arg18[%swap3A_182, %swap3A_183] : memref<2816x128xf32, #tpu.memory_space<vmem>>, vector<78x128xf32>
    tpu.vector_store %arg18[%swap3A_182, %swap3A_183], %get3A_181 {strides = array<i32>} : memref<2816x128xf32, #tpu.memory_space<vmem>>, vector<78x128xf32>,
    %swap3A_185 = arith.constant 1486 : index
    %swap3A_186 = arith.constant 0 : index
    %swap3A_187 = vector.load %arg18[%swap3A_185, %swap3A_186] : memref<2816x128xf32, #tpu.memory_space<vmem>>, vector<10x128xf32>
    tpu.vector_store %arg18[%swap3A_185, %swap3A_186], %get3A_1 {strides = array<i32>} : memref<2816x128xf32, #tpu.memory_space<vmem>>, vector<10x128xf32>,
    %get3A_188 = arith.constant 17 : index
    %get3A_189 = arith.constant 0 : index
    %get3A_190 = arith.constant 0 : index
    %get3A_191 = vector.load %arg1[%get3A_188, %get3A_189, %get3A_190] : memref<32x78x128xf32, #tpu.memory_space<vmem>>, vector<1x78x128xf32>
    %get3A_192 = vector.shape_cast %get3A_191 : vector<1x78x128xf32> to vector<78x128xf32>
    %swap3A_193 = arith.constant 1496 : index
    %swap3A_194 = arith.constant 0 : index
    %swap3A_195 = vector.load %arg18[%swap3A_193, %swap3A_194] : memref<2816x128xf32, #tpu.memory_space<vmem>>, vector<78x128xf32>
    tpu.vector_store %arg18[%swap3A_193, %swap3A_194], %get3A_192 {strides = array<i32>} : memref<2816x128xf32, #tpu.memory_space<vmem>>, vector<78x128xf32>,
    %swap3A_196 = arith.constant 1574 : index
    %swap3A_197 = arith.constant 0 : index
    %swap3A_198 = vector.load %arg18[%swap3A_196, %swap3A_197] : memref<2816x128xf32, #tpu.memory_space<vmem>>, vector<10x128xf32>
    tpu.vector_store %arg18[%swap3A_196, %swap3A_197], %get3A_1 {strides = array<i32>} : memref<2816x128xf32, #tpu.memory_space<vmem>>, vector<10x128xf32>,
    %get3A_199 = arith.constant 18 : index
    %get3A_200 = arith.constant 0 : index
    %get3A_201 = arith.constant 0 : index
    %get3A_202 = vector.load %arg1[%get3A_199, %get3A_200, %get3A_201] : memref<32x78x128xf32, #tpu.memory_space<vmem>>, vector<1x78x128xf32>
    %get3A_203 = vector.shape_cast %get3A_202 : vector<1x78x128xf32> to vector<78x128xf32>
    %swap3A_204 = arith.constant 1584 : index
    %swap3A_205 = arith.constant 0 : index
    %swap3A_206 = vector.load %arg18[%swap3A_204, %swap3A_205] : memref<2816x128xf32, #tpu.memory_space<vmem>>, vector<78x128xf32>
    tpu.vector_store %arg18[%swap3A_204, %swap3A_205], %get3A_203 {strides = array<i32>} : memref<2816x128xf32, #tpu.memory_space<vmem>>, vector<78x128xf32>,
    %swap3A_207 = arith.constant 1662 : index
    %swap3A_208 = arith.constant 0 : index
    %swap3A_209 = vector.load %arg18[%swap3A_207, %swap3A_208] : memref<2816x128xf32, #tpu.memory_space<vmem>>, vector<10x128xf32>
    tpu.vector_store %arg18[%swap3A_207, %swap3A_208], %get3A_1 {strides = array<i32>} : memref<2816x128xf32, #tpu.memory_space<vmem>>, vector<10x128xf32>,
    %get3A_210 = arith.constant 19 : index
    %get3A_211 = arith.constant 0 : index
    %get3A_212 = arith.constant 0 : index
    %get3A_213 = vector.load %arg1[%get3A_210, %get3A_211, %get3A_212] : memref<32x78x128xf32, #tpu.memory_space<vmem>>, vector<1x78x128xf32>
    %get3A_214 = vector.shape_cast %get3A_213 : vector<1x78x128xf32> to vector<78x128xf32>
    %swap3A_215 = arith.constant 1672 : index
    %swap3A_216 = arith.constant 0 : index
    %swap3A_217 = vector.load %arg18[%swap3A_215, %swap3A_216] : memref<2816x128xf32, #tpu.memory_space<vmem>>, vector<78x128xf32>
    tpu.vector_store %arg18[%swap3A_215, %swap3A_216], %get3A_214 {strides = array<i32>} : memref<2816x128xf32, #tpu.memory_space<vmem>>, vector<78x128xf32>,
    %swap3A_218 = arith.constant 1750 : index
    %swap3A_219 = arith.constant 0 : index
    %swap3A_220 = vector.load %arg18[%swap3A_218, %swap3A_219] : memref<2816x128xf32, #tpu.memory_space<vmem>>, vector<10x128xf32>
    tpu.vector_store %arg18[%swap3A_218, %swap3A_219], %get3A_1 {strides = array<i32>} : memref<2816x128xf32, #tpu.memory_space<vmem>>, vector<10x128xf32>,
    %get3A_221 = arith.constant 20 : index
    %get3A_222 = arith.constant 0 : index
    %get3A_223 = arith.constant 0 : index
    %get3A_224 = vector.load %arg1[%get3A_221, %get3A_222, %get3A_223] : memref<32x78x128xf32, #tpu.memory_space<vmem>>, vector<1x78x128xf32>
    %get3A_225 = vector.shape_cast %get3A_224 : vector<1x78x128xf32> to vector<78x128xf32>
    %swap3A_226 = arith.constant 1760 : index
    %swap3A_227 = arith.constant 0 : index
    %swap3A_228 = vector.load %arg18[%swap3A_226, %swap3A_227] : memref<2816x128xf32, #tpu.memory_space<vmem>>, vector<78x128xf32>
    tpu.vector_store %arg18[%swap3A_226, %swap3A_227], %get3A_225 {strides = array<i32>} : memref<2816x128xf32, #tpu.memory_space<vmem>>, vector<78x128xf32>,
    %swap3A_229 = arith.constant 1838 : index
    %swap3A_230 = arith.constant 0 : index
    %swap3A_231 = vector.load %arg18[%swap3A_229, %swap3A_230] : memref<2816x128xf32, #tpu.memory_space<vmem>>, vector<10x128xf32>
    tpu.vector_store %arg18[%swap3A_229, %swap3A_230], %get3A_1 {strides = array<i32>} : memref<2816x128xf32, #tpu.memory_space<vmem>>, vector<10x128xf32>,
    %get3A_232 = arith.constant 21 : index
    %get3A_233 = arith.constant 0 : index
    %get3A_234 = arith.constant 0 : index
    %get3A_235 = vector.load %arg1[%get3A_232, %get3A_233, %get3A_234] : memref<32x78x128xf32, #tpu.memory_space<vmem>>, vector<1x78x128xf32>
    %get3A_236 = vector.shape_cast %get3A_235 : vector<1x78x128xf32> to vector<78x128xf32>
    %swap3A_237 = arith.constant 1848 : index
    %swap3A_238 = arith.constant 0 : index
    %swap3A_239 = vector.load %arg18[%swap3A_237, %swap3A_238] : memref<2816x128xf32, #tpu.memory_space<vmem>>, vector<78x128xf32>
    tpu.vector_store %arg18[%swap3A_237, %swap3A_238], %get3A_236 {strides = array<i32>} : memref<2816x128xf32, #tpu.memory_space<vmem>>, vector<78x128xf32>,
    %swap3A_240 = arith.constant 1926 : index
    %swap3A_241 = arith.constant 0 : index
    %swap3A_242 = vector.load %arg18[%swap3A_240, %swap3A_241] : memref<2816x128xf32, #tpu.memory_space<vmem>>, vector<10x128xf32>
    tpu.vector_store %arg18[%swap3A_240, %swap3A_241], %get3A_1 {strides = array<i32>} : memref<2816x128xf32, #tpu.memory_space<vmem>>, vector<10x128xf32>,
    %get3A_243 = arith.constant 22 : index
    %get3A_244 = arith.constant 0 : index
    %get3A_245 = arith.constant 0 : index
    %get3A_246 = vector.load %arg1[%get3A_243, %get3A_244, %get3A_245] : memref<32x78x128xf32, #tpu.memory_space<vmem>>, vector<1x78x128xf32>
    %get3A_247 = vector.shape_cast %get3A_246 : vector<1x78x128xf32> to vector<78x128xf32>
    %swap3A_248 = arith.constant 1936 : index
    %swap3A_249 = arith.constant 0 : index
    %swap3A_250 = vector.load %arg18[%swap3A_248, %swap3A_249] : memref<2816x128xf32, #tpu.memory_space<vmem>>, vector<78x128xf32>
    tpu.vector_store %arg18[%swap3A_248, %swap3A_249], %get3A_247 {strides = array<i32>} : memref<2816x128xf32, #tpu.memory_space<vmem>>, vector<78x128xf32>,
    %swap3A_251 = arith.constant 2014 : index
    %swap3A_252 = arith.constant 0 : index
    %swap3A_253 = vector.load %arg18[%swap3A_251, %swap3A_252] : memref<2816x128xf32, #tpu.memory_space<vmem>>, vector<10x128xf32>
    tpu.vector_store %arg18[%swap3A_251, %swap3A_252], %get3A_1 {strides = array<i32>} : memref<2816x128xf32, #tpu.memory_space<vmem>>, vector<10x128xf32>,
    %get3A_254 = arith.constant 23 : index
    %get3A_255 = arith.constant 0 : index
    %get3A_256 = arith.constant 0 : index
    %get3A_257 = vector.load %arg1[%get3A_254, %get3A_255, %get3A_256] : memref<32x78x128xf32, #tpu.memory_space<vmem>>, vector<1x78x128xf32>
    %get3A_258 = vector.shape_cast %get3A_257 : vector<1x78x128xf32> to vector<78x128xf32>
    %swap3A_259 = arith.constant 2024 : index
    %swap3A_260 = arith.constant 0 : index
    %swap3A_261 = vector.load %arg18[%swap3A_259, %swap3A_260] : memref<2816x128xf32, #tpu.memory_space<vmem>>, vector<78x128xf32>
    tpu.vector_store %arg18[%swap3A_259, %swap3A_260], %get3A_258 {strides = array<i32>} : memref<2816x128xf32, #tpu.memory_space<vmem>>, vector<78x128xf32>,
    %swap3A_262 = arith.constant 2102 : index
    %swap3A_263 = arith.constant 0 : index
    %swap3A_264 = vector.load %arg18[%swap3A_262, %swap3A_263] : memref<2816x128xf32, #tpu.memory_space<vmem>>, vector<10x128xf32>
    tpu.vector_store %arg18[%swap3A_262, %swap3A_263], %get3A_1 {strides = array<i32>} : memref<2816x128xf32, #tpu.memory_space<vmem>>, vector<10x128xf32>,
    %get3A_265 = arith.constant 24 : index
    %get3A_266 = arith.constant 0 : index
    %get3A_267 = arith.constant 0 : index
    %get3A_268 = vector.load %arg1[%get3A_265, %get3A_266, %get3A_267] : memref<32x78x128xf32, #tpu.memory_space<vmem>>, vector<1x78x128xf32>
    %get3A_269 = vector.shape_cast %get3A_268 : vector<1x78x128xf32> to vector<78x128xf32>
    %swap3A_270 = arith.constant 2112 : index
    %swap3A_271 = arith.constant 0 : index
    %swap3A_272 = vector.load %arg18[%swap3A_270, %swap3A_271] : memref<2816x128xf32, #tpu.memory_space<vmem>>, vector<78x128xf32>
    tpu.vector_store %arg18[%swap3A_270, %swap3A_271], %get3A_269 {strides = array<i32>} : memref<2816x128xf32, #tpu.memory_space<vmem>>, vector<78x128xf32>,
    %swap3A_273 = arith.constant 2190 : index
    %swap3A_274 = arith.constant 0 : index
    %swap3A_275 = vector.load %arg18[%swap3A_273, %swap3A_274] : memref<2816x128xf32, #tpu.memory_space<vmem>>, vector<10x128xf32>
    tpu.vector_store %arg18[%swap3A_273, %swap3A_274], %get3A_1 {strides = array<i32>} : memref<2816x128xf32, #tpu.memory_space<vmem>>, vector<10x128xf32>,
    %get3A_276 = arith.constant 25 : index
    %get3A_277 = arith.constant 0 : index
    %get3A_278 = arith.constant 0 : index
    %get3A_279 = vector.load %arg1[%get3A_276, %get3A_277, %get3A_278] : memref<32x78x128xf32, #tpu.memory_space<vmem>>, vector<1x78x128xf32>
    %get3A_280 = vector.shape_cast %get3A_279 : vector<1x78x128xf32> to vector<78x128xf32>
    %swap3A_281 = arith.constant 2200 : index
    %swap3A_282 = arith.constant 0 : index
    %swap3A_283 = vector.load %arg18[%swap3A_281, %swap3A_282] : memref<2816x128xf32, #tpu.memory_space<vmem>>, vector<78x128xf32>
    tpu.vector_store %arg18[%swap3A_281, %swap3A_282], %get3A_280 {strides = array<i32>} : memref<2816x128xf32, #tpu.memory_space<vmem>>, vector<78x128xf32>,
    %swap3A_284 = arith.constant 2278 : index
    %swap3A_285 = arith.constant 0 : index
    %swap3A_286 = vector.load %arg18[%swap3A_284, %swap3A_285] : memref<2816x128xf32, #tpu.memory_space<vmem>>, vector<10x128xf32>
    tpu.vector_store %arg18[%swap3A_284, %swap3A_285], %get3A_1 {strides = array<i32>} : memref<2816x128xf32, #tpu.memory_space<vmem>>, vector<10x128xf32>,
    %get3A_287 = arith.constant 26 : index
    %get3A_288 = arith.constant 0 : index
    %get3A_289 = arith.constant 0 : index
    %get3A_290 = vector.load %arg1[%get3A_287, %get3A_288, %get3A_289] : memref<32x78x128xf32, #tpu.memory_space<vmem>>, vector<1x78x128xf32>
    %get3A_291 = vector.shape_cast %get3A_290 : vector<1x78x128xf32> to vector<78x128xf32>
    %swap3A_292 = arith.constant 2288 : index
    %swap3A_293 = arith.constant 0 : index
    %swap3A_294 = vector.load %arg18[%swap3A_292, %swap3A_293] : memref<2816x128xf32, #tpu.memory_space<vmem>>, vector<78x128xf32>
    tpu.vector_store %arg18[%swap3A_292, %swap3A_293], %get3A_291 {strides = array<i32>} : memref<2816x128xf32, #tpu.memory_space<vmem>>, vector<78x128xf32>,
    %swap3A_295 = arith.constant 2366 : index
    %swap3A_296 = arith.constant 0 : index
    %swap3A_297 = vector.load %arg18[%swap3A_295, %swap3A_296] : memref<2816x128xf32, #tpu.memory_space<vmem>>, vector<10x128xf32>
    tpu.vector_store %arg18[%swap3A_295, %swap3A_296], %get3A_1 {strides = array<i32>} : memref<2816x128xf32, #tpu.memory_space<vmem>>, vector<10x128xf32>,
    %get3A_298 = arith.constant 27 : index
    %get3A_299 = arith.constant 0 : index
    %get3A_300 = arith.constant 0 : index
    %get3A_301 = vector.load %arg1[%get3A_298, %get3A_299, %get3A_300] : memref<32x78x128xf32, #tpu.memory_space<vmem>>, vector<1x78x128xf32>
    %get3A_302 = vector.shape_cast %get3A_301 : vector<1x78x128xf32> to vector<78x128xf32>
    %swap3A_303 = arith.constant 2376 : index
    %swap3A_304 = arith.constant 0 : index
    %swap3A_305 = vector.load %arg18[%swap3A_303, %swap3A_304] : memref<2816x128xf32, #tpu.memory_space<vmem>>, vector<78x128xf32>
    tpu.vector_store %arg18[%swap3A_303, %swap3A_304], %get3A_302 {strides = array<i32>} : memref<2816x128xf32, #tpu.memory_space<vmem>>, vector<78x128xf32>,
    %swap3A_306 = arith.constant 2454 : index
    %swap3A_307 = arith.constant 0 : index
    %swap3A_308 = vector.load %arg18[%swap3A_306, %swap3A_307] : memref<2816x128xf32, #tpu.memory_space<vmem>>, vector<10x128xf32>
    tpu.vector_store %arg18[%swap3A_306, %swap3A_307], %get3A_1 {strides = array<i32>} : memref<2816x128xf32, #tpu.memory_space<vmem>>, vector<10x128xf32>,
    %get3A_309 = arith.constant 28 : index
    %get3A_310 = arith.constant 0 : index
    %get3A_311 = arith.constant 0 : index
    %get3A_312 = vector.load %arg1[%get3A_309, %get3A_310, %get3A_311] : memref<32x78x128xf32, #tpu.memory_space<vmem>>, vector<1x78x128xf32>
    %get3A_313 = vector.shape_cast %get3A_312 : vector<1x78x128xf32> to vector<78x128xf32>
    %swap3A_314 = arith.constant 2464 : index
    %swap3A_315 = arith.constant 0 : index
    %swap3A_316 = vector.load %arg18[%swap3A_314, %swap3A_315] : memref<2816x128xf32, #tpu.memory_space<vmem>>, vector<78x128xf32>
    tpu.vector_store %arg18[%swap3A_314, %swap3A_315], %get3A_313 {strides = array<i32>} : memref<2816x128xf32, #tpu.memory_space<vmem>>, vector<78x128xf32>,
    %swap3A_317 = arith.constant 2542 : index
    %swap3A_318 = arith.constant 0 : index
    %swap3A_319 = vector.load %arg18[%swap3A_317, %swap3A_318] : memref<2816x128xf32, #tpu.memory_space<vmem>>, vector<10x128xf32>
    tpu.vector_store %arg18[%swap3A_317, %swap3A_318], %get3A_1 {strides = array<i32>} : memref<2816x128xf32, #tpu.memory_space<vmem>>, vector<10x128xf32>,
    %get3A_320 = arith.constant 29 : index
    %get3A_321 = arith.constant 0 : index
    %get3A_322 = arith.constant 0 : index
    %get3A_323 = vector.load %arg1[%get3A_320, %get3A_321, %get3A_322] : memref<32x78x128xf32, #tpu.memory_space<vmem>>, vector<1x78x128xf32>
    %get3A_324 = vector.shape_cast %get3A_323 : vector<1x78x128xf32> to vector<78x128xf32>
    %swap3A_325 = arith.constant 2552 : index
    %swap3A_326 = arith.constant 0 : index
    %swap3A_327 = vector.load %arg18[%swap3A_325, %swap3A_326] : memref<2816x128xf32, #tpu.memory_space<vmem>>, vector<78x128xf32>
    tpu.vector_store %arg18[%swap3A_325, %swap3A_326], %get3A_324 {strides = array<i32>} : memref<2816x128xf32, #tpu.memory_space<vmem>>, vector<78x128xf32>,
    %swap3A_328 = arith.constant 2630 : index
    %swap3A_329 = arith.constant 0 : index
    %swap3A_330 = vector.load %arg18[%swap3A_328, %swap3A_329] : memref<2816x128xf32, #tpu.memory_space<vmem>>, vector<10x128xf32>
    tpu.vector_store %arg18[%swap3A_328, %swap3A_329], %get3A_1 {strides = array<i32>} : memref<2816x128xf32, #tpu.memory_space<vmem>>, vector<10x128xf32>,
    %get3A_331 = arith.constant 30 : index
    %get3A_332 = arith.constant 0 : index
    %get3A_333 = arith.constant 0 : index
    %get3A_334 = vector.load %arg1[%get3A_331, %get3A_332, %get3A_333] : memref<32x78x128xf32, #tpu.memory_space<vmem>>, vector<1x78x128xf32>
    %get3A_335 = vector.shape_cast %get3A_334 : vector<1x78x128xf32> to vector<78x128xf32>
    %swap3A_336 = arith.constant 2640 : index
    %swap3A_337 = arith.constant 0 : index
    %swap3A_338 = vector.load %arg18[%swap3A_336, %swap3A_337] : memref<2816x128xf32, #tpu.memory_space<vmem>>, vector<78x128xf32>
    tpu.vector_store %arg18[%swap3A_336, %swap3A_337], %get3A_335 {strides = array<i32>} : memref<2816x128xf32, #tpu.memory_space<vmem>>, vector<78x128xf32>,
    %swap3A_339 = arith.constant 2718 : index
    %swap3A_340 = arith.constant 0 : index
    %swap3A_341 = vector.load %arg18[%swap3A_339, %swap3A_340] : memref<2816x128xf32, #tpu.memory_space<vmem>>, vector<10x128xf32>
    tpu.vector_store %arg18[%swap3A_339, %swap3A_340], %get3A_1 {strides = array<i32>} : memref<2816x128xf32, #tpu.memory_space<vmem>>, vector<10x128xf32>,
    %get3A_342 = arith.constant 31 : index
    %get3A_343 = arith.constant 0 : index
    %get3A_344 = arith.constant 0 : index
    %get3A_345 = vector.load %arg1[%get3A_342, %get3A_343, %get3A_344] : memref<32x78x128xf32, #tpu.memory_space<vmem>>, vector<1x78x128xf32>
    %get3A_346 = vector.shape_cast %get3A_345 : vector<1x78x128xf32> to vector<78x128xf32>
    %swap3A_347 = arith.constant 2728 : index
    %swap3A_348 = arith.constant 0 : index
    %swap3A_349 = vector.load %arg18[%swap3A_347, %swap3A_348] : memref<2816x128xf32, #tpu.memory_space<vmem>>, vector<78x128xf32>
    tpu.vector_store %arg18[%swap3A_347, %swap3A_348], %get3A_346 {strides = array<i32>} : memref<2816x128xf32, #tpu.memory_space<vmem>>, vector<78x128xf32>,
    %swap3A_350 = arith.constant 2806 : index
    %swap3A_351 = arith.constant 0 : index
    %swap3A_352 = vector.load %arg18[%swap3A_350, %swap3A_351] : memref<2816x128xf32, #tpu.memory_space<vmem>>, vector<10x128xf32>
    tpu.vector_store %arg18[%swap3A_350, %swap3A_351], %get3A_1 {strides = array<i32>} : memref<2816x128xf32, #tpu.memory_space<vmem>>, vector<10x128xf32>,
    %dot_general3A = arith.constant dense<0.000000e+00> : vector<10x10xf32>
    %dot_general3A_353 = tpu.matmul %get3A_1, %get3A_1, %dot_general3A {dimension_numbers = #tpu.dot_dimension_numbers<[1], [1], [0], [0], [0, 0, 1, 0], [], []>, precision = #tpu.contract_precision<fp32>, transpose_lhs_hint = false} : vector<10x128xf32>, vector<10x128xf32>, vector<10x10xf32> -> vector<10x10xf32>
    %logistic3A = arith.negf %dot_general3A_353 : vector<10x10xf32>
    %logistic3A_354 = math.exp %logistic3A : vector<10x10xf32>
    %logistic3A_355 = arith.constant 1.000000e+00 : f32
    %logistic3A_356 = vector.broadcast %logistic3A_355 : f32 to vector<10x10xf32>
    %logistic3A_357 = arith.addf %logistic3A_356, %logistic3A_354 : vector<10x10xf32>
    %logistic3A_358 = arith.divf %logistic3A_356, %logistic3A_357 : vector<10x10xf32>
    %ge3A = arith.constant 3.000000e-01 : f32
    %ge3A_359 = vector.broadcast %ge3A : f32 to vector<10x10xf32>
    %ge3A_360 = arith.cmpf oge, %logistic3A_358, %ge3A_359 : vector<10x10xf32>
    %jit3A = arith.constant 1.000000e+00 : f32
    %jit3A_361 = arith.constant 0.000000e+00 : f32
    %broadcast_in_dim3A = vector.broadcast %jit3A : f32 to vector<10x10xf32>
    %broadcast_in_dim3A_362 = vector.broadcast %jit3A_361 : f32 to vector<10x10xf32>
    %select_n3A = arith.select %ge3A_360, %broadcast_in_dim3A, %broadcast_in_dim3A_362 : vector<10x10xi1>, vector<10x10xf32>
    %jit3A_363 = arith.constant 0 : i32
    %convert_element_type3A = arith.sitofp %jit3A_363 : i32 to f32
    %pad3A = vector.broadcast %convert_element_type3A : f32 to vector<78x10xf32>
    %pad3A_364 = tpu.concatenate %pad3A, %select_n3A in 0 : vector<78x10xf32>, vector<10x10xf32> -> vector<88x10xf32>
    %pad3A_365 = vector.broadcast %convert_element_type3A : f32 to vector<88x78xf32>
    %pad3A_366 = tpu.concatenate %pad3A_365, %pad3A_364 in 1 : vector<88x78xf32>, vector<88x10xf32> -> vector<88x88xf32>
    %get3A_367 = arith.constant 0 : index
    %get3A_368 = arith.constant 0 : index
    %get3A_369 = vector.load %arg18[%get3A_367, %get3A_368] : memref<2816x128xf32, #tpu.memory_space<vmem>>, vector<2816x128xf32>
    %get3A_370 = arith.constant 0 : index
    %get3A_371 = arith.constant 0 : index
    %get3A_372 = vector.load %arg4[%get3A_370, %get3A_371] : memref<128x88xf32, #tpu.memory_space<vmem>>, vector<128x88xf32>
    %dot_general3A_373 = arith.constant dense<0.000000e+00> : vector<2816x88xf32>
    %dot_general3A_374 = tpu.matmul %get3A_369, %get3A_372, %dot_general3A_373 {dimension_numbers = #tpu.dot_dimension_numbers<[1], [0], [0], [1], [0, 0, 1, 1], [], []>, precision = #tpu.contract_precision<fp32>, transpose_lhs_hint = false} : vector<2816x128xf32>, vector<128x88xf32>, vector<2816x88xf32> -> vector<2816x88xf32>
    %logistic3A_375 = arith.negf %dot_general3A_374 : vector<2816x88xf32>
    %logistic3A_376 = math.exp %logistic3A_375 : vector<2816x88xf32>
    %logistic3A_377 = arith.constant 1.000000e+00 : f32
    %logistic3A_378 = vector.broadcast %logistic3A_377 : f32 to vector<2816x88xf32>
    %logistic3A_379 = arith.addf %logistic3A_378, %logistic3A_376 : vector<2816x88xf32>
    %logistic3A_380 = arith.divf %logistic3A_378, %logistic3A_379 : vector<2816x88xf32>
    %ge3A_381 = arith.constant 1.000000e-01 : f32
    %ge3A_382 = vector.broadcast %ge3A_381 : f32 to vector<2816x88xf32>
    %ge3A_383 = arith.cmpf oge, %logistic3A_380, %ge3A_382 : vector<2816x88xf32>
    %jit3A_384 = arith.constant 1.000000e+00 : f32
    %jit3A_385 = arith.constant 0.000000e+00 : f32
    %broadcast_in_dim3A_386 = vector.broadcast %jit3A_384 : f32 to vector<2816x88xf32>
    %broadcast_in_dim3A_387 = vector.broadcast %jit3A_385 : f32 to vector<2816x88xf32>
    %select_n3A_388 = arith.select %ge3A_383, %broadcast_in_dim3A_386, %broadcast_in_dim3A_387 : vector<2816x88xi1>, vector<2816x88xf32>
    %reshape3A = vector.shape_cast %select_n3A_388 : vector<2816x88xf32> to vector<32x88x88xf32>
    %get3A_389 = arith.constant 0 : index
    %get3A_390 = arith.constant 0 : index
    %get3A_391 = vector.load %arg5[%get3A_389, %get3A_390] : memref<88x88xf32, #tpu.memory_space<vmem>>, vector<88x88xf32>
    %broadcast_in_dim3A_392 = vector.shape_cast %get3A_391 : vector<88x88xf32> to vector<1x88x88xf32>
    %mul3A = vector.broadcast %broadcast_in_dim3A_392 : vector<1x88x88xf32> to vector<32x88x88xf32>
    %mul3A_393 = arith.mulf %reshape3A, %mul3A : vector<32x88x88xf32>
    %broadcast_in_dim3A_394 = vector.shape_cast %pad3A_366 : vector<88x88xf32> to vector<1x88x88xf32>
    %add3A = vector.broadcast %broadcast_in_dim3A_394 : vector<1x88x88xf32> to vector<32x88x88xf32>
    %add3A_395 = arith.addf %mul3A_393, %add3A : vector<32x88x88xf32>
    %get3A_396 = arith.constant 0 : index
    %get3A_397 = arith.constant 0 : index
    %get3A_398 = arith.constant 0 : index
    %get3A_399 = vector.load %arg2[%get3A_396, %get3A_397, %get3A_398] : memref<32x88x88xf32, #tpu.memory_space<vmem>>, vector<1x88x88xf32>
    %get3A_400 = vector.shape_cast %get3A_399 : vector<1x88x88xf32> to vector<88x88xf32>
    %slice3A = vector.extract_strided_slice %add3A_395 {offsets = [0, 0, 0], sizes = [1, 88, 88], strides = [1, 1, 1]} : vector<32x88x88xf32> to vector<1x88x88xf32>
    %squeeze3A = vector.shape_cast %slice3A : vector<1x88x88xf32> to vector<88x88xf32>
    %add3A_401 = arith.addf %get3A_400, %squeeze3A : vector<88x88xf32>
    %log3A = math.log %add3A_401 : vector<88x88xf32>
    %swap3A_402 = arith.constant 0 : index
    %swap3A_403 = arith.constant 0 : index
    %swap3A_404 = arith.constant 0 : index
    %swap3A_405 = vector.load %arg16[%swap3A_402, %swap3A_403, %swap3A_404] : memref<32x88x88xf32, #tpu.memory_space<vmem>>, vector<1x88x88xf32>
    %swap3A_406 = vector.shape_cast %swap3A_405 : vector<1x88x88xf32> to vector<88x88xf32>
    %swap3A_407 = vector.shape_cast %log3A : vector<88x88xf32> to vector<1x88x88xf32>
    tpu.vector_store %arg16[%swap3A_402, %swap3A_403, %swap3A_404], %swap3A_407 {strides = array<i32>} : memref<32x88x88xf32, #tpu.memory_space<vmem>>, vector<1x88x88xf32>,
    %get3A_408 = arith.constant 1 : index
    %get3A_409 = arith.constant 0 : index
    %get3A_410 = arith.constant 0 : index
    %get3A_411 = vector.load %arg2[%get3A_408, %get3A_409, %get3A_410] : memref<32x88x88xf32, #tpu.memory_space<vmem>>, vector<1x88x88xf32>
    %get3A_412 = vector.shape_cast %get3A_411 : vector<1x88x88xf32> to vector<88x88xf32>
    %slice3A_413 = vector.extract_strided_slice %add3A_395 {offsets = [1, 0, 0], sizes = [1, 88, 88], strides = [1, 1, 1]} : vector<32x88x88xf32> to vector<1x88x88xf32>
    %squeeze3A_414 = vector.shape_cast %slice3A_413 : vector<1x88x88xf32> to vector<88x88xf32>
    %add3A_415 = arith.addf %get3A_412, %squeeze3A_414 : vector<88x88xf32>
    %log3A_416 = math.log %add3A_415 : vector<88x88xf32>
    %swap3A_417 = arith.constant 1 : index
    %swap3A_418 = arith.constant 0 : index
    %swap3A_419 = arith.constant 0 : index
    %swap3A_420 = vector.load %arg16[%swap3A_417, %swap3A_418, %swap3A_419] : memref<32x88x88xf32, #tpu.memory_space<vmem>>, vector<1x88x88xf32>
    %swap3A_421 = vector.shape_cast %swap3A_420 : vector<1x88x88xf32> to vector<88x88xf32>
    %swap3A_422 = vector.shape_cast %log3A_416 : vector<88x88xf32> to vector<1x88x88xf32>
    tpu.vector_store %arg16[%swap3A_417, %swap3A_418, %swap3A_419], %swap3A_422 {strides = array<i32>} : memref<32x88x88xf32, #tpu.memory_space<vmem>>, vector<1x88x88xf32>,
    %get3A_423 = arith.constant 2 : index
    %get3A_424 = arith.constant 0 : index
    %get3A_425 = arith.constant 0 : index
    %get3A_426 = vector.load %arg2[%get3A_423, %get3A_424, %get3A_425] : memref<32x88x88xf32, #tpu.memory_space<vmem>>, vector<1x88x88xf32>
    %get3A_427 = vector.shape_cast %get3A_426 : vector<1x88x88xf32> to vector<88x88xf32>
    %slice3A_428 = vector.extract_strided_slice %add3A_395 {offsets = [2, 0, 0], sizes = [1, 88, 88], strides = [1, 1, 1]} : vector<32x88x88xf32> to vector<1x88x88xf32>
    %squeeze3A_429 = vector.shape_cast %slice3A_428 : vector<1x88x88xf32> to vector<88x88xf32>
    %add3A_430 = arith.addf %get3A_427, %squeeze3A_429 : vector<88x88xf32>
    %log3A_431 = math.log %add3A_430 : vector<88x88xf32>
    %swap3A_432 = arith.constant 2 : index
    %swap3A_433 = arith.constant 0 : index
    %swap3A_434 = arith.constant 0 : index
    %swap3A_435 = vector.load %arg16[%swap3A_432, %swap3A_433, %swap3A_434] : memref<32x88x88xf32, #tpu.memory_space<vmem>>, vector<1x88x88xf32>
    %swap3A_436 = vector.shape_cast %swap3A_435 : vector<1x88x88xf32> to vector<88x88xf32>
    %swap3A_437 = vector.shape_cast %log3A_431 : vector<88x88xf32> to vector<1x88x88xf32>
    tpu.vector_store %arg16[%swap3A_432, %swap3A_433, %swap3A_434], %swap3A_437 {strides = array<i32>} : memref<32x88x88xf32, #tpu.memory_space<vmem>>, vector<1x88x88xf32>,
    %get3A_438 = arith.constant 3 : index
    %get3A_439 = arith.constant 0 : index
    %get3A_440 = arith.constant 0 : index
    %get3A_441 = vector.load %arg2[%get3A_438, %get3A_439, %get3A_440] : memref<32x88x88xf32, #tpu.memory_space<vmem>>, vector<1x88x88xf32>
    %get3A_442 = vector.shape_cast %get3A_441 : vector<1x88x88xf32> to vector<88x88xf32>
    %slice3A_443 = vector.extract_strided_slice %add3A_395 {offsets = [3, 0, 0], sizes = [1, 88, 88], strides = [1, 1, 1]} : vector<32x88x88xf32> to vector<1x88x88xf32>
    %squeeze3A_444 = vector.shape_cast %slice3A_443 : vector<1x88x88xf32> to vector<88x88xf32>
    %add3A_445 = arith.addf %get3A_442, %squeeze3A_444 : vector<88x88xf32>
    %log3A_446 = math.log %add3A_445 : vector<88x88xf32>
    %swap3A_447 = arith.constant 3 : index
    %swap3A_448 = arith.constant 0 : index
    %swap3A_449 = arith.constant 0 : index
    %swap3A_450 = vector.load %arg16[%swap3A_447, %swap3A_448, %swap3A_449] : memref<32x88x88xf32, #tpu.memory_space<vmem>>, vector<1x88x88xf32>
    %swap3A_451 = vector.shape_cast %swap3A_450 : vector<1x88x88xf32> to vector<88x88xf32>
    %swap3A_452 = vector.shape_cast %log3A_446 : vector<88x88xf32> to vector<1x88x88xf32>
    tpu.vector_store %arg16[%swap3A_447, %swap3A_448, %swap3A_449], %swap3A_452 {strides = array<i32>} : memref<32x88x88xf32, #tpu.memory_space<vmem>>, vector<1x88x88xf32>,
    %get3A_453 = arith.constant 4 : index
    %get3A_454 = arith.constant 0 : index
    %get3A_455 = arith.constant 0 : index
    %get3A_456 = vector.load %arg2[%get3A_453, %get3A_454, %get3A_455] : memref<32x88x88xf32, #tpu.memory_space<vmem>>, vector<1x88x88xf32>
    %get3A_457 = vector.shape_cast %get3A_456 : vector<1x88x88xf32> to vector<88x88xf32>
    %slice3A_458 = vector.extract_strided_slice %add3A_395 {offsets = [4, 0, 0], sizes = [1, 88, 88], strides = [1, 1, 1]} : vector<32x88x88xf32> to vector<1x88x88xf32>
    %squeeze3A_459 = vector.shape_cast %slice3A_458 : vector<1x88x88xf32> to vector<88x88xf32>
    %add3A_460 = arith.addf %get3A_457, %squeeze3A_459 : vector<88x88xf32>
    %log3A_461 = math.log %add3A_460 : vector<88x88xf32>
    %swap3A_462 = arith.constant 4 : index
    %swap3A_463 = arith.constant 0 : index
    %swap3A_464 = arith.constant 0 : index
    %swap3A_465 = vector.load %arg16[%swap3A_462, %swap3A_463, %swap3A_464] : memref<32x88x88xf32, #tpu.memory_space<vmem>>, vector<1x88x88xf32>
    %swap3A_466 = vector.shape_cast %swap3A_465 : vector<1x88x88xf32> to vector<88x88xf32>
    %swap3A_467 = vector.shape_cast %log3A_461 : vector<88x88xf32> to vector<1x88x88xf32>
    tpu.vector_store %arg16[%swap3A_462, %swap3A_463, %swap3A_464], %swap3A_467 {strides = array<i32>} : memref<32x88x88xf32, #tpu.memory_space<vmem>>, vector<1x88x88xf32>,
    %get3A_468 = arith.constant 5 : index
    %get3A_469 = arith.constant 0 : index
    %get3A_470 = arith.constant 0 : index
    %get3A_471 = vector.load %arg2[%get3A_468, %get3A_469, %get3A_470] : memref<32x88x88xf32, #tpu.memory_space<vmem>>, vector<1x88x88xf32>
    %get3A_472 = vector.shape_cast %get3A_471 : vector<1x88x88xf32> to vector<88x88xf32>
    %slice3A_473 = vector.extract_strided_slice %add3A_395 {offsets = [5, 0, 0], sizes = [1, 88, 88], strides = [1, 1, 1]} : vector<32x88x88xf32> to vector<1x88x88xf32>
    %squeeze3A_474 = vector.shape_cast %slice3A_473 : vector<1x88x88xf32> to vector<88x88xf32>
    %add3A_475 = arith.addf %get3A_472, %squeeze3A_474 : vector<88x88xf32>
    %log3A_476 = math.log %add3A_475 : vector<88x88xf32>
    %swap3A_477 = arith.constant 5 : index
    %swap3A_478 = arith.constant 0 : index
    %swap3A_479 = arith.constant 0 : index
    %swap3A_480 = vector.load %arg16[%swap3A_477, %swap3A_478, %swap3A_479] : memref<32x88x88xf32, #tpu.memory_space<vmem>>, vector<1x88x88xf32>
    %swap3A_481 = vector.shape_cast %swap3A_480 : vector<1x88x88xf32> to vector<88x88xf32>
    %swap3A_482 = vector.shape_cast %log3A_476 : vector<88x88xf32> to vector<1x88x88xf32>
    tpu.vector_store %arg16[%swap3A_477, %swap3A_478, %swap3A_479], %swap3A_482 {strides = array<i32>} : memref<32x88x88xf32, #tpu.memory_space<vmem>>, vector<1x88x88xf32>,
    %get3A_483 = arith.constant 6 : index
    %get3A_484 = arith.constant 0 : index
    %get3A_485 = arith.constant 0 : index
    %get3A_486 = vector.load %arg2[%get3A_483, %get3A_484, %get3A_485] : memref<32x88x88xf32, #tpu.memory_space<vmem>>, vector<1x88x88xf32>
    %get3A_487 = vector.shape_cast %get3A_486 : vector<1x88x88xf32> to vector<88x88xf32>
    %slice3A_488 = vector.extract_strided_slice %add3A_395 {offsets = [6, 0, 0], sizes = [1, 88, 88], strides = [1, 1, 1]} : vector<32x88x88xf32> to vector<1x88x88xf32>
    %squeeze3A_489 = vector.shape_cast %slice3A_488 : vector<1x88x88xf32> to vector<88x88xf32>
    %add3A_490 = arith.addf %get3A_487, %squeeze3A_489 : vector<88x88xf32>
    %log3A_491 = math.log %add3A_490 : vector<88x88xf32>
    %swap3A_492 = arith.constant 6 : index
    %swap3A_493 = arith.constant 0 : index
    %swap3A_494 = arith.constant 0 : index
    %swap3A_495 = vector.load %arg16[%swap3A_492, %swap3A_493, %swap3A_494] : memref<32x88x88xf32, #tpu.memory_space<vmem>>, vector<1x88x88xf32>
    %swap3A_496 = vector.shape_cast %swap3A_495 : vector<1x88x88xf32> to vector<88x88xf32>
    %swap3A_497 = vector.shape_cast %log3A_491 : vector<88x88xf32> to vector<1x88x88xf32>
    tpu.vector_store %arg16[%swap3A_492, %swap3A_493, %swap3A_494], %swap3A_497 {strides = array<i32>} : memref<32x88x88xf32, #tpu.memory_space<vmem>>, vector<1x88x88xf32>,
    %get3A_498 = arith.constant 7 : index
    %get3A_499 = arith.constant 0 : index
    %get3A_500 = arith.constant 0 : index
    %get3A_501 = vector.load %arg2[%get3A_498, %get3A_499, %get3A_500] : memref<32x88x88xf32, #tpu.memory_space<vmem>>, vector<1x88x88xf32>
    %get3A_502 = vector.shape_cast %get3A_501 : vector<1x88x88xf32> to vector<88x88xf32>
    %slice3A_503 = vector.extract_strided_slice %add3A_395 {offsets = [7, 0, 0], sizes = [1, 88, 88], strides = [1, 1, 1]} : vector<32x88x88xf32> to vector<1x88x88xf32>
    %squeeze3A_504 = vector.shape_cast %slice3A_503 : vector<1x88x88xf32> to vector<88x88xf32>
    %add3A_505 = arith.addf %get3A_502, %squeeze3A_504 : vector<88x88xf32>
    %log3A_506 = math.log %add3A_505 : vector<88x88xf32>
    %swap3A_507 = arith.constant 7 : index
    %swap3A_508 = arith.constant 0 : index
    %swap3A_509 = arith.constant 0 : index
    %swap3A_510 = vector.load %arg16[%swap3A_507, %swap3A_508, %swap3A_509] : memref<32x88x88xf32, #tpu.memory_space<vmem>>, vector<1x88x88xf32>
    %swap3A_511 = vector.shape_cast %swap3A_510 : vector<1x88x88xf32> to vector<88x88xf32>
    %swap3A_512 = vector.shape_cast %log3A_506 : vector<88x88xf32> to vector<1x88x88xf32>
    tpu.vector_store %arg16[%swap3A_507, %swap3A_508, %swap3A_509], %swap3A_512 {strides = array<i32>} : memref<32x88x88xf32, #tpu.memory_space<vmem>>, vector<1x88x88xf32>,
    %get3A_513 = arith.constant 8 : index
    %get3A_514 = arith.constant 0 : index
    %get3A_515 = arith.constant 0 : index
    %get3A_516 = vector.load %arg2[%get3A_513, %get3A_514, %get3A_515] : memref<32x88x88xf32, #tpu.memory_space<vmem>>, vector<1x88x88xf32>
    %get3A_517 = vector.shape_cast %get3A_516 : vector<1x88x88xf32> to vector<88x88xf32>
    %slice3A_518 = vector.extract_strided_slice %add3A_395 {offsets = [8, 0, 0], sizes = [1, 88, 88], strides = [1, 1, 1]} : vector<32x88x88xf32> to vector<1x88x88xf32>
    %squeeze3A_519 = vector.shape_cast %slice3A_518 : vector<1x88x88xf32> to vector<88x88xf32>
    %add3A_520 = arith.addf %get3A_517, %squeeze3A_519 : vector<88x88xf32>
    %log3A_521 = math.log %add3A_520 : vector<88x88xf32>
    %swap3A_522 = arith.constant 8 : index
    %swap3A_523 = arith.constant 0 : index
    %swap3A_524 = arith.constant 0 : index
    %swap3A_525 = vector.load %arg16[%swap3A_522, %swap3A_523, %swap3A_524] : memref<32x88x88xf32, #tpu.memory_space<vmem>>, vector<1x88x88xf32>
    %swap3A_526 = vector.shape_cast %swap3A_525 : vector<1x88x88xf32> to vector<88x88xf32>
    %swap3A_527 = vector.shape_cast %log3A_521 : vector<88x88xf32> to vector<1x88x88xf32>
    tpu.vector_store %arg16[%swap3A_522, %swap3A_523, %swap3A_524], %swap3A_527 {strides = array<i32>} : memref<32x88x88xf32, #tpu.memory_space<vmem>>, vector<1x88x88xf32>,
    %get3A_528 = arith.constant 9 : index
    %get3A_529 = arith.constant 0 : index
    %get3A_530 = arith.constant 0 : index
    %get3A_531 = vector.load %arg2[%get3A_528, %get3A_529, %get3A_530] : memref<32x88x88xf32, #tpu.memory_space<vmem>>, vector<1x88x88xf32>
    %get3A_532 = vector.shape_cast %get3A_531 : vector<1x88x88xf32> to vector<88x88xf32>
    %slice3A_533 = vector.extract_strided_slice %add3A_395 {offsets = [9, 0, 0], sizes = [1, 88, 88], strides = [1, 1, 1]} : vector<32x88x88xf32> to vector<1x88x88xf32>
    %squeeze3A_534 = vector.shape_cast %slice3A_533 : vector<1x88x88xf32> to vector<88x88xf32>
    %add3A_535 = arith.addf %get3A_532, %squeeze3A_534 : vector<88x88xf32>
    %log3A_536 = math.log %add3A_535 : vector<88x88xf32>
    %swap3A_537 = arith.constant 9 : index
    %swap3A_538 = arith.constant 0 : index
    %swap3A_539 = arith.constant 0 : index
    %swap3A_540 = vector.load %arg16[%swap3A_537, %swap3A_538, %swap3A_539] : memref<32x88x88xf32, #tpu.memory_space<vmem>>, vector<1x88x88xf32>
    %swap3A_541 = vector.shape_cast %swap3A_540 : vector<1x88x88xf32> to vector<88x88xf32>
    %swap3A_542 = vector.shape_cast %log3A_536 : vector<88x88xf32> to vector<1x88x88xf32>
    tpu.vector_store %arg16[%swap3A_537, %swap3A_538, %swap3A_539], %swap3A_542 {strides = array<i32>} : memref<32x88x88xf32, #tpu.memory_space<vmem>>, vector<1x88x88xf32>,
    %get3A_543 = arith.constant 10 : index
    %get3A_544 = arith.constant 0 : index
    %get3A_545 = arith.constant 0 : index
    %get3A_546 = vector.load %arg2[%get3A_543, %get3A_544, %get3A_545] : memref<32x88x88xf32, #tpu.memory_space<vmem>>, vector<1x88x88xf32>
    %get3A_547 = vector.shape_cast %get3A_546 : vector<1x88x88xf32> to vector<88x88xf32>
    %slice3A_548 = vector.extract_strided_slice %add3A_395 {offsets = [10, 0, 0], sizes = [1, 88, 88], strides = [1, 1, 1]} : vector<32x88x88xf32> to vector<1x88x88xf32>
    %squeeze3A_549 = vector.shape_cast %slice3A_548 : vector<1x88x88xf32> to vector<88x88xf32>
    %add3A_550 = arith.addf %get3A_547, %squeeze3A_549 : vector<88x88xf32>
    %log3A_551 = math.log %add3A_550 : vector<88x88xf32>
    %swap3A_552 = arith.constant 10 : index
    %swap3A_553 = arith.constant 0 : index
    %swap3A_554 = arith.constant 0 : index
    %swap3A_555 = vector.load %arg16[%swap3A_552, %swap3A_553, %swap3A_554] : memref<32x88x88xf32, #tpu.memory_space<vmem>>, vector<1x88x88xf32>
    %swap3A_556 = vector.shape_cast %swap3A_555 : vector<1x88x88xf32> to vector<88x88xf32>
    %swap3A_557 = vector.shape_cast %log3A_551 : vector<88x88xf32> to vector<1x88x88xf32>
    tpu.vector_store %arg16[%swap3A_552, %swap3A_553, %swap3A_554], %swap3A_557 {strides = array<i32>} : memref<32x88x88xf32, #tpu.memory_space<vmem>>, vector<1x88x88xf32>,
    %get3A_558 = arith.constant 11 : index
    %get3A_559 = arith.constant 0 : index
    %get3A_560 = arith.constant 0 : index
    %get3A_561 = vector.load %arg2[%get3A_558, %get3A_559, %get3A_560] : memref<32x88x88xf32, #tpu.memory_space<vmem>>, vector<1x88x88xf32>
    %get3A_562 = vector.shape_cast %get3A_561 : vector<1x88x88xf32> to vector<88x88xf32>
    %slice3A_563 = vector.extract_strided_slice %add3A_395 {offsets = [11, 0, 0], sizes = [1, 88, 88], strides = [1, 1, 1]} : vector<32x88x88xf32> to vector<1x88x88xf32>
    %squeeze3A_564 = vector.shape_cast %slice3A_563 : vector<1x88x88xf32> to vector<88x88xf32>
    %add3A_565 = arith.addf %get3A_562, %squeeze3A_564 : vector<88x88xf32>
    %log3A_566 = math.log %add3A_565 : vector<88x88xf32>
    %swap3A_567 = arith.constant 11 : index
    %swap3A_568 = arith.constant 0 : index
    %swap3A_569 = arith.constant 0 : index
    %swap3A_570 = vector.load %arg16[%swap3A_567, %swap3A_568, %swap3A_569] : memref<32x88x88xf32, #tpu.memory_space<vmem>>, vector<1x88x88xf32>
    %swap3A_571 = vector.shape_cast %swap3A_570 : vector<1x88x88xf32> to vector<88x88xf32>
    %swap3A_572 = vector.shape_cast %log3A_566 : vector<88x88xf32> to vector<1x88x88xf32>
    tpu.vector_store %arg16[%swap3A_567, %swap3A_568, %swap3A_569], %swap3A_572 {strides = array<i32>} : memref<32x88x88xf32, #tpu.memory_space<vmem>>, vector<1x88x88xf32>,
    %get3A_573 = arith.constant 12 : index
    %get3A_574 = arith.constant 0 : index
    %get3A_575 = arith.constant 0 : index
    %get3A_576 = vector.load %arg2[%get3A_573, %get3A_574, %get3A_575] : memref<32x88x88xf32, #tpu.memory_space<vmem>>, vector<1x88x88xf32>
    %get3A_577 = vector.shape_cast %get3A_576 : vector<1x88x88xf32> to vector<88x88xf32>
    %slice3A_578 = vector.extract_strided_slice %add3A_395 {offsets = [12, 0, 0], sizes = [1, 88, 88], strides = [1, 1, 1]} : vector<32x88x88xf32> to vector<1x88x88xf32>
    %squeeze3A_579 = vector.shape_cast %slice3A_578 : vector<1x88x88xf32> to vector<88x88xf32>
    %add3A_580 = arith.addf %get3A_577, %squeeze3A_579 : vector<88x88xf32>
    %log3A_581 = math.log %add3A_580 : vector<88x88xf32>
    %swap3A_582 = arith.constant 12 : index
    %swap3A_583 = arith.constant 0 : index
    %swap3A_584 = arith.constant 0 : index
    %swap3A_585 = vector.load %arg16[%swap3A_582, %swap3A_583, %swap3A_584] : memref<32x88x88xf32, #tpu.memory_space<vmem>>, vector<1x88x88xf32>
    %swap3A_586 = vector.shape_cast %swap3A_585 : vector<1x88x88xf32> to vector<88x88xf32>
    %swap3A_587 = vector.shape_cast %log3A_581 : vector<88x88xf32> to vector<1x88x88xf32>
    tpu.vector_store %arg16[%swap3A_582, %swap3A_583, %swap3A_584], %swap3A_587 {strides = array<i32>} : memref<32x88x88xf32, #tpu.memory_space<vmem>>, vector<1x88x88xf32>,
    %get3A_588 = arith.constant 13 : index
    %get3A_589 = arith.constant 0 : index
    %get3A_590 = arith.constant 0 : index
    %get3A_591 = vector.load %arg2[%get3A_588, %get3A_589, %get3A_590] : memref<32x88x88xf32, #tpu.memory_space<vmem>>, vector<1x88x88xf32>
    %get3A_592 = vector.shape_cast %get3A_591 : vector<1x88x88xf32> to vector<88x88xf32>
    %slice3A_593 = vector.extract_strided_slice %add3A_395 {offsets = [13, 0, 0], sizes = [1, 88, 88], strides = [1, 1, 1]} : vector<32x88x88xf32> to vector<1x88x88xf32>
    %squeeze3A_594 = vector.shape_cast %slice3A_593 : vector<1x88x88xf32> to vector<88x88xf32>
    %add3A_595 = arith.addf %get3A_592, %squeeze3A_594 : vector<88x88xf32>
    %log3A_596 = math.log %add3A_595 : vector<88x88xf32>
    %swap3A_597 = arith.constant 13 : index
    %swap3A_598 = arith.constant 0 : index
    %swap3A_599 = arith.constant 0 : index
    %swap3A_600 = vector.load %arg16[%swap3A_597, %swap3A_598, %swap3A_599] : memref<32x88x88xf32, #tpu.memory_space<vmem>>, vector<1x88x88xf32>
    %swap3A_601 = vector.shape_cast %swap3A_600 : vector<1x88x88xf32> to vector<88x88xf32>
    %swap3A_602 = vector.shape_cast %log3A_596 : vector<88x88xf32> to vector<1x88x88xf32>
    tpu.vector_store %arg16[%swap3A_597, %swap3A_598, %swap3A_599], %swap3A_602 {strides = array<i32>} : memref<32x88x88xf32, #tpu.memory_space<vmem>>, vector<1x88x88xf32>,
    %get3A_603 = arith.constant 14 : index
    %get3A_604 = arith.constant 0 : index
    %get3A_605 = arith.constant 0 : index
    %get3A_606 = vector.load %arg2[%get3A_603, %get3A_604, %get3A_605] : memref<32x88x88xf32, #tpu.memory_space<vmem>>, vector<1x88x88xf32>
    %get3A_607 = vector.shape_cast %get3A_606 : vector<1x88x88xf32> to vector<88x88xf32>
    %slice3A_608 = vector.extract_strided_slice %add3A_395 {offsets = [14, 0, 0], sizes = [1, 88, 88], strides = [1, 1, 1]} : vector<32x88x88xf32> to vector<1x88x88xf32>
    %squeeze3A_609 = vector.shape_cast %slice3A_608 : vector<1x88x88xf32> to vector<88x88xf32>
    %add3A_610 = arith.addf %get3A_607, %squeeze3A_609 : vector<88x88xf32>
    %log3A_611 = math.log %add3A_610 : vector<88x88xf32>
    %swap3A_612 = arith.constant 14 : index
    %swap3A_613 = arith.constant 0 : index
    %swap3A_614 = arith.constant 0 : index
    %swap3A_615 = vector.load %arg16[%swap3A_612, %swap3A_613, %swap3A_614] : memref<32x88x88xf32, #tpu.memory_space<vmem>>, vector<1x88x88xf32>
    %swap3A_616 = vector.shape_cast %swap3A_615 : vector<1x88x88xf32> to vector<88x88xf32>
    %swap3A_617 = vector.shape_cast %log3A_611 : vector<88x88xf32> to vector<1x88x88xf32>
    tpu.vector_store %arg16[%swap3A_612, %swap3A_613, %swap3A_614], %swap3A_617 {strides = array<i32>} : memref<32x88x88xf32, #tpu.memory_space<vmem>>, vector<1x88x88xf32>,
    %get3A_618 = arith.constant 15 : index
    %get3A_619 = arith.constant 0 : index
    %get3A_620 = arith.constant 0 : index
    %get3A_621 = vector.load %arg2[%get3A_618, %get3A_619, %get3A_620] : memref<32x88x88xf32, #tpu.memory_space<vmem>>, vector<1x88x88xf32>
    %get3A_622 = vector.shape_cast %get3A_621 : vector<1x88x88xf32> to vector<88x88xf32>
    %slice3A_623 = vector.extract_strided_slice %add3A_395 {offsets = [15, 0, 0], sizes = [1, 88, 88], strides = [1, 1, 1]} : vector<32x88x88xf32> to vector<1x88x88xf32>
    %squeeze3A_624 = vector.shape_cast %slice3A_623 : vector<1x88x88xf32> to vector<88x88xf32>
    %add3A_625 = arith.addf %get3A_622, %squeeze3A_624 : vector<88x88xf32>
    %log3A_626 = math.log %add3A_625 : vector<88x88xf32>
    %swap3A_627 = arith.constant 15 : index
    %swap3A_628 = arith.constant 0 : index
    %swap3A_629 = arith.constant 0 : index
    %swap3A_630 = vector.load %arg16[%swap3A_627, %swap3A_628, %swap3A_629] : memref<32x88x88xf32, #tpu.memory_space<vmem>>, vector<1x88x88xf32>
    %swap3A_631 = vector.shape_cast %swap3A_630 : vector<1x88x88xf32> to vector<88x88xf32>
    %swap3A_632 = vector.shape_cast %log3A_626 : vector<88x88xf32> to vector<1x88x88xf32>
    tpu.vector_store %arg16[%swap3A_627, %swap3A_628, %swap3A_629], %swap3A_632 {strides = array<i32>} : memref<32x88x88xf32, #tpu.memory_space<vmem>>, vector<1x88x88xf32>,
    %get3A_633 = arith.constant 16 : index
    %get3A_634 = arith.constant 0 : index
    %get3A_635 = arith.constant 0 : index
    %get3A_636 = vector.load %arg2[%get3A_633, %get3A_634, %get3A_635] : memref<32x88x88xf32, #tpu.memory_space<vmem>>, vector<1x88x88xf32>
    %get3A_637 = vector.shape_cast %get3A_636 : vector<1x88x88xf32> to vector<88x88xf32>
    %slice3A_638 = vector.extract_strided_slice %add3A_395 {offsets = [16, 0, 0], sizes = [1, 88, 88], strides = [1, 1, 1]} : vector<32x88x88xf32> to vector<1x88x88xf32>
    %squeeze3A_639 = vector.shape_cast %slice3A_638 : vector<1x88x88xf32> to vector<88x88xf32>
    %add3A_640 = arith.addf %get3A_637, %squeeze3A_639 : vector<88x88xf32>
    %log3A_641 = math.log %add3A_640 : vector<88x88xf32>
    %swap3A_642 = arith.constant 16 : index
    %swap3A_643 = arith.constant 0 : index
    %swap3A_644 = arith.constant 0 : index
    %swap3A_645 = vector.load %arg16[%swap3A_642, %swap3A_643, %swap3A_644] : memref<32x88x88xf32, #tpu.memory_space<vmem>>, vector<1x88x88xf32>
    %swap3A_646 = vector.shape_cast %swap3A_645 : vector<1x88x88xf32> to vector<88x88xf32>
    %swap3A_647 = vector.shape_cast %log3A_641 : vector<88x88xf32> to vector<1x88x88xf32>
    tpu.vector_store %arg16[%swap3A_642, %swap3A_643, %swap3A_644], %swap3A_647 {strides = array<i32>} : memref<32x88x88xf32, #tpu.memory_space<vmem>>, vector<1x88x88xf32>,
    %get3A_648 = arith.constant 17 : index
    %get3A_649 = arith.constant 0 : index
    %get3A_650 = arith.constant 0 : index
    %get3A_651 = vector.load %arg2[%get3A_648, %get3A_649, %get3A_650] : memref<32x88x88xf32, #tpu.memory_space<vmem>>, vector<1x88x88xf32>
    %get3A_652 = vector.shape_cast %get3A_651 : vector<1x88x88xf32> to vector<88x88xf32>
    %slice3A_653 = vector.extract_strided_slice %add3A_395 {offsets = [17, 0, 0], sizes = [1, 88, 88], strides = [1, 1, 1]} : vector<32x88x88xf32> to vector<1x88x88xf32>
    %squeeze3A_654 = vector.shape_cast %slice3A_653 : vector<1x88x88xf32> to vector<88x88xf32>
    %add3A_655 = arith.addf %get3A_652, %squeeze3A_654 : vector<88x88xf32>
    %log3A_656 = math.log %add3A_655 : vector<88x88xf32>
    %swap3A_657 = arith.constant 17 : index
    %swap3A_658 = arith.constant 0 : index
    %swap3A_659 = arith.constant 0 : index
    %swap3A_660 = vector.load %arg16[%swap3A_657, %swap3A_658, %swap3A_659] : memref<32x88x88xf32, #tpu.memory_space<vmem>>, vector<1x88x88xf32>
    %swap3A_661 = vector.shape_cast %swap3A_660 : vector<1x88x88xf32> to vector<88x88xf32>
    %swap3A_662 = vector.shape_cast %log3A_656 : vector<88x88xf32> to vector<1x88x88xf32>
    tpu.vector_store %arg16[%swap3A_657, %swap3A_658, %swap3A_659], %swap3A_662 {strides = array<i32>} : memref<32x88x88xf32, #tpu.memory_space<vmem>>, vector<1x88x88xf32>,
    %get3A_663 = arith.constant 18 : index
    %get3A_664 = arith.constant 0 : index
    %get3A_665 = arith.constant 0 : index
    %get3A_666 = vector.load %arg2[%get3A_663, %get3A_664, %get3A_665] : memref<32x88x88xf32, #tpu.memory_space<vmem>>, vector<1x88x88xf32>
    %get3A_667 = vector.shape_cast %get3A_666 : vector<1x88x88xf32> to vector<88x88xf32>
    %slice3A_668 = vector.extract_strided_slice %add3A_395 {offsets = [18, 0, 0], sizes = [1, 88, 88], strides = [1, 1, 1]} : vector<32x88x88xf32> to vector<1x88x88xf32>
    %squeeze3A_669 = vector.shape_cast %slice3A_668 : vector<1x88x88xf32> to vector<88x88xf32>
    %add3A_670 = arith.addf %get3A_667, %squeeze3A_669 : vector<88x88xf32>
    %log3A_671 = math.log %add3A_670 : vector<88x88xf32>
    %swap3A_672 = arith.constant 18 : index
    %swap3A_673 = arith.constant 0 : index
    %swap3A_674 = arith.constant 0 : index
    %swap3A_675 = vector.load %arg16[%swap3A_672, %swap3A_673, %swap3A_674] : memref<32x88x88xf32, #tpu.memory_space<vmem>>, vector<1x88x88xf32>
    %swap3A_676 = vector.shape_cast %swap3A_675 : vector<1x88x88xf32> to vector<88x88xf32>
    %swap3A_677 = vector.shape_cast %log3A_671 : vector<88x88xf32> to vector<1x88x88xf32>
    tpu.vector_store %arg16[%swap3A_672, %swap3A_673, %swap3A_674], %swap3A_677 {strides = array<i32>} : memref<32x88x88xf32, #tpu.memory_space<vmem>>, vector<1x88x88xf32>,
    %get3A_678 = arith.constant 19 : index
    %get3A_679 = arith.constant 0 : index
    %get3A_680 = arith.constant 0 : index
    %get3A_681 = vector.load %arg2[%get3A_678, %get3A_679, %get3A_680] : memref<32x88x88xf32, #tpu.memory_space<vmem>>, vector<1x88x88xf32>
    %get3A_682 = vector.shape_cast %get3A_681 : vector<1x88x88xf32> to vector<88x88xf32>
    %slice3A_683 = vector.extract_strided_slice %add3A_395 {offsets = [19, 0, 0], sizes = [1, 88, 88], strides = [1, 1, 1]} : vector<32x88x88xf32> to vector<1x88x88xf32>
    %squeeze3A_684 = vector.shape_cast %slice3A_683 : vector<1x88x88xf32> to vector<88x88xf32>
    %add3A_685 = arith.addf %get3A_682, %squeeze3A_684 : vector<88x88xf32>
    %log3A_686 = math.log %add3A_685 : vector<88x88xf32>
    %swap3A_687 = arith.constant 19 : index
    %swap3A_688 = arith.constant 0 : index
    %swap3A_689 = arith.constant 0 : index
    %swap3A_690 = vector.load %arg16[%swap3A_687, %swap3A_688, %swap3A_689] : memref<32x88x88xf32, #tpu.memory_space<vmem>>, vector<1x88x88xf32>
    %swap3A_691 = vector.shape_cast %swap3A_690 : vector<1x88x88xf32> to vector<88x88xf32>
    %swap3A_692 = vector.shape_cast %log3A_686 : vector<88x88xf32> to vector<1x88x88xf32>
    tpu.vector_store %arg16[%swap3A_687, %swap3A_688, %swap3A_689], %swap3A_692 {strides = array<i32>} : memref<32x88x88xf32, #tpu.memory_space<vmem>>, vector<1x88x88xf32>,
    %get3A_693 = arith.constant 20 : index
    %get3A_694 = arith.constant 0 : index
    %get3A_695 = arith.constant 0 : index
    %get3A_696 = vector.load %arg2[%get3A_693, %get3A_694, %get3A_695] : memref<32x88x88xf32, #tpu.memory_space<vmem>>, vector<1x88x88xf32>
    %get3A_697 = vector.shape_cast %get3A_696 : vector<1x88x88xf32> to vector<88x88xf32>
    %slice3A_698 = vector.extract_strided_slice %add3A_395 {offsets = [20, 0, 0], sizes = [1, 88, 88], strides = [1, 1, 1]} : vector<32x88x88xf32> to vector<1x88x88xf32>
    %squeeze3A_699 = vector.shape_cast %slice3A_698 : vector<1x88x88xf32> to vector<88x88xf32>
    %add3A_700 = arith.addf %get3A_697, %squeeze3A_699 : vector<88x88xf32>
    %log3A_701 = math.log %add3A_700 : vector<88x88xf32>
    %swap3A_702 = arith.constant 20 : index
    %swap3A_703 = arith.constant 0 : index
    %swap3A_704 = arith.constant 0 : index
    %swap3A_705 = vector.load %arg16[%swap3A_702, %swap3A_703, %swap3A_704] : memref<32x88x88xf32, #tpu.memory_space<vmem>>, vector<1x88x88xf32>
    %swap3A_706 = vector.shape_cast %swap3A_705 : vector<1x88x88xf32> to vector<88x88xf32>
    %swap3A_707 = vector.shape_cast %log3A_701 : vector<88x88xf32> to vector<1x88x88xf32>
    tpu.vector_store %arg16[%swap3A_702, %swap3A_703, %swap3A_704], %swap3A_707 {strides = array<i32>} : memref<32x88x88xf32, #tpu.memory_space<vmem>>, vector<1x88x88xf32>,
    %get3A_708 = arith.constant 21 : index
    %get3A_709 = arith.constant 0 : index
    %get3A_710 = arith.constant 0 : index
    %get3A_711 = vector.load %arg2[%get3A_708, %get3A_709, %get3A_710] : memref<32x88x88xf32, #tpu.memory_space<vmem>>, vector<1x88x88xf32>
    %get3A_712 = vector.shape_cast %get3A_711 : vector<1x88x88xf32> to vector<88x88xf32>
    %slice3A_713 = vector.extract_strided_slice %add3A_395 {offsets = [21, 0, 0], sizes = [1, 88, 88], strides = [1, 1, 1]} : vector<32x88x88xf32> to vector<1x88x88xf32>
    %squeeze3A_714 = vector.shape_cast %slice3A_713 : vector<1x88x88xf32> to vector<88x88xf32>
    %add3A_715 = arith.addf %get3A_712, %squeeze3A_714 : vector<88x88xf32>
    %log3A_716 = math.log %add3A_715 : vector<88x88xf32>
    %swap3A_717 = arith.constant 21 : index
    %swap3A_718 = arith.constant 0 : index
    %swap3A_719 = arith.constant 0 : index
    %swap3A_720 = vector.load %arg16[%swap3A_717, %swap3A_718, %swap3A_719] : memref<32x88x88xf32, #tpu.memory_space<vmem>>, vector<1x88x88xf32>
    %swap3A_721 = vector.shape_cast %swap3A_720 : vector<1x88x88xf32> to vector<88x88xf32>
    %swap3A_722 = vector.shape_cast %log3A_716 : vector<88x88xf32> to vector<1x88x88xf32>
    tpu.vector_store %arg16[%swap3A_717, %swap3A_718, %swap3A_719], %swap3A_722 {strides = array<i32>} : memref<32x88x88xf32, #tpu.memory_space<vmem>>, vector<1x88x88xf32>,
    %get3A_723 = arith.constant 22 : index
    %get3A_724 = arith.constant 0 : index
    %get3A_725 = arith.constant 0 : index
    %get3A_726 = vector.load %arg2[%get3A_723, %get3A_724, %get3A_725] : memref<32x88x88xf32, #tpu.memory_space<vmem>>, vector<1x88x88xf32>
    %get3A_727 = vector.shape_cast %get3A_726 : vector<1x88x88xf32> to vector<88x88xf32>
    %slice3A_728 = vector.extract_strided_slice %add3A_395 {offsets = [22, 0, 0], sizes = [1, 88, 88], strides = [1, 1, 1]} : vector<32x88x88xf32> to vector<1x88x88xf32>
    %squeeze3A_729 = vector.shape_cast %slice3A_728 : vector<1x88x88xf32> to vector<88x88xf32>
    %add3A_730 = arith.addf %get3A_727, %squeeze3A_729 : vector<88x88xf32>
    %log3A_731 = math.log %add3A_730 : vector<88x88xf32>
    %swap3A_732 = arith.constant 22 : index
    %swap3A_733 = arith.constant 0 : index
    %swap3A_734 = arith.constant 0 : index
    %swap3A_735 = vector.load %arg16[%swap3A_732, %swap3A_733, %swap3A_734] : memref<32x88x88xf32, #tpu.memory_space<vmem>>, vector<1x88x88xf32>
    %swap3A_736 = vector.shape_cast %swap3A_735 : vector<1x88x88xf32> to vector<88x88xf32>
    %swap3A_737 = vector.shape_cast %log3A_731 : vector<88x88xf32> to vector<1x88x88xf32>
    tpu.vector_store %arg16[%swap3A_732, %swap3A_733, %swap3A_734], %swap3A_737 {strides = array<i32>} : memref<32x88x88xf32, #tpu.memory_space<vmem>>, vector<1x88x88xf32>,
    %get3A_738 = arith.constant 23 : index
    %get3A_739 = arith.constant 0 : index
    %get3A_740 = arith.constant 0 : index
    %get3A_741 = vector.load %arg2[%get3A_738, %get3A_739, %get3A_740] : memref<32x88x88xf32, #tpu.memory_space<vmem>>, vector<1x88x88xf32>
    %get3A_742 = vector.shape_cast %get3A_741 : vector<1x88x88xf32> to vector<88x88xf32>
    %slice3A_743 = vector.extract_strided_slice %add3A_395 {offsets = [23, 0, 0], sizes = [1, 88, 88], strides = [1, 1, 1]} : vector<32x88x88xf32> to vector<1x88x88xf32>
    %squeeze3A_744 = vector.shape_cast %slice3A_743 : vector<1x88x88xf32> to vector<88x88xf32>
    %add3A_745 = arith.addf %get3A_742, %squeeze3A_744 : vector<88x88xf32>
    %log3A_746 = math.log %add3A_745 : vector<88x88xf32>
    %swap3A_747 = arith.constant 23 : index
    %swap3A_748 = arith.constant 0 : index
    %swap3A_749 = arith.constant 0 : index
    %swap3A_750 = vector.load %arg16[%swap3A_747, %swap3A_748, %swap3A_749] : memref<32x88x88xf32, #tpu.memory_space<vmem>>, vector<1x88x88xf32>
    %swap3A_751 = vector.shape_cast %swap3A_750 : vector<1x88x88xf32> to vector<88x88xf32>
    %swap3A_752 = vector.shape_cast %log3A_746 : vector<88x88xf32> to vector<1x88x88xf32>
    tpu.vector_store %arg16[%swap3A_747, %swap3A_748, %swap3A_749], %swap3A_752 {strides = array<i32>} : memref<32x88x88xf32, #tpu.memory_space<vmem>>, vector<1x88x88xf32>,
    %get3A_753 = arith.constant 24 : index
    %get3A_754 = arith.constant 0 : index
    %get3A_755 = arith.constant 0 : index
    %get3A_756 = vector.load %arg2[%get3A_753, %get3A_754, %get3A_755] : memref<32x88x88xf32, #tpu.memory_space<vmem>>, vector<1x88x88xf32>
    %get3A_757 = vector.shape_cast %get3A_756 : vector<1x88x88xf32> to vector<88x88xf32>
    %slice3A_758 = vector.extract_strided_slice %add3A_395 {offsets = [24, 0, 0], sizes = [1, 88, 88], strides = [1, 1, 1]} : vector<32x88x88xf32> to vector<1x88x88xf32>
    %squeeze3A_759 = vector.shape_cast %slice3A_758 : vector<1x88x88xf32> to vector<88x88xf32>
    %add3A_760 = arith.addf %get3A_757, %squeeze3A_759 : vector<88x88xf32>
    %log3A_761 = math.log %add3A_760 : vector<88x88xf32>
    %swap3A_762 = arith.constant 24 : index
    %swap3A_763 = arith.constant 0 : index
    %swap3A_764 = arith.constant 0 : index
    %swap3A_765 = vector.load %arg16[%swap3A_762, %swap3A_763, %swap3A_764] : memref<32x88x88xf32, #tpu.memory_space<vmem>>, vector<1x88x88xf32>
    %swap3A_766 = vector.shape_cast %swap3A_765 : vector<1x88x88xf32> to vector<88x88xf32>
    %swap3A_767 = vector.shape_cast %log3A_761 : vector<88x88xf32> to vector<1x88x88xf32>
    tpu.vector_store %arg16[%swap3A_762, %swap3A_763, %swap3A_764], %swap3A_767 {strides = array<i32>} : memref<32x88x88xf32, #tpu.memory_space<vmem>>, vector<1x88x88xf32>,
    %get3A_768 = arith.constant 25 : index
    %get3A_769 = arith.constant 0 : index
    %get3A_770 = arith.constant 0 : index
    %get3A_771 = vector.load %arg2[%get3A_768, %get3A_769, %get3A_770] : memref<32x88x88xf32, #tpu.memory_space<vmem>>, vector<1x88x88xf32>
    %get3A_772 = vector.shape_cast %get3A_771 : vector<1x88x88xf32> to vector<88x88xf32>
    %slice3A_773 = vector.extract_strided_slice %add3A_395 {offsets = [25, 0, 0], sizes = [1, 88, 88], strides = [1, 1, 1]} : vector<32x88x88xf32> to vector<1x88x88xf32>
    %squeeze3A_774 = vector.shape_cast %slice3A_773 : vector<1x88x88xf32> to vector<88x88xf32>
    %add3A_775 = arith.addf %get3A_772, %squeeze3A_774 : vector<88x88xf32>
    %log3A_776 = math.log %add3A_775 : vector<88x88xf32>
    %swap3A_777 = arith.constant 25 : index
    %swap3A_778 = arith.constant 0 : index
    %swap3A_779 = arith.constant 0 : index
    %swap3A_780 = vector.load %arg16[%swap3A_777, %swap3A_778, %swap3A_779] : memref<32x88x88xf32, #tpu.memory_space<vmem>>, vector<1x88x88xf32>
    %swap3A_781 = vector.shape_cast %swap3A_780 : vector<1x88x88xf32> to vector<88x88xf32>
    %swap3A_782 = vector.shape_cast %log3A_776 : vector<88x88xf32> to vector<1x88x88xf32>
    tpu.vector_store %arg16[%swap3A_777, %swap3A_778, %swap3A_779], %swap3A_782 {strides = array<i32>} : memref<32x88x88xf32, #tpu.memory_space<vmem>>, vector<1x88x88xf32>,
    %get3A_783 = arith.constant 26 : index
    %get3A_784 = arith.constant 0 : index
    %get3A_785 = arith.constant 0 : index
    %get3A_786 = vector.load %arg2[%get3A_783, %get3A_784, %get3A_785] : memref<32x88x88xf32, #tpu.memory_space<vmem>>, vector<1x88x88xf32>
    %get3A_787 = vector.shape_cast %get3A_786 : vector<1x88x88xf32> to vector<88x88xf32>
    %slice3A_788 = vector.extract_strided_slice %add3A_395 {offsets = [26, 0, 0], sizes = [1, 88, 88], strides = [1, 1, 1]} : vector<32x88x88xf32> to vector<1x88x88xf32>
    %squeeze3A_789 = vector.shape_cast %slice3A_788 : vector<1x88x88xf32> to vector<88x88xf32>
    %add3A_790 = arith.addf %get3A_787, %squeeze3A_789 : vector<88x88xf32>
    %log3A_791 = math.log %add3A_790 : vector<88x88xf32>
    %swap3A_792 = arith.constant 26 : index
    %swap3A_793 = arith.constant 0 : index
    %swap3A_794 = arith.constant 0 : index
    %swap3A_795 = vector.load %arg16[%swap3A_792, %swap3A_793, %swap3A_794] : memref<32x88x88xf32, #tpu.memory_space<vmem>>, vector<1x88x88xf32>
    %swap3A_796 = vector.shape_cast %swap3A_795 : vector<1x88x88xf32> to vector<88x88xf32>
    %swap3A_797 = vector.shape_cast %log3A_791 : vector<88x88xf32> to vector<1x88x88xf32>
    tpu.vector_store %arg16[%swap3A_792, %swap3A_793, %swap3A_794], %swap3A_797 {strides = array<i32>} : memref<32x88x88xf32, #tpu.memory_space<vmem>>, vector<1x88x88xf32>,
    %get3A_798 = arith.constant 27 : index
    %get3A_799 = arith.constant 0 : index
    %get3A_800 = arith.constant 0 : index
    %get3A_801 = vector.load %arg2[%get3A_798, %get3A_799, %get3A_800] : memref<32x88x88xf32, #tpu.memory_space<vmem>>, vector<1x88x88xf32>
    %get3A_802 = vector.shape_cast %get3A_801 : vector<1x88x88xf32> to vector<88x88xf32>
    %slice3A_803 = vector.extract_strided_slice %add3A_395 {offsets = [27, 0, 0], sizes = [1, 88, 88], strides = [1, 1, 1]} : vector<32x88x88xf32> to vector<1x88x88xf32>
    %squeeze3A_804 = vector.shape_cast %slice3A_803 : vector<1x88x88xf32> to vector<88x88xf32>
    %add3A_805 = arith.addf %get3A_802, %squeeze3A_804 : vector<88x88xf32>
    %log3A_806 = math.log %add3A_805 : vector<88x88xf32>
    %swap3A_807 = arith.constant 27 : index
    %swap3A_808 = arith.constant 0 : index
    %swap3A_809 = arith.constant 0 : index
    %swap3A_810 = vector.load %arg16[%swap3A_807, %swap3A_808, %swap3A_809] : memref<32x88x88xf32, #tpu.memory_space<vmem>>, vector<1x88x88xf32>
    %swap3A_811 = vector.shape_cast %swap3A_810 : vector<1x88x88xf32> to vector<88x88xf32>
    %swap3A_812 = vector.shape_cast %log3A_806 : vector<88x88xf32> to vector<1x88x88xf32>
    tpu.vector_store %arg16[%swap3A_807, %swap3A_808, %swap3A_809], %swap3A_812 {strides = array<i32>} : memref<32x88x88xf32, #tpu.memory_space<vmem>>, vector<1x88x88xf32>,
    %get3A_813 = arith.constant 28 : index
    %get3A_814 = arith.constant 0 : index
    %get3A_815 = arith.constant 0 : index
    %get3A_816 = vector.load %arg2[%get3A_813, %get3A_814, %get3A_815] : memref<32x88x88xf32, #tpu.memory_space<vmem>>, vector<1x88x88xf32>
    %get3A_817 = vector.shape_cast %get3A_816 : vector<1x88x88xf32> to vector<88x88xf32>
    %slice3A_818 = vector.extract_strided_slice %add3A_395 {offsets = [28, 0, 0], sizes = [1, 88, 88], strides = [1, 1, 1]} : vector<32x88x88xf32> to vector<1x88x88xf32>
    %squeeze3A_819 = vector.shape_cast %slice3A_818 : vector<1x88x88xf32> to vector<88x88xf32>
    %add3A_820 = arith.addf %get3A_817, %squeeze3A_819 : vector<88x88xf32>
    %log3A_821 = math.log %add3A_820 : vector<88x88xf32>
    %swap3A_822 = arith.constant 28 : index
    %swap3A_823 = arith.constant 0 : index
    %swap3A_824 = arith.constant 0 : index
    %swap3A_825 = vector.load %arg16[%swap3A_822, %swap3A_823, %swap3A_824] : memref<32x88x88xf32, #tpu.memory_space<vmem>>, vector<1x88x88xf32>
    %swap3A_826 = vector.shape_cast %swap3A_825 : vector<1x88x88xf32> to vector<88x88xf32>
    %swap3A_827 = vector.shape_cast %log3A_821 : vector<88x88xf32> to vector<1x88x88xf32>
    tpu.vector_store %arg16[%swap3A_822, %swap3A_823, %swap3A_824], %swap3A_827 {strides = array<i32>} : memref<32x88x88xf32, #tpu.memory_space<vmem>>, vector<1x88x88xf32>,
    %get3A_828 = arith.constant 29 : index
    %get3A_829 = arith.constant 0 : index
    %get3A_830 = arith.constant 0 : index
    %get3A_831 = vector.load %arg2[%get3A_828, %get3A_829, %get3A_830] : memref<32x88x88xf32, #tpu.memory_space<vmem>>, vector<1x88x88xf32>
    %get3A_832 = vector.shape_cast %get3A_831 : vector<1x88x88xf32> to vector<88x88xf32>
    %slice3A_833 = vector.extract_strided_slice %add3A_395 {offsets = [29, 0, 0], sizes = [1, 88, 88], strides = [1, 1, 1]} : vector<32x88x88xf32> to vector<1x88x88xf32>
    %squeeze3A_834 = vector.shape_cast %slice3A_833 : vector<1x88x88xf32> to vector<88x88xf32>
    %add3A_835 = arith.addf %get3A_832, %squeeze3A_834 : vector<88x88xf32>
    %log3A_836 = math.log %add3A_835 : vector<88x88xf32>
    %swap3A_837 = arith.constant 29 : index
    %swap3A_838 = arith.constant 0 : index
    %swap3A_839 = arith.constant 0 : index
    %swap3A_840 = vector.load %arg16[%swap3A_837, %swap3A_838, %swap3A_839] : memref<32x88x88xf32, #tpu.memory_space<vmem>>, vector<1x88x88xf32>
    %swap3A_841 = vector.shape_cast %swap3A_840 : vector<1x88x88xf32> to vector<88x88xf32>
    %swap3A_842 = vector.shape_cast %log3A_836 : vector<88x88xf32> to vector<1x88x88xf32>
    tpu.vector_store %arg16[%swap3A_837, %swap3A_838, %swap3A_839], %swap3A_842 {strides = array<i32>} : memref<32x88x88xf32, #tpu.memory_space<vmem>>, vector<1x88x88xf32>,
    %get3A_843 = arith.constant 30 : index
    %get3A_844 = arith.constant 0 : index
    %get3A_845 = arith.constant 0 : index
    %get3A_846 = vector.load %arg2[%get3A_843, %get3A_844, %get3A_845] : memref<32x88x88xf32, #tpu.memory_space<vmem>>, vector<1x88x88xf32>
    %get3A_847 = vector.shape_cast %get3A_846 : vector<1x88x88xf32> to vector<88x88xf32>
    %slice3A_848 = vector.extract_strided_slice %add3A_395 {offsets = [30, 0, 0], sizes = [1, 88, 88], strides = [1, 1, 1]} : vector<32x88x88xf32> to vector<1x88x88xf32>
    %squeeze3A_849 = vector.shape_cast %slice3A_848 : vector<1x88x88xf32> to vector<88x88xf32>
    %add3A_850 = arith.addf %get3A_847, %squeeze3A_849 : vector<88x88xf32>
    %log3A_851 = math.log %add3A_850 : vector<88x88xf32>
    %swap3A_852 = arith.constant 30 : index
    %swap3A_853 = arith.constant 0 : index
    %swap3A_854 = arith.constant 0 : index
    %swap3A_855 = vector.load %arg16[%swap3A_852, %swap3A_853, %swap3A_854] : memref<32x88x88xf32, #tpu.memory_space<vmem>>, vector<1x88x88xf32>
    %swap3A_856 = vector.shape_cast %swap3A_855 : vector<1x88x88xf32> to vector<88x88xf32>
    %swap3A_857 = vector.shape_cast %log3A_851 : vector<88x88xf32> to vector<1x88x88xf32>
    tpu.vector_store %arg16[%swap3A_852, %swap3A_853, %swap3A_854], %swap3A_857 {strides = array<i32>} : memref<32x88x88xf32, #tpu.memory_space<vmem>>, vector<1x88x88xf32>,
    %get3A_858 = arith.constant 31 : index
    %get3A_859 = arith.constant 0 : index
    %get3A_860 = arith.constant 0 : index
    %get3A_861 = vector.load %arg2[%get3A_858, %get3A_859, %get3A_860] : memref<32x88x88xf32, #tpu.memory_space<vmem>>, vector<1x88x88xf32>
    %get3A_862 = vector.shape_cast %get3A_861 : vector<1x88x88xf32> to vector<88x88xf32>
    %slice3A_863 = vector.extract_strided_slice %add3A_395 {offsets = [31, 0, 0], sizes = [1, 88, 88], strides = [1, 1, 1]} : vector<32x88x88xf32> to vector<1x88x88xf32>
    %squeeze3A_864 = vector.shape_cast %slice3A_863 : vector<1x88x88xf32> to vector<88x88xf32>
    %add3A_865 = arith.addf %get3A_862, %squeeze3A_864 : vector<88x88xf32>
    %log3A_866 = math.log %add3A_865 : vector<88x88xf32>
    %swap3A_867 = arith.constant 31 : index
    %swap3A_868 = arith.constant 0 : index
    %swap3A_869 = arith.constant 0 : index
    %swap3A_870 = vector.load %arg16[%swap3A_867, %swap3A_868, %swap3A_869] : memref<32x88x88xf32, #tpu.memory_space<vmem>>, vector<1x88x88xf32>
    %swap3A_871 = vector.shape_cast %swap3A_870 : vector<1x88x88xf32> to vector<88x88xf32>
    %swap3A_872 = vector.shape_cast %log3A_866 : vector<88x88xf32> to vector<1x88x88xf32>
    tpu.vector_store %arg16[%swap3A_867, %swap3A_868, %swap3A_869], %swap3A_872 {strides = array<i32>} : memref<32x88x88xf32, #tpu.memory_space<vmem>>, vector<1x88x88xf32>,
    %broadcast_in_dim3A_873 = arith.constant 1.000000e+00 : f32
    %broadcast_in_dim3A_874 = vector.broadcast %broadcast_in_dim3A_873 : f32 to vector<2816x128xf32>
    %swap3A_875 = arith.constant 0 : index
    %swap3A_876 = arith.constant 128 : index
    %swap3A_877 = vector.load %arg14[%swap3A_875, %swap3A_876] : memref<2816x256xf32, #tpu.memory_space<vmem>>, vector<2816x128xf32>
    tpu.vector_store %arg14[%swap3A_875, %swap3A_876], %broadcast_in_dim3A_874 {strides = array<i32>} : memref<2816x256xf32, #tpu.memory_space<vmem>>, vector<2816x128xf32>,
    %get3A_878 = arith.constant 0 : index
    %get3A_879 = arith.constant 0 : index
    %get3A_880 = vector.load %arg6[%get3A_878, %get3A_879] : memref<128x512xf32, #tpu.memory_space<vmem>>, vector<128x512xf32>
    %dot_general3A_881 = arith.constant dense<0.000000e+00> : vector<2816x512xf32>
    %dot_general3A_882 = tpu.matmul %get3A_369, %get3A_880, %dot_general3A_881 {dimension_numbers = #tpu.dot_dimension_numbers<[1], [0], [0], [1], [0, 0, 1, 1], [], []>, precision = #tpu.contract_precision<fp32>, transpose_lhs_hint = false} : vector<2816x128xf32>, vector<128x512xf32>, vector<2816x512xf32> -> vector<2816x512xf32>
    %get3A_883 = arith.constant 0 : index
    %get3A_884 = arith.constant 0 : index
    %get3A_885 = vector.load %arg7[%get3A_883, %get3A_884] : memref<1x512xf32, #tpu.memory_space<vmem>>, vector<1x512xf32>
    %add3A_886 = vector.broadcast %get3A_885 : vector<1x512xf32> to vector<2816x512xf32>
    %add3A_887 = arith.addf %dot_general3A_882, %add3A_886 : vector<2816x512xf32>
    %swap3A_888 = arith.constant 0 : index
    %swap3A_889 = arith.constant 0 : index
    %swap3A_890 = vector.load %arg13[%swap3A_888, %swap3A_889] : memref<2816x512xf32, #tpu.memory_space<vmem>>, vector<2816x512xf32>
    tpu.vector_store %arg13[%swap3A_888, %swap3A_889], %add3A_887 {strides = array<i32>} : memref<2816x512xf32, #tpu.memory_space<vmem>>, vector<2816x512xf32>,
    %get3A_891 = arith.constant 0 : index
    %get3A_892 = arith.constant 256 : index
    %get3A_893 = vector.load %arg13[%get3A_891, %get3A_892] : memref<2816x512xf32, #tpu.memory_space<vmem>>, vector<2816x128xf32>
    %swap3A_894 = arith.constant 0 : index
    %swap3A_895 = arith.constant 0 : index
    %swap3A_896 = vector.load %arg14[%swap3A_894, %swap3A_895] : memref<2816x256xf32, #tpu.memory_space<vmem>>, vector<2816x128xf32>
    tpu.vector_store %arg14[%swap3A_894, %swap3A_895], %get3A_893 {strides = array<i32>} : memref<2816x256xf32, #tpu.memory_space<vmem>>, vector<2816x128xf32>,
    %get3A_897 = arith.constant 0 : index
    %get3A_898 = arith.constant 0 : index
    %get3A_899 = vector.load %arg13[%get3A_897, %get3A_898] : memref<2816x512xf32, #tpu.memory_space<vmem>>, vector<88x128xf32>
    %get3A_900 = arith.constant 0 : index
    %get3A_901 = arith.constant 128 : index
    %get3A_902 = vector.load %arg13[%get3A_900, %get3A_901] : memref<2816x512xf32, #tpu.memory_space<vmem>>, vector<88x128xf32>
    %dot_general3A_903 = arith.constant dense<0.000000e+00> : vector<88x88xf32>
    %dot_general3A_904 = tpu.matmul %get3A_899, %get3A_902, %dot_general3A_903 {dimension_numbers = #tpu.dot_dimension_numbers<[1], [1], [0], [0], [0, 0, 1, 0], [], []>, precision = #tpu.contract_precision<fp32>, transpose_lhs_hint = false} : vector<88x128xf32>, vector<88x128xf32>, vector<88x88xf32> -> vector<88x88xf32>
    %get3A_905 = arith.constant 0 : index
    %get3A_906 = arith.constant 0 : index
    %get3A_907 = arith.constant 0 : index
    %get3A_908 = vector.load %arg16[%get3A_905, %get3A_906, %get3A_907] : memref<32x88x88xf32, #tpu.memory_space<vmem>>, vector<1x88x88xf32>
    %get3A_909 = vector.shape_cast %get3A_908 : vector<1x88x88xf32> to vector<88x88xf32>
    %add3A_910 = arith.addf %dot_general3A_904, %get3A_909 : vector<88x88xf32>
    %exp3A = math.exp %add3A_910 : vector<88x88xf32>
    %get3A_911 = arith.constant 0 : index
    %get3A_912 = arith.constant 0 : index
    %get3A_913 = vector.load %arg14[%get3A_911, %get3A_912] : memref<2816x256xf32, #tpu.memory_space<vmem>>, vector<88x256xf32>
    %dot_general3A_914 = arith.constant dense<0.000000e+00> : vector<88x256xf32>
    %dot_general3A_915 = tpu.matmul %exp3A, %get3A_913, %dot_general3A_914 {dimension_numbers = #tpu.dot_dimension_numbers<[1], [0], [0], [1], [0, 0, 1, 1], [], []>, precision = #tpu.contract_precision<fp32>, transpose_lhs_hint = false} : vector<88x88xf32>, vector<88x256xf32>, vector<88x256xf32> -> vector<88x256xf32>
    %slice3A_916 = vector.extract_strided_slice %dot_general3A_915 {offsets = [0, 0], sizes = [88, 128], strides = [1, 1]} : vector<88x256xf32> to vector<88x128xf32>
    %slice3A_917 = vector.extract_strided_slice %dot_general3A_915 {offsets = [0, 128], sizes = [88, 128], strides = [1, 1]} : vector<88x256xf32> to vector<88x128xf32>
    %max3A = arith.constant 1.000000e-16 : f32
    %max3A_918 = vector.broadcast %max3A : f32 to vector<88x128xf32>
    %max3A_919 = arith.maximumf %slice3A_917, %max3A_918 : vector<88x128xf32>
    %div3A = arith.divf %slice3A_916, %max3A_919 : vector<88x128xf32>
    %get3A_920 = arith.constant 0 : index
    %get3A_921 = arith.constant 384 : index
    %get3A_922 = vector.load %arg13[%get3A_920, %get3A_921] : memref<2816x512xf32, #tpu.memory_space<vmem>>, vector<88x128xf32>
    %add3A_923 = arith.addf %div3A, %get3A_922 : vector<88x128xf32>
    %ge3A_924 = arith.constant 0.000000e+00 : f32
    %ge3A_925 = vector.broadcast %ge3A_924 : f32 to vector<88x128xf32>
    %ge3A_926 = arith.cmpf oge, %add3A_923, %ge3A_925 : vector<88x128xf32>
    %mul3A_927 = arith.constant 0.00999999977 : f32
    %mul3A_928 = vector.broadcast %mul3A_927 : f32 to vector<88x128xf32>
    %mul3A_929 = arith.mulf %mul3A_928, %add3A_923 : vector<88x128xf32>
    %select_n3A_930 = arith.select %ge3A_926, %add3A_923, %mul3A_929 : vector<88x128xi1>, vector<88x128xf32>
    %swap3A_931 = arith.constant 0 : index
    %swap3A_932 = arith.constant 0 : index
    %swap3A_933 = vector.load %arg15[%swap3A_931, %swap3A_932] : memref<2816x128xf32, #tpu.memory_space<vmem>>, vector<88x128xf32>
    tpu.vector_store %arg15[%swap3A_931, %swap3A_932], %select_n3A_930 {strides = array<i32>} : memref<2816x128xf32, #tpu.memory_space<vmem>>, vector<88x128xf32>,
    %get3A_934 = arith.constant 88 : index
    %get3A_935 = arith.constant 0 : index
    %get3A_936 = vector.load %arg13[%get3A_934, %get3A_935] : memref<2816x512xf32, #tpu.memory_space<vmem>>, vector<88x128xf32>
    %get3A_937 = arith.constant 88 : index
    %get3A_938 = arith.constant 128 : index
    %get3A_939 = vector.load %arg13[%get3A_937, %get3A_938] : memref<2816x512xf32, #tpu.memory_space<vmem>>, vector<88x128xf32>
    %dot_general3A_940 = arith.constant dense<0.000000e+00> : vector<88x88xf32>
    %dot_general3A_941 = tpu.matmul %get3A_936, %get3A_939, %dot_general3A_940 {dimension_numbers = #tpu.dot_dimension_numbers<[1], [1], [0], [0], [0, 0, 1, 0], [], []>, precision = #tpu.contract_precision<fp32>, transpose_lhs_hint = false} : vector<88x128xf32>, vector<88x128xf32>, vector<88x88xf32> -> vector<88x88xf32>
    %get3A_942 = arith.constant 1 : index
    %get3A_943 = arith.constant 0 : index
    %get3A_944 = arith.constant 0 : index
    %get3A_945 = vector.load %arg16[%get3A_942, %get3A_943, %get3A_944] : memref<32x88x88xf32, #tpu.memory_space<vmem>>, vector<1x88x88xf32>
    %get3A_946 = vector.shape_cast %get3A_945 : vector<1x88x88xf32> to vector<88x88xf32>
    %add3A_947 = arith.addf %dot_general3A_941, %get3A_946 : vector<88x88xf32>
    %exp3A_948 = math.exp %add3A_947 : vector<88x88xf32>
    %get3A_949 = arith.constant 88 : index
    %get3A_950 = arith.constant 0 : index
    %get3A_951 = vector.load %arg14[%get3A_949, %get3A_950] : memref<2816x256xf32, #tpu.memory_space<vmem>>, vector<88x256xf32>
    %dot_general3A_952 = arith.constant dense<0.000000e+00> : vector<88x256xf32>
    %dot_general3A_953 = tpu.matmul %exp3A_948, %get3A_951, %dot_general3A_952 {dimension_numbers = #tpu.dot_dimension_numbers<[1], [0], [0], [1], [0, 0, 1, 1], [], []>, precision = #tpu.contract_precision<fp32>, transpose_lhs_hint = false} : vector<88x88xf32>, vector<88x256xf32>, vector<88x256xf32> -> vector<88x256xf32>
    %slice3A_954 = vector.extract_strided_slice %dot_general3A_953 {offsets = [0, 0], sizes = [88, 128], strides = [1, 1]} : vector<88x256xf32> to vector<88x128xf32>
    %slice3A_955 = vector.extract_strided_slice %dot_general3A_953 {offsets = [0, 128], sizes = [88, 128], strides = [1, 1]} : vector<88x256xf32> to vector<88x128xf32>
    %max3A_956 = arith.constant 1.000000e-16 : f32
    %max3A_957 = vector.broadcast %max3A_956 : f32 to vector<88x128xf32>
    %max3A_958 = arith.maximumf %slice3A_955, %max3A_957 : vector<88x128xf32>
    %div3A_959 = arith.divf %slice3A_954, %max3A_958 : vector<88x128xf32>
    %get3A_960 = arith.constant 88 : index
    %get3A_961 = arith.constant 384 : index
    %get3A_962 = vector.load %arg13[%get3A_960, %get3A_961] : memref<2816x512xf32, #tpu.memory_space<vmem>>, vector<88x128xf32>
    %add3A_963 = arith.addf %div3A_959, %get3A_962 : vector<88x128xf32>
    %ge3A_964 = arith.constant 0.000000e+00 : f32
    %ge3A_965 = vector.broadcast %ge3A_964 : f32 to vector<88x128xf32>
    %ge3A_966 = arith.cmpf oge, %add3A_963, %ge3A_965 : vector<88x128xf32>
    %mul3A_967 = arith.constant 0.00999999977 : f32
    %mul3A_968 = vector.broadcast %mul3A_967 : f32 to vector<88x128xf32>
    %mul3A_969 = arith.mulf %mul3A_968, %add3A_963 : vector<88x128xf32>
    %select_n3A_970 = arith.select %ge3A_966, %add3A_963, %mul3A_969 : vector<88x128xi1>, vector<88x128xf32>
    %swap3A_971 = arith.constant 88 : index
    %swap3A_972 = arith.constant 0 : index
    %swap3A_973 = vector.load %arg15[%swap3A_971, %swap3A_972] : memref<2816x128xf32, #tpu.memory_space<vmem>>, vector<88x128xf32>
    tpu.vector_store %arg15[%swap3A_971, %swap3A_972], %select_n3A_970 {strides = array<i32>} : memref<2816x128xf32, #tpu.memory_space<vmem>>, vector<88x128xf32>,
    %get3A_974 = arith.constant 176 : index
    %get3A_975 = arith.constant 0 : index
    %get3A_976 = vector.load %arg13[%get3A_974, %get3A_975] : memref<2816x512xf32, #tpu.memory_space<vmem>>, vector<88x128xf32>
    %get3A_977 = arith.constant 176 : index
    %get3A_978 = arith.constant 128 : index
    %get3A_979 = vector.load %arg13[%get3A_977, %get3A_978] : memref<2816x512xf32, #tpu.memory_space<vmem>>, vector<88x128xf32>
    %dot_general3A_980 = arith.constant dense<0.000000e+00> : vector<88x88xf32>
    %dot_general3A_981 = tpu.matmul %get3A_976, %get3A_979, %dot_general3A_980 {dimension_numbers = #tpu.dot_dimension_numbers<[1], [1], [0], [0], [0, 0, 1, 0], [], []>, precision = #tpu.contract_precision<fp32>, transpose_lhs_hint = false} : vector<88x128xf32>, vector<88x128xf32>, vector<88x88xf32> -> vector<88x88xf32>
    %get3A_982 = arith.constant 2 : index
    %get3A_983 = arith.constant 0 : index
    %get3A_984 = arith.constant 0 : index
    %get3A_985 = vector.load %arg16[%get3A_982, %get3A_983, %get3A_984] : memref<32x88x88xf32, #tpu.memory_space<vmem>>, vector<1x88x88xf32>
    %get3A_986 = vector.shape_cast %get3A_985 : vector<1x88x88xf32> to vector<88x88xf32>
    %add3A_987 = arith.addf %dot_general3A_981, %get3A_986 : vector<88x88xf32>
    %exp3A_988 = math.exp %add3A_987 : vector<88x88xf32>
    %get3A_989 = arith.constant 176 : index
    %get3A_990 = arith.constant 0 : index
    %get3A_991 = vector.load %arg14[%get3A_989, %get3A_990] : memref<2816x256xf32, #tpu.memory_space<vmem>>, vector<88x256xf32>
    %dot_general3A_992 = arith.constant dense<0.000000e+00> : vector<88x256xf32>
    %dot_general3A_993 = tpu.matmul %exp3A_988, %get3A_991, %dot_general3A_992 {dimension_numbers = #tpu.dot_dimension_numbers<[1], [0], [0], [1], [0, 0, 1, 1], [], []>, precision = #tpu.contract_precision<fp32>, transpose_lhs_hint = false} : vector<88x88xf32>, vector<88x256xf32>, vector<88x256xf32> -> vector<88x256xf32>
    %slice3A_994 = vector.extract_strided_slice %dot_general3A_993 {offsets = [0, 0], sizes = [88, 128], strides = [1, 1]} : vector<88x256xf32> to vector<88x128xf32>
    %slice3A_995 = vector.extract_strided_slice %dot_general3A_993 {offsets = [0, 128], sizes = [88, 128], strides = [1, 1]} : vector<88x256xf32> to vector<88x128xf32>
    %max3A_996 = arith.constant 1.000000e-16 : f32
    %max3A_997 = vector.broadcast %max3A_996 : f32 to vector<88x128xf32>
    %max3A_998 = arith.maximumf %slice3A_995, %max3A_997 : vector<88x128xf32>
    %div3A_999 = arith.divf %slice3A_994, %max3A_998 : vector<88x128xf32>
    %get3A_1000 = arith.constant 176 : index
    %get3A_1001 = arith.constant 384 : index
    %get3A_1002 = vector.load %arg13[%get3A_1000, %get3A_1001] : memref<2816x512xf32, #tpu.memory_space<vmem>>, vector<88x128xf32>
    %add3A_1003 = arith.addf %div3A_999, %get3A_1002 : vector<88x128xf32>
    %ge3A_1004 = arith.constant 0.000000e+00 : f32
    %ge3A_1005 = vector.broadcast %ge3A_1004 : f32 to vector<88x128xf32>
    %ge3A_1006 = arith.cmpf oge, %add3A_1003, %ge3A_1005 : vector<88x128xf32>
    %mul3A_1007 = arith.constant 0.00999999977 : f32
    %mul3A_1008 = vector.broadcast %mul3A_1007 : f32 to vector<88x128xf32>
    %mul3A_1009 = arith.mulf %mul3A_1008, %add3A_1003 : vector<88x128xf32>
    %select_n3A_1010 = arith.select %ge3A_1006, %add3A_1003, %mul3A_1009 : vector<88x128xi1>, vector<88x128xf32>
    %swap3A_1011 = arith.constant 176 : index
    %swap3A_1012 = arith.constant 0 : index
    %swap3A_1013 = vector.load %arg15[%swap3A_1011, %swap3A_1012] : memref<2816x128xf32, #tpu.memory_space<vmem>>, vector<88x128xf32>
    tpu.vector_store %arg15[%swap3A_1011, %swap3A_1012], %select_n3A_1010 {strides = array<i32>} : memref<2816x128xf32, #tpu.memory_space<vmem>>, vector<88x128xf32>,
    %get3A_1014 = arith.constant 264 : index
    %get3A_1015 = arith.constant 0 : index
    %get3A_1016 = vector.load %arg13[%get3A_1014, %get3A_1015] : memref<2816x512xf32, #tpu.memory_space<vmem>>, vector<88x128xf32>
    %get3A_1017 = arith.constant 264 : index
    %get3A_1018 = arith.constant 128 : index
    %get3A_1019 = vector.load %arg13[%get3A_1017, %get3A_1018] : memref<2816x512xf32, #tpu.memory_space<vmem>>, vector<88x128xf32>
    %dot_general3A_1020 = arith.constant dense<0.000000e+00> : vector<88x88xf32>
    %dot_general3A_1021 = tpu.matmul %get3A_1016, %get3A_1019, %dot_general3A_1020 {dimension_numbers = #tpu.dot_dimension_numbers<[1], [1], [0], [0], [0, 0, 1, 0], [], []>, precision = #tpu.contract_precision<fp32>, transpose_lhs_hint = false} : vector<88x128xf32>, vector<88x128xf32>, vector<88x88xf32> -> vector<88x88xf32>
    %get3A_1022 = arith.constant 3 : index
    %get3A_1023 = arith.constant 0 : index
    %get3A_1024 = arith.constant 0 : index
    %get3A_1025 = vector.load %arg16[%get3A_1022, %get3A_1023, %get3A_1024] : memref<32x88x88xf32, #tpu.memory_space<vmem>>, vector<1x88x88xf32>
    %get3A_1026 = vector.shape_cast %get3A_1025 : vector<1x88x88xf32> to vector<88x88xf32>
    %add3A_1027 = arith.addf %dot_general3A_1021, %get3A_1026 : vector<88x88xf32>
    %exp3A_1028 = math.exp %add3A_1027 : vector<88x88xf32>
    %get3A_1029 = arith.constant 264 : index
    %get3A_1030 = arith.constant 0 : index
    %get3A_1031 = vector.load %arg14[%get3A_1029, %get3A_1030] : memref<2816x256xf32, #tpu.memory_space<vmem>>, vector<88x256xf32>
    %dot_general3A_1032 = arith.constant dense<0.000000e+00> : vector<88x256xf32>
    %dot_general3A_1033 = tpu.matmul %exp3A_1028, %get3A_1031, %dot_general3A_1032 {dimension_numbers = #tpu.dot_dimension_numbers<[1], [0], [0], [1], [0, 0, 1, 1], [], []>, precision = #tpu.contract_precision<fp32>, transpose_lhs_hint = false} : vector<88x88xf32>, vector<88x256xf32>, vector<88x256xf32> -> vector<88x256xf32>
    %slice3A_1034 = vector.extract_strided_slice %dot_general3A_1033 {offsets = [0, 0], sizes = [88, 128], strides = [1, 1]} : vector<88x256xf32> to vector<88x128xf32>
    %slice3A_1035 = vector.extract_strided_slice %dot_general3A_1033 {offsets = [0, 128], sizes = [88, 128], strides = [1, 1]} : vector<88x256xf32> to vector<88x128xf32>
    %max3A_1036 = arith.constant 1.000000e-16 : f32
    %max3A_1037 = vector.broadcast %max3A_1036 : f32 to vector<88x128xf32>
    %max3A_1038 = arith.maximumf %slice3A_1035, %max3A_1037 : vector<88x128xf32>
    %div3A_1039 = arith.divf %slice3A_1034, %max3A_1038 : vector<88x128xf32>
    %get3A_1040 = arith.constant 264 : index
    %get3A_1041 = arith.constant 384 : index
    %get3A_1042 = vector.load %arg13[%get3A_1040, %get3A_1041] : memref<2816x512xf32, #tpu.memory_space<vmem>>, vector<88x128xf32>
    %add3A_1043 = arith.addf %div3A_1039, %get3A_1042 : vector<88x128xf32>
    %ge3A_1044 = arith.constant 0.000000e+00 : f32
    %ge3A_1045 = vector.broadcast %ge3A_1044 : f32 to vector<88x128xf32>
    %ge3A_1046 = arith.cmpf oge, %add3A_1043, %ge3A_1045 : vector<88x128xf32>
    %mul3A_1047 = arith.constant 0.00999999977 : f32
    %mul3A_1048 = vector.broadcast %mul3A_1047 : f32 to vector<88x128xf32>
    %mul3A_1049 = arith.mulf %mul3A_1048, %add3A_1043 : vector<88x128xf32>
    %select_n3A_1050 = arith.select %ge3A_1046, %add3A_1043, %mul3A_1049 : vector<88x128xi1>, vector<88x128xf32>
    %swap3A_1051 = arith.constant 264 : index
    %swap3A_1052 = arith.constant 0 : index
    %swap3A_1053 = vector.load %arg15[%swap3A_1051, %swap3A_1052] : memref<2816x128xf32, #tpu.memory_space<vmem>>, vector<88x128xf32>
    tpu.vector_store %arg15[%swap3A_1051, %swap3A_1052], %select_n3A_1050 {strides = array<i32>} : memref<2816x128xf32, #tpu.memory_space<vmem>>, vector<88x128xf32>,
    %get3A_1054 = arith.constant 352 : index
    %get3A_1055 = arith.constant 0 : index
    %get3A_1056 = vector.load %arg13[%get3A_1054, %get3A_1055] : memref<2816x512xf32, #tpu.memory_space<vmem>>, vector<88x128xf32>
    %get3A_1057 = arith.constant 352 : index
    %get3A_1058 = arith.constant 128 : index
    %get3A_1059 = vector.load %arg13[%get3A_1057, %get3A_1058] : memref<2816x512xf32, #tpu.memory_space<vmem>>, vector<88x128xf32>
    %dot_general3A_1060 = arith.constant dense<0.000000e+00> : vector<88x88xf32>
    %dot_general3A_1061 = tpu.matmul %get3A_1056, %get3A_1059, %dot_general3A_1060 {dimension_numbers = #tpu.dot_dimension_numbers<[1], [1], [0], [0], [0, 0, 1, 0], [], []>, precision = #tpu.contract_precision<fp32>, transpose_lhs_hint = false} : vector<88x128xf32>, vector<88x128xf32>, vector<88x88xf32> -> vector<88x88xf32>
    %get3A_1062 = arith.constant 4 : index
    %get3A_1063 = arith.constant 0 : index
    %get3A_1064 = arith.constant 0 : index
    %get3A_1065 = vector.load %arg16[%get3A_1062, %get3A_1063, %get3A_1064] : memref<32x88x88xf32, #tpu.memory_space<vmem>>, vector<1x88x88xf32>
    %get3A_1066 = vector.shape_cast %get3A_1065 : vector<1x88x88xf32> to vector<88x88xf32>
    %add3A_1067 = arith.addf %dot_general3A_1061, %get3A_1066 : vector<88x88xf32>
    %exp3A_1068 = math.exp %add3A_1067 : vector<88x88xf32>
    %get3A_1069 = arith.constant 352 : index
    %get3A_1070 = arith.constant 0 : index
    %get3A_1071 = vector.load %arg14[%get3A_1069, %get3A_1070] : memref<2816x256xf32, #tpu.memory_space<vmem>>, vector<88x256xf32>
    %dot_general3A_1072 = arith.constant dense<0.000000e+00> : vector<88x256xf32>
    %dot_general3A_1073 = tpu.matmul %exp3A_1068, %get3A_1071, %dot_general3A_1072 {dimension_numbers = #tpu.dot_dimension_numbers<[1], [0], [0], [1], [0, 0, 1, 1], [], []>, precision = #tpu.contract_precision<fp32>, transpose_lhs_hint = false} : vector<88x88xf32>, vector<88x256xf32>, vector<88x256xf32> -> vector<88x256xf32>
    %slice3A_1074 = vector.extract_strided_slice %dot_general3A_1073 {offsets = [0, 0], sizes = [88, 128], strides = [1, 1]} : vector<88x256xf32> to vector<88x128xf32>
    %slice3A_1075 = vector.extract_strided_slice %dot_general3A_1073 {offsets = [0, 128], sizes = [88, 128], strides = [1, 1]} : vector<88x256xf32> to vector<88x128xf32>
    %max3A_1076 = arith.constant 1.000000e-16 : f32
    %max3A_1077 = vector.broadcast %max3A_1076 : f32 to vector<88x128xf32>
    %max3A_1078 = arith.maximumf %slice3A_1075, %max3A_1077 : vector<88x128xf32>
    %div3A_1079 = arith.divf %slice3A_1074, %max3A_1078 : vector<88x128xf32>
    %get3A_1080 = arith.constant 352 : index
    %get3A_1081 = arith.constant 384 : index
    %get3A_1082 = vector.load %arg13[%get3A_1080, %get3A_1081] : memref<2816x512xf32, #tpu.memory_space<vmem>>, vector<88x128xf32>
    %add3A_1083 = arith.addf %div3A_1079, %get3A_1082 : vector<88x128xf32>
    %ge3A_1084 = arith.constant 0.000000e+00 : f32
    %ge3A_1085 = vector.broadcast %ge3A_1084 : f32 to vector<88x128xf32>
    %ge3A_1086 = arith.cmpf oge, %add3A_1083, %ge3A_1085 : vector<88x128xf32>
    %mul3A_1087 = arith.constant 0.00999999977 : f32
    %mul3A_1088 = vector.broadcast %mul3A_1087 : f32 to vector<88x128xf32>
    %mul3A_1089 = arith.mulf %mul3A_1088, %add3A_1083 : vector<88x128xf32>
    %select_n3A_1090 = arith.select %ge3A_1086, %add3A_1083, %mul3A_1089 : vector<88x128xi1>, vector<88x128xf32>
    %swap3A_1091 = arith.constant 352 : index
    %swap3A_1092 = arith.constant 0 : index
    %swap3A_1093 = vector.load %arg15[%swap3A_1091, %swap3A_1092] : memref<2816x128xf32, #tpu.memory_space<vmem>>, vector<88x128xf32>
    tpu.vector_store %arg15[%swap3A_1091, %swap3A_1092], %select_n3A_1090 {strides = array<i32>} : memref<2816x128xf32, #tpu.memory_space<vmem>>, vector<88x128xf32>,
    %get3A_1094 = arith.constant 440 : index
    %get3A_1095 = arith.constant 0 : index
    %get3A_1096 = vector.load %arg13[%get3A_1094, %get3A_1095] : memref<2816x512xf32, #tpu.memory_space<vmem>>, vector<88x128xf32>
    %get3A_1097 = arith.constant 440 : index
    %get3A_1098 = arith.constant 128 : index
    %get3A_1099 = vector.load %arg13[%get3A_1097, %get3A_1098] : memref<2816x512xf32, #tpu.memory_space<vmem>>, vector<88x128xf32>
    %dot_general3A_1100 = arith.constant dense<0.000000e+00> : vector<88x88xf32>
    %dot_general3A_1101 = tpu.matmul %get3A_1096, %get3A_1099, %dot_general3A_1100 {dimension_numbers = #tpu.dot_dimension_numbers<[1], [1], [0], [0], [0, 0, 1, 0], [], []>, precision = #tpu.contract_precision<fp32>, transpose_lhs_hint = false} : vector<88x128xf32>, vector<88x128xf32>, vector<88x88xf32> -> vector<88x88xf32>
    %get3A_1102 = arith.constant 5 : index
    %get3A_1103 = arith.constant 0 : index
    %get3A_1104 = arith.constant 0 : index
    %get3A_1105 = vector.load %arg16[%get3A_1102, %get3A_1103, %get3A_1104] : memref<32x88x88xf32, #tpu.memory_space<vmem>>, vector<1x88x88xf32>
    %get3A_1106 = vector.shape_cast %get3A_1105 : vector<1x88x88xf32> to vector<88x88xf32>
    %add3A_1107 = arith.addf %dot_general3A_1101, %get3A_1106 : vector<88x88xf32>
    %exp3A_1108 = math.exp %add3A_1107 : vector<88x88xf32>
    %get3A_1109 = arith.constant 440 : index
    %get3A_1110 = arith.constant 0 : index
    %get3A_1111 = vector.load %arg14[%get3A_1109, %get3A_1110] : memref<2816x256xf32, #tpu.memory_space<vmem>>, vector<88x256xf32>
    %dot_general3A_1112 = arith.constant dense<0.000000e+00> : vector<88x256xf32>
    %dot_general3A_1113 = tpu.matmul %exp3A_1108, %get3A_1111, %dot_general3A_1112 {dimension_numbers = #tpu.dot_dimension_numbers<[1], [0], [0], [1], [0, 0, 1, 1], [], []>, precision = #tpu.contract_precision<fp32>, transpose_lhs_hint = false} : vector<88x88xf32>, vector<88x256xf32>, vector<88x256xf32> -> vector<88x256xf32>
    %slice3A_1114 = vector.extract_strided_slice %dot_general3A_1113 {offsets = [0, 0], sizes = [88, 128], strides = [1, 1]} : vector<88x256xf32> to vector<88x128xf32>
    %slice3A_1115 = vector.extract_strided_slice %dot_general3A_1113 {offsets = [0, 128], sizes = [88, 128], strides = [1, 1]} : vector<88x256xf32> to vector<88x128xf32>
    %max3A_1116 = arith.constant 1.000000e-16 : f32
    %max3A_1117 = vector.broadcast %max3A_1116 : f32 to vector<88x128xf32>
    %max3A_1118 = arith.maximumf %slice3A_1115, %max3A_1117 : vector<88x128xf32>
    %div3A_1119 = arith.divf %slice3A_1114, %max3A_1118 : vector<88x128xf32>
    %get3A_1120 = arith.constant 440 : index
    %get3A_1121 = arith.constant 384 : index
    %get3A_1122 = vector.load %arg13[%get3A_1120, %get3A_1121] : memref<2816x512xf32, #tpu.memory_space<vmem>>, vector<88x128xf32>
    %add3A_1123 = arith.addf %div3A_1119, %get3A_1122 : vector<88x128xf32>
    %ge3A_1124 = arith.constant 0.000000e+00 : f32
    %ge3A_1125 = vector.broadcast %ge3A_1124 : f32 to vector<88x128xf32>
    %ge3A_1126 = arith.cmpf oge, %add3A_1123, %ge3A_1125 : vector<88x128xf32>
    %mul3A_1127 = arith.constant 0.00999999977 : f32
    %mul3A_1128 = vector.broadcast %mul3A_1127 : f32 to vector<88x128xf32>
    %mul3A_1129 = arith.mulf %mul3A_1128, %add3A_1123 : vector<88x128xf32>
    %select_n3A_1130 = arith.select %ge3A_1126, %add3A_1123, %mul3A_1129 : vector<88x128xi1>, vector<88x128xf32>
    %swap3A_1131 = arith.constant 440 : index
    %swap3A_1132 = arith.constant 0 : index
    %swap3A_1133 = vector.load %arg15[%swap3A_1131, %swap3A_1132] : memref<2816x128xf32, #tpu.memory_space<vmem>>, vector<88x128xf32>
    tpu.vector_store %arg15[%swap3A_1131, %swap3A_1132], %select_n3A_1130 {strides = array<i32>} : memref<2816x128xf32, #tpu.memory_space<vmem>>, vector<88x128xf32>,
    %get3A_1134 = arith.constant 528 : index
    %get3A_1135 = arith.constant 0 : index
    %get3A_1136 = vector.load %arg13[%get3A_1134, %get3A_1135] : memref<2816x512xf32, #tpu.memory_space<vmem>>, vector<88x128xf32>
    %get3A_1137 = arith.constant 528 : index
    %get3A_1138 = arith.constant 128 : index
    %get3A_1139 = vector.load %arg13[%get3A_1137, %get3A_1138] : memref<2816x512xf32, #tpu.memory_space<vmem>>, vector<88x128xf32>
    %dot_general3A_1140 = arith.constant dense<0.000000e+00> : vector<88x88xf32>
    %dot_general3A_1141 = tpu.matmul %get3A_1136, %get3A_1139, %dot_general3A_1140 {dimension_numbers = #tpu.dot_dimension_numbers<[1], [1], [0], [0], [0, 0, 1, 0], [], []>, precision = #tpu.contract_precision<fp32>, transpose_lhs_hint = false} : vector<88x128xf32>, vector<88x128xf32>, vector<88x88xf32> -> vector<88x88xf32>
    %get3A_1142 = arith.constant 6 : index
    %get3A_1143 = arith.constant 0 : index
    %get3A_1144 = arith.constant 0 : index
    %get3A_1145 = vector.load %arg16[%get3A_1142, %get3A_1143, %get3A_1144] : memref<32x88x88xf32, #tpu.memory_space<vmem>>, vector<1x88x88xf32>
    %get3A_1146 = vector.shape_cast %get3A_1145 : vector<1x88x88xf32> to vector<88x88xf32>
    %add3A_1147 = arith.addf %dot_general3A_1141, %get3A_1146 : vector<88x88xf32>
    %exp3A_1148 = math.exp %add3A_1147 : vector<88x88xf32>
    %get3A_1149 = arith.constant 528 : index
    %get3A_1150 = arith.constant 0 : index
    %get3A_1151 = vector.load %arg14[%get3A_1149, %get3A_1150] : memref<2816x256xf32, #tpu.memory_space<vmem>>, vector<88x256xf32>
    %dot_general3A_1152 = arith.constant dense<0.000000e+00> : vector<88x256xf32>
    %dot_general3A_1153 = tpu.matmul %exp3A_1148, %get3A_1151, %dot_general3A_1152 {dimension_numbers = #tpu.dot_dimension_numbers<[1], [0], [0], [1], [0, 0, 1, 1], [], []>, precision = #tpu.contract_precision<fp32>, transpose_lhs_hint = false} : vector<88x88xf32>, vector<88x256xf32>, vector<88x256xf32> -> vector<88x256xf32>
    %slice3A_1154 = vector.extract_strided_slice %dot_general3A_1153 {offsets = [0, 0], sizes = [88, 128], strides = [1, 1]} : vector<88x256xf32> to vector<88x128xf32>
    %slice3A_1155 = vector.extract_strided_slice %dot_general3A_1153 {offsets = [0, 128], sizes = [88, 128], strides = [1, 1]} : vector<88x256xf32> to vector<88x128xf32>
    %max3A_1156 = arith.constant 1.000000e-16 : f32
    %max3A_1157 = vector.broadcast %max3A_1156 : f32 to vector<88x128xf32>
    %max3A_1158 = arith.maximumf %slice3A_1155, %max3A_1157 : vector<88x128xf32>
    %div3A_1159 = arith.divf %slice3A_1154, %max3A_1158 : vector<88x128xf32>
    %get3A_1160 = arith.constant 528 : index
    %get3A_1161 = arith.constant 384 : index
    %get3A_1162 = vector.load %arg13[%get3A_1160, %get3A_1161] : memref<2816x512xf32, #tpu.memory_space<vmem>>, vector<88x128xf32>
    %add3A_1163 = arith.addf %div3A_1159, %get3A_1162 : vector<88x128xf32>
    %ge3A_1164 = arith.constant 0.000000e+00 : f32
    %ge3A_1165 = vector.broadcast %ge3A_1164 : f32 to vector<88x128xf32>
    %ge3A_1166 = arith.cmpf oge, %add3A_1163, %ge3A_1165 : vector<88x128xf32>
    %mul3A_1167 = arith.constant 0.00999999977 : f32
    %mul3A_1168 = vector.broadcast %mul3A_1167 : f32 to vector<88x128xf32>
    %mul3A_1169 = arith.mulf %mul3A_1168, %add3A_1163 : vector<88x128xf32>
    %select_n3A_1170 = arith.select %ge3A_1166, %add3A_1163, %mul3A_1169 : vector<88x128xi1>, vector<88x128xf32>
    %swap3A_1171 = arith.constant 528 : index
    %swap3A_1172 = arith.constant 0 : index
    %swap3A_1173 = vector.load %arg15[%swap3A_1171, %swap3A_1172] : memref<2816x128xf32, #tpu.memory_space<vmem>>, vector<88x128xf32>
    tpu.vector_store %arg15[%swap3A_1171, %swap3A_1172], %select_n3A_1170 {strides = array<i32>} : memref<2816x128xf32, #tpu.memory_space<vmem>>, vector<88x128xf32>,
    %get3A_1174 = arith.constant 616 : index
    %get3A_1175 = arith.constant 0 : index
    %get3A_1176 = vector.load %arg13[%get3A_1174, %get3A_1175] : memref<2816x512xf32, #tpu.memory_space<vmem>>, vector<88x128xf32>
    %get3A_1177 = arith.constant 616 : index
    %get3A_1178 = arith.constant 128 : index
    %get3A_1179 = vector.load %arg13[%get3A_1177, %get3A_1178] : memref<2816x512xf32, #tpu.memory_space<vmem>>, vector<88x128xf32>
    %dot_general3A_1180 = arith.constant dense<0.000000e+00> : vector<88x88xf32>
    %dot_general3A_1181 = tpu.matmul %get3A_1176, %get3A_1179, %dot_general3A_1180 {dimension_numbers = #tpu.dot_dimension_numbers<[1], [1], [0], [0], [0, 0, 1, 0], [], []>, precision = #tpu.contract_precision<fp32>, transpose_lhs_hint = false} : vector<88x128xf32>, vector<88x128xf32>, vector<88x88xf32> -> vector<88x88xf32>
    %get3A_1182 = arith.constant 7 : index
    %get3A_1183 = arith.constant 0 : index
    %get3A_1184 = arith.constant 0 : index
    %get3A_1185 = vector.load %arg16[%get3A_1182, %get3A_1183, %get3A_1184] : memref<32x88x88xf32, #tpu.memory_space<vmem>>, vector<1x88x88xf32>
    %get3A_1186 = vector.shape_cast %get3A_1185 : vector<1x88x88xf32> to vector<88x88xf32>
    %add3A_1187 = arith.addf %dot_general3A_1181, %get3A_1186 : vector<88x88xf32>
    %exp3A_1188 = math.exp %add3A_1187 : vector<88x88xf32>
    %get3A_1189 = arith.constant 616 : index
    %get3A_1190 = arith.constant 0 : index
    %get3A_1191 = vector.load %arg14[%get3A_1189, %get3A_1190] : memref<2816x256xf32, #tpu.memory_space<vmem>>, vector<88x256xf32>
    %dot_general3A_1192 = arith.constant dense<0.000000e+00> : vector<88x256xf32>
    %dot_general3A_1193 = tpu.matmul %exp3A_1188, %get3A_1191, %dot_general3A_1192 {dimension_numbers = #tpu.dot_dimension_numbers<[1], [0], [0], [1], [0, 0, 1, 1], [], []>, precision = #tpu.contract_precision<fp32>, transpose_lhs_hint = false} : vector<88x88xf32>, vector<88x256xf32>, vector<88x256xf32> -> vector<88x256xf32>
    %slice3A_1194 = vector.extract_strided_slice %dot_general3A_1193 {offsets = [0, 0], sizes = [88, 128], strides = [1, 1]} : vector<88x256xf32> to vector<88x128xf32>
    %slice3A_1195 = vector.extract_strided_slice %dot_general3A_1193 {offsets = [0, 128], sizes = [88, 128], strides = [1, 1]} : vector<88x256xf32> to vector<88x128xf32>
    %max3A_1196 = arith.constant 1.000000e-16 : f32
    %max3A_1197 = vector.broadcast %max3A_1196 : f32 to vector<88x128xf32>
    %max3A_1198 = arith.maximumf %slice3A_1195, %max3A_1197 : vector<88x128xf32>
    %div3A_1199 = arith.divf %slice3A_1194, %max3A_1198 : vector<88x128xf32>
    %get3A_1200 = arith.constant 616 : index
    %get3A_1201 = arith.constant 384 : index
    %get3A_1202 = vector.load %arg13[%get3A_1200, %get3A_1201] : memref<2816x512xf32, #tpu.memory_space<vmem>>, vector<88x128xf32>
    %add3A_1203 = arith.addf %div3A_1199, %get3A_1202 : vector<88x128xf32>
    %ge3A_1204 = arith.constant 0.000000e+00 : f32
    %ge3A_1205 = vector.broadcast %ge3A_1204 : f32 to vector<88x128xf32>
    %ge3A_1206 = arith.cmpf oge, %add3A_1203, %ge3A_1205 : vector<88x128xf32>
    %mul3A_1207 = arith.constant 0.00999999977 : f32
    %mul3A_1208 = vector.broadcast %mul3A_1207 : f32 to vector<88x128xf32>
    %mul3A_1209 = arith.mulf %mul3A_1208, %add3A_1203 : vector<88x128xf32>
    %select_n3A_1210 = arith.select %ge3A_1206, %add3A_1203, %mul3A_1209 : vector<88x128xi1>, vector<88x128xf32>
    %swap3A_1211 = arith.constant 616 : index
    %swap3A_1212 = arith.constant 0 : index
    %swap3A_1213 = vector.load %arg15[%swap3A_1211, %swap3A_1212] : memref<2816x128xf32, #tpu.memory_space<vmem>>, vector<88x128xf32>
    tpu.vector_store %arg15[%swap3A_1211, %swap3A_1212], %select_n3A_1210 {strides = array<i32>} : memref<2816x128xf32, #tpu.memory_space<vmem>>, vector<88x128xf32>,
    %get3A_1214 = arith.constant 704 : index
    %get3A_1215 = arith.constant 0 : index
    %get3A_1216 = vector.load %arg13[%get3A_1214, %get3A_1215] : memref<2816x512xf32, #tpu.memory_space<vmem>>, vector<88x128xf32>
    %get3A_1217 = arith.constant 704 : index
    %get3A_1218 = arith.constant 128 : index
    %get3A_1219 = vector.load %arg13[%get3A_1217, %get3A_1218] : memref<2816x512xf32, #tpu.memory_space<vmem>>, vector<88x128xf32>
    %dot_general3A_1220 = arith.constant dense<0.000000e+00> : vector<88x88xf32>
    %dot_general3A_1221 = tpu.matmul %get3A_1216, %get3A_1219, %dot_general3A_1220 {dimension_numbers = #tpu.dot_dimension_numbers<[1], [1], [0], [0], [0, 0, 1, 0], [], []>, precision = #tpu.contract_precision<fp32>, transpose_lhs_hint = false} : vector<88x128xf32>, vector<88x128xf32>, vector<88x88xf32> -> vector<88x88xf32>
    %get3A_1222 = arith.constant 8 : index
    %get3A_1223 = arith.constant 0 : index
    %get3A_1224 = arith.constant 0 : index
    %get3A_1225 = vector.load %arg16[%get3A_1222, %get3A_1223, %get3A_1224] : memref<32x88x88xf32, #tpu.memory_space<vmem>>, vector<1x88x88xf32>
    %get3A_1226 = vector.shape_cast %get3A_1225 : vector<1x88x88xf32> to vector<88x88xf32>
    %add3A_1227 = arith.addf %dot_general3A_1221, %get3A_1226 : vector<88x88xf32>
    %exp3A_1228 = math.exp %add3A_1227 : vector<88x88xf32>
    %get3A_1229 = arith.constant 704 : index
    %get3A_1230 = arith.constant 0 : index
    %get3A_1231 = vector.load %arg14[%get3A_1229, %get3A_1230] : memref<2816x256xf32, #tpu.memory_space<vmem>>, vector<88x256xf32>
    %dot_general3A_1232 = arith.constant dense<0.000000e+00> : vector<88x256xf32>
    %dot_general3A_1233 = tpu.matmul %exp3A_1228, %get3A_1231, %dot_general3A_1232 {dimension_numbers = #tpu.dot_dimension_numbers<[1], [0], [0], [1], [0, 0, 1, 1], [], []>, precision = #tpu.contract_precision<fp32>, transpose_lhs_hint = false} : vector<88x88xf32>, vector<88x256xf32>, vector<88x256xf32> -> vector<88x256xf32>
    %slice3A_1234 = vector.extract_strided_slice %dot_general3A_1233 {offsets = [0, 0], sizes = [88, 128], strides = [1, 1]} : vector<88x256xf32> to vector<88x128xf32>
    %slice3A_1235 = vector.extract_strided_slice %dot_general3A_1233 {offsets = [0, 128], sizes = [88, 128], strides = [1, 1]} : vector<88x256xf32> to vector<88x128xf32>
    %max3A_1236 = arith.constant 1.000000e-16 : f32
    %max3A_1237 = vector.broadcast %max3A_1236 : f32 to vector<88x128xf32>
    %max3A_1238 = arith.maximumf %slice3A_1235, %max3A_1237 : vector<88x128xf32>
    %div3A_1239 = arith.divf %slice3A_1234, %max3A_1238 : vector<88x128xf32>
    %get3A_1240 = arith.constant 704 : index
    %get3A_1241 = arith.constant 384 : index
    %get3A_1242 = vector.load %arg13[%get3A_1240, %get3A_1241] : memref<2816x512xf32, #tpu.memory_space<vmem>>, vector<88x128xf32>
    %add3A_1243 = arith.addf %div3A_1239, %get3A_1242 : vector<88x128xf32>
    %ge3A_1244 = arith.constant 0.000000e+00 : f32
    %ge3A_1245 = vector.broadcast %ge3A_1244 : f32 to vector<88x128xf32>
    %ge3A_1246 = arith.cmpf oge, %add3A_1243, %ge3A_1245 : vector<88x128xf32>
    %mul3A_1247 = arith.constant 0.00999999977 : f32
    %mul3A_1248 = vector.broadcast %mul3A_1247 : f32 to vector<88x128xf32>
    %mul3A_1249 = arith.mulf %mul3A_1248, %add3A_1243 : vector<88x128xf32>
    %select_n3A_1250 = arith.select %ge3A_1246, %add3A_1243, %mul3A_1249 : vector<88x128xi1>, vector<88x128xf32>
    %swap3A_1251 = arith.constant 704 : index
    %swap3A_1252 = arith.constant 0 : index
    %swap3A_1253 = vector.load %arg15[%swap3A_1251, %swap3A_1252] : memref<2816x128xf32, #tpu.memory_space<vmem>>, vector<88x128xf32>
    tpu.vector_store %arg15[%swap3A_1251, %swap3A_1252], %select_n3A_1250 {strides = array<i32>} : memref<2816x128xf32, #tpu.memory_space<vmem>>, vector<88x128xf32>,
    %get3A_1254 = arith.constant 792 : index
    %get3A_1255 = arith.constant 0 : index
    %get3A_1256 = vector.load %arg13[%get3A_1254, %get3A_1255] : memref<2816x512xf32, #tpu.memory_space<vmem>>, vector<88x128xf32>
    %get3A_1257 = arith.constant 792 : index
    %get3A_1258 = arith.constant 128 : index
    %get3A_1259 = vector.load %arg13[%get3A_1257, %get3A_1258] : memref<2816x512xf32, #tpu.memory_space<vmem>>, vector<88x128xf32>
    %dot_general3A_1260 = arith.constant dense<0.000000e+00> : vector<88x88xf32>
    %dot_general3A_1261 = tpu.matmul %get3A_1256, %get3A_1259, %dot_general3A_1260 {dimension_numbers = #tpu.dot_dimension_numbers<[1], [1], [0], [0], [0, 0, 1, 0], [], []>, precision = #tpu.contract_precision<fp32>, transpose_lhs_hint = false} : vector<88x128xf32>, vector<88x128xf32>, vector<88x88xf32> -> vector<88x88xf32>
    %get3A_1262 = arith.constant 9 : index
    %get3A_1263 = arith.constant 0 : index
    %get3A_1264 = arith.constant 0 : index
    %get3A_1265 = vector.load %arg16[%get3A_1262, %get3A_1263, %get3A_1264] : memref<32x88x88xf32, #tpu.memory_space<vmem>>, vector<1x88x88xf32>
    %get3A_1266 = vector.shape_cast %get3A_1265 : vector<1x88x88xf32> to vector<88x88xf32>
    %add3A_1267 = arith.addf %dot_general3A_1261, %get3A_1266 : vector<88x88xf32>
    %exp3A_1268 = math.exp %add3A_1267 : vector<88x88xf32>
    %get3A_1269 = arith.constant 792 : index
    %get3A_1270 = arith.constant 0 : index
    %get3A_1271 = vector.load %arg14[%get3A_1269, %get3A_1270] : memref<2816x256xf32, #tpu.memory_space<vmem>>, vector<88x256xf32>
    %dot_general3A_1272 = arith.constant dense<0.000000e+00> : vector<88x256xf32>
    %dot_general3A_1273 = tpu.matmul %exp3A_1268, %get3A_1271, %dot_general3A_1272 {dimension_numbers = #tpu.dot_dimension_numbers<[1], [0], [0], [1], [0, 0, 1, 1], [], []>, precision = #tpu.contract_precision<fp32>, transpose_lhs_hint = false} : vector<88x88xf32>, vector<88x256xf32>, vector<88x256xf32> -> vector<88x256xf32>
    %slice3A_1274 = vector.extract_strided_slice %dot_general3A_1273 {offsets = [0, 0], sizes = [88, 128], strides = [1, 1]} : vector<88x256xf32> to vector<88x128xf32>
    %slice3A_1275 = vector.extract_strided_slice %dot_general3A_1273 {offsets = [0, 128], sizes = [88, 128], strides = [1, 1]} : vector<88x256xf32> to vector<88x128xf32>
    %max3A_1276 = arith.constant 1.000000e-16 : f32
    %max3A_1277 = vector.broadcast %max3A_1276 : f32 to vector<88x128xf32>
    %max3A_1278 = arith.maximumf %slice3A_1275, %max3A_1277 : vector<88x128xf32>
    %div3A_1279 = arith.divf %slice3A_1274, %max3A_1278 : vector<88x128xf32>
    %get3A_1280 = arith.constant 792 : index
    %get3A_1281 = arith.constant 384 : index
    %get3A_1282 = vector.load %arg13[%get3A_1280, %get3A_1281] : memref<2816x512xf32, #tpu.memory_space<vmem>>, vector<88x128xf32>
    %add3A_1283 = arith.addf %div3A_1279, %get3A_1282 : vector<88x128xf32>
    %ge3A_1284 = arith.constant 0.000000e+00 : f32
    %ge3A_1285 = vector.broadcast %ge3A_1284 : f32 to vector<88x128xf32>
    %ge3A_1286 = arith.cmpf oge, %add3A_1283, %ge3A_1285 : vector<88x128xf32>
    %mul3A_1287 = arith.constant 0.00999999977 : f32
    %mul3A_1288 = vector.broadcast %mul3A_1287 : f32 to vector<88x128xf32>
    %mul3A_1289 = arith.mulf %mul3A_1288, %add3A_1283 : vector<88x128xf32>
    %select_n3A_1290 = arith.select %ge3A_1286, %add3A_1283, %mul3A_1289 : vector<88x128xi1>, vector<88x128xf32>
    %swap3A_1291 = arith.constant 792 : index
    %swap3A_1292 = arith.constant 0 : index
    %swap3A_1293 = vector.load %arg15[%swap3A_1291, %swap3A_1292] : memref<2816x128xf32, #tpu.memory_space<vmem>>, vector<88x128xf32>
    tpu.vector_store %arg15[%swap3A_1291, %swap3A_1292], %select_n3A_1290 {strides = array<i32>} : memref<2816x128xf32, #tpu.memory_space<vmem>>, vector<88x128xf32>,
    %get3A_1294 = arith.constant 880 : index
    %get3A_1295 = arith.constant 0 : index
    %get3A_1296 = vector.load %arg13[%get3A_1294, %get3A_1295] : memref<2816x512xf32, #tpu.memory_space<vmem>>, vector<88x128xf32>
    %get3A_1297 = arith.constant 880 : index
    %get3A_1298 = arith.constant 128 : index
    %get3A_1299 = vector.load %arg13[%get3A_1297, %get3A_1298] : memref<2816x512xf32, #tpu.memory_space<vmem>>, vector<88x128xf32>
    %dot_general3A_1300 = arith.constant dense<0.000000e+00> : vector<88x88xf32>
    %dot_general3A_1301 = tpu.matmul %get3A_1296, %get3A_1299, %dot_general3A_1300 {dimension_numbers = #tpu.dot_dimension_numbers<[1], [1], [0], [0], [0, 0, 1, 0], [], []>, precision = #tpu.contract_precision<fp32>, transpose_lhs_hint = false} : vector<88x128xf32>, vector<88x128xf32>, vector<88x88xf32> -> vector<88x88xf32>
    %get3A_1302 = arith.constant 10 : index
    %get3A_1303 = arith.constant 0 : index
    %get3A_1304 = arith.constant 0 : index
    %get3A_1305 = vector.load %arg16[%get3A_1302, %get3A_1303, %get3A_1304] : memref<32x88x88xf32, #tpu.memory_space<vmem>>, vector<1x88x88xf32>
    %get3A_1306 = vector.shape_cast %get3A_1305 : vector<1x88x88xf32> to vector<88x88xf32>
    %add3A_1307 = arith.addf %dot_general3A_1301, %get3A_1306 : vector<88x88xf32>
    %exp3A_1308 = math.exp %add3A_1307 : vector<88x88xf32>
    %get3A_1309 = arith.constant 880 : index
    %get3A_1310 = arith.constant 0 : index
    %get3A_1311 = vector.load %arg14[%get3A_1309, %get3A_1310] : memref<2816x256xf32, #tpu.memory_space<vmem>>, vector<88x256xf32>
    %dot_general3A_1312 = arith.constant dense<0.000000e+00> : vector<88x256xf32>
    %dot_general3A_1313 = tpu.matmul %exp3A_1308, %get3A_1311, %dot_general3A_1312 {dimension_numbers = #tpu.dot_dimension_numbers<[1], [0], [0], [1], [0, 0, 1, 1], [], []>, precision = #tpu.contract_precision<fp32>, transpose_lhs_hint = false} : vector<88x88xf32>, vector<88x256xf32>, vector<88x256xf32> -> vector<88x256xf32>
    %slice3A_1314 = vector.extract_strided_slice %dot_general3A_1313 {offsets = [0, 0], sizes = [88, 128], strides = [1, 1]} : vector<88x256xf32> to vector<88x128xf32>
    %slice3A_1315 = vector.extract_strided_slice %dot_general3A_1313 {offsets = [0, 128], sizes = [88, 128], strides = [1, 1]} : vector<88x256xf32> to vector<88x128xf32>
    %max3A_1316 = arith.constant 1.000000e-16 : f32
    %max3A_1317 = vector.broadcast %max3A_1316 : f32 to vector<88x128xf32>
    %max3A_1318 = arith.maximumf %slice3A_1315, %max3A_1317 : vector<88x128xf32>
    %div3A_1319 = arith.divf %slice3A_1314, %max3A_1318 : vector<88x128xf32>
    %get3A_1320 = arith.constant 880 : index
    %get3A_1321 = arith.constant 384 : index
    %get3A_1322 = vector.load %arg13[%get3A_1320, %get3A_1321] : memref<2816x512xf32, #tpu.memory_space<vmem>>, vector<88x128xf32>
    %add3A_1323 = arith.addf %div3A_1319, %get3A_1322 : vector<88x128xf32>
    %ge3A_1324 = arith.constant 0.000000e+00 : f32
    %ge3A_1325 = vector.broadcast %ge3A_1324 : f32 to vector<88x128xf32>
    %ge3A_1326 = arith.cmpf oge, %add3A_1323, %ge3A_1325 : vector<88x128xf32>
    %mul3A_1327 = arith.constant 0.00999999977 : f32
    %mul3A_1328 = vector.broadcast %mul3A_1327 : f32 to vector<88x128xf32>
    %mul3A_1329 = arith.mulf %mul3A_1328, %add3A_1323 : vector<88x128xf32>
    %select_n3A_1330 = arith.select %ge3A_1326, %add3A_1323, %mul3A_1329 : vector<88x128xi1>, vector<88x128xf32>
    %swap3A_1331 = arith.constant 880 : index
    %swap3A_1332 = arith.constant 0 : index
    %swap3A_1333 = vector.load %arg15[%swap3A_1331, %swap3A_1332] : memref<2816x128xf32, #tpu.memory_space<vmem>>, vector<88x128xf32>
    tpu.vector_store %arg15[%swap3A_1331, %swap3A_1332], %select_n3A_1330 {strides = array<i32>} : memref<2816x128xf32, #tpu.memory_space<vmem>>, vector<88x128xf32>,
    %get3A_1334 = arith.constant 968 : index
    %get3A_1335 = arith.constant 0 : index
    %get3A_1336 = vector.load %arg13[%get3A_1334, %get3A_1335] : memref<2816x512xf32, #tpu.memory_space<vmem>>, vector<88x128xf32>
    %get3A_1337 = arith.constant 968 : index
    %get3A_1338 = arith.constant 128 : index
    %get3A_1339 = vector.load %arg13[%get3A_1337, %get3A_1338] : memref<2816x512xf32, #tpu.memory_space<vmem>>, vector<88x128xf32>
    %dot_general3A_1340 = arith.constant dense<0.000000e+00> : vector<88x88xf32>
    %dot_general3A_1341 = tpu.matmul %get3A_1336, %get3A_1339, %dot_general3A_1340 {dimension_numbers = #tpu.dot_dimension_numbers<[1], [1], [0], [0], [0, 0, 1, 0], [], []>, precision = #tpu.contract_precision<fp32>, transpose_lhs_hint = false} : vector<88x128xf32>, vector<88x128xf32>, vector<88x88xf32> -> vector<88x88xf32>
    %get3A_1342 = arith.constant 11 : index
    %get3A_1343 = arith.constant 0 : index
    %get3A_1344 = arith.constant 0 : index
    %get3A_1345 = vector.load %arg16[%get3A_1342, %get3A_1343, %get3A_1344] : memref<32x88x88xf32, #tpu.memory_space<vmem>>, vector<1x88x88xf32>
    %get3A_1346 = vector.shape_cast %get3A_1345 : vector<1x88x88xf32> to vector<88x88xf32>
    %add3A_1347 = arith.addf %dot_general3A_1341, %get3A_1346 : vector<88x88xf32>
    %exp3A_1348 = math.exp %add3A_1347 : vector<88x88xf32>
    %get3A_1349 = arith.constant 968 : index
    %get3A_1350 = arith.constant 0 : index
    %get3A_1351 = vector.load %arg14[%get3A_1349, %get3A_1350] : memref<2816x256xf32, #tpu.memory_space<vmem>>, vector<88x256xf32>
    %dot_general3A_1352 = arith.constant dense<0.000000e+00> : vector<88x256xf32>
    %dot_general3A_1353 = tpu.matmul %exp3A_1348, %get3A_1351, %dot_general3A_1352 {dimension_numbers = #tpu.dot_dimension_numbers<[1], [0], [0], [1], [0, 0, 1, 1], [], []>, precision = #tpu.contract_precision<fp32>, transpose_lhs_hint = false} : vector<88x88xf32>, vector<88x256xf32>, vector<88x256xf32> -> vector<88x256xf32>
    %slice3A_1354 = vector.extract_strided_slice %dot_general3A_1353 {offsets = [0, 0], sizes = [88, 128], strides = [1, 1]} : vector<88x256xf32> to vector<88x128xf32>
    %slice3A_1355 = vector.extract_strided_slice %dot_general3A_1353 {offsets = [0, 128], sizes = [88, 128], strides = [1, 1]} : vector<88x256xf32> to vector<88x128xf32>
    %max3A_1356 = arith.constant 1.000000e-16 : f32
    %max3A_1357 = vector.broadcast %max3A_1356 : f32 to vector<88x128xf32>
    %max3A_1358 = arith.maximumf %slice3A_1355, %max3A_1357 : vector<88x128xf32>
    %div3A_1359 = arith.divf %slice3A_1354, %max3A_1358 : vector<88x128xf32>
    %get3A_1360 = arith.constant 968 : index
    %get3A_1361 = arith.constant 384 : index
    %get3A_1362 = vector.load %arg13[%get3A_1360, %get3A_1361] : memref<2816x512xf32, #tpu.memory_space<vmem>>, vector<88x128xf32>
    %add3A_1363 = arith.addf %div3A_1359, %get3A_1362 : vector<88x128xf32>
    %ge3A_1364 = arith.constant 0.000000e+00 : f32
    %ge3A_1365 = vector.broadcast %ge3A_1364 : f32 to vector<88x128xf32>
    %ge3A_1366 = arith.cmpf oge, %add3A_1363, %ge3A_1365 : vector<88x128xf32>
    %mul3A_1367 = arith.constant 0.00999999977 : f32
    %mul3A_1368 = vector.broadcast %mul3A_1367 : f32 to vector<88x128xf32>
    %mul3A_1369 = arith.mulf %mul3A_1368, %add3A_1363 : vector<88x128xf32>
    %select_n3A_1370 = arith.select %ge3A_1366, %add3A_1363, %mul3A_1369 : vector<88x128xi1>, vector<88x128xf32>
    %swap3A_1371 = arith.constant 968 : index
    %swap3A_1372 = arith.constant 0 : index
    %swap3A_1373 = vector.load %arg15[%swap3A_1371, %swap3A_1372] : memref<2816x128xf32, #tpu.memory_space<vmem>>, vector<88x128xf32>
    tpu.vector_store %arg15[%swap3A_1371, %swap3A_1372], %select_n3A_1370 {strides = array<i32>} : memref<2816x128xf32, #tpu.memory_space<vmem>>, vector<88x128xf32>,
    %get3A_1374 = arith.constant 1056 : index
    %get3A_1375 = arith.constant 0 : index
    %get3A_1376 = vector.load %arg13[%get3A_1374, %get3A_1375] : memref<2816x512xf32, #tpu.memory_space<vmem>>, vector<88x128xf32>
    %get3A_1377 = arith.constant 1056 : index
    %get3A_1378 = arith.constant 128 : index
    %get3A_1379 = vector.load %arg13[%get3A_1377, %get3A_1378] : memref<2816x512xf32, #tpu.memory_space<vmem>>, vector<88x128xf32>
    %dot_general3A_1380 = arith.constant dense<0.000000e+00> : vector<88x88xf32>
    %dot_general3A_1381 = tpu.matmul %get3A_1376, %get3A_1379, %dot_general3A_1380 {dimension_numbers = #tpu.dot_dimension_numbers<[1], [1], [0], [0], [0, 0, 1, 0], [], []>, precision = #tpu.contract_precision<fp32>, transpose_lhs_hint = false} : vector<88x128xf32>, vector<88x128xf32>, vector<88x88xf32> -> vector<88x88xf32>
    %get3A_1382 = arith.constant 12 : index
    %get3A_1383 = arith.constant 0 : index
    %get3A_1384 = arith.constant 0 : index
    %get3A_1385 = vector.load %arg16[%get3A_1382, %get3A_1383, %get3A_1384] : memref<32x88x88xf32, #tpu.memory_space<vmem>>, vector<1x88x88xf32>
    %get3A_1386 = vector.shape_cast %get3A_1385 : vector<1x88x88xf32> to vector<88x88xf32>
    %add3A_1387 = arith.addf %dot_general3A_1381, %get3A_1386 : vector<88x88xf32>
    %exp3A_1388 = math.exp %add3A_1387 : vector<88x88xf32>
    %get3A_1389 = arith.constant 1056 : index
    %get3A_1390 = arith.constant 0 : index
    %get3A_1391 = vector.load %arg14[%get3A_1389, %get3A_1390] : memref<2816x256xf32, #tpu.memory_space<vmem>>, vector<88x256xf32>
    %dot_general3A_1392 = arith.constant dense<0.000000e+00> : vector<88x256xf32>
    %dot_general3A_1393 = tpu.matmul %exp3A_1388, %get3A_1391, %dot_general3A_1392 {dimension_numbers = #tpu.dot_dimension_numbers<[1], [0], [0], [1], [0, 0, 1, 1], [], []>, precision = #tpu.contract_precision<fp32>, transpose_lhs_hint = false} : vector<88x88xf32>, vector<88x256xf32>, vector<88x256xf32> -> vector<88x256xf32>
    %slice3A_1394 = vector.extract_strided_slice %dot_general3A_1393 {offsets = [0, 0], sizes = [88, 128], strides = [1, 1]} : vector<88x256xf32> to vector<88x128xf32>
    %slice3A_1395 = vector.extract_strided_slice %dot_general3A_1393 {offsets = [0, 128], sizes = [88, 128], strides = [1, 1]} : vector<88x256xf32> to vector<88x128xf32>
    %max3A_1396 = arith.constant 1.000000e-16 : f32
    %max3A_1397 = vector.broadcast %max3A_1396 : f32 to vector<88x128xf32>
    %max3A_1398 = arith.maximumf %slice3A_1395, %max3A_1397 : vector<88x128xf32>
    %div3A_1399 = arith.divf %slice3A_1394, %max3A_1398 : vector<88x128xf32>
    %get3A_1400 = arith.constant 1056 : index
    %get3A_1401 = arith.constant 384 : index
    %get3A_1402 = vector.load %arg13[%get3A_1400, %get3A_1401] : memref<2816x512xf32, #tpu.memory_space<vmem>>, vector<88x128xf32>
    %add3A_1403 = arith.addf %div3A_1399, %get3A_1402 : vector<88x128xf32>
    %ge3A_1404 = arith.constant 0.000000e+00 : f32
    %ge3A_1405 = vector.broadcast %ge3A_1404 : f32 to vector<88x128xf32>
    %ge3A_1406 = arith.cmpf oge, %add3A_1403, %ge3A_1405 : vector<88x128xf32>
    %mul3A_1407 = arith.constant 0.00999999977 : f32
    %mul3A_1408 = vector.broadcast %mul3A_1407 : f32 to vector<88x128xf32>
    %mul3A_1409 = arith.mulf %mul3A_1408, %add3A_1403 : vector<88x128xf32>
    %select_n3A_1410 = arith.select %ge3A_1406, %add3A_1403, %mul3A_1409 : vector<88x128xi1>, vector<88x128xf32>
    %swap3A_1411 = arith.constant 1056 : index
    %swap3A_1412 = arith.constant 0 : index
    %swap3A_1413 = vector.load %arg15[%swap3A_1411, %swap3A_1412] : memref<2816x128xf32, #tpu.memory_space<vmem>>, vector<88x128xf32>
    tpu.vector_store %arg15[%swap3A_1411, %swap3A_1412], %select_n3A_1410 {strides = array<i32>} : memref<2816x128xf32, #tpu.memory_space<vmem>>, vector<88x128xf32>,
    %get3A_1414 = arith.constant 1144 : index
    %get3A_1415 = arith.constant 0 : index
    %get3A_1416 = vector.load %arg13[%get3A_1414, %get3A_1415] : memref<2816x512xf32, #tpu.memory_space<vmem>>, vector<88x128xf32>
    %get3A_1417 = arith.constant 1144 : index
    %get3A_1418 = arith.constant 128 : index
    %get3A_1419 = vector.load %arg13[%get3A_1417, %get3A_1418] : memref<2816x512xf32, #tpu.memory_space<vmem>>, vector<88x128xf32>
    %dot_general3A_1420 = arith.constant dense<0.000000e+00> : vector<88x88xf32>
    %dot_general3A_1421 = tpu.matmul %get3A_1416, %get3A_1419, %dot_general3A_1420 {dimension_numbers = #tpu.dot_dimension_numbers<[1], [1], [0], [0], [0, 0, 1, 0], [], []>, precision = #tpu.contract_precision<fp32>, transpose_lhs_hint = false} : vector<88x128xf32>, vector<88x128xf32>, vector<88x88xf32> -> vector<88x88xf32>
    %get3A_1422 = arith.constant 13 : index
    %get3A_1423 = arith.constant 0 : index
    %get3A_1424 = arith.constant 0 : index
    %get3A_1425 = vector.load %arg16[%get3A_1422, %get3A_1423, %get3A_1424] : memref<32x88x88xf32, #tpu.memory_space<vmem>>, vector<1x88x88xf32>
    %get3A_1426 = vector.shape_cast %get3A_1425 : vector<1x88x88xf32> to vector<88x88xf32>
    %add3A_1427 = arith.addf %dot_general3A_1421, %get3A_1426 : vector<88x88xf32>
    %exp3A_1428 = math.exp %add3A_1427 : vector<88x88xf32>
    %get3A_1429 = arith.constant 1144 : index
    %get3A_1430 = arith.constant 0 : index
    %get3A_1431 = vector.load %arg14[%get3A_1429, %get3A_1430] : memref<2816x256xf32, #tpu.memory_space<vmem>>, vector<88x256xf32>
    %dot_general3A_1432 = arith.constant dense<0.000000e+00> : vector<88x256xf32>
    %dot_general3A_1433 = tpu.matmul %exp3A_1428, %get3A_1431, %dot_general3A_1432 {dimension_numbers = #tpu.dot_dimension_numbers<[1], [0], [0], [1], [0, 0, 1, 1], [], []>, precision = #tpu.contract_precision<fp32>, transpose_lhs_hint = false} : vector<88x88xf32>, vector<88x256xf32>, vector<88x256xf32> -> vector<88x256xf32>
    %slice3A_1434 = vector.extract_strided_slice %dot_general3A_1433 {offsets = [0, 0], sizes = [88, 128], strides = [1, 1]} : vector<88x256xf32> to vector<88x128xf32>
    %slice3A_1435 = vector.extract_strided_slice %dot_general3A_1433 {offsets = [0, 128], sizes = [88, 128], strides = [1, 1]} : vector<88x256xf32> to vector<88x128xf32>
    %max3A_1436 = arith.constant 1.000000e-16 : f32
    %max3A_1437 = vector.broadcast %max3A_1436 : f32 to vector<88x128xf32>
    %max3A_1438 = arith.maximumf %slice3A_1435, %max3A_1437 : vector<88x128xf32>
    %div3A_1439 = arith.divf %slice3A_1434, %max3A_1438 : vector<88x128xf32>
    %get3A_1440 = arith.constant 1144 : index
    %get3A_1441 = arith.constant 384 : index
    %get3A_1442 = vector.load %arg13[%get3A_1440, %get3A_1441] : memref<2816x512xf32, #tpu.memory_space<vmem>>, vector<88x128xf32>
    %add3A_1443 = arith.addf %div3A_1439, %get3A_1442 : vector<88x128xf32>
    %ge3A_1444 = arith.constant 0.000000e+00 : f32
    %ge3A_1445 = vector.broadcast %ge3A_1444 : f32 to vector<88x128xf32>
    %ge3A_1446 = arith.cmpf oge, %add3A_1443, %ge3A_1445 : vector<88x128xf32>
    %mul3A_1447 = arith.constant 0.00999999977 : f32
    %mul3A_1448 = vector.broadcast %mul3A_1447 : f32 to vector<88x128xf32>
    %mul3A_1449 = arith.mulf %mul3A_1448, %add3A_1443 : vector<88x128xf32>
    %select_n3A_1450 = arith.select %ge3A_1446, %add3A_1443, %mul3A_1449 : vector<88x128xi1>, vector<88x128xf32>
    %swap3A_1451 = arith.constant 1144 : index
    %swap3A_1452 = arith.constant 0 : index
    %swap3A_1453 = vector.load %arg15[%swap3A_1451, %swap3A_1452] : memref<2816x128xf32, #tpu.memory_space<vmem>>, vector<88x128xf32>
    tpu.vector_store %arg15[%swap3A_1451, %swap3A_1452], %select_n3A_1450 {strides = array<i32>} : memref<2816x128xf32, #tpu.memory_space<vmem>>, vector<88x128xf32>,
    %get3A_1454 = arith.constant 1232 : index
    %get3A_1455 = arith.constant 0 : index
    %get3A_1456 = vector.load %arg13[%get3A_1454, %get3A_1455] : memref<2816x512xf32, #tpu.memory_space<vmem>>, vector<88x128xf32>
    %get3A_1457 = arith.constant 1232 : index
    %get3A_1458 = arith.constant 128 : index
    %get3A_1459 = vector.load %arg13[%get3A_1457, %get3A_1458] : memref<2816x512xf32, #tpu.memory_space<vmem>>, vector<88x128xf32>
    %dot_general3A_1460 = arith.constant dense<0.000000e+00> : vector<88x88xf32>
    %dot_general3A_1461 = tpu.matmul %get3A_1456, %get3A_1459, %dot_general3A_1460 {dimension_numbers = #tpu.dot_dimension_numbers<[1], [1], [0], [0], [0, 0, 1, 0], [], []>, precision = #tpu.contract_precision<fp32>, transpose_lhs_hint = false} : vector<88x128xf32>, vector<88x128xf32>, vector<88x88xf32> -> vector<88x88xf32>
    %get3A_1462 = arith.constant 14 : index
    %get3A_1463 = arith.constant 0 : index
    %get3A_1464 = arith.constant 0 : index
    %get3A_1465 = vector.load %arg16[%get3A_1462, %get3A_1463, %get3A_1464] : memref<32x88x88xf32, #tpu.memory_space<vmem>>, vector<1x88x88xf32>
    %get3A_1466 = vector.shape_cast %get3A_1465 : vector<1x88x88xf32> to vector<88x88xf32>
    %add3A_1467 = arith.addf %dot_general3A_1461, %get3A_1466 : vector<88x88xf32>
    %exp3A_1468 = math.exp %add3A_1467 : vector<88x88xf32>
    %get3A_1469 = arith.constant 1232 : index
    %get3A_1470 = arith.constant 0 : index
    %get3A_1471 = vector.load %arg14[%get3A_1469, %get3A_1470] : memref<2816x256xf32, #tpu.memory_space<vmem>>, vector<88x256xf32>
    %dot_general3A_1472 = arith.constant dense<0.000000e+00> : vector<88x256xf32>
    %dot_general3A_1473 = tpu.matmul %exp3A_1468, %get3A_1471, %dot_general3A_1472 {dimension_numbers = #tpu.dot_dimension_numbers<[1], [0], [0], [1], [0, 0, 1, 1], [], []>, precision = #tpu.contract_precision<fp32>, transpose_lhs_hint = false} : vector<88x88xf32>, vector<88x256xf32>, vector<88x256xf32> -> vector<88x256xf32>
    %slice3A_1474 = vector.extract_strided_slice %dot_general3A_1473 {offsets = [0, 0], sizes = [88, 128], strides = [1, 1]} : vector<88x256xf32> to vector<88x128xf32>
    %slice3A_1475 = vector.extract_strided_slice %dot_general3A_1473 {offsets = [0, 128], sizes = [88, 128], strides = [1, 1]} : vector<88x256xf32> to vector<88x128xf32>
    %max3A_1476 = arith.constant 1.000000e-16 : f32
    %max3A_1477 = vector.broadcast %max3A_1476 : f32 to vector<88x128xf32>
    %max3A_1478 = arith.maximumf %slice3A_1475, %max3A_1477 : vector<88x128xf32>
    %div3A_1479 = arith.divf %slice3A_1474, %max3A_1478 : vector<88x128xf32>
    %get3A_1480 = arith.constant 1232 : index
    %get3A_1481 = arith.constant 384 : index
    %get3A_1482 = vector.load %arg13[%get3A_1480, %get3A_1481] : memref<2816x512xf32, #tpu.memory_space<vmem>>, vector<88x128xf32>
    %add3A_1483 = arith.addf %div3A_1479, %get3A_1482 : vector<88x128xf32>
    %ge3A_1484 = arith.constant 0.000000e+00 : f32
    %ge3A_1485 = vector.broadcast %ge3A_1484 : f32 to vector<88x128xf32>
    %ge3A_1486 = arith.cmpf oge, %add3A_1483, %ge3A_1485 : vector<88x128xf32>
    %mul3A_1487 = arith.constant 0.00999999977 : f32
    %mul3A_1488 = vector.broadcast %mul3A_1487 : f32 to vector<88x128xf32>
    %mul3A_1489 = arith.mulf %mul3A_1488, %add3A_1483 : vector<88x128xf32>
    %select_n3A_1490 = arith.select %ge3A_1486, %add3A_1483, %mul3A_1489 : vector<88x128xi1>, vector<88x128xf32>
    %swap3A_1491 = arith.constant 1232 : index
    %swap3A_1492 = arith.constant 0 : index
    %swap3A_1493 = vector.load %arg15[%swap3A_1491, %swap3A_1492] : memref<2816x128xf32, #tpu.memory_space<vmem>>, vector<88x128xf32>
    tpu.vector_store %arg15[%swap3A_1491, %swap3A_1492], %select_n3A_1490 {strides = array<i32>} : memref<2816x128xf32, #tpu.memory_space<vmem>>, vector<88x128xf32>,
    %get3A_1494 = arith.constant 1320 : index
    %get3A_1495 = arith.constant 0 : index
    %get3A_1496 = vector.load %arg13[%get3A_1494, %get3A_1495] : memref<2816x512xf32, #tpu.memory_space<vmem>>, vector<88x128xf32>
    %get3A_1497 = arith.constant 1320 : index
    %get3A_1498 = arith.constant 128 : index
    %get3A_1499 = vector.load %arg13[%get3A_1497, %get3A_1498] : memref<2816x512xf32, #tpu.memory_space<vmem>>, vector<88x128xf32>
    %dot_general3A_1500 = arith.constant dense<0.000000e+00> : vector<88x88xf32>
    %dot_general3A_1501 = tpu.matmul %get3A_1496, %get3A_1499, %dot_general3A_1500 {dimension_numbers = #tpu.dot_dimension_numbers<[1], [1], [0], [0], [0, 0, 1, 0], [], []>, precision = #tpu.contract_precision<fp32>, transpose_lhs_hint = false} : vector<88x128xf32>, vector<88x128xf32>, vector<88x88xf32> -> vector<88x88xf32>
    %get3A_1502 = arith.constant 15 : index
    %get3A_1503 = arith.constant 0 : index
    %get3A_1504 = arith.constant 0 : index
    %get3A_1505 = vector.load %arg16[%get3A_1502, %get3A_1503, %get3A_1504] : memref<32x88x88xf32, #tpu.memory_space<vmem>>, vector<1x88x88xf32>
    %get3A_1506 = vector.shape_cast %get3A_1505 : vector<1x88x88xf32> to vector<88x88xf32>
    %add3A_1507 = arith.addf %dot_general3A_1501, %get3A_1506 : vector<88x88xf32>
    %exp3A_1508 = math.exp %add3A_1507 : vector<88x88xf32>
    %get3A_1509 = arith.constant 1320 : index
    %get3A_1510 = arith.constant 0 : index
    %get3A_1511 = vector.load %arg14[%get3A_1509, %get3A_1510] : memref<2816x256xf32, #tpu.memory_space<vmem>>, vector<88x256xf32>
    %dot_general3A_1512 = arith.constant dense<0.000000e+00> : vector<88x256xf32>
    %dot_general3A_1513 = tpu.matmul %exp3A_1508, %get3A_1511, %dot_general3A_1512 {dimension_numbers = #tpu.dot_dimension_numbers<[1], [0], [0], [1], [0, 0, 1, 1], [], []>, precision = #tpu.contract_precision<fp32>, transpose_lhs_hint = false} : vector<88x88xf32>, vector<88x256xf32>, vector<88x256xf32> -> vector<88x256xf32>
    %slice3A_1514 = vector.extract_strided_slice %dot_general3A_1513 {offsets = [0, 0], sizes = [88, 128], strides = [1, 1]} : vector<88x256xf32> to vector<88x128xf32>
    %slice3A_1515 = vector.extract_strided_slice %dot_general3A_1513 {offsets = [0, 128], sizes = [88, 128], strides = [1, 1]} : vector<88x256xf32> to vector<88x128xf32>
    %max3A_1516 = arith.constant 1.000000e-16 : f32
    %max3A_1517 = vector.broadcast %max3A_1516 : f32 to vector<88x128xf32>
    %max3A_1518 = arith.maximumf %slice3A_1515, %max3A_1517 : vector<88x128xf32>
    %div3A_1519 = arith.divf %slice3A_1514, %max3A_1518 : vector<88x128xf32>
    %get3A_1520 = arith.constant 1320 : index
    %get3A_1521 = arith.constant 384 : index
    %get3A_1522 = vector.load %arg13[%get3A_1520, %get3A_1521] : memref<2816x512xf32, #tpu.memory_space<vmem>>, vector<88x128xf32>
    %add3A_1523 = arith.addf %div3A_1519, %get3A_1522 : vector<88x128xf32>
    %ge3A_1524 = arith.constant 0.000000e+00 : f32
    %ge3A_1525 = vector.broadcast %ge3A_1524 : f32 to vector<88x128xf32>
    %ge3A_1526 = arith.cmpf oge, %add3A_1523, %ge3A_1525 : vector<88x128xf32>
    %mul3A_1527 = arith.constant 0.00999999977 : f32
    %mul3A_1528 = vector.broadcast %mul3A_1527 : f32 to vector<88x128xf32>
    %mul3A_1529 = arith.mulf %mul3A_1528, %add3A_1523 : vector<88x128xf32>
    %select_n3A_1530 = arith.select %ge3A_1526, %add3A_1523, %mul3A_1529 : vector<88x128xi1>, vector<88x128xf32>
    %swap3A_1531 = arith.constant 1320 : index
    %swap3A_1532 = arith.constant 0 : index
    %swap3A_1533 = vector.load %arg15[%swap3A_1531, %swap3A_1532] : memref<2816x128xf32, #tpu.memory_space<vmem>>, vector<88x128xf32>
    tpu.vector_store %arg15[%swap3A_1531, %swap3A_1532], %select_n3A_1530 {strides = array<i32>} : memref<2816x128xf32, #tpu.memory_space<vmem>>, vector<88x128xf32>,
    %get3A_1534 = arith.constant 1408 : index
    %get3A_1535 = arith.constant 0 : index
    %get3A_1536 = vector.load %arg13[%get3A_1534, %get3A_1535] : memref<2816x512xf32, #tpu.memory_space<vmem>>, vector<88x128xf32>
    %get3A_1537 = arith.constant 1408 : index
    %get3A_1538 = arith.constant 128 : index
    %get3A_1539 = vector.load %arg13[%get3A_1537, %get3A_1538] : memref<2816x512xf32, #tpu.memory_space<vmem>>, vector<88x128xf32>
    %dot_general3A_1540 = arith.constant dense<0.000000e+00> : vector<88x88xf32>
    %dot_general3A_1541 = tpu.matmul %get3A_1536, %get3A_1539, %dot_general3A_1540 {dimension_numbers = #tpu.dot_dimension_numbers<[1], [1], [0], [0], [0, 0, 1, 0], [], []>, precision = #tpu.contract_precision<fp32>, transpose_lhs_hint = false} : vector<88x128xf32>, vector<88x128xf32>, vector<88x88xf32> -> vector<88x88xf32>
    %get3A_1542 = arith.constant 16 : index
    %get3A_1543 = arith.constant 0 : index
    %get3A_1544 = arith.constant 0 : index
    %get3A_1545 = vector.load %arg16[%get3A_1542, %get3A_1543, %get3A_1544] : memref<32x88x88xf32, #tpu.memory_space<vmem>>, vector<1x88x88xf32>
    %get3A_1546 = vector.shape_cast %get3A_1545 : vector<1x88x88xf32> to vector<88x88xf32>
    %add3A_1547 = arith.addf %dot_general3A_1541, %get3A_1546 : vector<88x88xf32>
    %exp3A_1548 = math.exp %add3A_1547 : vector<88x88xf32>
    %get3A_1549 = arith.constant 1408 : index
    %get3A_1550 = arith.constant 0 : index
    %get3A_1551 = vector.load %arg14[%get3A_1549, %get3A_1550] : memref<2816x256xf32, #tpu.memory_space<vmem>>, vector<88x256xf32>
    %dot_general3A_1552 = arith.constant dense<0.000000e+00> : vector<88x256xf32>
    %dot_general3A_1553 = tpu.matmul %exp3A_1548, %get3A_1551, %dot_general3A_1552 {dimension_numbers = #tpu.dot_dimension_numbers<[1], [0], [0], [1], [0, 0, 1, 1], [], []>, precision = #tpu.contract_precision<fp32>, transpose_lhs_hint = false} : vector<88x88xf32>, vector<88x256xf32>, vector<88x256xf32> -> vector<88x256xf32>
    %slice3A_1554 = vector.extract_strided_slice %dot_general3A_1553 {offsets = [0, 0], sizes = [88, 128], strides = [1, 1]} : vector<88x256xf32> to vector<88x128xf32>
    %slice3A_1555 = vector.extract_strided_slice %dot_general3A_1553 {offsets = [0, 128], sizes = [88, 128], strides = [1, 1]} : vector<88x256xf32> to vector<88x128xf32>
    %max3A_1556 = arith.constant 1.000000e-16 : f32
    %max3A_1557 = vector.broadcast %max3A_1556 : f32 to vector<88x128xf32>
    %max3A_1558 = arith.maximumf %slice3A_1555, %max3A_1557 : vector<88x128xf32>
    %div3A_1559 = arith.divf %slice3A_1554, %max3A_1558 : vector<88x128xf32>
    %get3A_1560 = arith.constant 1408 : index
    %get3A_1561 = arith.constant 384 : index
    %get3A_1562 = vector.load %arg13[%get3A_1560, %get3A_1561] : memref<2816x512xf32, #tpu.memory_space<vmem>>, vector<88x128xf32>
    %add3A_1563 = arith.addf %div3A_1559, %get3A_1562 : vector<88x128xf32>
    %ge3A_1564 = arith.constant 0.000000e+00 : f32
    %ge3A_1565 = vector.broadcast %ge3A_1564 : f32 to vector<88x128xf32>
    %ge3A_1566 = arith.cmpf oge, %add3A_1563, %ge3A_1565 : vector<88x128xf32>
    %mul3A_1567 = arith.constant 0.00999999977 : f32
    %mul3A_1568 = vector.broadcast %mul3A_1567 : f32 to vector<88x128xf32>
    %mul3A_1569 = arith.mulf %mul3A_1568, %add3A_1563 : vector<88x128xf32>
    %select_n3A_1570 = arith.select %ge3A_1566, %add3A_1563, %mul3A_1569 : vector<88x128xi1>, vector<88x128xf32>
    %swap3A_1571 = arith.constant 1408 : index
    %swap3A_1572 = arith.constant 0 : index
    %swap3A_1573 = vector.load %arg15[%swap3A_1571, %swap3A_1572] : memref<2816x128xf32, #tpu.memory_space<vmem>>, vector<88x128xf32>
    tpu.vector_store %arg15[%swap3A_1571, %swap3A_1572], %select_n3A_1570 {strides = array<i32>} : memref<2816x128xf32, #tpu.memory_space<vmem>>, vector<88x128xf32>,
    %get3A_1574 = arith.constant 1496 : index
    %get3A_1575 = arith.constant 0 : index
    %get3A_1576 = vector.load %arg13[%get3A_1574, %get3A_1575] : memref<2816x512xf32, #tpu.memory_space<vmem>>, vector<88x128xf32>
    %get3A_1577 = arith.constant 1496 : index
    %get3A_1578 = arith.constant 128 : index
    %get3A_1579 = vector.load %arg13[%get3A_1577, %get3A_1578] : memref<2816x512xf32, #tpu.memory_space<vmem>>, vector<88x128xf32>
    %dot_general3A_1580 = arith.constant dense<0.000000e+00> : vector<88x88xf32>
    %dot_general3A_1581 = tpu.matmul %get3A_1576, %get3A_1579, %dot_general3A_1580 {dimension_numbers = #tpu.dot_dimension_numbers<[1], [1], [0], [0], [0, 0, 1, 0], [], []>, precision = #tpu.contract_precision<fp32>, transpose_lhs_hint = false} : vector<88x128xf32>, vector<88x128xf32>, vector<88x88xf32> -> vector<88x88xf32>
    %get3A_1582 = arith.constant 17 : index
    %get3A_1583 = arith.constant 0 : index
    %get3A_1584 = arith.constant 0 : index
    %get3A_1585 = vector.load %arg16[%get3A_1582, %get3A_1583, %get3A_1584] : memref<32x88x88xf32, #tpu.memory_space<vmem>>, vector<1x88x88xf32>
    %get3A_1586 = vector.shape_cast %get3A_1585 : vector<1x88x88xf32> to vector<88x88xf32>
    %add3A_1587 = arith.addf %dot_general3A_1581, %get3A_1586 : vector<88x88xf32>
    %exp3A_1588 = math.exp %add3A_1587 : vector<88x88xf32>
    %get3A_1589 = arith.constant 1496 : index
    %get3A_1590 = arith.constant 0 : index
    %get3A_1591 = vector.load %arg14[%get3A_1589, %get3A_1590] : memref<2816x256xf32, #tpu.memory_space<vmem>>, vector<88x256xf32>
    %dot_general3A_1592 = arith.constant dense<0.000000e+00> : vector<88x256xf32>
    %dot_general3A_1593 = tpu.matmul %exp3A_1588, %get3A_1591, %dot_general3A_1592 {dimension_numbers = #tpu.dot_dimension_numbers<[1], [0], [0], [1], [0, 0, 1, 1], [], []>, precision = #tpu.contract_precision<fp32>, transpose_lhs_hint = false} : vector<88x88xf32>, vector<88x256xf32>, vector<88x256xf32> -> vector<88x256xf32>
    %slice3A_1594 = vector.extract_strided_slice %dot_general3A_1593 {offsets = [0, 0], sizes = [88, 128], strides = [1, 1]} : vector<88x256xf32> to vector<88x128xf32>
    %slice3A_1595 = vector.extract_strided_slice %dot_general3A_1593 {offsets = [0, 128], sizes = [88, 128], strides = [1, 1]} : vector<88x256xf32> to vector<88x128xf32>
    %max3A_1596 = arith.constant 1.000000e-16 : f32
    %max3A_1597 = vector.broadcast %max3A_1596 : f32 to vector<88x128xf32>
    %max3A_1598 = arith.maximumf %slice3A_1595, %max3A_1597 : vector<88x128xf32>
    %div3A_1599 = arith.divf %slice3A_1594, %max3A_1598 : vector<88x128xf32>
    %get3A_1600 = arith.constant 1496 : index
    %get3A_1601 = arith.constant 384 : index
    %get3A_1602 = vector.load %arg13[%get3A_1600, %get3A_1601] : memref<2816x512xf32, #tpu.memory_space<vmem>>, vector<88x128xf32>
    %add3A_1603 = arith.addf %div3A_1599, %get3A_1602 : vector<88x128xf32>
    %ge3A_1604 = arith.constant 0.000000e+00 : f32
    %ge3A_1605 = vector.broadcast %ge3A_1604 : f32 to vector<88x128xf32>
    %ge3A_1606 = arith.cmpf oge, %add3A_1603, %ge3A_1605 : vector<88x128xf32>
    %mul3A_1607 = arith.constant 0.00999999977 : f32
    %mul3A_1608 = vector.broadcast %mul3A_1607 : f32 to vector<88x128xf32>
    %mul3A_1609 = arith.mulf %mul3A_1608, %add3A_1603 : vector<88x128xf32>
    %select_n3A_1610 = arith.select %ge3A_1606, %add3A_1603, %mul3A_1609 : vector<88x128xi1>, vector<88x128xf32>
    %swap3A_1611 = arith.constant 1496 : index
    %swap3A_1612 = arith.constant 0 : index
    %swap3A_1613 = vector.load %arg15[%swap3A_1611, %swap3A_1612] : memref<2816x128xf32, #tpu.memory_space<vmem>>, vector<88x128xf32>
    tpu.vector_store %arg15[%swap3A_1611, %swap3A_1612], %select_n3A_1610 {strides = array<i32>} : memref<2816x128xf32, #tpu.memory_space<vmem>>, vector<88x128xf32>,
    %get3A_1614 = arith.constant 1584 : index
    %get3A_1615 = arith.constant 0 : index
    %get3A_1616 = vector.load %arg13[%get3A_1614, %get3A_1615] : memref<2816x512xf32, #tpu.memory_space<vmem>>, vector<88x128xf32>
    %get3A_1617 = arith.constant 1584 : index
    %get3A_1618 = arith.constant 128 : index
    %get3A_1619 = vector.load %arg13[%get3A_1617, %get3A_1618] : memref<2816x512xf32, #tpu.memory_space<vmem>>, vector<88x128xf32>
    %dot_general3A_1620 = arith.constant dense<0.000000e+00> : vector<88x88xf32>
    %dot_general3A_1621 = tpu.matmul %get3A_1616, %get3A_1619, %dot_general3A_1620 {dimension_numbers = #tpu.dot_dimension_numbers<[1], [1], [0], [0], [0, 0, 1, 0], [], []>, precision = #tpu.contract_precision<fp32>, transpose_lhs_hint = false} : vector<88x128xf32>, vector<88x128xf32>, vector<88x88xf32> -> vector<88x88xf32>
    %get3A_1622 = arith.constant 18 : index
    %get3A_1623 = arith.constant 0 : index
    %get3A_1624 = arith.constant 0 : index
    %get3A_1625 = vector.load %arg16[%get3A_1622, %get3A_1623, %get3A_1624] : memref<32x88x88xf32, #tpu.memory_space<vmem>>, vector<1x88x88xf32>
    %get3A_1626 = vector.shape_cast %get3A_1625 : vector<1x88x88xf32> to vector<88x88xf32>
    %add3A_1627 = arith.addf %dot_general3A_1621, %get3A_1626 : vector<88x88xf32>
    %exp3A_1628 = math.exp %add3A_1627 : vector<88x88xf32>
    %get3A_1629 = arith.constant 1584 : index
    %get3A_1630 = arith.constant 0 : index
    %get3A_1631 = vector.load %arg14[%get3A_1629, %get3A_1630] : memref<2816x256xf32, #tpu.memory_space<vmem>>, vector<88x256xf32>
    %dot_general3A_1632 = arith.constant dense<0.000000e+00> : vector<88x256xf32>
    %dot_general3A_1633 = tpu.matmul %exp3A_1628, %get3A_1631, %dot_general3A_1632 {dimension_numbers = #tpu.dot_dimension_numbers<[1], [0], [0], [1], [0, 0, 1, 1], [], []>, precision = #tpu.contract_precision<fp32>, transpose_lhs_hint = false} : vector<88x88xf32>, vector<88x256xf32>, vector<88x256xf32> -> vector<88x256xf32>
    %slice3A_1634 = vector.extract_strided_slice %dot_general3A_1633 {offsets = [0, 0], sizes = [88, 128], strides = [1, 1]} : vector<88x256xf32> to vector<88x128xf32>
    %slice3A_1635 = vector.extract_strided_slice %dot_general3A_1633 {offsets = [0, 128], sizes = [88, 128], strides = [1, 1]} : vector<88x256xf32> to vector<88x128xf32>
    %max3A_1636 = arith.constant 1.000000e-16 : f32
    %max3A_1637 = vector.broadcast %max3A_1636 : f32 to vector<88x128xf32>
    %max3A_1638 = arith.maximumf %slice3A_1635, %max3A_1637 : vector<88x128xf32>
    %div3A_1639 = arith.divf %slice3A_1634, %max3A_1638 : vector<88x128xf32>
    %get3A_1640 = arith.constant 1584 : index
    %get3A_1641 = arith.constant 384 : index
    %get3A_1642 = vector.load %arg13[%get3A_1640, %get3A_1641] : memref<2816x512xf32, #tpu.memory_space<vmem>>, vector<88x128xf32>
    %add3A_1643 = arith.addf %div3A_1639, %get3A_1642 : vector<88x128xf32>
    %ge3A_1644 = arith.constant 0.000000e+00 : f32
    %ge3A_1645 = vector.broadcast %ge3A_1644 : f32 to vector<88x128xf32>
    %ge3A_1646 = arith.cmpf oge, %add3A_1643, %ge3A_1645 : vector<88x128xf32>
    %mul3A_1647 = arith.constant 0.00999999977 : f32
    %mul3A_1648 = vector.broadcast %mul3A_1647 : f32 to vector<88x128xf32>
    %mul3A_1649 = arith.mulf %mul3A_1648, %add3A_1643 : vector<88x128xf32>
    %select_n3A_1650 = arith.select %ge3A_1646, %add3A_1643, %mul3A_1649 : vector<88x128xi1>, vector<88x128xf32>
    %swap3A_1651 = arith.constant 1584 : index
    %swap3A_1652 = arith.constant 0 : index
    %swap3A_1653 = vector.load %arg15[%swap3A_1651, %swap3A_1652] : memref<2816x128xf32, #tpu.memory_space<vmem>>, vector<88x128xf32>
    tpu.vector_store %arg15[%swap3A_1651, %swap3A_1652], %select_n3A_1650 {strides = array<i32>} : memref<2816x128xf32, #tpu.memory_space<vmem>>, vector<88x128xf32>,
    %get3A_1654 = arith.constant 1672 : index
    %get3A_1655 = arith.constant 0 : index
    %get3A_1656 = vector.load %arg13[%get3A_1654, %get3A_1655] : memref<2816x512xf32, #tpu.memory_space<vmem>>, vector<88x128xf32>
    %get3A_1657 = arith.constant 1672 : index
    %get3A_1658 = arith.constant 128 : index
    %get3A_1659 = vector.load %arg13[%get3A_1657, %get3A_1658] : memref<2816x512xf32, #tpu.memory_space<vmem>>, vector<88x128xf32>
    %dot_general3A_1660 = arith.constant dense<0.000000e+00> : vector<88x88xf32>
    %dot_general3A_1661 = tpu.matmul %get3A_1656, %get3A_1659, %dot_general3A_1660 {dimension_numbers = #tpu.dot_dimension_numbers<[1], [1], [0], [0], [0, 0, 1, 0], [], []>, precision = #tpu.contract_precision<fp32>, transpose_lhs_hint = false} : vector<88x128xf32>, vector<88x128xf32>, vector<88x88xf32> -> vector<88x88xf32>
    %get3A_1662 = arith.constant 19 : index
    %get3A_1663 = arith.constant 0 : index
    %get3A_1664 = arith.constant 0 : index
    %get3A_1665 = vector.load %arg16[%get3A_1662, %get3A_1663, %get3A_1664] : memref<32x88x88xf32, #tpu.memory_space<vmem>>, vector<1x88x88xf32>
    %get3A_1666 = vector.shape_cast %get3A_1665 : vector<1x88x88xf32> to vector<88x88xf32>
    %add3A_1667 = arith.addf %dot_general3A_1661, %get3A_1666 : vector<88x88xf32>
    %exp3A_1668 = math.exp %add3A_1667 : vector<88x88xf32>
    %get3A_1669 = arith.constant 1672 : index
    %get3A_1670 = arith.constant 0 : index
    %get3A_1671 = vector.load %arg14[%get3A_1669, %get3A_1670] : memref<2816x256xf32, #tpu.memory_space<vmem>>, vector<88x256xf32>
    %dot_general3A_1672 = arith.constant dense<0.000000e+00> : vector<88x256xf32>
    %dot_general3A_1673 = tpu.matmul %exp3A_1668, %get3A_1671, %dot_general3A_1672 {dimension_numbers = #tpu.dot_dimension_numbers<[1], [0], [0], [1], [0, 0, 1, 1], [], []>, precision = #tpu.contract_precision<fp32>, transpose_lhs_hint = false} : vector<88x88xf32>, vector<88x256xf32>, vector<88x256xf32> -> vector<88x256xf32>
    %slice3A_1674 = vector.extract_strided_slice %dot_general3A_1673 {offsets = [0, 0], sizes = [88, 128], strides = [1, 1]} : vector<88x256xf32> to vector<88x128xf32>
    %slice3A_1675 = vector.extract_strided_slice %dot_general3A_1673 {offsets = [0, 128], sizes = [88, 128], strides = [1, 1]} : vector<88x256xf32> to vector<88x128xf32>
    %max3A_1676 = arith.constant 1.000000e-16 : f32
    %max3A_1677 = vector.broadcast %max3A_1676 : f32 to vector<88x128xf32>
    %max3A_1678 = arith.maximumf %slice3A_1675, %max3A_1677 : vector<88x128xf32>
    %div3A_1679 = arith.divf %slice3A_1674, %max3A_1678 : vector<88x128xf32>
    %get3A_1680 = arith.constant 1672 : index
    %get3A_1681 = arith.constant 384 : index
    %get3A_1682 = vector.load %arg13[%get3A_1680, %get3A_1681] : memref<2816x512xf32, #tpu.memory_space<vmem>>, vector<88x128xf32>
    %add3A_1683 = arith.addf %div3A_1679, %get3A_1682 : vector<88x128xf32>
    %ge3A_1684 = arith.constant 0.000000e+00 : f32
    %ge3A_1685 = vector.broadcast %ge3A_1684 : f32 to vector<88x128xf32>
    %ge3A_1686 = arith.cmpf oge, %add3A_1683, %ge3A_1685 : vector<88x128xf32>
    %mul3A_1687 = arith.constant 0.00999999977 : f32
    %mul3A_1688 = vector.broadcast %mul3A_1687 : f32 to vector<88x128xf32>
    %mul3A_1689 = arith.mulf %mul3A_1688, %add3A_1683 : vector<88x128xf32>
    %select_n3A_1690 = arith.select %ge3A_1686, %add3A_1683, %mul3A_1689 : vector<88x128xi1>, vector<88x128xf32>
    %swap3A_1691 = arith.constant 1672 : index
    %swap3A_1692 = arith.constant 0 : index
    %swap3A_1693 = vector.load %arg15[%swap3A_1691, %swap3A_1692] : memref<2816x128xf32, #tpu.memory_space<vmem>>, vector<88x128xf32>
    tpu.vector_store %arg15[%swap3A_1691, %swap3A_1692], %select_n3A_1690 {strides = array<i32>} : memref<2816x128xf32, #tpu.memory_space<vmem>>, vector<88x128xf32>,
    %get3A_1694 = arith.constant 1760 : index
    %get3A_1695 = arith.constant 0 : index
    %get3A_1696 = vector.load %arg13[%get3A_1694, %get3A_1695] : memref<2816x512xf32, #tpu.memory_space<vmem>>, vector<88x128xf32>
    %get3A_1697 = arith.constant 1760 : index
    %get3A_1698 = arith.constant 128 : index
    %get3A_1699 = vector.load %arg13[%get3A_1697, %get3A_1698] : memref<2816x512xf32, #tpu.memory_space<vmem>>, vector<88x128xf32>
    %dot_general3A_1700 = arith.constant dense<0.000000e+00> : vector<88x88xf32>
    %dot_general3A_1701 = tpu.matmul %get3A_1696, %get3A_1699, %dot_general3A_1700 {dimension_numbers = #tpu.dot_dimension_numbers<[1], [1], [0], [0], [0, 0, 1, 0], [], []>, precision = #tpu.contract_precision<fp32>, transpose_lhs_hint = false} : vector<88x128xf32>, vector<88x128xf32>, vector<88x88xf32> -> vector<88x88xf32>
    %get3A_1702 = arith.constant 20 : index
    %get3A_1703 = arith.constant 0 : index
    %get3A_1704 = arith.constant 0 : index
    %get3A_1705 = vector.load %arg16[%get3A_1702, %get3A_1703, %get3A_1704] : memref<32x88x88xf32, #tpu.memory_space<vmem>>, vector<1x88x88xf32>
    %get3A_1706 = vector.shape_cast %get3A_1705 : vector<1x88x88xf32> to vector<88x88xf32>
    %add3A_1707 = arith.addf %dot_general3A_1701, %get3A_1706 : vector<88x88xf32>
    %exp3A_1708 = math.exp %add3A_1707 : vector<88x88xf32>
    %get3A_1709 = arith.constant 1760 : index
    %get3A_1710 = arith.constant 0 : index
    %get3A_1711 = vector.load %arg14[%get3A_1709, %get3A_1710] : memref<2816x256xf32, #tpu.memory_space<vmem>>, vector<88x256xf32>
    %dot_general3A_1712 = arith.constant dense<0.000000e+00> : vector<88x256xf32>
    %dot_general3A_1713 = tpu.matmul %exp3A_1708, %get3A_1711, %dot_general3A_1712 {dimension_numbers = #tpu.dot_dimension_numbers<[1], [0], [0], [1], [0, 0, 1, 1], [], []>, precision = #tpu.contract_precision<fp32>, transpose_lhs_hint = false} : vector<88x88xf32>, vector<88x256xf32>, vector<88x256xf32> -> vector<88x256xf32>
    %slice3A_1714 = vector.extract_strided_slice %dot_general3A_1713 {offsets = [0, 0], sizes = [88, 128], strides = [1, 1]} : vector<88x256xf32> to vector<88x128xf32>
    %slice3A_1715 = vector.extract_strided_slice %dot_general3A_1713 {offsets = [0, 128], sizes = [88, 128], strides = [1, 1]} : vector<88x256xf32> to vector<88x128xf32>
    %max3A_1716 = arith.constant 1.000000e-16 : f32
    %max3A_1717 = vector.broadcast %max3A_1716 : f32 to vector<88x128xf32>
    %max3A_1718 = arith.maximumf %slice3A_1715, %max3A_1717 : vector<88x128xf32>
    %div3A_1719 = arith.divf %slice3A_1714, %max3A_1718 : vector<88x128xf32>
    %get3A_1720 = arith.constant 1760 : index
    %get3A_1721 = arith.constant 384 : index
    %get3A_1722 = vector.load %arg13[%get3A_1720, %get3A_1721] : memref<2816x512xf32, #tpu.memory_space<vmem>>, vector<88x128xf32>
    %add3A_1723 = arith.addf %div3A_1719, %get3A_1722 : vector<88x128xf32>
    %ge3A_1724 = arith.constant 0.000000e+00 : f32
    %ge3A_1725 = vector.broadcast %ge3A_1724 : f32 to vector<88x128xf32>
    %ge3A_1726 = arith.cmpf oge, %add3A_1723, %ge3A_1725 : vector<88x128xf32>
    %mul3A_1727 = arith.constant 0.00999999977 : f32
    %mul3A_1728 = vector.broadcast %mul3A_1727 : f32 to vector<88x128xf32>
    %mul3A_1729 = arith.mulf %mul3A_1728, %add3A_1723 : vector<88x128xf32>
    %select_n3A_1730 = arith.select %ge3A_1726, %add3A_1723, %mul3A_1729 : vector<88x128xi1>, vector<88x128xf32>
    %swap3A_1731 = arith.constant 1760 : index
    %swap3A_1732 = arith.constant 0 : index
    %swap3A_1733 = vector.load %arg15[%swap3A_1731, %swap3A_1732] : memref<2816x128xf32, #tpu.memory_space<vmem>>, vector<88x128xf32>
    tpu.vector_store %arg15[%swap3A_1731, %swap3A_1732], %select_n3A_1730 {strides = array<i32>} : memref<2816x128xf32, #tpu.memory_space<vmem>>, vector<88x128xf32>,
    %get3A_1734 = arith.constant 1848 : index
    %get3A_1735 = arith.constant 0 : index
    %get3A_1736 = vector.load %arg13[%get3A_1734, %get3A_1735] : memref<2816x512xf32, #tpu.memory_space<vmem>>, vector<88x128xf32>
    %get3A_1737 = arith.constant 1848 : index
    %get3A_1738 = arith.constant 128 : index
    %get3A_1739 = vector.load %arg13[%get3A_1737, %get3A_1738] : memref<2816x512xf32, #tpu.memory_space<vmem>>, vector<88x128xf32>
    %dot_general3A_1740 = arith.constant dense<0.000000e+00> : vector<88x88xf32>
    %dot_general3A_1741 = tpu.matmul %get3A_1736, %get3A_1739, %dot_general3A_1740 {dimension_numbers = #tpu.dot_dimension_numbers<[1], [1], [0], [0], [0, 0, 1, 0], [], []>, precision = #tpu.contract_precision<fp32>, transpose_lhs_hint = false} : vector<88x128xf32>, vector<88x128xf32>, vector<88x88xf32> -> vector<88x88xf32>
    %get3A_1742 = arith.constant 21 : index
    %get3A_1743 = arith.constant 0 : index
    %get3A_1744 = arith.constant 0 : index
    %get3A_1745 = vector.load %arg16[%get3A_1742, %get3A_1743, %get3A_1744] : memref<32x88x88xf32, #tpu.memory_space<vmem>>, vector<1x88x88xf32>
    %get3A_1746 = vector.shape_cast %get3A_1745 : vector<1x88x88xf32> to vector<88x88xf32>
    %add3A_1747 = arith.addf %dot_general3A_1741, %get3A_1746 : vector<88x88xf32>
    %exp3A_1748 = math.exp %add3A_1747 : vector<88x88xf32>
    %get3A_1749 = arith.constant 1848 : index
    %get3A_1750 = arith.constant 0 : index
    %get3A_1751 = vector.load %arg14[%get3A_1749, %get3A_1750] : memref<2816x256xf32, #tpu.memory_space<vmem>>, vector<88x256xf32>
    %dot_general3A_1752 = arith.constant dense<0.000000e+00> : vector<88x256xf32>
    %dot_general3A_1753 = tpu.matmul %exp3A_1748, %get3A_1751, %dot_general3A_1752 {dimension_numbers = #tpu.dot_dimension_numbers<[1], [0], [0], [1], [0, 0, 1, 1], [], []>, precision = #tpu.contract_precision<fp32>, transpose_lhs_hint = false} : vector<88x88xf32>, vector<88x256xf32>, vector<88x256xf32> -> vector<88x256xf32>
    %slice3A_1754 = vector.extract_strided_slice %dot_general3A_1753 {offsets = [0, 0], sizes = [88, 128], strides = [1, 1]} : vector<88x256xf32> to vector<88x128xf32>
    %slice3A_1755 = vector.extract_strided_slice %dot_general3A_1753 {offsets = [0, 128], sizes = [88, 128], strides = [1, 1]} : vector<88x256xf32> to vector<88x128xf32>
    %max3A_1756 = arith.constant 1.000000e-16 : f32
    %max3A_1757 = vector.broadcast %max3A_1756 : f32 to vector<88x128xf32>
    %max3A_1758 = arith.maximumf %slice3A_1755, %max3A_1757 : vector<88x128xf32>
    %div3A_1759 = arith.divf %slice3A_1754, %max3A_1758 : vector<88x128xf32>
    %get3A_1760 = arith.constant 1848 : index
    %get3A_1761 = arith.constant 384 : index
    %get3A_1762 = vector.load %arg13[%get3A_1760, %get3A_1761] : memref<2816x512xf32, #tpu.memory_space<vmem>>, vector<88x128xf32>
    %add3A_1763 = arith.addf %div3A_1759, %get3A_1762 : vector<88x128xf32>
    %ge3A_1764 = arith.constant 0.000000e+00 : f32
    %ge3A_1765 = vector.broadcast %ge3A_1764 : f32 to vector<88x128xf32>
    %ge3A_1766 = arith.cmpf oge, %add3A_1763, %ge3A_1765 : vector<88x128xf32>
    %mul3A_1767 = arith.constant 0.00999999977 : f32
    %mul3A_1768 = vector.broadcast %mul3A_1767 : f32 to vector<88x128xf32>
    %mul3A_1769 = arith.mulf %mul3A_1768, %add3A_1763 : vector<88x128xf32>
    %select_n3A_1770 = arith.select %ge3A_1766, %add3A_1763, %mul3A_1769 : vector<88x128xi1>, vector<88x128xf32>
    %swap3A_1771 = arith.constant 1848 : index
    %swap3A_1772 = arith.constant 0 : index
    %swap3A_1773 = vector.load %arg15[%swap3A_1771, %swap3A_1772] : memref<2816x128xf32, #tpu.memory_space<vmem>>, vector<88x128xf32>
    tpu.vector_store %arg15[%swap3A_1771, %swap3A_1772], %select_n3A_1770 {strides = array<i32>} : memref<2816x128xf32, #tpu.memory_space<vmem>>, vector<88x128xf32>,
    %get3A_1774 = arith.constant 1936 : index
    %get3A_1775 = arith.constant 0 : index
    %get3A_1776 = vector.load %arg13[%get3A_1774, %get3A_1775] : memref<2816x512xf32, #tpu.memory_space<vmem>>, vector<88x128xf32>
    %get3A_1777 = arith.constant 1936 : index
    %get3A_1778 = arith.constant 128 : index
    %get3A_1779 = vector.load %arg13[%get3A_1777, %get3A_1778] : memref<2816x512xf32, #tpu.memory_space<vmem>>, vector<88x128xf32>
    %dot_general3A_1780 = arith.constant dense<0.000000e+00> : vector<88x88xf32>
    %dot_general3A_1781 = tpu.matmul %get3A_1776, %get3A_1779, %dot_general3A_1780 {dimension_numbers = #tpu.dot_dimension_numbers<[1], [1], [0], [0], [0, 0, 1, 0], [], []>, precision = #tpu.contract_precision<fp32>, transpose_lhs_hint = false} : vector<88x128xf32>, vector<88x128xf32>, vector<88x88xf32> -> vector<88x88xf32>
    %get3A_1782 = arith.constant 22 : index
    %get3A_1783 = arith.constant 0 : index
    %get3A_1784 = arith.constant 0 : index
    %get3A_1785 = vector.load %arg16[%get3A_1782, %get3A_1783, %get3A_1784] : memref<32x88x88xf32, #tpu.memory_space<vmem>>, vector<1x88x88xf32>
    %get3A_1786 = vector.shape_cast %get3A_1785 : vector<1x88x88xf32> to vector<88x88xf32>
    %add3A_1787 = arith.addf %dot_general3A_1781, %get3A_1786 : vector<88x88xf32>
    %exp3A_1788 = math.exp %add3A_1787 : vector<88x88xf32>
    %get3A_1789 = arith.constant 1936 : index
    %get3A_1790 = arith.constant 0 : index
    %get3A_1791 = vector.load %arg14[%get3A_1789, %get3A_1790] : memref<2816x256xf32, #tpu.memory_space<vmem>>, vector<88x256xf32>
    %dot_general3A_1792 = arith.constant dense<0.000000e+00> : vector<88x256xf32>
    %dot_general3A_1793 = tpu.matmul %exp3A_1788, %get3A_1791, %dot_general3A_1792 {dimension_numbers = #tpu.dot_dimension_numbers<[1], [0], [0], [1], [0, 0, 1, 1], [], []>, precision = #tpu.contract_precision<fp32>, transpose_lhs_hint = false} : vector<88x88xf32>, vector<88x256xf32>, vector<88x256xf32> -> vector<88x256xf32>
    %slice3A_1794 = vector.extract_strided_slice %dot_general3A_1793 {offsets = [0, 0], sizes = [88, 128], strides = [1, 1]} : vector<88x256xf32> to vector<88x128xf32>
    %slice3A_1795 = vector.extract_strided_slice %dot_general3A_1793 {offsets = [0, 128], sizes = [88, 128], strides = [1, 1]} : vector<88x256xf32> to vector<88x128xf32>
    %max3A_1796 = arith.constant 1.000000e-16 : f32
    %max3A_1797 = vector.broadcast %max3A_1796 : f32 to vector<88x128xf32>
    %max3A_1798 = arith.maximumf %slice3A_1795, %max3A_1797 : vector<88x128xf32>
    %div3A_1799 = arith.divf %slice3A_1794, %max3A_1798 : vector<88x128xf32>
    %get3A_1800 = arith.constant 1936 : index
    %get3A_1801 = arith.constant 384 : index
    %get3A_1802 = vector.load %arg13[%get3A_1800, %get3A_1801] : memref<2816x512xf32, #tpu.memory_space<vmem>>, vector<88x128xf32>
    %add3A_1803 = arith.addf %div3A_1799, %get3A_1802 : vector<88x128xf32>
    %ge3A_1804 = arith.constant 0.000000e+00 : f32
    %ge3A_1805 = vector.broadcast %ge3A_1804 : f32 to vector<88x128xf32>
    %ge3A_1806 = arith.cmpf oge, %add3A_1803, %ge3A_1805 : vector<88x128xf32>
    %mul3A_1807 = arith.constant 0.00999999977 : f32
    %mul3A_1808 = vector.broadcast %mul3A_1807 : f32 to vector<88x128xf32>
    %mul3A_1809 = arith.mulf %mul3A_1808, %add3A_1803 : vector<88x128xf32>
    %select_n3A_1810 = arith.select %ge3A_1806, %add3A_1803, %mul3A_1809 : vector<88x128xi1>, vector<88x128xf32>
    %swap3A_1811 = arith.constant 1936 : index
    %swap3A_1812 = arith.constant 0 : index
    %swap3A_1813 = vector.load %arg15[%swap3A_1811, %swap3A_1812] : memref<2816x128xf32, #tpu.memory_space<vmem>>, vector<88x128xf32>
    tpu.vector_store %arg15[%swap3A_1811, %swap3A_1812], %select_n3A_1810 {strides = array<i32>} : memref<2816x128xf32, #tpu.memory_space<vmem>>, vector<88x128xf32>,
    %get3A_1814 = arith.constant 2024 : index
    %get3A_1815 = arith.constant 0 : index
    %get3A_1816 = vector.load %arg13[%get3A_1814, %get3A_1815] : memref<2816x512xf32, #tpu.memory_space<vmem>>, vector<88x128xf32>
    %get3A_1817 = arith.constant 2024 : index
    %get3A_1818 = arith.constant 128 : index
    %get3A_1819 = vector.load %arg13[%get3A_1817, %get3A_1818] : memref<2816x512xf32, #tpu.memory_space<vmem>>, vector<88x128xf32>
    %dot_general3A_1820 = arith.constant dense<0.000000e+00> : vector<88x88xf32>
    %dot_general3A_1821 = tpu.matmul %get3A_1816, %get3A_1819, %dot_general3A_1820 {dimension_numbers = #tpu.dot_dimension_numbers<[1], [1], [0], [0], [0, 0, 1, 0], [], []>, precision = #tpu.contract_precision<fp32>, transpose_lhs_hint = false} : vector<88x128xf32>, vector<88x128xf32>, vector<88x88xf32> -> vector<88x88xf32>
    %get3A_1822 = arith.constant 23 : index
    %get3A_1823 = arith.constant 0 : index
    %get3A_1824 = arith.constant 0 : index
    %get3A_1825 = vector.load %arg16[%get3A_1822, %get3A_1823, %get3A_1824] : memref<32x88x88xf32, #tpu.memory_space<vmem>>, vector<1x88x88xf32>
    %get3A_1826 = vector.shape_cast %get3A_1825 : vector<1x88x88xf32> to vector<88x88xf32>
    %add3A_1827 = arith.addf %dot_general3A_1821, %get3A_1826 : vector<88x88xf32>
    %exp3A_1828 = math.exp %add3A_1827 : vector<88x88xf32>
    %get3A_1829 = arith.constant 2024 : index
    %get3A_1830 = arith.constant 0 : index
    %get3A_1831 = vector.load %arg14[%get3A_1829, %get3A_1830] : memref<2816x256xf32, #tpu.memory_space<vmem>>, vector<88x256xf32>
    %dot_general3A_1832 = arith.constant dense<0.000000e+00> : vector<88x256xf32>
    %dot_general3A_1833 = tpu.matmul %exp3A_1828, %get3A_1831, %dot_general3A_1832 {dimension_numbers = #tpu.dot_dimension_numbers<[1], [0], [0], [1], [0, 0, 1, 1], [], []>, precision = #tpu.contract_precision<fp32>, transpose_lhs_hint = false} : vector<88x88xf32>, vector<88x256xf32>, vector<88x256xf32> -> vector<88x256xf32>
    %slice3A_1834 = vector.extract_strided_slice %dot_general3A_1833 {offsets = [0, 0], sizes = [88, 128], strides = [1, 1]} : vector<88x256xf32> to vector<88x128xf32>
    %slice3A_1835 = vector.extract_strided_slice %dot_general3A_1833 {offsets = [0, 128], sizes = [88, 128], strides = [1, 1]} : vector<88x256xf32> to vector<88x128xf32>
    %max3A_1836 = arith.constant 1.000000e-16 : f32
    %max3A_1837 = vector.broadcast %max3A_1836 : f32 to vector<88x128xf32>
    %max3A_1838 = arith.maximumf %slice3A_1835, %max3A_1837 : vector<88x128xf32>
    %div3A_1839 = arith.divf %slice3A_1834, %max3A_1838 : vector<88x128xf32>
    %get3A_1840 = arith.constant 2024 : index
    %get3A_1841 = arith.constant 384 : index
    %get3A_1842 = vector.load %arg13[%get3A_1840, %get3A_1841] : memref<2816x512xf32, #tpu.memory_space<vmem>>, vector<88x128xf32>
    %add3A_1843 = arith.addf %div3A_1839, %get3A_1842 : vector<88x128xf32>
    %ge3A_1844 = arith.constant 0.000000e+00 : f32
    %ge3A_1845 = vector.broadcast %ge3A_1844 : f32 to vector<88x128xf32>
    %ge3A_1846 = arith.cmpf oge, %add3A_1843, %ge3A_1845 : vector<88x128xf32>
    %mul3A_1847 = arith.constant 0.00999999977 : f32
    %mul3A_1848 = vector.broadcast %mul3A_1847 : f32 to vector<88x128xf32>
    %mul3A_1849 = arith.mulf %mul3A_1848, %add3A_1843 : vector<88x128xf32>
    %select_n3A_1850 = arith.select %ge3A_1846, %add3A_1843, %mul3A_1849 : vector<88x128xi1>, vector<88x128xf32>
    %swap3A_1851 = arith.constant 2024 : index
    %swap3A_1852 = arith.constant 0 : index
    %swap3A_1853 = vector.load %arg15[%swap3A_1851, %swap3A_1852] : memref<2816x128xf32, #tpu.memory_space<vmem>>, vector<88x128xf32>
    tpu.vector_store %arg15[%swap3A_1851, %swap3A_1852], %select_n3A_1850 {strides = array<i32>} : memref<2816x128xf32, #tpu.memory_space<vmem>>, vector<88x128xf32>,
    %get3A_1854 = arith.constant 2112 : index
    %get3A_1855 = arith.constant 0 : index
    %get3A_1856 = vector.load %arg13[%get3A_1854, %get3A_1855] : memref<2816x512xf32, #tpu.memory_space<vmem>>, vector<88x128xf32>
    %get3A_1857 = arith.constant 2112 : index
    %get3A_1858 = arith.constant 128 : index
    %get3A_1859 = vector.load %arg13[%get3A_1857, %get3A_1858] : memref<2816x512xf32, #tpu.memory_space<vmem>>, vector<88x128xf32>
    %dot_general3A_1860 = arith.constant dense<0.000000e+00> : vector<88x88xf32>
    %dot_general3A_1861 = tpu.matmul %get3A_1856, %get3A_1859, %dot_general3A_1860 {dimension_numbers = #tpu.dot_dimension_numbers<[1], [1], [0], [0], [0, 0, 1, 0], [], []>, precision = #tpu.contract_precision<fp32>, transpose_lhs_hint = false} : vector<88x128xf32>, vector<88x128xf32>, vector<88x88xf32> -> vector<88x88xf32>
    %get3A_1862 = arith.constant 24 : index
    %get3A_1863 = arith.constant 0 : index
    %get3A_1864 = arith.constant 0 : index
    %get3A_1865 = vector.load %arg16[%get3A_1862, %get3A_1863, %get3A_1864] : memref<32x88x88xf32, #tpu.memory_space<vmem>>, vector<1x88x88xf32>
    %get3A_1866 = vector.shape_cast %get3A_1865 : vector<1x88x88xf32> to vector<88x88xf32>
    %add3A_1867 = arith.addf %dot_general3A_1861, %get3A_1866 : vector<88x88xf32>
    %exp3A_1868 = math.exp %add3A_1867 : vector<88x88xf32>
    %get3A_1869 = arith.constant 2112 : index
    %get3A_1870 = arith.constant 0 : index
    %get3A_1871 = vector.load %arg14[%get3A_1869, %get3A_1870] : memref<2816x256xf32, #tpu.memory_space<vmem>>, vector<88x256xf32>
    %dot_general3A_1872 = arith.constant dense<0.000000e+00> : vector<88x256xf32>
    %dot_general3A_1873 = tpu.matmul %exp3A_1868, %get3A_1871, %dot_general3A_1872 {dimension_numbers = #tpu.dot_dimension_numbers<[1], [0], [0], [1], [0, 0, 1, 1], [], []>, precision = #tpu.contract_precision<fp32>, transpose_lhs_hint = false} : vector<88x88xf32>, vector<88x256xf32>, vector<88x256xf32> -> vector<88x256xf32>
    %slice3A_1874 = vector.extract_strided_slice %dot_general3A_1873 {offsets = [0, 0], sizes = [88, 128], strides = [1, 1]} : vector<88x256xf32> to vector<88x128xf32>
    %slice3A_1875 = vector.extract_strided_slice %dot_general3A_1873 {offsets = [0, 128], sizes = [88, 128], strides = [1, 1]} : vector<88x256xf32> to vector<88x128xf32>
    %max3A_1876 = arith.constant 1.000000e-16 : f32
    %max3A_1877 = vector.broadcast %max3A_1876 : f32 to vector<88x128xf32>
    %max3A_1878 = arith.maximumf %slice3A_1875, %max3A_1877 : vector<88x128xf32>
    %div3A_1879 = arith.divf %slice3A_1874, %max3A_1878 : vector<88x128xf32>
    %get3A_1880 = arith.constant 2112 : index
    %get3A_1881 = arith.constant 384 : index
    %get3A_1882 = vector.load %arg13[%get3A_1880, %get3A_1881] : memref<2816x512xf32, #tpu.memory_space<vmem>>, vector<88x128xf32>
    %add3A_1883 = arith.addf %div3A_1879, %get3A_1882 : vector<88x128xf32>
    %ge3A_1884 = arith.constant 0.000000e+00 : f32
    %ge3A_1885 = vector.broadcast %ge3A_1884 : f32 to vector<88x128xf32>
    %ge3A_1886 = arith.cmpf oge, %add3A_1883, %ge3A_1885 : vector<88x128xf32>
    %mul3A_1887 = arith.constant 0.00999999977 : f32
    %mul3A_1888 = vector.broadcast %mul3A_1887 : f32 to vector<88x128xf32>
    %mul3A_1889 = arith.mulf %mul3A_1888, %add3A_1883 : vector<88x128xf32>
    %select_n3A_1890 = arith.select %ge3A_1886, %add3A_1883, %mul3A_1889 : vector<88x128xi1>, vector<88x128xf32>
    %swap3A_1891 = arith.constant 2112 : index
    %swap3A_1892 = arith.constant 0 : index
    %swap3A_1893 = vector.load %arg15[%swap3A_1891, %swap3A_1892] : memref<2816x128xf32, #tpu.memory_space<vmem>>, vector<88x128xf32>
    tpu.vector_store %arg15[%swap3A_1891, %swap3A_1892], %select_n3A_1890 {strides = array<i32>} : memref<2816x128xf32, #tpu.memory_space<vmem>>, vector<88x128xf32>,
    %get3A_1894 = arith.constant 2200 : index
    %get3A_1895 = arith.constant 0 : index
    %get3A_1896 = vector.load %arg13[%get3A_1894, %get3A_1895] : memref<2816x512xf32, #tpu.memory_space<vmem>>, vector<88x128xf32>
    %get3A_1897 = arith.constant 2200 : index
    %get3A_1898 = arith.constant 128 : index
    %get3A_1899 = vector.load %arg13[%get3A_1897, %get3A_1898] : memref<2816x512xf32, #tpu.memory_space<vmem>>, vector<88x128xf32>
    %dot_general3A_1900 = arith.constant dense<0.000000e+00> : vector<88x88xf32>
    %dot_general3A_1901 = tpu.matmul %get3A_1896, %get3A_1899, %dot_general3A_1900 {dimension_numbers = #tpu.dot_dimension_numbers<[1], [1], [0], [0], [0, 0, 1, 0], [], []>, precision = #tpu.contract_precision<fp32>, transpose_lhs_hint = false} : vector<88x128xf32>, vector<88x128xf32>, vector<88x88xf32> -> vector<88x88xf32>
    %get3A_1902 = arith.constant 25 : index
    %get3A_1903 = arith.constant 0 : index
    %get3A_1904 = arith.constant 0 : index
    %get3A_1905 = vector.load %arg16[%get3A_1902, %get3A_1903, %get3A_1904] : memref<32x88x88xf32, #tpu.memory_space<vmem>>, vector<1x88x88xf32>
    %get3A_1906 = vector.shape_cast %get3A_1905 : vector<1x88x88xf32> to vector<88x88xf32>
    %add3A_1907 = arith.addf %dot_general3A_1901, %get3A_1906 : vector<88x88xf32>
    %exp3A_1908 = math.exp %add3A_1907 : vector<88x88xf32>
    %get3A_1909 = arith.constant 2200 : index
    %get3A_1910 = arith.constant 0 : index
    %get3A_1911 = vector.load %arg14[%get3A_1909, %get3A_1910] : memref<2816x256xf32, #tpu.memory_space<vmem>>, vector<88x256xf32>
    %dot_general3A_1912 = arith.constant dense<0.000000e+00> : vector<88x256xf32>
    %dot_general3A_1913 = tpu.matmul %exp3A_1908, %get3A_1911, %dot_general3A_1912 {dimension_numbers = #tpu.dot_dimension_numbers<[1], [0], [0], [1], [0, 0, 1, 1], [], []>, precision = #tpu.contract_precision<fp32>, transpose_lhs_hint = false} : vector<88x88xf32>, vector<88x256xf32>, vector<88x256xf32> -> vector<88x256xf32>
    %slice3A_1914 = vector.extract_strided_slice %dot_general3A_1913 {offsets = [0, 0], sizes = [88, 128], strides = [1, 1]} : vector<88x256xf32> to vector<88x128xf32>
    %slice3A_1915 = vector.extract_strided_slice %dot_general3A_1913 {offsets = [0, 128], sizes = [88, 128], strides = [1, 1]} : vector<88x256xf32> to vector<88x128xf32>
    %max3A_1916 = arith.constant 1.000000e-16 : f32
    %max3A_1917 = vector.broadcast %max3A_1916 : f32 to vector<88x128xf32>
    %max3A_1918 = arith.maximumf %slice3A_1915, %max3A_1917 : vector<88x128xf32>
    %div3A_1919 = arith.divf %slice3A_1914, %max3A_1918 : vector<88x128xf32>
    %get3A_1920 = arith.constant 2200 : index
    %get3A_1921 = arith.constant 384 : index
    %get3A_1922 = vector.load %arg13[%get3A_1920, %get3A_1921] : memref<2816x512xf32, #tpu.memory_space<vmem>>, vector<88x128xf32>
    %add3A_1923 = arith.addf %div3A_1919, %get3A_1922 : vector<88x128xf32>
    %ge3A_1924 = arith.constant 0.000000e+00 : f32
    %ge3A_1925 = vector.broadcast %ge3A_1924 : f32 to vector<88x128xf32>
    %ge3A_1926 = arith.cmpf oge, %add3A_1923, %ge3A_1925 : vector<88x128xf32>
    %mul3A_1927 = arith.constant 0.00999999977 : f32
    %mul3A_1928 = vector.broadcast %mul3A_1927 : f32 to vector<88x128xf32>
    %mul3A_1929 = arith.mulf %mul3A_1928, %add3A_1923 : vector<88x128xf32>
    %select_n3A_1930 = arith.select %ge3A_1926, %add3A_1923, %mul3A_1929 : vector<88x128xi1>, vector<88x128xf32>
    %swap3A_1931 = arith.constant 2200 : index
    %swap3A_1932 = arith.constant 0 : index
    %swap3A_1933 = vector.load %arg15[%swap3A_1931, %swap3A_1932] : memref<2816x128xf32, #tpu.memory_space<vmem>>, vector<88x128xf32>
    tpu.vector_store %arg15[%swap3A_1931, %swap3A_1932], %select_n3A_1930 {strides = array<i32>} : memref<2816x128xf32, #tpu.memory_space<vmem>>, vector<88x128xf32>,
    %get3A_1934 = arith.constant 2288 : index
    %get3A_1935 = arith.constant 0 : index
    %get3A_1936 = vector.load %arg13[%get3A_1934, %get3A_1935] : memref<2816x512xf32, #tpu.memory_space<vmem>>, vector<88x128xf32>
    %get3A_1937 = arith.constant 2288 : index
    %get3A_1938 = arith.constant 128 : index
    %get3A_1939 = vector.load %arg13[%get3A_1937, %get3A_1938] : memref<2816x512xf32, #tpu.memory_space<vmem>>, vector<88x128xf32>
    %dot_general3A_1940 = arith.constant dense<0.000000e+00> : vector<88x88xf32>
    %dot_general3A_1941 = tpu.matmul %get3A_1936, %get3A_1939, %dot_general3A_1940 {dimension_numbers = #tpu.dot_dimension_numbers<[1], [1], [0], [0], [0, 0, 1, 0], [], []>, precision = #tpu.contract_precision<fp32>, transpose_lhs_hint = false} : vector<88x128xf32>, vector<88x128xf32>, vector<88x88xf32> -> vector<88x88xf32>
    %get3A_1942 = arith.constant 26 : index
    %get3A_1943 = arith.constant 0 : index
    %get3A_1944 = arith.constant 0 : index
    %get3A_1945 = vector.load %arg16[%get3A_1942, %get3A_1943, %get3A_1944] : memref<32x88x88xf32, #tpu.memory_space<vmem>>, vector<1x88x88xf32>
    %get3A_1946 = vector.shape_cast %get3A_1945 : vector<1x88x88xf32> to vector<88x88xf32>
    %add3A_1947 = arith.addf %dot_general3A_1941, %get3A_1946 : vector<88x88xf32>
    %exp3A_1948 = math.exp %add3A_1947 : vector<88x88xf32>
    %get3A_1949 = arith.constant 2288 : index
    %get3A_1950 = arith.constant 0 : index
    %get3A_1951 = vector.load %arg14[%get3A_1949, %get3A_1950] : memref<2816x256xf32, #tpu.memory_space<vmem>>, vector<88x256xf32>
    %dot_general3A_1952 = arith.constant dense<0.000000e+00> : vector<88x256xf32>
    %dot_general3A_1953 = tpu.matmul %exp3A_1948, %get3A_1951, %dot_general3A_1952 {dimension_numbers = #tpu.dot_dimension_numbers<[1], [0], [0], [1], [0, 0, 1, 1], [], []>, precision = #tpu.contract_precision<fp32>, transpose_lhs_hint = false} : vector<88x88xf32>, vector<88x256xf32>, vector<88x256xf32> -> vector<88x256xf32>
    %slice3A_1954 = vector.extract_strided_slice %dot_general3A_1953 {offsets = [0, 0], sizes = [88, 128], strides = [1, 1]} : vector<88x256xf32> to vector<88x128xf32>
    %slice3A_1955 = vector.extract_strided_slice %dot_general3A_1953 {offsets = [0, 128], sizes = [88, 128], strides = [1, 1]} : vector<88x256xf32> to vector<88x128xf32>
    %max3A_1956 = arith.constant 1.000000e-16 : f32
    %max3A_1957 = vector.broadcast %max3A_1956 : f32 to vector<88x128xf32>
    %max3A_1958 = arith.maximumf %slice3A_1955, %max3A_1957 : vector<88x128xf32>
    %div3A_1959 = arith.divf %slice3A_1954, %max3A_1958 : vector<88x128xf32>
    %get3A_1960 = arith.constant 2288 : index
    %get3A_1961 = arith.constant 384 : index
    %get3A_1962 = vector.load %arg13[%get3A_1960, %get3A_1961] : memref<2816x512xf32, #tpu.memory_space<vmem>>, vector<88x128xf32>
    %add3A_1963 = arith.addf %div3A_1959, %get3A_1962 : vector<88x128xf32>
    %ge3A_1964 = arith.constant 0.000000e+00 : f32
    %ge3A_1965 = vector.broadcast %ge3A_1964 : f32 to vector<88x128xf32>
    %ge3A_1966 = arith.cmpf oge, %add3A_1963, %ge3A_1965 : vector<88x128xf32>
    %mul3A_1967 = arith.constant 0.00999999977 : f32
    %mul3A_1968 = vector.broadcast %mul3A_1967 : f32 to vector<88x128xf32>
    %mul3A_1969 = arith.mulf %mul3A_1968, %add3A_1963 : vector<88x128xf32>
    %select_n3A_1970 = arith.select %ge3A_1966, %add3A_1963, %mul3A_1969 : vector<88x128xi1>, vector<88x128xf32>
    %swap3A_1971 = arith.constant 2288 : index
    %swap3A_1972 = arith.constant 0 : index
    %swap3A_1973 = vector.load %arg15[%swap3A_1971, %swap3A_1972] : memref<2816x128xf32, #tpu.memory_space<vmem>>, vector<88x128xf32>
    tpu.vector_store %arg15[%swap3A_1971, %swap3A_1972], %select_n3A_1970 {strides = array<i32>} : memref<2816x128xf32, #tpu.memory_space<vmem>>, vector<88x128xf32>,
    %get3A_1974 = arith.constant 2376 : index
    %get3A_1975 = arith.constant 0 : index
    %get3A_1976 = vector.load %arg13[%get3A_1974, %get3A_1975] : memref<2816x512xf32, #tpu.memory_space<vmem>>, vector<88x128xf32>
    %get3A_1977 = arith.constant 2376 : index
    %get3A_1978 = arith.constant 128 : index
    %get3A_1979 = vector.load %arg13[%get3A_1977, %get3A_1978] : memref<2816x512xf32, #tpu.memory_space<vmem>>, vector<88x128xf32>
    %dot_general3A_1980 = arith.constant dense<0.000000e+00> : vector<88x88xf32>
    %dot_general3A_1981 = tpu.matmul %get3A_1976, %get3A_1979, %dot_general3A_1980 {dimension_numbers = #tpu.dot_dimension_numbers<[1], [1], [0], [0], [0, 0, 1, 0], [], []>, precision = #tpu.contract_precision<fp32>, transpose_lhs_hint = false} : vector<88x128xf32>, vector<88x128xf32>, vector<88x88xf32> -> vector<88x88xf32>
    %get3A_1982 = arith.constant 27 : index
    %get3A_1983 = arith.constant 0 : index
    %get3A_1984 = arith.constant 0 : index
    %get3A_1985 = vector.load %arg16[%get3A_1982, %get3A_1983, %get3A_1984] : memref<32x88x88xf32, #tpu.memory_space<vmem>>, vector<1x88x88xf32>
    %get3A_1986 = vector.shape_cast %get3A_1985 : vector<1x88x88xf32> to vector<88x88xf32>
    %add3A_1987 = arith.addf %dot_general3A_1981, %get3A_1986 : vector<88x88xf32>
    %exp3A_1988 = math.exp %add3A_1987 : vector<88x88xf32>
    %get3A_1989 = arith.constant 2376 : index
    %get3A_1990 = arith.constant 0 : index
    %get3A_1991 = vector.load %arg14[%get3A_1989, %get3A_1990] : memref<2816x256xf32, #tpu.memory_space<vmem>>, vector<88x256xf32>
    %dot_general3A_1992 = arith.constant dense<0.000000e+00> : vector<88x256xf32>
    %dot_general3A_1993 = tpu.matmul %exp3A_1988, %get3A_1991, %dot_general3A_1992 {dimension_numbers = #tpu.dot_dimension_numbers<[1], [0], [0], [1], [0, 0, 1, 1], [], []>, precision = #tpu.contract_precision<fp32>, transpose_lhs_hint = false} : vector<88x88xf32>, vector<88x256xf32>, vector<88x256xf32> -> vector<88x256xf32>
    %slice3A_1994 = vector.extract_strided_slice %dot_general3A_1993 {offsets = [0, 0], sizes = [88, 128], strides = [1, 1]} : vector<88x256xf32> to vector<88x128xf32>
    %slice3A_1995 = vector.extract_strided_slice %dot_general3A_1993 {offsets = [0, 128], sizes = [88, 128], strides = [1, 1]} : vector<88x256xf32> to vector<88x128xf32>
    %max3A_1996 = arith.constant 1.000000e-16 : f32
    %max3A_1997 = vector.broadcast %max3A_1996 : f32 to vector<88x128xf32>
    %max3A_1998 = arith.maximumf %slice3A_1995, %max3A_1997 : vector<88x128xf32>
    %div3A_1999 = arith.divf %slice3A_1994, %max3A_1998 : vector<88x128xf32>
    %get3A_2000 = arith.constant 2376 : index
    %get3A_2001 = arith.constant 384 : index
    %get3A_2002 = vector.load %arg13[%get3A_2000, %get3A_2001] : memref<2816x512xf32, #tpu.memory_space<vmem>>, vector<88x128xf32>
    %add3A_2003 = arith.addf %div3A_1999, %get3A_2002 : vector<88x128xf32>
    %ge3A_2004 = arith.constant 0.000000e+00 : f32
    %ge3A_2005 = vector.broadcast %ge3A_2004 : f32 to vector<88x128xf32>
    %ge3A_2006 = arith.cmpf oge, %add3A_2003, %ge3A_2005 : vector<88x128xf32>
    %mul3A_2007 = arith.constant 0.00999999977 : f32
    %mul3A_2008 = vector.broadcast %mul3A_2007 : f32 to vector<88x128xf32>
    %mul3A_2009 = arith.mulf %mul3A_2008, %add3A_2003 : vector<88x128xf32>
    %select_n3A_2010 = arith.select %ge3A_2006, %add3A_2003, %mul3A_2009 : vector<88x128xi1>, vector<88x128xf32>
    %swap3A_2011 = arith.constant 2376 : index
    %swap3A_2012 = arith.constant 0 : index
    %swap3A_2013 = vector.load %arg15[%swap3A_2011, %swap3A_2012] : memref<2816x128xf32, #tpu.memory_space<vmem>>, vector<88x128xf32>
    tpu.vector_store %arg15[%swap3A_2011, %swap3A_2012], %select_n3A_2010 {strides = array<i32>} : memref<2816x128xf32, #tpu.memory_space<vmem>>, vector<88x128xf32>,
    %get3A_2014 = arith.constant 2464 : index
    %get3A_2015 = arith.constant 0 : index
    %get3A_2016 = vector.load %arg13[%get3A_2014, %get3A_2015] : memref<2816x512xf32, #tpu.memory_space<vmem>>, vector<88x128xf32>
    %get3A_2017 = arith.constant 2464 : index
    %get3A_2018 = arith.constant 128 : index
    %get3A_2019 = vector.load %arg13[%get3A_2017, %get3A_2018] : memref<2816x512xf32, #tpu.memory_space<vmem>>, vector<88x128xf32>
    %dot_general3A_2020 = arith.constant dense<0.000000e+00> : vector<88x88xf32>
    %dot_general3A_2021 = tpu.matmul %get3A_2016, %get3A_2019, %dot_general3A_2020 {dimension_numbers = #tpu.dot_dimension_numbers<[1], [1], [0], [0], [0, 0, 1, 0], [], []>, precision = #tpu.contract_precision<fp32>, transpose_lhs_hint = false} : vector<88x128xf32>, vector<88x128xf32>, vector<88x88xf32> -> vector<88x88xf32>
    %get3A_2022 = arith.constant 28 : index
    %get3A_2023 = arith.constant 0 : index
    %get3A_2024 = arith.constant 0 : index
    %get3A_2025 = vector.load %arg16[%get3A_2022, %get3A_2023, %get3A_2024] : memref<32x88x88xf32, #tpu.memory_space<vmem>>, vector<1x88x88xf32>
    %get3A_2026 = vector.shape_cast %get3A_2025 : vector<1x88x88xf32> to vector<88x88xf32>
    %add3A_2027 = arith.addf %dot_general3A_2021, %get3A_2026 : vector<88x88xf32>
    %exp3A_2028 = math.exp %add3A_2027 : vector<88x88xf32>
    %get3A_2029 = arith.constant 2464 : index
    %get3A_2030 = arith.constant 0 : index
    %get3A_2031 = vector.load %arg14[%get3A_2029, %get3A_2030] : memref<2816x256xf32, #tpu.memory_space<vmem>>, vector<88x256xf32>
    %dot_general3A_2032 = arith.constant dense<0.000000e+00> : vector<88x256xf32>
    %dot_general3A_2033 = tpu.matmul %exp3A_2028, %get3A_2031, %dot_general3A_2032 {dimension_numbers = #tpu.dot_dimension_numbers<[1], [0], [0], [1], [0, 0, 1, 1], [], []>, precision = #tpu.contract_precision<fp32>, transpose_lhs_hint = false} : vector<88x88xf32>, vector<88x256xf32>, vector<88x256xf32> -> vector<88x256xf32>
    %slice3A_2034 = vector.extract_strided_slice %dot_general3A_2033 {offsets = [0, 0], sizes = [88, 128], strides = [1, 1]} : vector<88x256xf32> to vector<88x128xf32>
    %slice3A_2035 = vector.extract_strided_slice %dot_general3A_2033 {offsets = [0, 128], sizes = [88, 128], strides = [1, 1]} : vector<88x256xf32> to vector<88x128xf32>
    %max3A_2036 = arith.constant 1.000000e-16 : f32
    %max3A_2037 = vector.broadcast %max3A_2036 : f32 to vector<88x128xf32>
    %max3A_2038 = arith.maximumf %slice3A_2035, %max3A_2037 : vector<88x128xf32>
    %div3A_2039 = arith.divf %slice3A_2034, %max3A_2038 : vector<88x128xf32>
    %get3A_2040 = arith.constant 2464 : index
    %get3A_2041 = arith.constant 384 : index
    %get3A_2042 = vector.load %arg13[%get3A_2040, %get3A_2041] : memref<2816x512xf32, #tpu.memory_space<vmem>>, vector<88x128xf32>
    %add3A_2043 = arith.addf %div3A_2039, %get3A_2042 : vector<88x128xf32>
    %ge3A_2044 = arith.constant 0.000000e+00 : f32
    %ge3A_2045 = vector.broadcast %ge3A_2044 : f32 to vector<88x128xf32>
    %ge3A_2046 = arith.cmpf oge, %add3A_2043, %ge3A_2045 : vector<88x128xf32>
    %mul3A_2047 = arith.constant 0.00999999977 : f32
    %mul3A_2048 = vector.broadcast %mul3A_2047 : f32 to vector<88x128xf32>
    %mul3A_2049 = arith.mulf %mul3A_2048, %add3A_2043 : vector<88x128xf32>
    %select_n3A_2050 = arith.select %ge3A_2046, %add3A_2043, %mul3A_2049 : vector<88x128xi1>, vector<88x128xf32>
    %swap3A_2051 = arith.constant 2464 : index
    %swap3A_2052 = arith.constant 0 : index
    %swap3A_2053 = vector.load %arg15[%swap3A_2051, %swap3A_2052] : memref<2816x128xf32, #tpu.memory_space<vmem>>, vector<88x128xf32>
    tpu.vector_store %arg15[%swap3A_2051, %swap3A_2052], %select_n3A_2050 {strides = array<i32>} : memref<2816x128xf32, #tpu.memory_space<vmem>>, vector<88x128xf32>,
    %get3A_2054 = arith.constant 2552 : index
    %get3A_2055 = arith.constant 0 : index
    %get3A_2056 = vector.load %arg13[%get3A_2054, %get3A_2055] : memref<2816x512xf32, #tpu.memory_space<vmem>>, vector<88x128xf32>
    %get3A_2057 = arith.constant 2552 : index
    %get3A_2058 = arith.constant 128 : index
    %get3A_2059 = vector.load %arg13[%get3A_2057, %get3A_2058] : memref<2816x512xf32, #tpu.memory_space<vmem>>, vector<88x128xf32>
    %dot_general3A_2060 = arith.constant dense<0.000000e+00> : vector<88x88xf32>
    %dot_general3A_2061 = tpu.matmul %get3A_2056, %get3A_2059, %dot_general3A_2060 {dimension_numbers = #tpu.dot_dimension_numbers<[1], [1], [0], [0], [0, 0, 1, 0], [], []>, precision = #tpu.contract_precision<fp32>, transpose_lhs_hint = false} : vector<88x128xf32>, vector<88x128xf32>, vector<88x88xf32> -> vector<88x88xf32>
    %get3A_2062 = arith.constant 29 : index
    %get3A_2063 = arith.constant 0 : index
    %get3A_2064 = arith.constant 0 : index
    %get3A_2065 = vector.load %arg16[%get3A_2062, %get3A_2063, %get3A_2064] : memref<32x88x88xf32, #tpu.memory_space<vmem>>, vector<1x88x88xf32>
    %get3A_2066 = vector.shape_cast %get3A_2065 : vector<1x88x88xf32> to vector<88x88xf32>
    %add3A_2067 = arith.addf %dot_general3A_2061, %get3A_2066 : vector<88x88xf32>
    %exp3A_2068 = math.exp %add3A_2067 : vector<88x88xf32>
    %get3A_2069 = arith.constant 2552 : index
    %get3A_2070 = arith.constant 0 : index
    %get3A_2071 = vector.load %arg14[%get3A_2069, %get3A_2070] : memref<2816x256xf32, #tpu.memory_space<vmem>>, vector<88x256xf32>
    %dot_general3A_2072 = arith.constant dense<0.000000e+00> : vector<88x256xf32>
    %dot_general3A_2073 = tpu.matmul %exp3A_2068, %get3A_2071, %dot_general3A_2072 {dimension_numbers = #tpu.dot_dimension_numbers<[1], [0], [0], [1], [0, 0, 1, 1], [], []>, precision = #tpu.contract_precision<fp32>, transpose_lhs_hint = false} : vector<88x88xf32>, vector<88x256xf32>, vector<88x256xf32> -> vector<88x256xf32>
    %slice3A_2074 = vector.extract_strided_slice %dot_general3A_2073 {offsets = [0, 0], sizes = [88, 128], strides = [1, 1]} : vector<88x256xf32> to vector<88x128xf32>
    %slice3A_2075 = vector.extract_strided_slice %dot_general3A_2073 {offsets = [0, 128], sizes = [88, 128], strides = [1, 1]} : vector<88x256xf32> to vector<88x128xf32>
    %max3A_2076 = arith.constant 1.000000e-16 : f32
    %max3A_2077 = vector.broadcast %max3A_2076 : f32 to vector<88x128xf32>
    %max3A_2078 = arith.maximumf %slice3A_2075, %max3A_2077 : vector<88x128xf32>
    %div3A_2079 = arith.divf %slice3A_2074, %max3A_2078 : vector<88x128xf32>
    %get3A_2080 = arith.constant 2552 : index
    %get3A_2081 = arith.constant 384 : index
    %get3A_2082 = vector.load %arg13[%get3A_2080, %get3A_2081] : memref<2816x512xf32, #tpu.memory_space<vmem>>, vector<88x128xf32>
    %add3A_2083 = arith.addf %div3A_2079, %get3A_2082 : vector<88x128xf32>
    %ge3A_2084 = arith.constant 0.000000e+00 : f32
    %ge3A_2085 = vector.broadcast %ge3A_2084 : f32 to vector<88x128xf32>
    %ge3A_2086 = arith.cmpf oge, %add3A_2083, %ge3A_2085 : vector<88x128xf32>
    %mul3A_2087 = arith.constant 0.00999999977 : f32
    %mul3A_2088 = vector.broadcast %mul3A_2087 : f32 to vector<88x128xf32>
    %mul3A_2089 = arith.mulf %mul3A_2088, %add3A_2083 : vector<88x128xf32>
    %select_n3A_2090 = arith.select %ge3A_2086, %add3A_2083, %mul3A_2089 : vector<88x128xi1>, vector<88x128xf32>
    %swap3A_2091 = arith.constant 2552 : index
    %swap3A_2092 = arith.constant 0 : index
    %swap3A_2093 = vector.load %arg15[%swap3A_2091, %swap3A_2092] : memref<2816x128xf32, #tpu.memory_space<vmem>>, vector<88x128xf32>
    tpu.vector_store %arg15[%swap3A_2091, %swap3A_2092], %select_n3A_2090 {strides = array<i32>} : memref<2816x128xf32, #tpu.memory_space<vmem>>, vector<88x128xf32>,
    %get3A_2094 = arith.constant 2640 : index
    %get3A_2095 = arith.constant 0 : index
    %get3A_2096 = vector.load %arg13[%get3A_2094, %get3A_2095] : memref<2816x512xf32, #tpu.memory_space<vmem>>, vector<88x128xf32>
    %get3A_2097 = arith.constant 2640 : index
    %get3A_2098 = arith.constant 128 : index
    %get3A_2099 = vector.load %arg13[%get3A_2097, %get3A_2098] : memref<2816x512xf32, #tpu.memory_space<vmem>>, vector<88x128xf32>
    %dot_general3A_2100 = arith.constant dense<0.000000e+00> : vector<88x88xf32>
    %dot_general3A_2101 = tpu.matmul %get3A_2096, %get3A_2099, %dot_general3A_2100 {dimension_numbers = #tpu.dot_dimension_numbers<[1], [1], [0], [0], [0, 0, 1, 0], [], []>, precision = #tpu.contract_precision<fp32>, transpose_lhs_hint = false} : vector<88x128xf32>, vector<88x128xf32>, vector<88x88xf32> -> vector<88x88xf32>
    %get3A_2102 = arith.constant 30 : index
    %get3A_2103 = arith.constant 0 : index
    %get3A_2104 = arith.constant 0 : index
    %get3A_2105 = vector.load %arg16[%get3A_2102, %get3A_2103, %get3A_2104] : memref<32x88x88xf32, #tpu.memory_space<vmem>>, vector<1x88x88xf32>
    %get3A_2106 = vector.shape_cast %get3A_2105 : vector<1x88x88xf32> to vector<88x88xf32>
    %add3A_2107 = arith.addf %dot_general3A_2101, %get3A_2106 : vector<88x88xf32>
    %exp3A_2108 = math.exp %add3A_2107 : vector<88x88xf32>
    %get3A_2109 = arith.constant 2640 : index
    %get3A_2110 = arith.constant 0 : index
    %get3A_2111 = vector.load %arg14[%get3A_2109, %get3A_2110] : memref<2816x256xf32, #tpu.memory_space<vmem>>, vector<88x256xf32>
    %dot_general3A_2112 = arith.constant dense<0.000000e+00> : vector<88x256xf32>
    %dot_general3A_2113 = tpu.matmul %exp3A_2108, %get3A_2111, %dot_general3A_2112 {dimension_numbers = #tpu.dot_dimension_numbers<[1], [0], [0], [1], [0, 0, 1, 1], [], []>, precision = #tpu.contract_precision<fp32>, transpose_lhs_hint = false} : vector<88x88xf32>, vector<88x256xf32>, vector<88x256xf32> -> vector<88x256xf32>
    %slice3A_2114 = vector.extract_strided_slice %dot_general3A_2113 {offsets = [0, 0], sizes = [88, 128], strides = [1, 1]} : vector<88x256xf32> to vector<88x128xf32>
    %slice3A_2115 = vector.extract_strided_slice %dot_general3A_2113 {offsets = [0, 128], sizes = [88, 128], strides = [1, 1]} : vector<88x256xf32> to vector<88x128xf32>
    %max3A_2116 = arith.constant 1.000000e-16 : f32
    %max3A_2117 = vector.broadcast %max3A_2116 : f32 to vector<88x128xf32>
    %max3A_2118 = arith.maximumf %slice3A_2115, %max3A_2117 : vector<88x128xf32>
    %div3A_2119 = arith.divf %slice3A_2114, %max3A_2118 : vector<88x128xf32>
    %get3A_2120 = arith.constant 2640 : index
    %get3A_2121 = arith.constant 384 : index
    %get3A_2122 = vector.load %arg13[%get3A_2120, %get3A_2121] : memref<2816x512xf32, #tpu.memory_space<vmem>>, vector<88x128xf32>
    %add3A_2123 = arith.addf %div3A_2119, %get3A_2122 : vector<88x128xf32>
    %ge3A_2124 = arith.constant 0.000000e+00 : f32
    %ge3A_2125 = vector.broadcast %ge3A_2124 : f32 to vector<88x128xf32>
    %ge3A_2126 = arith.cmpf oge, %add3A_2123, %ge3A_2125 : vector<88x128xf32>
    %mul3A_2127 = arith.constant 0.00999999977 : f32
    %mul3A_2128 = vector.broadcast %mul3A_2127 : f32 to vector<88x128xf32>
    %mul3A_2129 = arith.mulf %mul3A_2128, %add3A_2123 : vector<88x128xf32>
    %select_n3A_2130 = arith.select %ge3A_2126, %add3A_2123, %mul3A_2129 : vector<88x128xi1>, vector<88x128xf32>
    %swap3A_2131 = arith.constant 2640 : index
    %swap3A_2132 = arith.constant 0 : index
    %swap3A_2133 = vector.load %arg15[%swap3A_2131, %swap3A_2132] : memref<2816x128xf32, #tpu.memory_space<vmem>>, vector<88x128xf32>
    tpu.vector_store %arg15[%swap3A_2131, %swap3A_2132], %select_n3A_2130 {strides = array<i32>} : memref<2816x128xf32, #tpu.memory_space<vmem>>, vector<88x128xf32>,
    %get3A_2134 = arith.constant 2728 : index
    %get3A_2135 = arith.constant 0 : index
    %get3A_2136 = vector.load %arg13[%get3A_2134, %get3A_2135] : memref<2816x512xf32, #tpu.memory_space<vmem>>, vector<88x128xf32>
    %get3A_2137 = arith.constant 2728 : index
    %get3A_2138 = arith.constant 128 : index
    %get3A_2139 = vector.load %arg13[%get3A_2137, %get3A_2138] : memref<2816x512xf32, #tpu.memory_space<vmem>>, vector<88x128xf32>
    %dot_general3A_2140 = arith.constant dense<0.000000e+00> : vector<88x88xf32>
    %dot_general3A_2141 = tpu.matmul %get3A_2136, %get3A_2139, %dot_general3A_2140 {dimension_numbers = #tpu.dot_dimension_numbers<[1], [1], [0], [0], [0, 0, 1, 0], [], []>, precision = #tpu.contract_precision<fp32>, transpose_lhs_hint = false} : vector<88x128xf32>, vector<88x128xf32>, vector<88x88xf32> -> vector<88x88xf32>
    %get3A_2142 = arith.constant 31 : index
    %get3A_2143 = arith.constant 0 : index
    %get3A_2144 = arith.constant 0 : index
    %get3A_2145 = vector.load %arg16[%get3A_2142, %get3A_2143, %get3A_2144] : memref<32x88x88xf32, #tpu.memory_space<vmem>>, vector<1x88x88xf32>
    %get3A_2146 = vector.shape_cast %get3A_2145 : vector<1x88x88xf32> to vector<88x88xf32>
    %add3A_2147 = arith.addf %dot_general3A_2141, %get3A_2146 : vector<88x88xf32>
    %exp3A_2148 = math.exp %add3A_2147 : vector<88x88xf32>
    %get3A_2149 = arith.constant 2728 : index
    %get3A_2150 = arith.constant 0 : index
    %get3A_2151 = vector.load %arg14[%get3A_2149, %get3A_2150] : memref<2816x256xf32, #tpu.memory_space<vmem>>, vector<88x256xf32>
    %dot_general3A_2152 = arith.constant dense<0.000000e+00> : vector<88x256xf32>
    %dot_general3A_2153 = tpu.matmul %exp3A_2148, %get3A_2151, %dot_general3A_2152 {dimension_numbers = #tpu.dot_dimension_numbers<[1], [0], [0], [1], [0, 0, 1, 1], [], []>, precision = #tpu.contract_precision<fp32>, transpose_lhs_hint = false} : vector<88x88xf32>, vector<88x256xf32>, vector<88x256xf32> -> vector<88x256xf32>
    %slice3A_2154 = vector.extract_strided_slice %dot_general3A_2153 {offsets = [0, 0], sizes = [88, 128], strides = [1, 1]} : vector<88x256xf32> to vector<88x128xf32>
    %slice3A_2155 = vector.extract_strided_slice %dot_general3A_2153 {offsets = [0, 128], sizes = [88, 128], strides = [1, 1]} : vector<88x256xf32> to vector<88x128xf32>
    %max3A_2156 = arith.constant 1.000000e-16 : f32
    %max3A_2157 = vector.broadcast %max3A_2156 : f32 to vector<88x128xf32>
    %max3A_2158 = arith.maximumf %slice3A_2155, %max3A_2157 : vector<88x128xf32>
    %div3A_2159 = arith.divf %slice3A_2154, %max3A_2158 : vector<88x128xf32>
    %get3A_2160 = arith.constant 2728 : index
    %get3A_2161 = arith.constant 384 : index
    %get3A_2162 = vector.load %arg13[%get3A_2160, %get3A_2161] : memref<2816x512xf32, #tpu.memory_space<vmem>>, vector<88x128xf32>
    %add3A_2163 = arith.addf %div3A_2159, %get3A_2162 : vector<88x128xf32>
    %ge3A_2164 = arith.constant 0.000000e+00 : f32
    %ge3A_2165 = vector.broadcast %ge3A_2164 : f32 to vector<88x128xf32>
    %ge3A_2166 = arith.cmpf oge, %add3A_2163, %ge3A_2165 : vector<88x128xf32>
    %mul3A_2167 = arith.constant 0.00999999977 : f32
    %mul3A_2168 = vector.broadcast %mul3A_2167 : f32 to vector<88x128xf32>
    %mul3A_2169 = arith.mulf %mul3A_2168, %add3A_2163 : vector<88x128xf32>
    %select_n3A_2170 = arith.select %ge3A_2166, %add3A_2163, %mul3A_2169 : vector<88x128xi1>, vector<88x128xf32>
    %swap3A_2171 = arith.constant 2728 : index
    %swap3A_2172 = arith.constant 0 : index
    %swap3A_2173 = vector.load %arg15[%swap3A_2171, %swap3A_2172] : memref<2816x128xf32, #tpu.memory_space<vmem>>, vector<88x128xf32>
    tpu.vector_store %arg15[%swap3A_2171, %swap3A_2172], %select_n3A_2170 {strides = array<i32>} : memref<2816x128xf32, #tpu.memory_space<vmem>>, vector<88x128xf32>,
    %get3A_2174 = arith.constant 0 : index
    %get3A_2175 = arith.constant 0 : index
    %get3A_2176 = vector.load %arg15[%get3A_2174, %get3A_2175] : memref<2816x128xf32, #tpu.memory_space<vmem>>, vector<2816x128xf32>
    %get3A_2177 = arith.constant 0 : index
    %get3A_2178 = arith.constant 0 : index
    %get3A_2179 = vector.load %arg8[%get3A_2177, %get3A_2178] : memref<128x512xf32, #tpu.memory_space<vmem>>, vector<128x512xf32>
    %dot_general3A_2180 = arith.constant dense<0.000000e+00> : vector<2816x512xf32>
    %dot_general3A_2181 = tpu.matmul %get3A_2176, %get3A_2179, %dot_general3A_2180 {dimension_numbers = #tpu.dot_dimension_numbers<[1], [0], [0], [1], [0, 0, 1, 1], [], []>, precision = #tpu.contract_precision<fp32>, transpose_lhs_hint = false} : vector<2816x128xf32>, vector<128x512xf32>, vector<2816x512xf32> -> vector<2816x512xf32>
    %get3A_2182 = arith.constant 0 : index
    %get3A_2183 = arith.constant 0 : index
    %get3A_2184 = vector.load %arg9[%get3A_2182, %get3A_2183] : memref<1x512xf32, #tpu.memory_space<vmem>>, vector<1x512xf32>
    %add3A_2185 = vector.broadcast %get3A_2184 : vector<1x512xf32> to vector<2816x512xf32>
    %add3A_2186 = arith.addf %dot_general3A_2181, %add3A_2185 : vector<2816x512xf32>
    %swap3A_2187 = arith.constant 0 : index
    %swap3A_2188 = arith.constant 0 : index
    %swap3A_2189 = vector.load %arg13[%swap3A_2187, %swap3A_2188] : memref<2816x512xf32, #tpu.memory_space<vmem>>, vector<2816x512xf32>
    tpu.vector_store %arg13[%swap3A_2187, %swap3A_2188], %add3A_2186 {strides = array<i32>} : memref<2816x512xf32, #tpu.memory_space<vmem>>, vector<2816x512xf32>,
    %get3A_2190 = arith.constant 0 : index
    %get3A_2191 = arith.constant 256 : index
    %get3A_2192 = vector.load %arg13[%get3A_2190, %get3A_2191] : memref<2816x512xf32, #tpu.memory_space<vmem>>, vector<2816x128xf32>
    %swap3A_2193 = arith.constant 0 : index
    %swap3A_2194 = arith.constant 0 : index
    %swap3A_2195 = vector.load %arg14[%swap3A_2193, %swap3A_2194] : memref<2816x256xf32, #tpu.memory_space<vmem>>, vector<2816x128xf32>
    tpu.vector_store %arg14[%swap3A_2193, %swap3A_2194], %get3A_2192 {strides = array<i32>} : memref<2816x256xf32, #tpu.memory_space<vmem>>, vector<2816x128xf32>,
    %get3A_2196 = arith.constant 0 : index
    %get3A_2197 = arith.constant 0 : index
    %get3A_2198 = vector.load %arg13[%get3A_2196, %get3A_2197] : memref<2816x512xf32, #tpu.memory_space<vmem>>, vector<88x128xf32>
    %get3A_2199 = arith.constant 0 : index
    %get3A_2200 = arith.constant 128 : index
    %get3A_2201 = vector.load %arg13[%get3A_2199, %get3A_2200] : memref<2816x512xf32, #tpu.memory_space<vmem>>, vector<88x128xf32>
    %dot_general3A_2202 = arith.constant dense<0.000000e+00> : vector<88x88xf32>
    %dot_general3A_2203 = tpu.matmul %get3A_2198, %get3A_2201, %dot_general3A_2202 {dimension_numbers = #tpu.dot_dimension_numbers<[1], [1], [0], [0], [0, 0, 1, 0], [], []>, precision = #tpu.contract_precision<fp32>, transpose_lhs_hint = false} : vector<88x128xf32>, vector<88x128xf32>, vector<88x88xf32> -> vector<88x88xf32>
    %get3A_2204 = arith.constant 0 : index
    %get3A_2205 = arith.constant 0 : index
    %get3A_2206 = arith.constant 0 : index
    %get3A_2207 = vector.load %arg16[%get3A_2204, %get3A_2205, %get3A_2206] : memref<32x88x88xf32, #tpu.memory_space<vmem>>, vector<1x88x88xf32>
    %get3A_2208 = vector.shape_cast %get3A_2207 : vector<1x88x88xf32> to vector<88x88xf32>
    %add3A_2209 = arith.addf %dot_general3A_2203, %get3A_2208 : vector<88x88xf32>
    %exp3A_2210 = math.exp %add3A_2209 : vector<88x88xf32>
    %get3A_2211 = arith.constant 0 : index
    %get3A_2212 = arith.constant 0 : index
    %get3A_2213 = vector.load %arg14[%get3A_2211, %get3A_2212] : memref<2816x256xf32, #tpu.memory_space<vmem>>, vector<88x256xf32>
    %dot_general3A_2214 = arith.constant dense<0.000000e+00> : vector<88x256xf32>
    %dot_general3A_2215 = tpu.matmul %exp3A_2210, %get3A_2213, %dot_general3A_2214 {dimension_numbers = #tpu.dot_dimension_numbers<[1], [0], [0], [1], [0, 0, 1, 1], [], []>, precision = #tpu.contract_precision<fp32>, transpose_lhs_hint = false} : vector<88x88xf32>, vector<88x256xf32>, vector<88x256xf32> -> vector<88x256xf32>
    %slice3A_2216 = vector.extract_strided_slice %dot_general3A_2215 {offsets = [0, 0], sizes = [88, 128], strides = [1, 1]} : vector<88x256xf32> to vector<88x128xf32>
    %slice3A_2217 = vector.extract_strided_slice %dot_general3A_2215 {offsets = [0, 128], sizes = [88, 128], strides = [1, 1]} : vector<88x256xf32> to vector<88x128xf32>
    %max3A_2218 = arith.constant 1.000000e-16 : f32
    %max3A_2219 = vector.broadcast %max3A_2218 : f32 to vector<88x128xf32>
    %max3A_2220 = arith.maximumf %slice3A_2217, %max3A_2219 : vector<88x128xf32>
    %div3A_2221 = arith.divf %slice3A_2216, %max3A_2220 : vector<88x128xf32>
    %get3A_2222 = arith.constant 0 : index
    %get3A_2223 = arith.constant 384 : index
    %get3A_2224 = vector.load %arg13[%get3A_2222, %get3A_2223] : memref<2816x512xf32, #tpu.memory_space<vmem>>, vector<88x128xf32>
    %add3A_2225 = arith.addf %div3A_2221, %get3A_2224 : vector<88x128xf32>
    %reduce_sum3A = arith.constant dense<0.000000e+00> : vector<128xf32>
    %reduce_sum3A_2226 = vector.multi_reduction <add>, %add3A_2225, %reduce_sum3A [0] : vector<88x128xf32> to vector<128xf32>
    %broadcast_in_dim3A_2227 = vector.shape_cast %reduce_sum3A_2226 : vector<128xf32> to vector<1x128xf32>
    %swap3A_2228 = arith.constant 0 : index
    %swap3A_2229 = arith.constant 0 : index
    %swap3A_2230 = vector.load %arg17[%swap3A_2228, %swap3A_2229] : memref<32x128xf32, #tpu.memory_space<vmem>>, vector<1x128xf32>
    tpu.vector_store %arg17[%swap3A_2228, %swap3A_2229], %broadcast_in_dim3A_2227 {strides = array<i32>} : memref<32x128xf32, #tpu.memory_space<vmem>>, vector<1x128xf32>,
    %get3A_2231 = arith.constant 88 : index
    %get3A_2232 = arith.constant 0 : index
    %get3A_2233 = vector.load %arg13[%get3A_2231, %get3A_2232] : memref<2816x512xf32, #tpu.memory_space<vmem>>, vector<88x128xf32>
    %get3A_2234 = arith.constant 88 : index
    %get3A_2235 = arith.constant 128 : index
    %get3A_2236 = vector.load %arg13[%get3A_2234, %get3A_2235] : memref<2816x512xf32, #tpu.memory_space<vmem>>, vector<88x128xf32>
    %dot_general3A_2237 = arith.constant dense<0.000000e+00> : vector<88x88xf32>
    %dot_general3A_2238 = tpu.matmul %get3A_2233, %get3A_2236, %dot_general3A_2237 {dimension_numbers = #tpu.dot_dimension_numbers<[1], [1], [0], [0], [0, 0, 1, 0], [], []>, precision = #tpu.contract_precision<fp32>, transpose_lhs_hint = false} : vector<88x128xf32>, vector<88x128xf32>, vector<88x88xf32> -> vector<88x88xf32>
    %get3A_2239 = arith.constant 1 : index
    %get3A_2240 = arith.constant 0 : index
    %get3A_2241 = arith.constant 0 : index
    %get3A_2242 = vector.load %arg16[%get3A_2239, %get3A_2240, %get3A_2241] : memref<32x88x88xf32, #tpu.memory_space<vmem>>, vector<1x88x88xf32>
    %get3A_2243 = vector.shape_cast %get3A_2242 : vector<1x88x88xf32> to vector<88x88xf32>
    %add3A_2244 = arith.addf %dot_general3A_2238, %get3A_2243 : vector<88x88xf32>
    %exp3A_2245 = math.exp %add3A_2244 : vector<88x88xf32>
    %get3A_2246 = arith.constant 88 : index
    %get3A_2247 = arith.constant 0 : index
    %get3A_2248 = vector.load %arg14[%get3A_2246, %get3A_2247] : memref<2816x256xf32, #tpu.memory_space<vmem>>, vector<88x256xf32>
    %dot_general3A_2249 = arith.constant dense<0.000000e+00> : vector<88x256xf32>
    %dot_general3A_2250 = tpu.matmul %exp3A_2245, %get3A_2248, %dot_general3A_2249 {dimension_numbers = #tpu.dot_dimension_numbers<[1], [0], [0], [1], [0, 0, 1, 1], [], []>, precision = #tpu.contract_precision<fp32>, transpose_lhs_hint = false} : vector<88x88xf32>, vector<88x256xf32>, vector<88x256xf32> -> vector<88x256xf32>
    %slice3A_2251 = vector.extract_strided_slice %dot_general3A_2250 {offsets = [0, 0], sizes = [88, 128], strides = [1, 1]} : vector<88x256xf32> to vector<88x128xf32>
    %slice3A_2252 = vector.extract_strided_slice %dot_general3A_2250 {offsets = [0, 128], sizes = [88, 128], strides = [1, 1]} : vector<88x256xf32> to vector<88x128xf32>
    %max3A_2253 = arith.constant 1.000000e-16 : f32
    %max3A_2254 = vector.broadcast %max3A_2253 : f32 to vector<88x128xf32>
    %max3A_2255 = arith.maximumf %slice3A_2252, %max3A_2254 : vector<88x128xf32>
    %div3A_2256 = arith.divf %slice3A_2251, %max3A_2255 : vector<88x128xf32>
    %get3A_2257 = arith.constant 88 : index
    %get3A_2258 = arith.constant 384 : index
    %get3A_2259 = vector.load %arg13[%get3A_2257, %get3A_2258] : memref<2816x512xf32, #tpu.memory_space<vmem>>, vector<88x128xf32>
    %add3A_2260 = arith.addf %div3A_2256, %get3A_2259 : vector<88x128xf32>
    %reduce_sum3A_2261 = arith.constant dense<0.000000e+00> : vector<128xf32>
    %reduce_sum3A_2262 = vector.multi_reduction <add>, %add3A_2260, %reduce_sum3A_2261 [0] : vector<88x128xf32> to vector<128xf32>
    %broadcast_in_dim3A_2263 = vector.shape_cast %reduce_sum3A_2262 : vector<128xf32> to vector<1x128xf32>
    %swap3A_2264 = arith.constant 1 : index
    %swap3A_2265 = arith.constant 0 : index
    %swap3A_2266 = vector.load %arg17[%swap3A_2264, %swap3A_2265] : memref<32x128xf32, #tpu.memory_space<vmem>>, vector<1x128xf32>
    tpu.vector_store %arg17[%swap3A_2264, %swap3A_2265], %broadcast_in_dim3A_2263 {strides = array<i32>} : memref<32x128xf32, #tpu.memory_space<vmem>>, vector<1x128xf32>,
    %get3A_2267 = arith.constant 176 : index
    %get3A_2268 = arith.constant 0 : index
    %get3A_2269 = vector.load %arg13[%get3A_2267, %get3A_2268] : memref<2816x512xf32, #tpu.memory_space<vmem>>, vector<88x128xf32>
    %get3A_2270 = arith.constant 176 : index
    %get3A_2271 = arith.constant 128 : index
    %get3A_2272 = vector.load %arg13[%get3A_2270, %get3A_2271] : memref<2816x512xf32, #tpu.memory_space<vmem>>, vector<88x128xf32>
    %dot_general3A_2273 = arith.constant dense<0.000000e+00> : vector<88x88xf32>
    %dot_general3A_2274 = tpu.matmul %get3A_2269, %get3A_2272, %dot_general3A_2273 {dimension_numbers = #tpu.dot_dimension_numbers<[1], [1], [0], [0], [0, 0, 1, 0], [], []>, precision = #tpu.contract_precision<fp32>, transpose_lhs_hint = false} : vector<88x128xf32>, vector<88x128xf32>, vector<88x88xf32> -> vector<88x88xf32>
    %get3A_2275 = arith.constant 2 : index
    %get3A_2276 = arith.constant 0 : index
    %get3A_2277 = arith.constant 0 : index
    %get3A_2278 = vector.load %arg16[%get3A_2275, %get3A_2276, %get3A_2277] : memref<32x88x88xf32, #tpu.memory_space<vmem>>, vector<1x88x88xf32>
    %get3A_2279 = vector.shape_cast %get3A_2278 : vector<1x88x88xf32> to vector<88x88xf32>
    %add3A_2280 = arith.addf %dot_general3A_2274, %get3A_2279 : vector<88x88xf32>
    %exp3A_2281 = math.exp %add3A_2280 : vector<88x88xf32>
    %get3A_2282 = arith.constant 176 : index
    %get3A_2283 = arith.constant 0 : index
    %get3A_2284 = vector.load %arg14[%get3A_2282, %get3A_2283] : memref<2816x256xf32, #tpu.memory_space<vmem>>, vector<88x256xf32>
    %dot_general3A_2285 = arith.constant dense<0.000000e+00> : vector<88x256xf32>
    %dot_general3A_2286 = tpu.matmul %exp3A_2281, %get3A_2284, %dot_general3A_2285 {dimension_numbers = #tpu.dot_dimension_numbers<[1], [0], [0], [1], [0, 0, 1, 1], [], []>, precision = #tpu.contract_precision<fp32>, transpose_lhs_hint = false} : vector<88x88xf32>, vector<88x256xf32>, vector<88x256xf32> -> vector<88x256xf32>
    %slice3A_2287 = vector.extract_strided_slice %dot_general3A_2286 {offsets = [0, 0], sizes = [88, 128], strides = [1, 1]} : vector<88x256xf32> to vector<88x128xf32>
    %slice3A_2288 = vector.extract_strided_slice %dot_general3A_2286 {offsets = [0, 128], sizes = [88, 128], strides = [1, 1]} : vector<88x256xf32> to vector<88x128xf32>
    %max3A_2289 = arith.constant 1.000000e-16 : f32
    %max3A_2290 = vector.broadcast %max3A_2289 : f32 to vector<88x128xf32>
    %max3A_2291 = arith.maximumf %slice3A_2288, %max3A_2290 : vector<88x128xf32>
    %div3A_2292 = arith.divf %slice3A_2287, %max3A_2291 : vector<88x128xf32>
    %get3A_2293 = arith.constant 176 : index
    %get3A_2294 = arith.constant 384 : index
    %get3A_2295 = vector.load %arg13[%get3A_2293, %get3A_2294] : memref<2816x512xf32, #tpu.memory_space<vmem>>, vector<88x128xf32>
    %add3A_2296 = arith.addf %div3A_2292, %get3A_2295 : vector<88x128xf32>
    %reduce_sum3A_2297 = arith.constant dense<0.000000e+00> : vector<128xf32>
    %reduce_sum3A_2298 = vector.multi_reduction <add>, %add3A_2296, %reduce_sum3A_2297 [0] : vector<88x128xf32> to vector<128xf32>
    %broadcast_in_dim3A_2299 = vector.shape_cast %reduce_sum3A_2298 : vector<128xf32> to vector<1x128xf32>
    %swap3A_2300 = arith.constant 2 : index
    %swap3A_2301 = arith.constant 0 : index
    %swap3A_2302 = vector.load %arg17[%swap3A_2300, %swap3A_2301] : memref<32x128xf32, #tpu.memory_space<vmem>>, vector<1x128xf32>
    tpu.vector_store %arg17[%swap3A_2300, %swap3A_2301], %broadcast_in_dim3A_2299 {strides = array<i32>} : memref<32x128xf32, #tpu.memory_space<vmem>>, vector<1x128xf32>,
    %get3A_2303 = arith.constant 264 : index
    %get3A_2304 = arith.constant 0 : index
    %get3A_2305 = vector.load %arg13[%get3A_2303, %get3A_2304] : memref<2816x512xf32, #tpu.memory_space<vmem>>, vector<88x128xf32>
    %get3A_2306 = arith.constant 264 : index
    %get3A_2307 = arith.constant 128 : index
    %get3A_2308 = vector.load %arg13[%get3A_2306, %get3A_2307] : memref<2816x512xf32, #tpu.memory_space<vmem>>, vector<88x128xf32>
    %dot_general3A_2309 = arith.constant dense<0.000000e+00> : vector<88x88xf32>
    %dot_general3A_2310 = tpu.matmul %get3A_2305, %get3A_2308, %dot_general3A_2309 {dimension_numbers = #tpu.dot_dimension_numbers<[1], [1], [0], [0], [0, 0, 1, 0], [], []>, precision = #tpu.contract_precision<fp32>, transpose_lhs_hint = false} : vector<88x128xf32>, vector<88x128xf32>, vector<88x88xf32> -> vector<88x88xf32>
    %get3A_2311 = arith.constant 3 : index
    %get3A_2312 = arith.constant 0 : index
    %get3A_2313 = arith.constant 0 : index
    %get3A_2314 = vector.load %arg16[%get3A_2311, %get3A_2312, %get3A_2313] : memref<32x88x88xf32, #tpu.memory_space<vmem>>, vector<1x88x88xf32>
    %get3A_2315 = vector.shape_cast %get3A_2314 : vector<1x88x88xf32> to vector<88x88xf32>
    %add3A_2316 = arith.addf %dot_general3A_2310, %get3A_2315 : vector<88x88xf32>
    %exp3A_2317 = math.exp %add3A_2316 : vector<88x88xf32>
    %get3A_2318 = arith.constant 264 : index
    %get3A_2319 = arith.constant 0 : index
    %get3A_2320 = vector.load %arg14[%get3A_2318, %get3A_2319] : memref<2816x256xf32, #tpu.memory_space<vmem>>, vector<88x256xf32>
    %dot_general3A_2321 = arith.constant dense<0.000000e+00> : vector<88x256xf32>
    %dot_general3A_2322 = tpu.matmul %exp3A_2317, %get3A_2320, %dot_general3A_2321 {dimension_numbers = #tpu.dot_dimension_numbers<[1], [0], [0], [1], [0, 0, 1, 1], [], []>, precision = #tpu.contract_precision<fp32>, transpose_lhs_hint = false} : vector<88x88xf32>, vector<88x256xf32>, vector<88x256xf32> -> vector<88x256xf32>
    %slice3A_2323 = vector.extract_strided_slice %dot_general3A_2322 {offsets = [0, 0], sizes = [88, 128], strides = [1, 1]} : vector<88x256xf32> to vector<88x128xf32>
    %slice3A_2324 = vector.extract_strided_slice %dot_general3A_2322 {offsets = [0, 128], sizes = [88, 128], strides = [1, 1]} : vector<88x256xf32> to vector<88x128xf32>
    %max3A_2325 = arith.constant 1.000000e-16 : f32
    %max3A_2326 = vector.broadcast %max3A_2325 : f32 to vector<88x128xf32>
    %max3A_2327 = arith.maximumf %slice3A_2324, %max3A_2326 : vector<88x128xf32>
    %div3A_2328 = arith.divf %slice3A_2323, %max3A_2327 : vector<88x128xf32>
    %get3A_2329 = arith.constant 264 : index
    %get3A_2330 = arith.constant 384 : index
    %get3A_2331 = vector.load %arg13[%get3A_2329, %get3A_2330] : memref<2816x512xf32, #tpu.memory_space<vmem>>, vector<88x128xf32>
    %add3A_2332 = arith.addf %div3A_2328, %get3A_2331 : vector<88x128xf32>
    %reduce_sum3A_2333 = arith.constant dense<0.000000e+00> : vector<128xf32>
    %reduce_sum3A_2334 = vector.multi_reduction <add>, %add3A_2332, %reduce_sum3A_2333 [0] : vector<88x128xf32> to vector<128xf32>
    %broadcast_in_dim3A_2335 = vector.shape_cast %reduce_sum3A_2334 : vector<128xf32> to vector<1x128xf32>
    %swap3A_2336 = arith.constant 3 : index
    %swap3A_2337 = arith.constant 0 : index
    %swap3A_2338 = vector.load %arg17[%swap3A_2336, %swap3A_2337] : memref<32x128xf32, #tpu.memory_space<vmem>>, vector<1x128xf32>
    tpu.vector_store %arg17[%swap3A_2336, %swap3A_2337], %broadcast_in_dim3A_2335 {strides = array<i32>} : memref<32x128xf32, #tpu.memory_space<vmem>>, vector<1x128xf32>,
    %get3A_2339 = arith.constant 352 : index
    %get3A_2340 = arith.constant 0 : index
    %get3A_2341 = vector.load %arg13[%get3A_2339, %get3A_2340] : memref<2816x512xf32, #tpu.memory_space<vmem>>, vector<88x128xf32>
    %get3A_2342 = arith.constant 352 : index
    %get3A_2343 = arith.constant 128 : index
    %get3A_2344 = vector.load %arg13[%get3A_2342, %get3A_2343] : memref<2816x512xf32, #tpu.memory_space<vmem>>, vector<88x128xf32>
    %dot_general3A_2345 = arith.constant dense<0.000000e+00> : vector<88x88xf32>
    %dot_general3A_2346 = tpu.matmul %get3A_2341, %get3A_2344, %dot_general3A_2345 {dimension_numbers = #tpu.dot_dimension_numbers<[1], [1], [0], [0], [0, 0, 1, 0], [], []>, precision = #tpu.contract_precision<fp32>, transpose_lhs_hint = false} : vector<88x128xf32>, vector<88x128xf32>, vector<88x88xf32> -> vector<88x88xf32>
    %get3A_2347 = arith.constant 4 : index
    %get3A_2348 = arith.constant 0 : index
    %get3A_2349 = arith.constant 0 : index
    %get3A_2350 = vector.load %arg16[%get3A_2347, %get3A_2348, %get3A_2349] : memref<32x88x88xf32, #tpu.memory_space<vmem>>, vector<1x88x88xf32>
    %get3A_2351 = vector.shape_cast %get3A_2350 : vector<1x88x88xf32> to vector<88x88xf32>
    %add3A_2352 = arith.addf %dot_general3A_2346, %get3A_2351 : vector<88x88xf32>
    %exp3A_2353 = math.exp %add3A_2352 : vector<88x88xf32>
    %get3A_2354 = arith.constant 352 : index
    %get3A_2355 = arith.constant 0 : index
    %get3A_2356 = vector.load %arg14[%get3A_2354, %get3A_2355] : memref<2816x256xf32, #tpu.memory_space<vmem>>, vector<88x256xf32>
    %dot_general3A_2357 = arith.constant dense<0.000000e+00> : vector<88x256xf32>
    %dot_general3A_2358 = tpu.matmul %exp3A_2353, %get3A_2356, %dot_general3A_2357 {dimension_numbers = #tpu.dot_dimension_numbers<[1], [0], [0], [1], [0, 0, 1, 1], [], []>, precision = #tpu.contract_precision<fp32>, transpose_lhs_hint = false} : vector<88x88xf32>, vector<88x256xf32>, vector<88x256xf32> -> vector<88x256xf32>
    %slice3A_2359 = vector.extract_strided_slice %dot_general3A_2358 {offsets = [0, 0], sizes = [88, 128], strides = [1, 1]} : vector<88x256xf32> to vector<88x128xf32>
    %slice3A_2360 = vector.extract_strided_slice %dot_general3A_2358 {offsets = [0, 128], sizes = [88, 128], strides = [1, 1]} : vector<88x256xf32> to vector<88x128xf32>
    %max3A_2361 = arith.constant 1.000000e-16 : f32
    %max3A_2362 = vector.broadcast %max3A_2361 : f32 to vector<88x128xf32>
    %max3A_2363 = arith.maximumf %slice3A_2360, %max3A_2362 : vector<88x128xf32>
    %div3A_2364 = arith.divf %slice3A_2359, %max3A_2363 : vector<88x128xf32>
    %get3A_2365 = arith.constant 352 : index
    %get3A_2366 = arith.constant 384 : index
    %get3A_2367 = vector.load %arg13[%get3A_2365, %get3A_2366] : memref<2816x512xf32, #tpu.memory_space<vmem>>, vector<88x128xf32>
    %add3A_2368 = arith.addf %div3A_2364, %get3A_2367 : vector<88x128xf32>
    %reduce_sum3A_2369 = arith.constant dense<0.000000e+00> : vector<128xf32>
    %reduce_sum3A_2370 = vector.multi_reduction <add>, %add3A_2368, %reduce_sum3A_2369 [0] : vector<88x128xf32> to vector<128xf32>
    %broadcast_in_dim3A_2371 = vector.shape_cast %reduce_sum3A_2370 : vector<128xf32> to vector<1x128xf32>
    %swap3A_2372 = arith.constant 4 : index
    %swap3A_2373 = arith.constant 0 : index
    %swap3A_2374 = vector.load %arg17[%swap3A_2372, %swap3A_2373] : memref<32x128xf32, #tpu.memory_space<vmem>>, vector<1x128xf32>
    tpu.vector_store %arg17[%swap3A_2372, %swap3A_2373], %broadcast_in_dim3A_2371 {strides = array<i32>} : memref<32x128xf32, #tpu.memory_space<vmem>>, vector<1x128xf32>,
    %get3A_2375 = arith.constant 440 : index
    %get3A_2376 = arith.constant 0 : index
    %get3A_2377 = vector.load %arg13[%get3A_2375, %get3A_2376] : memref<2816x512xf32, #tpu.memory_space<vmem>>, vector<88x128xf32>
    %get3A_2378 = arith.constant 440 : index
    %get3A_2379 = arith.constant 128 : index
    %get3A_2380 = vector.load %arg13[%get3A_2378, %get3A_2379] : memref<2816x512xf32, #tpu.memory_space<vmem>>, vector<88x128xf32>
    %dot_general3A_2381 = arith.constant dense<0.000000e+00> : vector<88x88xf32>
    %dot_general3A_2382 = tpu.matmul %get3A_2377, %get3A_2380, %dot_general3A_2381 {dimension_numbers = #tpu.dot_dimension_numbers<[1], [1], [0], [0], [0, 0, 1, 0], [], []>, precision = #tpu.contract_precision<fp32>, transpose_lhs_hint = false} : vector<88x128xf32>, vector<88x128xf32>, vector<88x88xf32> -> vector<88x88xf32>
    %get3A_2383 = arith.constant 5 : index
    %get3A_2384 = arith.constant 0 : index
    %get3A_2385 = arith.constant 0 : index
    %get3A_2386 = vector.load %arg16[%get3A_2383, %get3A_2384, %get3A_2385] : memref<32x88x88xf32, #tpu.memory_space<vmem>>, vector<1x88x88xf32>
    %get3A_2387 = vector.shape_cast %get3A_2386 : vector<1x88x88xf32> to vector<88x88xf32>
    %add3A_2388 = arith.addf %dot_general3A_2382, %get3A_2387 : vector<88x88xf32>
    %exp3A_2389 = math.exp %add3A_2388 : vector<88x88xf32>
    %get3A_2390 = arith.constant 440 : index
    %get3A_2391 = arith.constant 0 : index
    %get3A_2392 = vector.load %arg14[%get3A_2390, %get3A_2391] : memref<2816x256xf32, #tpu.memory_space<vmem>>, vector<88x256xf32>
    %dot_general3A_2393 = arith.constant dense<0.000000e+00> : vector<88x256xf32>
    %dot_general3A_2394 = tpu.matmul %exp3A_2389, %get3A_2392, %dot_general3A_2393 {dimension_numbers = #tpu.dot_dimension_numbers<[1], [0], [0], [1], [0, 0, 1, 1], [], []>, precision = #tpu.contract_precision<fp32>, transpose_lhs_hint = false} : vector<88x88xf32>, vector<88x256xf32>, vector<88x256xf32> -> vector<88x256xf32>
    %slice3A_2395 = vector.extract_strided_slice %dot_general3A_2394 {offsets = [0, 0], sizes = [88, 128], strides = [1, 1]} : vector<88x256xf32> to vector<88x128xf32>
    %slice3A_2396 = vector.extract_strided_slice %dot_general3A_2394 {offsets = [0, 128], sizes = [88, 128], strides = [1, 1]} : vector<88x256xf32> to vector<88x128xf32>
    %max3A_2397 = arith.constant 1.000000e-16 : f32
    %max3A_2398 = vector.broadcast %max3A_2397 : f32 to vector<88x128xf32>
    %max3A_2399 = arith.maximumf %slice3A_2396, %max3A_2398 : vector<88x128xf32>
    %div3A_2400 = arith.divf %slice3A_2395, %max3A_2399 : vector<88x128xf32>
    %get3A_2401 = arith.constant 440 : index
    %get3A_2402 = arith.constant 384 : index
    %get3A_2403 = vector.load %arg13[%get3A_2401, %get3A_2402] : memref<2816x512xf32, #tpu.memory_space<vmem>>, vector<88x128xf32>
    %add3A_2404 = arith.addf %div3A_2400, %get3A_2403 : vector<88x128xf32>
    %reduce_sum3A_2405 = arith.constant dense<0.000000e+00> : vector<128xf32>
    %reduce_sum3A_2406 = vector.multi_reduction <add>, %add3A_2404, %reduce_sum3A_2405 [0] : vector<88x128xf32> to vector<128xf32>
    %broadcast_in_dim3A_2407 = vector.shape_cast %reduce_sum3A_2406 : vector<128xf32> to vector<1x128xf32>
    %swap3A_2408 = arith.constant 5 : index
    %swap3A_2409 = arith.constant 0 : index
    %swap3A_2410 = vector.load %arg17[%swap3A_2408, %swap3A_2409] : memref<32x128xf32, #tpu.memory_space<vmem>>, vector<1x128xf32>
    tpu.vector_store %arg17[%swap3A_2408, %swap3A_2409], %broadcast_in_dim3A_2407 {strides = array<i32>} : memref<32x128xf32, #tpu.memory_space<vmem>>, vector<1x128xf32>,
    %get3A_2411 = arith.constant 528 : index
    %get3A_2412 = arith.constant 0 : index
    %get3A_2413 = vector.load %arg13[%get3A_2411, %get3A_2412] : memref<2816x512xf32, #tpu.memory_space<vmem>>, vector<88x128xf32>
    %get3A_2414 = arith.constant 528 : index
    %get3A_2415 = arith.constant 128 : index
    %get3A_2416 = vector.load %arg13[%get3A_2414, %get3A_2415] : memref<2816x512xf32, #tpu.memory_space<vmem>>, vector<88x128xf32>
    %dot_general3A_2417 = arith.constant dense<0.000000e+00> : vector<88x88xf32>
    %dot_general3A_2418 = tpu.matmul %get3A_2413, %get3A_2416, %dot_general3A_2417 {dimension_numbers = #tpu.dot_dimension_numbers<[1], [1], [0], [0], [0, 0, 1, 0], [], []>, precision = #tpu.contract_precision<fp32>, transpose_lhs_hint = false} : vector<88x128xf32>, vector<88x128xf32>, vector<88x88xf32> -> vector<88x88xf32>
    %get3A_2419 = arith.constant 6 : index
    %get3A_2420 = arith.constant 0 : index
    %get3A_2421 = arith.constant 0 : index
    %get3A_2422 = vector.load %arg16[%get3A_2419, %get3A_2420, %get3A_2421] : memref<32x88x88xf32, #tpu.memory_space<vmem>>, vector<1x88x88xf32>
    %get3A_2423 = vector.shape_cast %get3A_2422 : vector<1x88x88xf32> to vector<88x88xf32>
    %add3A_2424 = arith.addf %dot_general3A_2418, %get3A_2423 : vector<88x88xf32>
    %exp3A_2425 = math.exp %add3A_2424 : vector<88x88xf32>
    %get3A_2426 = arith.constant 528 : index
    %get3A_2427 = arith.constant 0 : index
    %get3A_2428 = vector.load %arg14[%get3A_2426, %get3A_2427] : memref<2816x256xf32, #tpu.memory_space<vmem>>, vector<88x256xf32>
    %dot_general3A_2429 = arith.constant dense<0.000000e+00> : vector<88x256xf32>
    %dot_general3A_2430 = tpu.matmul %exp3A_2425, %get3A_2428, %dot_general3A_2429 {dimension_numbers = #tpu.dot_dimension_numbers<[1], [0], [0], [1], [0, 0, 1, 1], [], []>, precision = #tpu.contract_precision<fp32>, transpose_lhs_hint = false} : vector<88x88xf32>, vector<88x256xf32>, vector<88x256xf32> -> vector<88x256xf32>
    %slice3A_2431 = vector.extract_strided_slice %dot_general3A_2430 {offsets = [0, 0], sizes = [88, 128], strides = [1, 1]} : vector<88x256xf32> to vector<88x128xf32>
    %slice3A_2432 = vector.extract_strided_slice %dot_general3A_2430 {offsets = [0, 128], sizes = [88, 128], strides = [1, 1]} : vector<88x256xf32> to vector<88x128xf32>
    %max3A_2433 = arith.constant 1.000000e-16 : f32
    %max3A_2434 = vector.broadcast %max3A_2433 : f32 to vector<88x128xf32>
    %max3A_2435 = arith.maximumf %slice3A_2432, %max3A_2434 : vector<88x128xf32>
    %div3A_2436 = arith.divf %slice3A_2431, %max3A_2435 : vector<88x128xf32>
    %get3A_2437 = arith.constant 528 : index
    %get3A_2438 = arith.constant 384 : index
    %get3A_2439 = vector.load %arg13[%get3A_2437, %get3A_2438] : memref<2816x512xf32, #tpu.memory_space<vmem>>, vector<88x128xf32>
    %add3A_2440 = arith.addf %div3A_2436, %get3A_2439 : vector<88x128xf32>
    %reduce_sum3A_2441 = arith.constant dense<0.000000e+00> : vector<128xf32>
    %reduce_sum3A_2442 = vector.multi_reduction <add>, %add3A_2440, %reduce_sum3A_2441 [0] : vector<88x128xf32> to vector<128xf32>
    %broadcast_in_dim3A_2443 = vector.shape_cast %reduce_sum3A_2442 : vector<128xf32> to vector<1x128xf32>
    %swap3A_2444 = arith.constant 6 : index
    %swap3A_2445 = arith.constant 0 : index
    %swap3A_2446 = vector.load %arg17[%swap3A_2444, %swap3A_2445] : memref<32x128xf32, #tpu.memory_space<vmem>>, vector<1x128xf32>
    tpu.vector_store %arg17[%swap3A_2444, %swap3A_2445], %broadcast_in_dim3A_2443 {strides = array<i32>} : memref<32x128xf32, #tpu.memory_space<vmem>>, vector<1x128xf32>,
    %get3A_2447 = arith.constant 616 : index
    %get3A_2448 = arith.constant 0 : index
    %get3A_2449 = vector.load %arg13[%get3A_2447, %get3A_2448] : memref<2816x512xf32, #tpu.memory_space<vmem>>, vector<88x128xf32>
    %get3A_2450 = arith.constant 616 : index
    %get3A_2451 = arith.constant 128 : index
    %get3A_2452 = vector.load %arg13[%get3A_2450, %get3A_2451] : memref<2816x512xf32, #tpu.memory_space<vmem>>, vector<88x128xf32>
    %dot_general3A_2453 = arith.constant dense<0.000000e+00> : vector<88x88xf32>
    %dot_general3A_2454 = tpu.matmul %get3A_2449, %get3A_2452, %dot_general3A_2453 {dimension_numbers = #tpu.dot_dimension_numbers<[1], [1], [0], [0], [0, 0, 1, 0], [], []>, precision = #tpu.contract_precision<fp32>, transpose_lhs_hint = false} : vector<88x128xf32>, vector<88x128xf32>, vector<88x88xf32> -> vector<88x88xf32>
    %get3A_2455 = arith.constant 7 : index
    %get3A_2456 = arith.constant 0 : index
    %get3A_2457 = arith.constant 0 : index
    %get3A_2458 = vector.load %arg16[%get3A_2455, %get3A_2456, %get3A_2457] : memref<32x88x88xf32, #tpu.memory_space<vmem>>, vector<1x88x88xf32>
    %get3A_2459 = vector.shape_cast %get3A_2458 : vector<1x88x88xf32> to vector<88x88xf32>
    %add3A_2460 = arith.addf %dot_general3A_2454, %get3A_2459 : vector<88x88xf32>
    %exp3A_2461 = math.exp %add3A_2460 : vector<88x88xf32>
    %get3A_2462 = arith.constant 616 : index
    %get3A_2463 = arith.constant 0 : index
    %get3A_2464 = vector.load %arg14[%get3A_2462, %get3A_2463] : memref<2816x256xf32, #tpu.memory_space<vmem>>, vector<88x256xf32>
    %dot_general3A_2465 = arith.constant dense<0.000000e+00> : vector<88x256xf32>
    %dot_general3A_2466 = tpu.matmul %exp3A_2461, %get3A_2464, %dot_general3A_2465 {dimension_numbers = #tpu.dot_dimension_numbers<[1], [0], [0], [1], [0, 0, 1, 1], [], []>, precision = #tpu.contract_precision<fp32>, transpose_lhs_hint = false} : vector<88x88xf32>, vector<88x256xf32>, vector<88x256xf32> -> vector<88x256xf32>
    %slice3A_2467 = vector.extract_strided_slice %dot_general3A_2466 {offsets = [0, 0], sizes = [88, 128], strides = [1, 1]} : vector<88x256xf32> to vector<88x128xf32>
    %slice3A_2468 = vector.extract_strided_slice %dot_general3A_2466 {offsets = [0, 128], sizes = [88, 128], strides = [1, 1]} : vector<88x256xf32> to vector<88x128xf32>
    %max3A_2469 = arith.constant 1.000000e-16 : f32
    %max3A_2470 = vector.broadcast %max3A_2469 : f32 to vector<88x128xf32>
    %max3A_2471 = arith.maximumf %slice3A_2468, %max3A_2470 : vector<88x128xf32>
    %div3A_2472 = arith.divf %slice3A_2467, %max3A_2471 : vector<88x128xf32>
    %get3A_2473 = arith.constant 616 : index
    %get3A_2474 = arith.constant 384 : index
    %get3A_2475 = vector.load %arg13[%get3A_2473, %get3A_2474] : memref<2816x512xf32, #tpu.memory_space<vmem>>, vector<88x128xf32>
    %add3A_2476 = arith.addf %div3A_2472, %get3A_2475 : vector<88x128xf32>
    %reduce_sum3A_2477 = arith.constant dense<0.000000e+00> : vector<128xf32>
    %reduce_sum3A_2478 = vector.multi_reduction <add>, %add3A_2476, %reduce_sum3A_2477 [0] : vector<88x128xf32> to vector<128xf32>
    %broadcast_in_dim3A_2479 = vector.shape_cast %reduce_sum3A_2478 : vector<128xf32> to vector<1x128xf32>
    %swap3A_2480 = arith.constant 7 : index
    %swap3A_2481 = arith.constant 0 : index
    %swap3A_2482 = vector.load %arg17[%swap3A_2480, %swap3A_2481] : memref<32x128xf32, #tpu.memory_space<vmem>>, vector<1x128xf32>
    tpu.vector_store %arg17[%swap3A_2480, %swap3A_2481], %broadcast_in_dim3A_2479 {strides = array<i32>} : memref<32x128xf32, #tpu.memory_space<vmem>>, vector<1x128xf32>,
    %get3A_2483 = arith.constant 704 : index
    %get3A_2484 = arith.constant 0 : index
    %get3A_2485 = vector.load %arg13[%get3A_2483, %get3A_2484] : memref<2816x512xf32, #tpu.memory_space<vmem>>, vector<88x128xf32>
    %get3A_2486 = arith.constant 704 : index
    %get3A_2487 = arith.constant 128 : index
    %get3A_2488 = vector.load %arg13[%get3A_2486, %get3A_2487] : memref<2816x512xf32, #tpu.memory_space<vmem>>, vector<88x128xf32>
    %dot_general3A_2489 = arith.constant dense<0.000000e+00> : vector<88x88xf32>
    %dot_general3A_2490 = tpu.matmul %get3A_2485, %get3A_2488, %dot_general3A_2489 {dimension_numbers = #tpu.dot_dimension_numbers<[1], [1], [0], [0], [0, 0, 1, 0], [], []>, precision = #tpu.contract_precision<fp32>, transpose_lhs_hint = false} : vector<88x128xf32>, vector<88x128xf32>, vector<88x88xf32> -> vector<88x88xf32>
    %get3A_2491 = arith.constant 8 : index
    %get3A_2492 = arith.constant 0 : index
    %get3A_2493 = arith.constant 0 : index
    %get3A_2494 = vector.load %arg16[%get3A_2491, %get3A_2492, %get3A_2493] : memref<32x88x88xf32, #tpu.memory_space<vmem>>, vector<1x88x88xf32>
    %get3A_2495 = vector.shape_cast %get3A_2494 : vector<1x88x88xf32> to vector<88x88xf32>
    %add3A_2496 = arith.addf %dot_general3A_2490, %get3A_2495 : vector<88x88xf32>
    %exp3A_2497 = math.exp %add3A_2496 : vector<88x88xf32>
    %get3A_2498 = arith.constant 704 : index
    %get3A_2499 = arith.constant 0 : index
    %get3A_2500 = vector.load %arg14[%get3A_2498, %get3A_2499] : memref<2816x256xf32, #tpu.memory_space<vmem>>, vector<88x256xf32>
    %dot_general3A_2501 = arith.constant dense<0.000000e+00> : vector<88x256xf32>
    %dot_general3A_2502 = tpu.matmul %exp3A_2497, %get3A_2500, %dot_general3A_2501 {dimension_numbers = #tpu.dot_dimension_numbers<[1], [0], [0], [1], [0, 0, 1, 1], [], []>, precision = #tpu.contract_precision<fp32>, transpose_lhs_hint = false} : vector<88x88xf32>, vector<88x256xf32>, vector<88x256xf32> -> vector<88x256xf32>
    %slice3A_2503 = vector.extract_strided_slice %dot_general3A_2502 {offsets = [0, 0], sizes = [88, 128], strides = [1, 1]} : vector<88x256xf32> to vector<88x128xf32>
    %slice3A_2504 = vector.extract_strided_slice %dot_general3A_2502 {offsets = [0, 128], sizes = [88, 128], strides = [1, 1]} : vector<88x256xf32> to vector<88x128xf32>
    %max3A_2505 = arith.constant 1.000000e-16 : f32
    %max3A_2506 = vector.broadcast %max3A_2505 : f32 to vector<88x128xf32>
    %max3A_2507 = arith.maximumf %slice3A_2504, %max3A_2506 : vector<88x128xf32>
    %div3A_2508 = arith.divf %slice3A_2503, %max3A_2507 : vector<88x128xf32>
    %get3A_2509 = arith.constant 704 : index
    %get3A_2510 = arith.constant 384 : index
    %get3A_2511 = vector.load %arg13[%get3A_2509, %get3A_2510] : memref<2816x512xf32, #tpu.memory_space<vmem>>, vector<88x128xf32>
    %add3A_2512 = arith.addf %div3A_2508, %get3A_2511 : vector<88x128xf32>
    %reduce_sum3A_2513 = arith.constant dense<0.000000e+00> : vector<128xf32>
    %reduce_sum3A_2514 = vector.multi_reduction <add>, %add3A_2512, %reduce_sum3A_2513 [0] : vector<88x128xf32> to vector<128xf32>
    %broadcast_in_dim3A_2515 = vector.shape_cast %reduce_sum3A_2514 : vector<128xf32> to vector<1x128xf32>
    %swap3A_2516 = arith.constant 8 : index
    %swap3A_2517 = arith.constant 0 : index
    %swap3A_2518 = vector.load %arg17[%swap3A_2516, %swap3A_2517] : memref<32x128xf32, #tpu.memory_space<vmem>>, vector<1x128xf32>
    tpu.vector_store %arg17[%swap3A_2516, %swap3A_2517], %broadcast_in_dim3A_2515 {strides = array<i32>} : memref<32x128xf32, #tpu.memory_space<vmem>>, vector<1x128xf32>,
    %get3A_2519 = arith.constant 792 : index
    %get3A_2520 = arith.constant 0 : index
    %get3A_2521 = vector.load %arg13[%get3A_2519, %get3A_2520] : memref<2816x512xf32, #tpu.memory_space<vmem>>, vector<88x128xf32>
    %get3A_2522 = arith.constant 792 : index
    %get3A_2523 = arith.constant 128 : index
    %get3A_2524 = vector.load %arg13[%get3A_2522, %get3A_2523] : memref<2816x512xf32, #tpu.memory_space<vmem>>, vector<88x128xf32>
    %dot_general3A_2525 = arith.constant dense<0.000000e+00> : vector<88x88xf32>
    %dot_general3A_2526 = tpu.matmul %get3A_2521, %get3A_2524, %dot_general3A_2525 {dimension_numbers = #tpu.dot_dimension_numbers<[1], [1], [0], [0], [0, 0, 1, 0], [], []>, precision = #tpu.contract_precision<fp32>, transpose_lhs_hint = false} : vector<88x128xf32>, vector<88x128xf32>, vector<88x88xf32> -> vector<88x88xf32>
    %get3A_2527 = arith.constant 9 : index
    %get3A_2528 = arith.constant 0 : index
    %get3A_2529 = arith.constant 0 : index
    %get3A_2530 = vector.load %arg16[%get3A_2527, %get3A_2528, %get3A_2529] : memref<32x88x88xf32, #tpu.memory_space<vmem>>, vector<1x88x88xf32>
    %get3A_2531 = vector.shape_cast %get3A_2530 : vector<1x88x88xf32> to vector<88x88xf32>
    %add3A_2532 = arith.addf %dot_general3A_2526, %get3A_2531 : vector<88x88xf32>
    %exp3A_2533 = math.exp %add3A_2532 : vector<88x88xf32>
    %get3A_2534 = arith.constant 792 : index
    %get3A_2535 = arith.constant 0 : index
    %get3A_2536 = vector.load %arg14[%get3A_2534, %get3A_2535] : memref<2816x256xf32, #tpu.memory_space<vmem>>, vector<88x256xf32>
    %dot_general3A_2537 = arith.constant dense<0.000000e+00> : vector<88x256xf32>
    %dot_general3A_2538 = tpu.matmul %exp3A_2533, %get3A_2536, %dot_general3A_2537 {dimension_numbers = #tpu.dot_dimension_numbers<[1], [0], [0], [1], [0, 0, 1, 1], [], []>, precision = #tpu.contract_precision<fp32>, transpose_lhs_hint = false} : vector<88x88xf32>, vector<88x256xf32>, vector<88x256xf32> -> vector<88x256xf32>
    %slice3A_2539 = vector.extract_strided_slice %dot_general3A_2538 {offsets = [0, 0], sizes = [88, 128], strides = [1, 1]} : vector<88x256xf32> to vector<88x128xf32>
    %slice3A_2540 = vector.extract_strided_slice %dot_general3A_2538 {offsets = [0, 128], sizes = [88, 128], strides = [1, 1]} : vector<88x256xf32> to vector<88x128xf32>
    %max3A_2541 = arith.constant 1.000000e-16 : f32
    %max3A_2542 = vector.broadcast %max3A_2541 : f32 to vector<88x128xf32>
    %max3A_2543 = arith.maximumf %slice3A_2540, %max3A_2542 : vector<88x128xf32>
    %div3A_2544 = arith.divf %slice3A_2539, %max3A_2543 : vector<88x128xf32>
    %get3A_2545 = arith.constant 792 : index
    %get3A_2546 = arith.constant 384 : index
    %get3A_2547 = vector.load %arg13[%get3A_2545, %get3A_2546] : memref<2816x512xf32, #tpu.memory_space<vmem>>, vector<88x128xf32>
    %add3A_2548 = arith.addf %div3A_2544, %get3A_2547 : vector<88x128xf32>
    %reduce_sum3A_2549 = arith.constant dense<0.000000e+00> : vector<128xf32>
    %reduce_sum3A_2550 = vector.multi_reduction <add>, %add3A_2548, %reduce_sum3A_2549 [0] : vector<88x128xf32> to vector<128xf32>
    %broadcast_in_dim3A_2551 = vector.shape_cast %reduce_sum3A_2550 : vector<128xf32> to vector<1x128xf32>
    %swap3A_2552 = arith.constant 9 : index
    %swap3A_2553 = arith.constant 0 : index
    %swap3A_2554 = vector.load %arg17[%swap3A_2552, %swap3A_2553] : memref<32x128xf32, #tpu.memory_space<vmem>>, vector<1x128xf32>
    tpu.vector_store %arg17[%swap3A_2552, %swap3A_2553], %broadcast_in_dim3A_2551 {strides = array<i32>} : memref<32x128xf32, #tpu.memory_space<vmem>>, vector<1x128xf32>,
    %get3A_2555 = arith.constant 880 : index
    %get3A_2556 = arith.constant 0 : index
    %get3A_2557 = vector.load %arg13[%get3A_2555, %get3A_2556] : memref<2816x512xf32, #tpu.memory_space<vmem>>, vector<88x128xf32>
    %get3A_2558 = arith.constant 880 : index
    %get3A_2559 = arith.constant 128 : index
    %get3A_2560 = vector.load %arg13[%get3A_2558, %get3A_2559] : memref<2816x512xf32, #tpu.memory_space<vmem>>, vector<88x128xf32>
    %dot_general3A_2561 = arith.constant dense<0.000000e+00> : vector<88x88xf32>
    %dot_general3A_2562 = tpu.matmul %get3A_2557, %get3A_2560, %dot_general3A_2561 {dimension_numbers = #tpu.dot_dimension_numbers<[1], [1], [0], [0], [0, 0, 1, 0], [], []>, precision = #tpu.contract_precision<fp32>, transpose_lhs_hint = false} : vector<88x128xf32>, vector<88x128xf32>, vector<88x88xf32> -> vector<88x88xf32>
    %get3A_2563 = arith.constant 10 : index
    %get3A_2564 = arith.constant 0 : index
    %get3A_2565 = arith.constant 0 : index
    %get3A_2566 = vector.load %arg16[%get3A_2563, %get3A_2564, %get3A_2565] : memref<32x88x88xf32, #tpu.memory_space<vmem>>, vector<1x88x88xf32>
    %get3A_2567 = vector.shape_cast %get3A_2566 : vector<1x88x88xf32> to vector<88x88xf32>
    %add3A_2568 = arith.addf %dot_general3A_2562, %get3A_2567 : vector<88x88xf32>
    %exp3A_2569 = math.exp %add3A_2568 : vector<88x88xf32>
    %get3A_2570 = arith.constant 880 : index
    %get3A_2571 = arith.constant 0 : index
    %get3A_2572 = vector.load %arg14[%get3A_2570, %get3A_2571] : memref<2816x256xf32, #tpu.memory_space<vmem>>, vector<88x256xf32>
    %dot_general3A_2573 = arith.constant dense<0.000000e+00> : vector<88x256xf32>
    %dot_general3A_2574 = tpu.matmul %exp3A_2569, %get3A_2572, %dot_general3A_2573 {dimension_numbers = #tpu.dot_dimension_numbers<[1], [0], [0], [1], [0, 0, 1, 1], [], []>, precision = #tpu.contract_precision<fp32>, transpose_lhs_hint = false} : vector<88x88xf32>, vector<88x256xf32>, vector<88x256xf32> -> vector<88x256xf32>
    %slice3A_2575 = vector.extract_strided_slice %dot_general3A_2574 {offsets = [0, 0], sizes = [88, 128], strides = [1, 1]} : vector<88x256xf32> to vector<88x128xf32>
    %slice3A_2576 = vector.extract_strided_slice %dot_general3A_2574 {offsets = [0, 128], sizes = [88, 128], strides = [1, 1]} : vector<88x256xf32> to vector<88x128xf32>
    %max3A_2577 = arith.constant 1.000000e-16 : f32
    %max3A_2578 = vector.broadcast %max3A_2577 : f32 to vector<88x128xf32>
    %max3A_2579 = arith.maximumf %slice3A_2576, %max3A_2578 : vector<88x128xf32>
    %div3A_2580 = arith.divf %slice3A_2575, %max3A_2579 : vector<88x128xf32>
    %get3A_2581 = arith.constant 880 : index
    %get3A_2582 = arith.constant 384 : index
    %get3A_2583 = vector.load %arg13[%get3A_2581, %get3A_2582] : memref<2816x512xf32, #tpu.memory_space<vmem>>, vector<88x128xf32>
    %add3A_2584 = arith.addf %div3A_2580, %get3A_2583 : vector<88x128xf32>
    %reduce_sum3A_2585 = arith.constant dense<0.000000e+00> : vector<128xf32>
    %reduce_sum3A_2586 = vector.multi_reduction <add>, %add3A_2584, %reduce_sum3A_2585 [0] : vector<88x128xf32> to vector<128xf32>
    %broadcast_in_dim3A_2587 = vector.shape_cast %reduce_sum3A_2586 : vector<128xf32> to vector<1x128xf32>
    %swap3A_2588 = arith.constant 10 : index
    %swap3A_2589 = arith.constant 0 : index
    %swap3A_2590 = vector.load %arg17[%swap3A_2588, %swap3A_2589] : memref<32x128xf32, #tpu.memory_space<vmem>>, vector<1x128xf32>
    tpu.vector_store %arg17[%swap3A_2588, %swap3A_2589], %broadcast_in_dim3A_2587 {strides = array<i32>} : memref<32x128xf32, #tpu.memory_space<vmem>>, vector<1x128xf32>,
    %get3A_2591 = arith.constant 968 : index
    %get3A_2592 = arith.constant 0 : index
    %get3A_2593 = vector.load %arg13[%get3A_2591, %get3A_2592] : memref<2816x512xf32, #tpu.memory_space<vmem>>, vector<88x128xf32>
    %get3A_2594 = arith.constant 968 : index
    %get3A_2595 = arith.constant 128 : index
    %get3A_2596 = vector.load %arg13[%get3A_2594, %get3A_2595] : memref<2816x512xf32, #tpu.memory_space<vmem>>, vector<88x128xf32>
    %dot_general3A_2597 = arith.constant dense<0.000000e+00> : vector<88x88xf32>
    %dot_general3A_2598 = tpu.matmul %get3A_2593, %get3A_2596, %dot_general3A_2597 {dimension_numbers = #tpu.dot_dimension_numbers<[1], [1], [0], [0], [0, 0, 1, 0], [], []>, precision = #tpu.contract_precision<fp32>, transpose_lhs_hint = false} : vector<88x128xf32>, vector<88x128xf32>, vector<88x88xf32> -> vector<88x88xf32>
    %get3A_2599 = arith.constant 11 : index
    %get3A_2600 = arith.constant 0 : index
    %get3A_2601 = arith.constant 0 : index
    %get3A_2602 = vector.load %arg16[%get3A_2599, %get3A_2600, %get3A_2601] : memref<32x88x88xf32, #tpu.memory_space<vmem>>, vector<1x88x88xf32>
    %get3A_2603 = vector.shape_cast %get3A_2602 : vector<1x88x88xf32> to vector<88x88xf32>
    %add3A_2604 = arith.addf %dot_general3A_2598, %get3A_2603 : vector<88x88xf32>
    %exp3A_2605 = math.exp %add3A_2604 : vector<88x88xf32>
    %get3A_2606 = arith.constant 968 : index
    %get3A_2607 = arith.constant 0 : index
    %get3A_2608 = vector.load %arg14[%get3A_2606, %get3A_2607] : memref<2816x256xf32, #tpu.memory_space<vmem>>, vector<88x256xf32>
    %dot_general3A_2609 = arith.constant dense<0.000000e+00> : vector<88x256xf32>
    %dot_general3A_2610 = tpu.matmul %exp3A_2605, %get3A_2608, %dot_general3A_2609 {dimension_numbers = #tpu.dot_dimension_numbers<[1], [0], [0], [1], [0, 0, 1, 1], [], []>, precision = #tpu.contract_precision<fp32>, transpose_lhs_hint = false} : vector<88x88xf32>, vector<88x256xf32>, vector<88x256xf32> -> vector<88x256xf32>
    %slice3A_2611 = vector.extract_strided_slice %dot_general3A_2610 {offsets = [0, 0], sizes = [88, 128], strides = [1, 1]} : vector<88x256xf32> to vector<88x128xf32>
    %slice3A_2612 = vector.extract_strided_slice %dot_general3A_2610 {offsets = [0, 128], sizes = [88, 128], strides = [1, 1]} : vector<88x256xf32> to vector<88x128xf32>
    %max3A_2613 = arith.constant 1.000000e-16 : f32
    %max3A_2614 = vector.broadcast %max3A_2613 : f32 to vector<88x128xf32>
    %max3A_2615 = arith.maximumf %slice3A_2612, %max3A_2614 : vector<88x128xf32>
    %div3A_2616 = arith.divf %slice3A_2611, %max3A_2615 : vector<88x128xf32>
    %get3A_2617 = arith.constant 968 : index
    %get3A_2618 = arith.constant 384 : index
    %get3A_2619 = vector.load %arg13[%get3A_2617, %get3A_2618] : memref<2816x512xf32, #tpu.memory_space<vmem>>, vector<88x128xf32>
    %add3A_2620 = arith.addf %div3A_2616, %get3A_2619 : vector<88x128xf32>
    %reduce_sum3A_2621 = arith.constant dense<0.000000e+00> : vector<128xf32>
    %reduce_sum3A_2622 = vector.multi_reduction <add>, %add3A_2620, %reduce_sum3A_2621 [0] : vector<88x128xf32> to vector<128xf32>
    %broadcast_in_dim3A_2623 = vector.shape_cast %reduce_sum3A_2622 : vector<128xf32> to vector<1x128xf32>
    %swap3A_2624 = arith.constant 11 : index
    %swap3A_2625 = arith.constant 0 : index
    %swap3A_2626 = vector.load %arg17[%swap3A_2624, %swap3A_2625] : memref<32x128xf32, #tpu.memory_space<vmem>>, vector<1x128xf32>
    tpu.vector_store %arg17[%swap3A_2624, %swap3A_2625], %broadcast_in_dim3A_2623 {strides = array<i32>} : memref<32x128xf32, #tpu.memory_space<vmem>>, vector<1x128xf32>,
    %get3A_2627 = arith.constant 1056 : index
    %get3A_2628 = arith.constant 0 : index
    %get3A_2629 = vector.load %arg13[%get3A_2627, %get3A_2628] : memref<2816x512xf32, #tpu.memory_space<vmem>>, vector<88x128xf32>
    %get3A_2630 = arith.constant 1056 : index
    %get3A_2631 = arith.constant 128 : index
    %get3A_2632 = vector.load %arg13[%get3A_2630, %get3A_2631] : memref<2816x512xf32, #tpu.memory_space<vmem>>, vector<88x128xf32>
    %dot_general3A_2633 = arith.constant dense<0.000000e+00> : vector<88x88xf32>
    %dot_general3A_2634 = tpu.matmul %get3A_2629, %get3A_2632, %dot_general3A_2633 {dimension_numbers = #tpu.dot_dimension_numbers<[1], [1], [0], [0], [0, 0, 1, 0], [], []>, precision = #tpu.contract_precision<fp32>, transpose_lhs_hint = false} : vector<88x128xf32>, vector<88x128xf32>, vector<88x88xf32> -> vector<88x88xf32>
    %get3A_2635 = arith.constant 12 : index
    %get3A_2636 = arith.constant 0 : index
    %get3A_2637 = arith.constant 0 : index
    %get3A_2638 = vector.load %arg16[%get3A_2635, %get3A_2636, %get3A_2637] : memref<32x88x88xf32, #tpu.memory_space<vmem>>, vector<1x88x88xf32>
    %get3A_2639 = vector.shape_cast %get3A_2638 : vector<1x88x88xf32> to vector<88x88xf32>
    %add3A_2640 = arith.addf %dot_general3A_2634, %get3A_2639 : vector<88x88xf32>
    %exp3A_2641 = math.exp %add3A_2640 : vector<88x88xf32>
    %get3A_2642 = arith.constant 1056 : index
    %get3A_2643 = arith.constant 0 : index
    %get3A_2644 = vector.load %arg14[%get3A_2642, %get3A_2643] : memref<2816x256xf32, #tpu.memory_space<vmem>>, vector<88x256xf32>
    %dot_general3A_2645 = arith.constant dense<0.000000e+00> : vector<88x256xf32>
    %dot_general3A_2646 = tpu.matmul %exp3A_2641, %get3A_2644, %dot_general3A_2645 {dimension_numbers = #tpu.dot_dimension_numbers<[1], [0], [0], [1], [0, 0, 1, 1], [], []>, precision = #tpu.contract_precision<fp32>, transpose_lhs_hint = false} : vector<88x88xf32>, vector<88x256xf32>, vector<88x256xf32> -> vector<88x256xf32>
    %slice3A_2647 = vector.extract_strided_slice %dot_general3A_2646 {offsets = [0, 0], sizes = [88, 128], strides = [1, 1]} : vector<88x256xf32> to vector<88x128xf32>
    %slice3A_2648 = vector.extract_strided_slice %dot_general3A_2646 {offsets = [0, 128], sizes = [88, 128], strides = [1, 1]} : vector<88x256xf32> to vector<88x128xf32>
    %max3A_2649 = arith.constant 1.000000e-16 : f32
    %max3A_2650 = vector.broadcast %max3A_2649 : f32 to vector<88x128xf32>
    %max3A_2651 = arith.maximumf %slice3A_2648, %max3A_2650 : vector<88x128xf32>
    %div3A_2652 = arith.divf %slice3A_2647, %max3A_2651 : vector<88x128xf32>
    %get3A_2653 = arith.constant 1056 : index
    %get3A_2654 = arith.constant 384 : index
    %get3A_2655 = vector.load %arg13[%get3A_2653, %get3A_2654] : memref<2816x512xf32, #tpu.memory_space<vmem>>, vector<88x128xf32>
    %add3A_2656 = arith.addf %div3A_2652, %get3A_2655 : vector<88x128xf32>
    %reduce_sum3A_2657 = arith.constant dense<0.000000e+00> : vector<128xf32>
    %reduce_sum3A_2658 = vector.multi_reduction <add>, %add3A_2656, %reduce_sum3A_2657 [0] : vector<88x128xf32> to vector<128xf32>
    %broadcast_in_dim3A_2659 = vector.shape_cast %reduce_sum3A_2658 : vector<128xf32> to vector<1x128xf32>
    %swap3A_2660 = arith.constant 12 : index
    %swap3A_2661 = arith.constant 0 : index
    %swap3A_2662 = vector.load %arg17[%swap3A_2660, %swap3A_2661] : memref<32x128xf32, #tpu.memory_space<vmem>>, vector<1x128xf32>
    tpu.vector_store %arg17[%swap3A_2660, %swap3A_2661], %broadcast_in_dim3A_2659 {strides = array<i32>} : memref<32x128xf32, #tpu.memory_space<vmem>>, vector<1x128xf32>,
    %get3A_2663 = arith.constant 1144 : index
    %get3A_2664 = arith.constant 0 : index
    %get3A_2665 = vector.load %arg13[%get3A_2663, %get3A_2664] : memref<2816x512xf32, #tpu.memory_space<vmem>>, vector<88x128xf32>
    %get3A_2666 = arith.constant 1144 : index
    %get3A_2667 = arith.constant 128 : index
    %get3A_2668 = vector.load %arg13[%get3A_2666, %get3A_2667] : memref<2816x512xf32, #tpu.memory_space<vmem>>, vector<88x128xf32>
    %dot_general3A_2669 = arith.constant dense<0.000000e+00> : vector<88x88xf32>
    %dot_general3A_2670 = tpu.matmul %get3A_2665, %get3A_2668, %dot_general3A_2669 {dimension_numbers = #tpu.dot_dimension_numbers<[1], [1], [0], [0], [0, 0, 1, 0], [], []>, precision = #tpu.contract_precision<fp32>, transpose_lhs_hint = false} : vector<88x128xf32>, vector<88x128xf32>, vector<88x88xf32> -> vector<88x88xf32>
    %get3A_2671 = arith.constant 13 : index
    %get3A_2672 = arith.constant 0 : index
    %get3A_2673 = arith.constant 0 : index
    %get3A_2674 = vector.load %arg16[%get3A_2671, %get3A_2672, %get3A_2673] : memref<32x88x88xf32, #tpu.memory_space<vmem>>, vector<1x88x88xf32>
    %get3A_2675 = vector.shape_cast %get3A_2674 : vector<1x88x88xf32> to vector<88x88xf32>
    %add3A_2676 = arith.addf %dot_general3A_2670, %get3A_2675 : vector<88x88xf32>
    %exp3A_2677 = math.exp %add3A_2676 : vector<88x88xf32>
    %get3A_2678 = arith.constant 1144 : index
    %get3A_2679 = arith.constant 0 : index
    %get3A_2680 = vector.load %arg14[%get3A_2678, %get3A_2679] : memref<2816x256xf32, #tpu.memory_space<vmem>>, vector<88x256xf32>
    %dot_general3A_2681 = arith.constant dense<0.000000e+00> : vector<88x256xf32>
    %dot_general3A_2682 = tpu.matmul %exp3A_2677, %get3A_2680, %dot_general3A_2681 {dimension_numbers = #tpu.dot_dimension_numbers<[1], [0], [0], [1], [0, 0, 1, 1], [], []>, precision = #tpu.contract_precision<fp32>, transpose_lhs_hint = false} : vector<88x88xf32>, vector<88x256xf32>, vector<88x256xf32> -> vector<88x256xf32>
    %slice3A_2683 = vector.extract_strided_slice %dot_general3A_2682 {offsets = [0, 0], sizes = [88, 128], strides = [1, 1]} : vector<88x256xf32> to vector<88x128xf32>
    %slice3A_2684 = vector.extract_strided_slice %dot_general3A_2682 {offsets = [0, 128], sizes = [88, 128], strides = [1, 1]} : vector<88x256xf32> to vector<88x128xf32>
    %max3A_2685 = arith.constant 1.000000e-16 : f32
    %max3A_2686 = vector.broadcast %max3A_2685 : f32 to vector<88x128xf32>
    %max3A_2687 = arith.maximumf %slice3A_2684, %max3A_2686 : vector<88x128xf32>
    %div3A_2688 = arith.divf %slice3A_2683, %max3A_2687 : vector<88x128xf32>
    %get3A_2689 = arith.constant 1144 : index
    %get3A_2690 = arith.constant 384 : index
    %get3A_2691 = vector.load %arg13[%get3A_2689, %get3A_2690] : memref<2816x512xf32, #tpu.memory_space<vmem>>, vector<88x128xf32>
    %add3A_2692 = arith.addf %div3A_2688, %get3A_2691 : vector<88x128xf32>
    %reduce_sum3A_2693 = arith.constant dense<0.000000e+00> : vector<128xf32>
    %reduce_sum3A_2694 = vector.multi_reduction <add>, %add3A_2692, %reduce_sum3A_2693 [0] : vector<88x128xf32> to vector<128xf32>
    %broadcast_in_dim3A_2695 = vector.shape_cast %reduce_sum3A_2694 : vector<128xf32> to vector<1x128xf32>
    %swap3A_2696 = arith.constant 13 : index
    %swap3A_2697 = arith.constant 0 : index
    %swap3A_2698 = vector.load %arg17[%swap3A_2696, %swap3A_2697] : memref<32x128xf32, #tpu.memory_space<vmem>>, vector<1x128xf32>
    tpu.vector_store %arg17[%swap3A_2696, %swap3A_2697], %broadcast_in_dim3A_2695 {strides = array<i32>} : memref<32x128xf32, #tpu.memory_space<vmem>>, vector<1x128xf32>,
    %get3A_2699 = arith.constant 1232 : index
    %get3A_2700 = arith.constant 0 : index
    %get3A_2701 = vector.load %arg13[%get3A_2699, %get3A_2700] : memref<2816x512xf32, #tpu.memory_space<vmem>>, vector<88x128xf32>
    %get3A_2702 = arith.constant 1232 : index
    %get3A_2703 = arith.constant 128 : index
    %get3A_2704 = vector.load %arg13[%get3A_2702, %get3A_2703] : memref<2816x512xf32, #tpu.memory_space<vmem>>, vector<88x128xf32>
    %dot_general3A_2705 = arith.constant dense<0.000000e+00> : vector<88x88xf32>
    %dot_general3A_2706 = tpu.matmul %get3A_2701, %get3A_2704, %dot_general3A_2705 {dimension_numbers = #tpu.dot_dimension_numbers<[1], [1], [0], [0], [0, 0, 1, 0], [], []>, precision = #tpu.contract_precision<fp32>, transpose_lhs_hint = false} : vector<88x128xf32>, vector<88x128xf32>, vector<88x88xf32> -> vector<88x88xf32>
    %get3A_2707 = arith.constant 14 : index
    %get3A_2708 = arith.constant 0 : index
    %get3A_2709 = arith.constant 0 : index
    %get3A_2710 = vector.load %arg16[%get3A_2707, %get3A_2708, %get3A_2709] : memref<32x88x88xf32, #tpu.memory_space<vmem>>, vector<1x88x88xf32>
    %get3A_2711 = vector.shape_cast %get3A_2710 : vector<1x88x88xf32> to vector<88x88xf32>
    %add3A_2712 = arith.addf %dot_general3A_2706, %get3A_2711 : vector<88x88xf32>
    %exp3A_2713 = math.exp %add3A_2712 : vector<88x88xf32>
    %get3A_2714 = arith.constant 1232 : index
    %get3A_2715 = arith.constant 0 : index
    %get3A_2716 = vector.load %arg14[%get3A_2714, %get3A_2715] : memref<2816x256xf32, #tpu.memory_space<vmem>>, vector<88x256xf32>
    %dot_general3A_2717 = arith.constant dense<0.000000e+00> : vector<88x256xf32>
    %dot_general3A_2718 = tpu.matmul %exp3A_2713, %get3A_2716, %dot_general3A_2717 {dimension_numbers = #tpu.dot_dimension_numbers<[1], [0], [0], [1], [0, 0, 1, 1], [], []>, precision = #tpu.contract_precision<fp32>, transpose_lhs_hint = false} : vector<88x88xf32>, vector<88x256xf32>, vector<88x256xf32> -> vector<88x256xf32>
    %slice3A_2719 = vector.extract_strided_slice %dot_general3A_2718 {offsets = [0, 0], sizes = [88, 128], strides = [1, 1]} : vector<88x256xf32> to vector<88x128xf32>
    %slice3A_2720 = vector.extract_strided_slice %dot_general3A_2718 {offsets = [0, 128], sizes = [88, 128], strides = [1, 1]} : vector<88x256xf32> to vector<88x128xf32>
    %max3A_2721 = arith.constant 1.000000e-16 : f32
    %max3A_2722 = vector.broadcast %max3A_2721 : f32 to vector<88x128xf32>
    %max3A_2723 = arith.maximumf %slice3A_2720, %max3A_2722 : vector<88x128xf32>
    %div3A_2724 = arith.divf %slice3A_2719, %max3A_2723 : vector<88x128xf32>
    %get3A_2725 = arith.constant 1232 : index
    %get3A_2726 = arith.constant 384 : index
    %get3A_2727 = vector.load %arg13[%get3A_2725, %get3A_2726] : memref<2816x512xf32, #tpu.memory_space<vmem>>, vector<88x128xf32>
    %add3A_2728 = arith.addf %div3A_2724, %get3A_2727 : vector<88x128xf32>
    %reduce_sum3A_2729 = arith.constant dense<0.000000e+00> : vector<128xf32>
    %reduce_sum3A_2730 = vector.multi_reduction <add>, %add3A_2728, %reduce_sum3A_2729 [0] : vector<88x128xf32> to vector<128xf32>
    %broadcast_in_dim3A_2731 = vector.shape_cast %reduce_sum3A_2730 : vector<128xf32> to vector<1x128xf32>
    %swap3A_2732 = arith.constant 14 : index
    %swap3A_2733 = arith.constant 0 : index
    %swap3A_2734 = vector.load %arg17[%swap3A_2732, %swap3A_2733] : memref<32x128xf32, #tpu.memory_space<vmem>>, vector<1x128xf32>
    tpu.vector_store %arg17[%swap3A_2732, %swap3A_2733], %broadcast_in_dim3A_2731 {strides = array<i32>} : memref<32x128xf32, #tpu.memory_space<vmem>>, vector<1x128xf32>,
    %get3A_2735 = arith.constant 1320 : index
    %get3A_2736 = arith.constant 0 : index
    %get3A_2737 = vector.load %arg13[%get3A_2735, %get3A_2736] : memref<2816x512xf32, #tpu.memory_space<vmem>>, vector<88x128xf32>
    %get3A_2738 = arith.constant 1320 : index
    %get3A_2739 = arith.constant 128 : index
    %get3A_2740 = vector.load %arg13[%get3A_2738, %get3A_2739] : memref<2816x512xf32, #tpu.memory_space<vmem>>, vector<88x128xf32>
    %dot_general3A_2741 = arith.constant dense<0.000000e+00> : vector<88x88xf32>
    %dot_general3A_2742 = tpu.matmul %get3A_2737, %get3A_2740, %dot_general3A_2741 {dimension_numbers = #tpu.dot_dimension_numbers<[1], [1], [0], [0], [0, 0, 1, 0], [], []>, precision = #tpu.contract_precision<fp32>, transpose_lhs_hint = false} : vector<88x128xf32>, vector<88x128xf32>, vector<88x88xf32> -> vector<88x88xf32>
    %get3A_2743 = arith.constant 15 : index
    %get3A_2744 = arith.constant 0 : index
    %get3A_2745 = arith.constant 0 : index
    %get3A_2746 = vector.load %arg16[%get3A_2743, %get3A_2744, %get3A_2745] : memref<32x88x88xf32, #tpu.memory_space<vmem>>, vector<1x88x88xf32>
    %get3A_2747 = vector.shape_cast %get3A_2746 : vector<1x88x88xf32> to vector<88x88xf32>
    %add3A_2748 = arith.addf %dot_general3A_2742, %get3A_2747 : vector<88x88xf32>
    %exp3A_2749 = math.exp %add3A_2748 : vector<88x88xf32>
    %get3A_2750 = arith.constant 1320 : index
    %get3A_2751 = arith.constant 0 : index
    %get3A_2752 = vector.load %arg14[%get3A_2750, %get3A_2751] : memref<2816x256xf32, #tpu.memory_space<vmem>>, vector<88x256xf32>
    %dot_general3A_2753 = arith.constant dense<0.000000e+00> : vector<88x256xf32>
    %dot_general3A_2754 = tpu.matmul %exp3A_2749, %get3A_2752, %dot_general3A_2753 {dimension_numbers = #tpu.dot_dimension_numbers<[1], [0], [0], [1], [0, 0, 1, 1], [], []>, precision = #tpu.contract_precision<fp32>, transpose_lhs_hint = false} : vector<88x88xf32>, vector<88x256xf32>, vector<88x256xf32> -> vector<88x256xf32>
    %slice3A_2755 = vector.extract_strided_slice %dot_general3A_2754 {offsets = [0, 0], sizes = [88, 128], strides = [1, 1]} : vector<88x256xf32> to vector<88x128xf32>
    %slice3A_2756 = vector.extract_strided_slice %dot_general3A_2754 {offsets = [0, 128], sizes = [88, 128], strides = [1, 1]} : vector<88x256xf32> to vector<88x128xf32>
    %max3A_2757 = arith.constant 1.000000e-16 : f32
    %max3A_2758 = vector.broadcast %max3A_2757 : f32 to vector<88x128xf32>
    %max3A_2759 = arith.maximumf %slice3A_2756, %max3A_2758 : vector<88x128xf32>
    %div3A_2760 = arith.divf %slice3A_2755, %max3A_2759 : vector<88x128xf32>
    %get3A_2761 = arith.constant 1320 : index
    %get3A_2762 = arith.constant 384 : index
    %get3A_2763 = vector.load %arg13[%get3A_2761, %get3A_2762] : memref<2816x512xf32, #tpu.memory_space<vmem>>, vector<88x128xf32>
    %add3A_2764 = arith.addf %div3A_2760, %get3A_2763 : vector<88x128xf32>
    %reduce_sum3A_2765 = arith.constant dense<0.000000e+00> : vector<128xf32>
    %reduce_sum3A_2766 = vector.multi_reduction <add>, %add3A_2764, %reduce_sum3A_2765 [0] : vector<88x128xf32> to vector<128xf32>
    %broadcast_in_dim3A_2767 = vector.shape_cast %reduce_sum3A_2766 : vector<128xf32> to vector<1x128xf32>
    %swap3A_2768 = arith.constant 15 : index
    %swap3A_2769 = arith.constant 0 : index
    %swap3A_2770 = vector.load %arg17[%swap3A_2768, %swap3A_2769] : memref<32x128xf32, #tpu.memory_space<vmem>>, vector<1x128xf32>
    tpu.vector_store %arg17[%swap3A_2768, %swap3A_2769], %broadcast_in_dim3A_2767 {strides = array<i32>} : memref<32x128xf32, #tpu.memory_space<vmem>>, vector<1x128xf32>,
    %get3A_2771 = arith.constant 1408 : index
    %get3A_2772 = arith.constant 0 : index
    %get3A_2773 = vector.load %arg13[%get3A_2771, %get3A_2772] : memref<2816x512xf32, #tpu.memory_space<vmem>>, vector<88x128xf32>
    %get3A_2774 = arith.constant 1408 : index
    %get3A_2775 = arith.constant 128 : index
    %get3A_2776 = vector.load %arg13[%get3A_2774, %get3A_2775] : memref<2816x512xf32, #tpu.memory_space<vmem>>, vector<88x128xf32>
    %dot_general3A_2777 = arith.constant dense<0.000000e+00> : vector<88x88xf32>
    %dot_general3A_2778 = tpu.matmul %get3A_2773, %get3A_2776, %dot_general3A_2777 {dimension_numbers = #tpu.dot_dimension_numbers<[1], [1], [0], [0], [0, 0, 1, 0], [], []>, precision = #tpu.contract_precision<fp32>, transpose_lhs_hint = false} : vector<88x128xf32>, vector<88x128xf32>, vector<88x88xf32> -> vector<88x88xf32>
    %get3A_2779 = arith.constant 16 : index
    %get3A_2780 = arith.constant 0 : index
    %get3A_2781 = arith.constant 0 : index
    %get3A_2782 = vector.load %arg16[%get3A_2779, %get3A_2780, %get3A_2781] : memref<32x88x88xf32, #tpu.memory_space<vmem>>, vector<1x88x88xf32>
    %get3A_2783 = vector.shape_cast %get3A_2782 : vector<1x88x88xf32> to vector<88x88xf32>
    %add3A_2784 = arith.addf %dot_general3A_2778, %get3A_2783 : vector<88x88xf32>
    %exp3A_2785 = math.exp %add3A_2784 : vector<88x88xf32>
    %get3A_2786 = arith.constant 1408 : index
    %get3A_2787 = arith.constant 0 : index
    %get3A_2788 = vector.load %arg14[%get3A_2786, %get3A_2787] : memref<2816x256xf32, #tpu.memory_space<vmem>>, vector<88x256xf32>
    %dot_general3A_2789 = arith.constant dense<0.000000e+00> : vector<88x256xf32>
    %dot_general3A_2790 = tpu.matmul %exp3A_2785, %get3A_2788, %dot_general3A_2789 {dimension_numbers = #tpu.dot_dimension_numbers<[1], [0], [0], [1], [0, 0, 1, 1], [], []>, precision = #tpu.contract_precision<fp32>, transpose_lhs_hint = false} : vector<88x88xf32>, vector<88x256xf32>, vector<88x256xf32> -> vector<88x256xf32>
    %slice3A_2791 = vector.extract_strided_slice %dot_general3A_2790 {offsets = [0, 0], sizes = [88, 128], strides = [1, 1]} : vector<88x256xf32> to vector<88x128xf32>
    %slice3A_2792 = vector.extract_strided_slice %dot_general3A_2790 {offsets = [0, 128], sizes = [88, 128], strides = [1, 1]} : vector<88x256xf32> to vector<88x128xf32>
    %max3A_2793 = arith.constant 1.000000e-16 : f32
    %max3A_2794 = vector.broadcast %max3A_2793 : f32 to vector<88x128xf32>
    %max3A_2795 = arith.maximumf %slice3A_2792, %max3A_2794 : vector<88x128xf32>
    %div3A_2796 = arith.divf %slice3A_2791, %max3A_2795 : vector<88x128xf32>
    %get3A_2797 = arith.constant 1408 : index
    %get3A_2798 = arith.constant 384 : index
    %get3A_2799 = vector.load %arg13[%get3A_2797, %get3A_2798] : memref<2816x512xf32, #tpu.memory_space<vmem>>, vector<88x128xf32>
    %add3A_2800 = arith.addf %div3A_2796, %get3A_2799 : vector<88x128xf32>
    %reduce_sum3A_2801 = arith.constant dense<0.000000e+00> : vector<128xf32>
    %reduce_sum3A_2802 = vector.multi_reduction <add>, %add3A_2800, %reduce_sum3A_2801 [0] : vector<88x128xf32> to vector<128xf32>
    %broadcast_in_dim3A_2803 = vector.shape_cast %reduce_sum3A_2802 : vector<128xf32> to vector<1x128xf32>
    %swap3A_2804 = arith.constant 16 : index
    %swap3A_2805 = arith.constant 0 : index
    %swap3A_2806 = vector.load %arg17[%swap3A_2804, %swap3A_2805] : memref<32x128xf32, #tpu.memory_space<vmem>>, vector<1x128xf32>
    tpu.vector_store %arg17[%swap3A_2804, %swap3A_2805], %broadcast_in_dim3A_2803 {strides = array<i32>} : memref<32x128xf32, #tpu.memory_space<vmem>>, vector<1x128xf32>,
    %get3A_2807 = arith.constant 1496 : index
    %get3A_2808 = arith.constant 0 : index
    %get3A_2809 = vector.load %arg13[%get3A_2807, %get3A_2808] : memref<2816x512xf32, #tpu.memory_space<vmem>>, vector<88x128xf32>
    %get3A_2810 = arith.constant 1496 : index
    %get3A_2811 = arith.constant 128 : index
    %get3A_2812 = vector.load %arg13[%get3A_2810, %get3A_2811] : memref<2816x512xf32, #tpu.memory_space<vmem>>, vector<88x128xf32>
    %dot_general3A_2813 = arith.constant dense<0.000000e+00> : vector<88x88xf32>
    %dot_general3A_2814 = tpu.matmul %get3A_2809, %get3A_2812, %dot_general3A_2813 {dimension_numbers = #tpu.dot_dimension_numbers<[1], [1], [0], [0], [0, 0, 1, 0], [], []>, precision = #tpu.contract_precision<fp32>, transpose_lhs_hint = false} : vector<88x128xf32>, vector<88x128xf32>, vector<88x88xf32> -> vector<88x88xf32>
    %get3A_2815 = arith.constant 17 : index
    %get3A_2816 = arith.constant 0 : index
    %get3A_2817 = arith.constant 0 : index
    %get3A_2818 = vector.load %arg16[%get3A_2815, %get3A_2816, %get3A_2817] : memref<32x88x88xf32, #tpu.memory_space<vmem>>, vector<1x88x88xf32>
    %get3A_2819 = vector.shape_cast %get3A_2818 : vector<1x88x88xf32> to vector<88x88xf32>
    %add3A_2820 = arith.addf %dot_general3A_2814, %get3A_2819 : vector<88x88xf32>
    %exp3A_2821 = math.exp %add3A_2820 : vector<88x88xf32>
    %get3A_2822 = arith.constant 1496 : index
    %get3A_2823 = arith.constant 0 : index
    %get3A_2824 = vector.load %arg14[%get3A_2822, %get3A_2823] : memref<2816x256xf32, #tpu.memory_space<vmem>>, vector<88x256xf32>
    %dot_general3A_2825 = arith.constant dense<0.000000e+00> : vector<88x256xf32>
    %dot_general3A_2826 = tpu.matmul %exp3A_2821, %get3A_2824, %dot_general3A_2825 {dimension_numbers = #tpu.dot_dimension_numbers<[1], [0], [0], [1], [0, 0, 1, 1], [], []>, precision = #tpu.contract_precision<fp32>, transpose_lhs_hint = false} : vector<88x88xf32>, vector<88x256xf32>, vector<88x256xf32> -> vector<88x256xf32>
    %slice3A_2827 = vector.extract_strided_slice %dot_general3A_2826 {offsets = [0, 0], sizes = [88, 128], strides = [1, 1]} : vector<88x256xf32> to vector<88x128xf32>
    %slice3A_2828 = vector.extract_strided_slice %dot_general3A_2826 {offsets = [0, 128], sizes = [88, 128], strides = [1, 1]} : vector<88x256xf32> to vector<88x128xf32>
    %max3A_2829 = arith.constant 1.000000e-16 : f32
    %max3A_2830 = vector.broadcast %max3A_2829 : f32 to vector<88x128xf32>
    %max3A_2831 = arith.maximumf %slice3A_2828, %max3A_2830 : vector<88x128xf32>
    %div3A_2832 = arith.divf %slice3A_2827, %max3A_2831 : vector<88x128xf32>
    %get3A_2833 = arith.constant 1496 : index
    %get3A_2834 = arith.constant 384 : index
    %get3A_2835 = vector.load %arg13[%get3A_2833, %get3A_2834] : memref<2816x512xf32, #tpu.memory_space<vmem>>, vector<88x128xf32>
    %add3A_2836 = arith.addf %div3A_2832, %get3A_2835 : vector<88x128xf32>
    %reduce_sum3A_2837 = arith.constant dense<0.000000e+00> : vector<128xf32>
    %reduce_sum3A_2838 = vector.multi_reduction <add>, %add3A_2836, %reduce_sum3A_2837 [0] : vector<88x128xf32> to vector<128xf32>
    %broadcast_in_dim3A_2839 = vector.shape_cast %reduce_sum3A_2838 : vector<128xf32> to vector<1x128xf32>
    %swap3A_2840 = arith.constant 17 : index
    %swap3A_2841 = arith.constant 0 : index
    %swap3A_2842 = vector.load %arg17[%swap3A_2840, %swap3A_2841] : memref<32x128xf32, #tpu.memory_space<vmem>>, vector<1x128xf32>
    tpu.vector_store %arg17[%swap3A_2840, %swap3A_2841], %broadcast_in_dim3A_2839 {strides = array<i32>} : memref<32x128xf32, #tpu.memory_space<vmem>>, vector<1x128xf32>,
    %get3A_2843 = arith.constant 1584 : index
    %get3A_2844 = arith.constant 0 : index
    %get3A_2845 = vector.load %arg13[%get3A_2843, %get3A_2844] : memref<2816x512xf32, #tpu.memory_space<vmem>>, vector<88x128xf32>
    %get3A_2846 = arith.constant 1584 : index
    %get3A_2847 = arith.constant 128 : index
    %get3A_2848 = vector.load %arg13[%get3A_2846, %get3A_2847] : memref<2816x512xf32, #tpu.memory_space<vmem>>, vector<88x128xf32>
    %dot_general3A_2849 = arith.constant dense<0.000000e+00> : vector<88x88xf32>
    %dot_general3A_2850 = tpu.matmul %get3A_2845, %get3A_2848, %dot_general3A_2849 {dimension_numbers = #tpu.dot_dimension_numbers<[1], [1], [0], [0], [0, 0, 1, 0], [], []>, precision = #tpu.contract_precision<fp32>, transpose_lhs_hint = false} : vector<88x128xf32>, vector<88x128xf32>, vector<88x88xf32> -> vector<88x88xf32>
    %get3A_2851 = arith.constant 18 : index
    %get3A_2852 = arith.constant 0 : index
    %get3A_2853 = arith.constant 0 : index
    %get3A_2854 = vector.load %arg16[%get3A_2851, %get3A_2852, %get3A_2853] : memref<32x88x88xf32, #tpu.memory_space<vmem>>, vector<1x88x88xf32>
    %get3A_2855 = vector.shape_cast %get3A_2854 : vector<1x88x88xf32> to vector<88x88xf32>
    %add3A_2856 = arith.addf %dot_general3A_2850, %get3A_2855 : vector<88x88xf32>
    %exp3A_2857 = math.exp %add3A_2856 : vector<88x88xf32>
    %get3A_2858 = arith.constant 1584 : index
    %get3A_2859 = arith.constant 0 : index
    %get3A_2860 = vector.load %arg14[%get3A_2858, %get3A_2859] : memref<2816x256xf32, #tpu.memory_space<vmem>>, vector<88x256xf32>
    %dot_general3A_2861 = arith.constant dense<0.000000e+00> : vector<88x256xf32>
    %dot_general3A_2862 = tpu.matmul %exp3A_2857, %get3A_2860, %dot_general3A_2861 {dimension_numbers = #tpu.dot_dimension_numbers<[1], [0], [0], [1], [0, 0, 1, 1], [], []>, precision = #tpu.contract_precision<fp32>, transpose_lhs_hint = false} : vector<88x88xf32>, vector<88x256xf32>, vector<88x256xf32> -> vector<88x256xf32>
    %slice3A_2863 = vector.extract_strided_slice %dot_general3A_2862 {offsets = [0, 0], sizes = [88, 128], strides = [1, 1]} : vector<88x256xf32> to vector<88x128xf32>
    %slice3A_2864 = vector.extract_strided_slice %dot_general3A_2862 {offsets = [0, 128], sizes = [88, 128], strides = [1, 1]} : vector<88x256xf32> to vector<88x128xf32>
    %max3A_2865 = arith.constant 1.000000e-16 : f32
    %max3A_2866 = vector.broadcast %max3A_2865 : f32 to vector<88x128xf32>
    %max3A_2867 = arith.maximumf %slice3A_2864, %max3A_2866 : vector<88x128xf32>
    %div3A_2868 = arith.divf %slice3A_2863, %max3A_2867 : vector<88x128xf32>
    %get3A_2869 = arith.constant 1584 : index
    %get3A_2870 = arith.constant 384 : index
    %get3A_2871 = vector.load %arg13[%get3A_2869, %get3A_2870] : memref<2816x512xf32, #tpu.memory_space<vmem>>, vector<88x128xf32>
    %add3A_2872 = arith.addf %div3A_2868, %get3A_2871 : vector<88x128xf32>
    %reduce_sum3A_2873 = arith.constant dense<0.000000e+00> : vector<128xf32>
    %reduce_sum3A_2874 = vector.multi_reduction <add>, %add3A_2872, %reduce_sum3A_2873 [0] : vector<88x128xf32> to vector<128xf32>
    %broadcast_in_dim3A_2875 = vector.shape_cast %reduce_sum3A_2874 : vector<128xf32> to vector<1x128xf32>
    %swap3A_2876 = arith.constant 18 : index
    %swap3A_2877 = arith.constant 0 : index
    %swap3A_2878 = vector.load %arg17[%swap3A_2876, %swap3A_2877] : memref<32x128xf32, #tpu.memory_space<vmem>>, vector<1x128xf32>
    tpu.vector_store %arg17[%swap3A_2876, %swap3A_2877], %broadcast_in_dim3A_2875 {strides = array<i32>} : memref<32x128xf32, #tpu.memory_space<vmem>>, vector<1x128xf32>,
    %get3A_2879 = arith.constant 1672 : index
    %get3A_2880 = arith.constant 0 : index
    %get3A_2881 = vector.load %arg13[%get3A_2879, %get3A_2880] : memref<2816x512xf32, #tpu.memory_space<vmem>>, vector<88x128xf32>
    %get3A_2882 = arith.constant 1672 : index
    %get3A_2883 = arith.constant 128 : index
    %get3A_2884 = vector.load %arg13[%get3A_2882, %get3A_2883] : memref<2816x512xf32, #tpu.memory_space<vmem>>, vector<88x128xf32>
    %dot_general3A_2885 = arith.constant dense<0.000000e+00> : vector<88x88xf32>
    %dot_general3A_2886 = tpu.matmul %get3A_2881, %get3A_2884, %dot_general3A_2885 {dimension_numbers = #tpu.dot_dimension_numbers<[1], [1], [0], [0], [0, 0, 1, 0], [], []>, precision = #tpu.contract_precision<fp32>, transpose_lhs_hint = false} : vector<88x128xf32>, vector<88x128xf32>, vector<88x88xf32> -> vector<88x88xf32>
    %get3A_2887 = arith.constant 19 : index
    %get3A_2888 = arith.constant 0 : index
    %get3A_2889 = arith.constant 0 : index
    %get3A_2890 = vector.load %arg16[%get3A_2887, %get3A_2888, %get3A_2889] : memref<32x88x88xf32, #tpu.memory_space<vmem>>, vector<1x88x88xf32>
    %get3A_2891 = vector.shape_cast %get3A_2890 : vector<1x88x88xf32> to vector<88x88xf32>
    %add3A_2892 = arith.addf %dot_general3A_2886, %get3A_2891 : vector<88x88xf32>
    %exp3A_2893 = math.exp %add3A_2892 : vector<88x88xf32>
    %get3A_2894 = arith.constant 1672 : index
    %get3A_2895 = arith.constant 0 : index
    %get3A_2896 = vector.load %arg14[%get3A_2894, %get3A_2895] : memref<2816x256xf32, #tpu.memory_space<vmem>>, vector<88x256xf32>
    %dot_general3A_2897 = arith.constant dense<0.000000e+00> : vector<88x256xf32>
    %dot_general3A_2898 = tpu.matmul %exp3A_2893, %get3A_2896, %dot_general3A_2897 {dimension_numbers = #tpu.dot_dimension_numbers<[1], [0], [0], [1], [0, 0, 1, 1], [], []>, precision = #tpu.contract_precision<fp32>, transpose_lhs_hint = false} : vector<88x88xf32>, vector<88x256xf32>, vector<88x256xf32> -> vector<88x256xf32>
    %slice3A_2899 = vector.extract_strided_slice %dot_general3A_2898 {offsets = [0, 0], sizes = [88, 128], strides = [1, 1]} : vector<88x256xf32> to vector<88x128xf32>
    %slice3A_2900 = vector.extract_strided_slice %dot_general3A_2898 {offsets = [0, 128], sizes = [88, 128], strides = [1, 1]} : vector<88x256xf32> to vector<88x128xf32>
    %max3A_2901 = arith.constant 1.000000e-16 : f32
    %max3A_2902 = vector.broadcast %max3A_2901 : f32 to vector<88x128xf32>
    %max3A_2903 = arith.maximumf %slice3A_2900, %max3A_2902 : vector<88x128xf32>
    %div3A_2904 = arith.divf %slice3A_2899, %max3A_2903 : vector<88x128xf32>
    %get3A_2905 = arith.constant 1672 : index
    %get3A_2906 = arith.constant 384 : index
    %get3A_2907 = vector.load %arg13[%get3A_2905, %get3A_2906] : memref<2816x512xf32, #tpu.memory_space<vmem>>, vector<88x128xf32>
    %add3A_2908 = arith.addf %div3A_2904, %get3A_2907 : vector<88x128xf32>
    %reduce_sum3A_2909 = arith.constant dense<0.000000e+00> : vector<128xf32>
    %reduce_sum3A_2910 = vector.multi_reduction <add>, %add3A_2908, %reduce_sum3A_2909 [0] : vector<88x128xf32> to vector<128xf32>
    %broadcast_in_dim3A_2911 = vector.shape_cast %reduce_sum3A_2910 : vector<128xf32> to vector<1x128xf32>
    %swap3A_2912 = arith.constant 19 : index
    %swap3A_2913 = arith.constant 0 : index
    %swap3A_2914 = vector.load %arg17[%swap3A_2912, %swap3A_2913] : memref<32x128xf32, #tpu.memory_space<vmem>>, vector<1x128xf32>
    tpu.vector_store %arg17[%swap3A_2912, %swap3A_2913], %broadcast_in_dim3A_2911 {strides = array<i32>} : memref<32x128xf32, #tpu.memory_space<vmem>>, vector<1x128xf32>,
    %get3A_2915 = arith.constant 1760 : index
    %get3A_2916 = arith.constant 0 : index
    %get3A_2917 = vector.load %arg13[%get3A_2915, %get3A_2916] : memref<2816x512xf32, #tpu.memory_space<vmem>>, vector<88x128xf32>
    %get3A_2918 = arith.constant 1760 : index
    %get3A_2919 = arith.constant 128 : index
    %get3A_2920 = vector.load %arg13[%get3A_2918, %get3A_2919] : memref<2816x512xf32, #tpu.memory_space<vmem>>, vector<88x128xf32>
    %dot_general3A_2921 = arith.constant dense<0.000000e+00> : vector<88x88xf32>
    %dot_general3A_2922 = tpu.matmul %get3A_2917, %get3A_2920, %dot_general3A_2921 {dimension_numbers = #tpu.dot_dimension_numbers<[1], [1], [0], [0], [0, 0, 1, 0], [], []>, precision = #tpu.contract_precision<fp32>, transpose_lhs_hint = false} : vector<88x128xf32>, vector<88x128xf32>, vector<88x88xf32> -> vector<88x88xf32>
    %get3A_2923 = arith.constant 20 : index
    %get3A_2924 = arith.constant 0 : index
    %get3A_2925 = arith.constant 0 : index
    %get3A_2926 = vector.load %arg16[%get3A_2923, %get3A_2924, %get3A_2925] : memref<32x88x88xf32, #tpu.memory_space<vmem>>, vector<1x88x88xf32>
    %get3A_2927 = vector.shape_cast %get3A_2926 : vector<1x88x88xf32> to vector<88x88xf32>
    %add3A_2928 = arith.addf %dot_general3A_2922, %get3A_2927 : vector<88x88xf32>
    %exp3A_2929 = math.exp %add3A_2928 : vector<88x88xf32>
    %get3A_2930 = arith.constant 1760 : index
    %get3A_2931 = arith.constant 0 : index
    %get3A_2932 = vector.load %arg14[%get3A_2930, %get3A_2931] : memref<2816x256xf32, #tpu.memory_space<vmem>>, vector<88x256xf32>
    %dot_general3A_2933 = arith.constant dense<0.000000e+00> : vector<88x256xf32>
    %dot_general3A_2934 = tpu.matmul %exp3A_2929, %get3A_2932, %dot_general3A_2933 {dimension_numbers = #tpu.dot_dimension_numbers<[1], [0], [0], [1], [0, 0, 1, 1], [], []>, precision = #tpu.contract_precision<fp32>, transpose_lhs_hint = false} : vector<88x88xf32>, vector<88x256xf32>, vector<88x256xf32> -> vector<88x256xf32>
    %slice3A_2935 = vector.extract_strided_slice %dot_general3A_2934 {offsets = [0, 0], sizes = [88, 128], strides = [1, 1]} : vector<88x256xf32> to vector<88x128xf32>
    %slice3A_2936 = vector.extract_strided_slice %dot_general3A_2934 {offsets = [0, 128], sizes = [88, 128], strides = [1, 1]} : vector<88x256xf32> to vector<88x128xf32>
    %max3A_2937 = arith.constant 1.000000e-16 : f32
    %max3A_2938 = vector.broadcast %max3A_2937 : f32 to vector<88x128xf32>
    %max3A_2939 = arith.maximumf %slice3A_2936, %max3A_2938 : vector<88x128xf32>
    %div3A_2940 = arith.divf %slice3A_2935, %max3A_2939 : vector<88x128xf32>
    %get3A_2941 = arith.constant 1760 : index
    %get3A_2942 = arith.constant 384 : index
    %get3A_2943 = vector.load %arg13[%get3A_2941, %get3A_2942] : memref<2816x512xf32, #tpu.memory_space<vmem>>, vector<88x128xf32>
    %add3A_2944 = arith.addf %div3A_2940, %get3A_2943 : vector<88x128xf32>
    %reduce_sum3A_2945 = arith.constant dense<0.000000e+00> : vector<128xf32>
    %reduce_sum3A_2946 = vector.multi_reduction <add>, %add3A_2944, %reduce_sum3A_2945 [0] : vector<88x128xf32> to vector<128xf32>
    %broadcast_in_dim3A_2947 = vector.shape_cast %reduce_sum3A_2946 : vector<128xf32> to vector<1x128xf32>
    %swap3A_2948 = arith.constant 20 : index
    %swap3A_2949 = arith.constant 0 : index
    %swap3A_2950 = vector.load %arg17[%swap3A_2948, %swap3A_2949] : memref<32x128xf32, #tpu.memory_space<vmem>>, vector<1x128xf32>
    tpu.vector_store %arg17[%swap3A_2948, %swap3A_2949], %broadcast_in_dim3A_2947 {strides = array<i32>} : memref<32x128xf32, #tpu.memory_space<vmem>>, vector<1x128xf32>,
    %get3A_2951 = arith.constant 1848 : index
    %get3A_2952 = arith.constant 0 : index
    %get3A_2953 = vector.load %arg13[%get3A_2951, %get3A_2952] : memref<2816x512xf32, #tpu.memory_space<vmem>>, vector<88x128xf32>
    %get3A_2954 = arith.constant 1848 : index
    %get3A_2955 = arith.constant 128 : index
    %get3A_2956 = vector.load %arg13[%get3A_2954, %get3A_2955] : memref<2816x512xf32, #tpu.memory_space<vmem>>, vector<88x128xf32>
    %dot_general3A_2957 = arith.constant dense<0.000000e+00> : vector<88x88xf32>
    %dot_general3A_2958 = tpu.matmul %get3A_2953, %get3A_2956, %dot_general3A_2957 {dimension_numbers = #tpu.dot_dimension_numbers<[1], [1], [0], [0], [0, 0, 1, 0], [], []>, precision = #tpu.contract_precision<fp32>, transpose_lhs_hint = false} : vector<88x128xf32>, vector<88x128xf32>, vector<88x88xf32> -> vector<88x88xf32>
    %get3A_2959 = arith.constant 21 : index
    %get3A_2960 = arith.constant 0 : index
    %get3A_2961 = arith.constant 0 : index
    %get3A_2962 = vector.load %arg16[%get3A_2959, %get3A_2960, %get3A_2961] : memref<32x88x88xf32, #tpu.memory_space<vmem>>, vector<1x88x88xf32>
    %get3A_2963 = vector.shape_cast %get3A_2962 : vector<1x88x88xf32> to vector<88x88xf32>
    %add3A_2964 = arith.addf %dot_general3A_2958, %get3A_2963 : vector<88x88xf32>
    %exp3A_2965 = math.exp %add3A_2964 : vector<88x88xf32>
    %get3A_2966 = arith.constant 1848 : index
    %get3A_2967 = arith.constant 0 : index
    %get3A_2968 = vector.load %arg14[%get3A_2966, %get3A_2967] : memref<2816x256xf32, #tpu.memory_space<vmem>>, vector<88x256xf32>
    %dot_general3A_2969 = arith.constant dense<0.000000e+00> : vector<88x256xf32>
    %dot_general3A_2970 = tpu.matmul %exp3A_2965, %get3A_2968, %dot_general3A_2969 {dimension_numbers = #tpu.dot_dimension_numbers<[1], [0], [0], [1], [0, 0, 1, 1], [], []>, precision = #tpu.contract_precision<fp32>, transpose_lhs_hint = false} : vector<88x88xf32>, vector<88x256xf32>, vector<88x256xf32> -> vector<88x256xf32>
    %slice3A_2971 = vector.extract_strided_slice %dot_general3A_2970 {offsets = [0, 0], sizes = [88, 128], strides = [1, 1]} : vector<88x256xf32> to vector<88x128xf32>
    %slice3A_2972 = vector.extract_strided_slice %dot_general3A_2970 {offsets = [0, 128], sizes = [88, 128], strides = [1, 1]} : vector<88x256xf32> to vector<88x128xf32>
    %max3A_2973 = arith.constant 1.000000e-16 : f32
    %max3A_2974 = vector.broadcast %max3A_2973 : f32 to vector<88x128xf32>
    %max3A_2975 = arith.maximumf %slice3A_2972, %max3A_2974 : vector<88x128xf32>
    %div3A_2976 = arith.divf %slice3A_2971, %max3A_2975 : vector<88x128xf32>
    %get3A_2977 = arith.constant 1848 : index
    %get3A_2978 = arith.constant 384 : index
    %get3A_2979 = vector.load %arg13[%get3A_2977, %get3A_2978] : memref<2816x512xf32, #tpu.memory_space<vmem>>, vector<88x128xf32>
    %add3A_2980 = arith.addf %div3A_2976, %get3A_2979 : vector<88x128xf32>
    %reduce_sum3A_2981 = arith.constant dense<0.000000e+00> : vector<128xf32>
    %reduce_sum3A_2982 = vector.multi_reduction <add>, %add3A_2980, %reduce_sum3A_2981 [0] : vector<88x128xf32> to vector<128xf32>
    %broadcast_in_dim3A_2983 = vector.shape_cast %reduce_sum3A_2982 : vector<128xf32> to vector<1x128xf32>
    %swap3A_2984 = arith.constant 21 : index
    %swap3A_2985 = arith.constant 0 : index
    %swap3A_2986 = vector.load %arg17[%swap3A_2984, %swap3A_2985] : memref<32x128xf32, #tpu.memory_space<vmem>>, vector<1x128xf32>
    tpu.vector_store %arg17[%swap3A_2984, %swap3A_2985], %broadcast_in_dim3A_2983 {strides = array<i32>} : memref<32x128xf32, #tpu.memory_space<vmem>>, vector<1x128xf32>,
    %get3A_2987 = arith.constant 1936 : index
    %get3A_2988 = arith.constant 0 : index
    %get3A_2989 = vector.load %arg13[%get3A_2987, %get3A_2988] : memref<2816x512xf32, #tpu.memory_space<vmem>>, vector<88x128xf32>
    %get3A_2990 = arith.constant 1936 : index
    %get3A_2991 = arith.constant 128 : index
    %get3A_2992 = vector.load %arg13[%get3A_2990, %get3A_2991] : memref<2816x512xf32, #tpu.memory_space<vmem>>, vector<88x128xf32>
    %dot_general3A_2993 = arith.constant dense<0.000000e+00> : vector<88x88xf32>
    %dot_general3A_2994 = tpu.matmul %get3A_2989, %get3A_2992, %dot_general3A_2993 {dimension_numbers = #tpu.dot_dimension_numbers<[1], [1], [0], [0], [0, 0, 1, 0], [], []>, precision = #tpu.contract_precision<fp32>, transpose_lhs_hint = false} : vector<88x128xf32>, vector<88x128xf32>, vector<88x88xf32> -> vector<88x88xf32>
    %get3A_2995 = arith.constant 22 : index
    %get3A_2996 = arith.constant 0 : index
    %get3A_2997 = arith.constant 0 : index
    %get3A_2998 = vector.load %arg16[%get3A_2995, %get3A_2996, %get3A_2997] : memref<32x88x88xf32, #tpu.memory_space<vmem>>, vector<1x88x88xf32>
    %get3A_2999 = vector.shape_cast %get3A_2998 : vector<1x88x88xf32> to vector<88x88xf32>
    %add3A_3000 = arith.addf %dot_general3A_2994, %get3A_2999 : vector<88x88xf32>
    %exp3A_3001 = math.exp %add3A_3000 : vector<88x88xf32>
    %get3A_3002 = arith.constant 1936 : index
    %get3A_3003 = arith.constant 0 : index
    %get3A_3004 = vector.load %arg14[%get3A_3002, %get3A_3003] : memref<2816x256xf32, #tpu.memory_space<vmem>>, vector<88x256xf32>
    %dot_general3A_3005 = arith.constant dense<0.000000e+00> : vector<88x256xf32>
    %dot_general3A_3006 = tpu.matmul %exp3A_3001, %get3A_3004, %dot_general3A_3005 {dimension_numbers = #tpu.dot_dimension_numbers<[1], [0], [0], [1], [0, 0, 1, 1], [], []>, precision = #tpu.contract_precision<fp32>, transpose_lhs_hint = false} : vector<88x88xf32>, vector<88x256xf32>, vector<88x256xf32> -> vector<88x256xf32>
    %slice3A_3007 = vector.extract_strided_slice %dot_general3A_3006 {offsets = [0, 0], sizes = [88, 128], strides = [1, 1]} : vector<88x256xf32> to vector<88x128xf32>
    %slice3A_3008 = vector.extract_strided_slice %dot_general3A_3006 {offsets = [0, 128], sizes = [88, 128], strides = [1, 1]} : vector<88x256xf32> to vector<88x128xf32>
    %max3A_3009 = arith.constant 1.000000e-16 : f32
    %max3A_3010 = vector.broadcast %max3A_3009 : f32 to vector<88x128xf32>
    %max3A_3011 = arith.maximumf %slice3A_3008, %max3A_3010 : vector<88x128xf32>
    %div3A_3012 = arith.divf %slice3A_3007, %max3A_3011 : vector<88x128xf32>
    %get3A_3013 = arith.constant 1936 : index
    %get3A_3014 = arith.constant 384 : index
    %get3A_3015 = vector.load %arg13[%get3A_3013, %get3A_3014] : memref<2816x512xf32, #tpu.memory_space<vmem>>, vector<88x128xf32>
    %add3A_3016 = arith.addf %div3A_3012, %get3A_3015 : vector<88x128xf32>
    %reduce_sum3A_3017 = arith.constant dense<0.000000e+00> : vector<128xf32>
    %reduce_sum3A_3018 = vector.multi_reduction <add>, %add3A_3016, %reduce_sum3A_3017 [0] : vector<88x128xf32> to vector<128xf32>
    %broadcast_in_dim3A_3019 = vector.shape_cast %reduce_sum3A_3018 : vector<128xf32> to vector<1x128xf32>
    %swap3A_3020 = arith.constant 22 : index
    %swap3A_3021 = arith.constant 0 : index
    %swap3A_3022 = vector.load %arg17[%swap3A_3020, %swap3A_3021] : memref<32x128xf32, #tpu.memory_space<vmem>>, vector<1x128xf32>
    tpu.vector_store %arg17[%swap3A_3020, %swap3A_3021], %broadcast_in_dim3A_3019 {strides = array<i32>} : memref<32x128xf32, #tpu.memory_space<vmem>>, vector<1x128xf32>,
    %get3A_3023 = arith.constant 2024 : index
    %get3A_3024 = arith.constant 0 : index
    %get3A_3025 = vector.load %arg13[%get3A_3023, %get3A_3024] : memref<2816x512xf32, #tpu.memory_space<vmem>>, vector<88x128xf32>
    %get3A_3026 = arith.constant 2024 : index
    %get3A_3027 = arith.constant 128 : index
    %get3A_3028 = vector.load %arg13[%get3A_3026, %get3A_3027] : memref<2816x512xf32, #tpu.memory_space<vmem>>, vector<88x128xf32>
    %dot_general3A_3029 = arith.constant dense<0.000000e+00> : vector<88x88xf32>
    %dot_general3A_3030 = tpu.matmul %get3A_3025, %get3A_3028, %dot_general3A_3029 {dimension_numbers = #tpu.dot_dimension_numbers<[1], [1], [0], [0], [0, 0, 1, 0], [], []>, precision = #tpu.contract_precision<fp32>, transpose_lhs_hint = false} : vector<88x128xf32>, vector<88x128xf32>, vector<88x88xf32> -> vector<88x88xf32>
    %get3A_3031 = arith.constant 23 : index
    %get3A_3032 = arith.constant 0 : index
    %get3A_3033 = arith.constant 0 : index
    %get3A_3034 = vector.load %arg16[%get3A_3031, %get3A_3032, %get3A_3033] : memref<32x88x88xf32, #tpu.memory_space<vmem>>, vector<1x88x88xf32>
    %get3A_3035 = vector.shape_cast %get3A_3034 : vector<1x88x88xf32> to vector<88x88xf32>
    %add3A_3036 = arith.addf %dot_general3A_3030, %get3A_3035 : vector<88x88xf32>
    %exp3A_3037 = math.exp %add3A_3036 : vector<88x88xf32>
    %get3A_3038 = arith.constant 2024 : index
    %get3A_3039 = arith.constant 0 : index
    %get3A_3040 = vector.load %arg14[%get3A_3038, %get3A_3039] : memref<2816x256xf32, #tpu.memory_space<vmem>>, vector<88x256xf32>
    %dot_general3A_3041 = arith.constant dense<0.000000e+00> : vector<88x256xf32>
    %dot_general3A_3042 = tpu.matmul %exp3A_3037, %get3A_3040, %dot_general3A_3041 {dimension_numbers = #tpu.dot_dimension_numbers<[1], [0], [0], [1], [0, 0, 1, 1], [], []>, precision = #tpu.contract_precision<fp32>, transpose_lhs_hint = false} : vector<88x88xf32>, vector<88x256xf32>, vector<88x256xf32> -> vector<88x256xf32>
    %slice3A_3043 = vector.extract_strided_slice %dot_general3A_3042 {offsets = [0, 0], sizes = [88, 128], strides = [1, 1]} : vector<88x256xf32> to vector<88x128xf32>
    %slice3A_3044 = vector.extract_strided_slice %dot_general3A_3042 {offsets = [0, 128], sizes = [88, 128], strides = [1, 1]} : vector<88x256xf32> to vector<88x128xf32>
    %max3A_3045 = arith.constant 1.000000e-16 : f32
    %max3A_3046 = vector.broadcast %max3A_3045 : f32 to vector<88x128xf32>
    %max3A_3047 = arith.maximumf %slice3A_3044, %max3A_3046 : vector<88x128xf32>
    %div3A_3048 = arith.divf %slice3A_3043, %max3A_3047 : vector<88x128xf32>
    %get3A_3049 = arith.constant 2024 : index
    %get3A_3050 = arith.constant 384 : index
    %get3A_3051 = vector.load %arg13[%get3A_3049, %get3A_3050] : memref<2816x512xf32, #tpu.memory_space<vmem>>, vector<88x128xf32>
    %add3A_3052 = arith.addf %div3A_3048, %get3A_3051 : vector<88x128xf32>
    %reduce_sum3A_3053 = arith.constant dense<0.000000e+00> : vector<128xf32>
    %reduce_sum3A_3054 = vector.multi_reduction <add>, %add3A_3052, %reduce_sum3A_3053 [0] : vector<88x128xf32> to vector<128xf32>
    %broadcast_in_dim3A_3055 = vector.shape_cast %reduce_sum3A_3054 : vector<128xf32> to vector<1x128xf32>
    %swap3A_3056 = arith.constant 23 : index
    %swap3A_3057 = arith.constant 0 : index
    %swap3A_3058 = vector.load %arg17[%swap3A_3056, %swap3A_3057] : memref<32x128xf32, #tpu.memory_space<vmem>>, vector<1x128xf32>
    tpu.vector_store %arg17[%swap3A_3056, %swap3A_3057], %broadcast_in_dim3A_3055 {strides = array<i32>} : memref<32x128xf32, #tpu.memory_space<vmem>>, vector<1x128xf32>,
    %get3A_3059 = arith.constant 2112 : index
    %get3A_3060 = arith.constant 0 : index
    %get3A_3061 = vector.load %arg13[%get3A_3059, %get3A_3060] : memref<2816x512xf32, #tpu.memory_space<vmem>>, vector<88x128xf32>
    %get3A_3062 = arith.constant 2112 : index
    %get3A_3063 = arith.constant 128 : index
    %get3A_3064 = vector.load %arg13[%get3A_3062, %get3A_3063] : memref<2816x512xf32, #tpu.memory_space<vmem>>, vector<88x128xf32>
    %dot_general3A_3065 = arith.constant dense<0.000000e+00> : vector<88x88xf32>
    %dot_general3A_3066 = tpu.matmul %get3A_3061, %get3A_3064, %dot_general3A_3065 {dimension_numbers = #tpu.dot_dimension_numbers<[1], [1], [0], [0], [0, 0, 1, 0], [], []>, precision = #tpu.contract_precision<fp32>, transpose_lhs_hint = false} : vector<88x128xf32>, vector<88x128xf32>, vector<88x88xf32> -> vector<88x88xf32>
    %get3A_3067 = arith.constant 24 : index
    %get3A_3068 = arith.constant 0 : index
    %get3A_3069 = arith.constant 0 : index
    %get3A_3070 = vector.load %arg16[%get3A_3067, %get3A_3068, %get3A_3069] : memref<32x88x88xf32, #tpu.memory_space<vmem>>, vector<1x88x88xf32>
    %get3A_3071 = vector.shape_cast %get3A_3070 : vector<1x88x88xf32> to vector<88x88xf32>
    %add3A_3072 = arith.addf %dot_general3A_3066, %get3A_3071 : vector<88x88xf32>
    %exp3A_3073 = math.exp %add3A_3072 : vector<88x88xf32>
    %get3A_3074 = arith.constant 2112 : index
    %get3A_3075 = arith.constant 0 : index
    %get3A_3076 = vector.load %arg14[%get3A_3074, %get3A_3075] : memref<2816x256xf32, #tpu.memory_space<vmem>>, vector<88x256xf32>
    %dot_general3A_3077 = arith.constant dense<0.000000e+00> : vector<88x256xf32>
    %dot_general3A_3078 = tpu.matmul %exp3A_3073, %get3A_3076, %dot_general3A_3077 {dimension_numbers = #tpu.dot_dimension_numbers<[1], [0], [0], [1], [0, 0, 1, 1], [], []>, precision = #tpu.contract_precision<fp32>, transpose_lhs_hint = false} : vector<88x88xf32>, vector<88x256xf32>, vector<88x256xf32> -> vector<88x256xf32>
    %slice3A_3079 = vector.extract_strided_slice %dot_general3A_3078 {offsets = [0, 0], sizes = [88, 128], strides = [1, 1]} : vector<88x256xf32> to vector<88x128xf32>
    %slice3A_3080 = vector.extract_strided_slice %dot_general3A_3078 {offsets = [0, 128], sizes = [88, 128], strides = [1, 1]} : vector<88x256xf32> to vector<88x128xf32>
    %max3A_3081 = arith.constant 1.000000e-16 : f32
    %max3A_3082 = vector.broadcast %max3A_3081 : f32 to vector<88x128xf32>
    %max3A_3083 = arith.maximumf %slice3A_3080, %max3A_3082 : vector<88x128xf32>
    %div3A_3084 = arith.divf %slice3A_3079, %max3A_3083 : vector<88x128xf32>
    %get3A_3085 = arith.constant 2112 : index
    %get3A_3086 = arith.constant 384 : index
    %get3A_3087 = vector.load %arg13[%get3A_3085, %get3A_3086] : memref<2816x512xf32, #tpu.memory_space<vmem>>, vector<88x128xf32>
    %add3A_3088 = arith.addf %div3A_3084, %get3A_3087 : vector<88x128xf32>
    %reduce_sum3A_3089 = arith.constant dense<0.000000e+00> : vector<128xf32>
    %reduce_sum3A_3090 = vector.multi_reduction <add>, %add3A_3088, %reduce_sum3A_3089 [0] : vector<88x128xf32> to vector<128xf32>
    %broadcast_in_dim3A_3091 = vector.shape_cast %reduce_sum3A_3090 : vector<128xf32> to vector<1x128xf32>
    %swap3A_3092 = arith.constant 24 : index
    %swap3A_3093 = arith.constant 0 : index
    %swap3A_3094 = vector.load %arg17[%swap3A_3092, %swap3A_3093] : memref<32x128xf32, #tpu.memory_space<vmem>>, vector<1x128xf32>
    tpu.vector_store %arg17[%swap3A_3092, %swap3A_3093], %broadcast_in_dim3A_3091 {strides = array<i32>} : memref<32x128xf32, #tpu.memory_space<vmem>>, vector<1x128xf32>,
    %get3A_3095 = arith.constant 2200 : index
    %get3A_3096 = arith.constant 0 : index
    %get3A_3097 = vector.load %arg13[%get3A_3095, %get3A_3096] : memref<2816x512xf32, #tpu.memory_space<vmem>>, vector<88x128xf32>
    %get3A_3098 = arith.constant 2200 : index
    %get3A_3099 = arith.constant 128 : index
    %get3A_3100 = vector.load %arg13[%get3A_3098, %get3A_3099] : memref<2816x512xf32, #tpu.memory_space<vmem>>, vector<88x128xf32>
    %dot_general3A_3101 = arith.constant dense<0.000000e+00> : vector<88x88xf32>
    %dot_general3A_3102 = tpu.matmul %get3A_3097, %get3A_3100, %dot_general3A_3101 {dimension_numbers = #tpu.dot_dimension_numbers<[1], [1], [0], [0], [0, 0, 1, 0], [], []>, precision = #tpu.contract_precision<fp32>, transpose_lhs_hint = false} : vector<88x128xf32>, vector<88x128xf32>, vector<88x88xf32> -> vector<88x88xf32>
    %get3A_3103 = arith.constant 25 : index
    %get3A_3104 = arith.constant 0 : index
    %get3A_3105 = arith.constant 0 : index
    %get3A_3106 = vector.load %arg16[%get3A_3103, %get3A_3104, %get3A_3105] : memref<32x88x88xf32, #tpu.memory_space<vmem>>, vector<1x88x88xf32>
    %get3A_3107 = vector.shape_cast %get3A_3106 : vector<1x88x88xf32> to vector<88x88xf32>
    %add3A_3108 = arith.addf %dot_general3A_3102, %get3A_3107 : vector<88x88xf32>
    %exp3A_3109 = math.exp %add3A_3108 : vector<88x88xf32>
    %get3A_3110 = arith.constant 2200 : index
    %get3A_3111 = arith.constant 0 : index
    %get3A_3112 = vector.load %arg14[%get3A_3110, %get3A_3111] : memref<2816x256xf32, #tpu.memory_space<vmem>>, vector<88x256xf32>
    %dot_general3A_3113 = arith.constant dense<0.000000e+00> : vector<88x256xf32>
    %dot_general3A_3114 = tpu.matmul %exp3A_3109, %get3A_3112, %dot_general3A_3113 {dimension_numbers = #tpu.dot_dimension_numbers<[1], [0], [0], [1], [0, 0, 1, 1], [], []>, precision = #tpu.contract_precision<fp32>, transpose_lhs_hint = false} : vector<88x88xf32>, vector<88x256xf32>, vector<88x256xf32> -> vector<88x256xf32>
    %slice3A_3115 = vector.extract_strided_slice %dot_general3A_3114 {offsets = [0, 0], sizes = [88, 128], strides = [1, 1]} : vector<88x256xf32> to vector<88x128xf32>
    %slice3A_3116 = vector.extract_strided_slice %dot_general3A_3114 {offsets = [0, 128], sizes = [88, 128], strides = [1, 1]} : vector<88x256xf32> to vector<88x128xf32>
    %max3A_3117 = arith.constant 1.000000e-16 : f32
    %max3A_3118 = vector.broadcast %max3A_3117 : f32 to vector<88x128xf32>
    %max3A_3119 = arith.maximumf %slice3A_3116, %max3A_3118 : vector<88x128xf32>
    %div3A_3120 = arith.divf %slice3A_3115, %max3A_3119 : vector<88x128xf32>
    %get3A_3121 = arith.constant 2200 : index
    %get3A_3122 = arith.constant 384 : index
    %get3A_3123 = vector.load %arg13[%get3A_3121, %get3A_3122] : memref<2816x512xf32, #tpu.memory_space<vmem>>, vector<88x128xf32>
    %add3A_3124 = arith.addf %div3A_3120, %get3A_3123 : vector<88x128xf32>
    %reduce_sum3A_3125 = arith.constant dense<0.000000e+00> : vector<128xf32>
    %reduce_sum3A_3126 = vector.multi_reduction <add>, %add3A_3124, %reduce_sum3A_3125 [0] : vector<88x128xf32> to vector<128xf32>
    %broadcast_in_dim3A_3127 = vector.shape_cast %reduce_sum3A_3126 : vector<128xf32> to vector<1x128xf32>
    %swap3A_3128 = arith.constant 25 : index
    %swap3A_3129 = arith.constant 0 : index
    %swap3A_3130 = vector.load %arg17[%swap3A_3128, %swap3A_3129] : memref<32x128xf32, #tpu.memory_space<vmem>>, vector<1x128xf32>
    tpu.vector_store %arg17[%swap3A_3128, %swap3A_3129], %broadcast_in_dim3A_3127 {strides = array<i32>} : memref<32x128xf32, #tpu.memory_space<vmem>>, vector<1x128xf32>,
    %get3A_3131 = arith.constant 2288 : index
    %get3A_3132 = arith.constant 0 : index
    %get3A_3133 = vector.load %arg13[%get3A_3131, %get3A_3132] : memref<2816x512xf32, #tpu.memory_space<vmem>>, vector<88x128xf32>
    %get3A_3134 = arith.constant 2288 : index
    %get3A_3135 = arith.constant 128 : index
    %get3A_3136 = vector.load %arg13[%get3A_3134, %get3A_3135] : memref<2816x512xf32, #tpu.memory_space<vmem>>, vector<88x128xf32>
    %dot_general3A_3137 = arith.constant dense<0.000000e+00> : vector<88x88xf32>
    %dot_general3A_3138 = tpu.matmul %get3A_3133, %get3A_3136, %dot_general3A_3137 {dimension_numbers = #tpu.dot_dimension_numbers<[1], [1], [0], [0], [0, 0, 1, 0], [], []>, precision = #tpu.contract_precision<fp32>, transpose_lhs_hint = false} : vector<88x128xf32>, vector<88x128xf32>, vector<88x88xf32> -> vector<88x88xf32>
    %get3A_3139 = arith.constant 26 : index
    %get3A_3140 = arith.constant 0 : index
    %get3A_3141 = arith.constant 0 : index
    %get3A_3142 = vector.load %arg16[%get3A_3139, %get3A_3140, %get3A_3141] : memref<32x88x88xf32, #tpu.memory_space<vmem>>, vector<1x88x88xf32>
    %get3A_3143 = vector.shape_cast %get3A_3142 : vector<1x88x88xf32> to vector<88x88xf32>
    %add3A_3144 = arith.addf %dot_general3A_3138, %get3A_3143 : vector<88x88xf32>
    %exp3A_3145 = math.exp %add3A_3144 : vector<88x88xf32>
    %get3A_3146 = arith.constant 2288 : index
    %get3A_3147 = arith.constant 0 : index
    %get3A_3148 = vector.load %arg14[%get3A_3146, %get3A_3147] : memref<2816x256xf32, #tpu.memory_space<vmem>>, vector<88x256xf32>
    %dot_general3A_3149 = arith.constant dense<0.000000e+00> : vector<88x256xf32>
    %dot_general3A_3150 = tpu.matmul %exp3A_3145, %get3A_3148, %dot_general3A_3149 {dimension_numbers = #tpu.dot_dimension_numbers<[1], [0], [0], [1], [0, 0, 1, 1], [], []>, precision = #tpu.contract_precision<fp32>, transpose_lhs_hint = false} : vector<88x88xf32>, vector<88x256xf32>, vector<88x256xf32> -> vector<88x256xf32>
    %slice3A_3151 = vector.extract_strided_slice %dot_general3A_3150 {offsets = [0, 0], sizes = [88, 128], strides = [1, 1]} : vector<88x256xf32> to vector<88x128xf32>
    %slice3A_3152 = vector.extract_strided_slice %dot_general3A_3150 {offsets = [0, 128], sizes = [88, 128], strides = [1, 1]} : vector<88x256xf32> to vector<88x128xf32>
    %max3A_3153 = arith.constant 1.000000e-16 : f32
    %max3A_3154 = vector.broadcast %max3A_3153 : f32 to vector<88x128xf32>
    %max3A_3155 = arith.maximumf %slice3A_3152, %max3A_3154 : vector<88x128xf32>
    %div3A_3156 = arith.divf %slice3A_3151, %max3A_3155 : vector<88x128xf32>
    %get3A_3157 = arith.constant 2288 : index
    %get3A_3158 = arith.constant 384 : index
    %get3A_3159 = vector.load %arg13[%get3A_3157, %get3A_3158] : memref<2816x512xf32, #tpu.memory_space<vmem>>, vector<88x128xf32>
    %add3A_3160 = arith.addf %div3A_3156, %get3A_3159 : vector<88x128xf32>
    %reduce_sum3A_3161 = arith.constant dense<0.000000e+00> : vector<128xf32>
    %reduce_sum3A_3162 = vector.multi_reduction <add>, %add3A_3160, %reduce_sum3A_3161 [0] : vector<88x128xf32> to vector<128xf32>
    %broadcast_in_dim3A_3163 = vector.shape_cast %reduce_sum3A_3162 : vector<128xf32> to vector<1x128xf32>
    %swap3A_3164 = arith.constant 26 : index
    %swap3A_3165 = arith.constant 0 : index
    %swap3A_3166 = vector.load %arg17[%swap3A_3164, %swap3A_3165] : memref<32x128xf32, #tpu.memory_space<vmem>>, vector<1x128xf32>
    tpu.vector_store %arg17[%swap3A_3164, %swap3A_3165], %broadcast_in_dim3A_3163 {strides = array<i32>} : memref<32x128xf32, #tpu.memory_space<vmem>>, vector<1x128xf32>,
    %get3A_3167 = arith.constant 2376 : index
    %get3A_3168 = arith.constant 0 : index
    %get3A_3169 = vector.load %arg13[%get3A_3167, %get3A_3168] : memref<2816x512xf32, #tpu.memory_space<vmem>>, vector<88x128xf32>
    %get3A_3170 = arith.constant 2376 : index
    %get3A_3171 = arith.constant 128 : index
    %get3A_3172 = vector.load %arg13[%get3A_3170, %get3A_3171] : memref<2816x512xf32, #tpu.memory_space<vmem>>, vector<88x128xf32>
    %dot_general3A_3173 = arith.constant dense<0.000000e+00> : vector<88x88xf32>
    %dot_general3A_3174 = tpu.matmul %get3A_3169, %get3A_3172, %dot_general3A_3173 {dimension_numbers = #tpu.dot_dimension_numbers<[1], [1], [0], [0], [0, 0, 1, 0], [], []>, precision = #tpu.contract_precision<fp32>, transpose_lhs_hint = false} : vector<88x128xf32>, vector<88x128xf32>, vector<88x88xf32> -> vector<88x88xf32>
    %get3A_3175 = arith.constant 27 : index
    %get3A_3176 = arith.constant 0 : index
    %get3A_3177 = arith.constant 0 : index
    %get3A_3178 = vector.load %arg16[%get3A_3175, %get3A_3176, %get3A_3177] : memref<32x88x88xf32, #tpu.memory_space<vmem>>, vector<1x88x88xf32>
    %get3A_3179 = vector.shape_cast %get3A_3178 : vector<1x88x88xf32> to vector<88x88xf32>
    %add3A_3180 = arith.addf %dot_general3A_3174, %get3A_3179 : vector<88x88xf32>
    %exp3A_3181 = math.exp %add3A_3180 : vector<88x88xf32>
    %get3A_3182 = arith.constant 2376 : index
    %get3A_3183 = arith.constant 0 : index
    %get3A_3184 = vector.load %arg14[%get3A_3182, %get3A_3183] : memref<2816x256xf32, #tpu.memory_space<vmem>>, vector<88x256xf32>
    %dot_general3A_3185 = arith.constant dense<0.000000e+00> : vector<88x256xf32>
    %dot_general3A_3186 = tpu.matmul %exp3A_3181, %get3A_3184, %dot_general3A_3185 {dimension_numbers = #tpu.dot_dimension_numbers<[1], [0], [0], [1], [0, 0, 1, 1], [], []>, precision = #tpu.contract_precision<fp32>, transpose_lhs_hint = false} : vector<88x88xf32>, vector<88x256xf32>, vector<88x256xf32> -> vector<88x256xf32>
    %slice3A_3187 = vector.extract_strided_slice %dot_general3A_3186 {offsets = [0, 0], sizes = [88, 128], strides = [1, 1]} : vector<88x256xf32> to vector<88x128xf32>
    %slice3A_3188 = vector.extract_strided_slice %dot_general3A_3186 {offsets = [0, 128], sizes = [88, 128], strides = [1, 1]} : vector<88x256xf32> to vector<88x128xf32>
    %max3A_3189 = arith.constant 1.000000e-16 : f32
    %max3A_3190 = vector.broadcast %max3A_3189 : f32 to vector<88x128xf32>
    %max3A_3191 = arith.maximumf %slice3A_3188, %max3A_3190 : vector<88x128xf32>
    %div3A_3192 = arith.divf %slice3A_3187, %max3A_3191 : vector<88x128xf32>
    %get3A_3193 = arith.constant 2376 : index
    %get3A_3194 = arith.constant 384 : index
    %get3A_3195 = vector.load %arg13[%get3A_3193, %get3A_3194] : memref<2816x512xf32, #tpu.memory_space<vmem>>, vector<88x128xf32>
    %add3A_3196 = arith.addf %div3A_3192, %get3A_3195 : vector<88x128xf32>
    %reduce_sum3A_3197 = arith.constant dense<0.000000e+00> : vector<128xf32>
    %reduce_sum3A_3198 = vector.multi_reduction <add>, %add3A_3196, %reduce_sum3A_3197 [0] : vector<88x128xf32> to vector<128xf32>
    %broadcast_in_dim3A_3199 = vector.shape_cast %reduce_sum3A_3198 : vector<128xf32> to vector<1x128xf32>
    %swap3A_3200 = arith.constant 27 : index
    %swap3A_3201 = arith.constant 0 : index
    %swap3A_3202 = vector.load %arg17[%swap3A_3200, %swap3A_3201] : memref<32x128xf32, #tpu.memory_space<vmem>>, vector<1x128xf32>
    tpu.vector_store %arg17[%swap3A_3200, %swap3A_3201], %broadcast_in_dim3A_3199 {strides = array<i32>} : memref<32x128xf32, #tpu.memory_space<vmem>>, vector<1x128xf32>,
    %get3A_3203 = arith.constant 2464 : index
    %get3A_3204 = arith.constant 0 : index
    %get3A_3205 = vector.load %arg13[%get3A_3203, %get3A_3204] : memref<2816x512xf32, #tpu.memory_space<vmem>>, vector<88x128xf32>
    %get3A_3206 = arith.constant 2464 : index
    %get3A_3207 = arith.constant 128 : index
    %get3A_3208 = vector.load %arg13[%get3A_3206, %get3A_3207] : memref<2816x512xf32, #tpu.memory_space<vmem>>, vector<88x128xf32>
    %dot_general3A_3209 = arith.constant dense<0.000000e+00> : vector<88x88xf32>
    %dot_general3A_3210 = tpu.matmul %get3A_3205, %get3A_3208, %dot_general3A_3209 {dimension_numbers = #tpu.dot_dimension_numbers<[1], [1], [0], [0], [0, 0, 1, 0], [], []>, precision = #tpu.contract_precision<fp32>, transpose_lhs_hint = false} : vector<88x128xf32>, vector<88x128xf32>, vector<88x88xf32> -> vector<88x88xf32>
    %get3A_3211 = arith.constant 28 : index
    %get3A_3212 = arith.constant 0 : index
    %get3A_3213 = arith.constant 0 : index
    %get3A_3214 = vector.load %arg16[%get3A_3211, %get3A_3212, %get3A_3213] : memref<32x88x88xf32, #tpu.memory_space<vmem>>, vector<1x88x88xf32>
    %get3A_3215 = vector.shape_cast %get3A_3214 : vector<1x88x88xf32> to vector<88x88xf32>
    %add3A_3216 = arith.addf %dot_general3A_3210, %get3A_3215 : vector<88x88xf32>
    %exp3A_3217 = math.exp %add3A_3216 : vector<88x88xf32>
    %get3A_3218 = arith.constant 2464 : index
    %get3A_3219 = arith.constant 0 : index
    %get3A_3220 = vector.load %arg14[%get3A_3218, %get3A_3219] : memref<2816x256xf32, #tpu.memory_space<vmem>>, vector<88x256xf32>
    %dot_general3A_3221 = arith.constant dense<0.000000e+00> : vector<88x256xf32>
    %dot_general3A_3222 = tpu.matmul %exp3A_3217, %get3A_3220, %dot_general3A_3221 {dimension_numbers = #tpu.dot_dimension_numbers<[1], [0], [0], [1], [0, 0, 1, 1], [], []>, precision = #tpu.contract_precision<fp32>, transpose_lhs_hint = false} : vector<88x88xf32>, vector<88x256xf32>, vector<88x256xf32> -> vector<88x256xf32>
    %slice3A_3223 = vector.extract_strided_slice %dot_general3A_3222 {offsets = [0, 0], sizes = [88, 128], strides = [1, 1]} : vector<88x256xf32> to vector<88x128xf32>
    %slice3A_3224 = vector.extract_strided_slice %dot_general3A_3222 {offsets = [0, 128], sizes = [88, 128], strides = [1, 1]} : vector<88x256xf32> to vector<88x128xf32>
    %max3A_3225 = arith.constant 1.000000e-16 : f32
    %max3A_3226 = vector.broadcast %max3A_3225 : f32 to vector<88x128xf32>
    %max3A_3227 = arith.maximumf %slice3A_3224, %max3A_3226 : vector<88x128xf32>
    %div3A_3228 = arith.divf %slice3A_3223, %max3A_3227 : vector<88x128xf32>
    %get3A_3229 = arith.constant 2464 : index
    %get3A_3230 = arith.constant 384 : index
    %get3A_3231 = vector.load %arg13[%get3A_3229, %get3A_3230] : memref<2816x512xf32, #tpu.memory_space<vmem>>, vector<88x128xf32>
    %add3A_3232 = arith.addf %div3A_3228, %get3A_3231 : vector<88x128xf32>
    %reduce_sum3A_3233 = arith.constant dense<0.000000e+00> : vector<128xf32>
    %reduce_sum3A_3234 = vector.multi_reduction <add>, %add3A_3232, %reduce_sum3A_3233 [0] : vector<88x128xf32> to vector<128xf32>
    %broadcast_in_dim3A_3235 = vector.shape_cast %reduce_sum3A_3234 : vector<128xf32> to vector<1x128xf32>
    %swap3A_3236 = arith.constant 28 : index
    %swap3A_3237 = arith.constant 0 : index
    %swap3A_3238 = vector.load %arg17[%swap3A_3236, %swap3A_3237] : memref<32x128xf32, #tpu.memory_space<vmem>>, vector<1x128xf32>
    tpu.vector_store %arg17[%swap3A_3236, %swap3A_3237], %broadcast_in_dim3A_3235 {strides = array<i32>} : memref<32x128xf32, #tpu.memory_space<vmem>>, vector<1x128xf32>,
    %get3A_3239 = arith.constant 2552 : index
    %get3A_3240 = arith.constant 0 : index
    %get3A_3241 = vector.load %arg13[%get3A_3239, %get3A_3240] : memref<2816x512xf32, #tpu.memory_space<vmem>>, vector<88x128xf32>
    %get3A_3242 = arith.constant 2552 : index
    %get3A_3243 = arith.constant 128 : index
    %get3A_3244 = vector.load %arg13[%get3A_3242, %get3A_3243] : memref<2816x512xf32, #tpu.memory_space<vmem>>, vector<88x128xf32>
    %dot_general3A_3245 = arith.constant dense<0.000000e+00> : vector<88x88xf32>
    %dot_general3A_3246 = tpu.matmul %get3A_3241, %get3A_3244, %dot_general3A_3245 {dimension_numbers = #tpu.dot_dimension_numbers<[1], [1], [0], [0], [0, 0, 1, 0], [], []>, precision = #tpu.contract_precision<fp32>, transpose_lhs_hint = false} : vector<88x128xf32>, vector<88x128xf32>, vector<88x88xf32> -> vector<88x88xf32>
    %get3A_3247 = arith.constant 29 : index
    %get3A_3248 = arith.constant 0 : index
    %get3A_3249 = arith.constant 0 : index
    %get3A_3250 = vector.load %arg16[%get3A_3247, %get3A_3248, %get3A_3249] : memref<32x88x88xf32, #tpu.memory_space<vmem>>, vector<1x88x88xf32>
    %get3A_3251 = vector.shape_cast %get3A_3250 : vector<1x88x88xf32> to vector<88x88xf32>
    %add3A_3252 = arith.addf %dot_general3A_3246, %get3A_3251 : vector<88x88xf32>
    %exp3A_3253 = math.exp %add3A_3252 : vector<88x88xf32>
    %get3A_3254 = arith.constant 2552 : index
    %get3A_3255 = arith.constant 0 : index
    %get3A_3256 = vector.load %arg14[%get3A_3254, %get3A_3255] : memref<2816x256xf32, #tpu.memory_space<vmem>>, vector<88x256xf32>
    %dot_general3A_3257 = arith.constant dense<0.000000e+00> : vector<88x256xf32>
    %dot_general3A_3258 = tpu.matmul %exp3A_3253, %get3A_3256, %dot_general3A_3257 {dimension_numbers = #tpu.dot_dimension_numbers<[1], [0], [0], [1], [0, 0, 1, 1], [], []>, precision = #tpu.contract_precision<fp32>, transpose_lhs_hint = false} : vector<88x88xf32>, vector<88x256xf32>, vector<88x256xf32> -> vector<88x256xf32>
    %slice3A_3259 = vector.extract_strided_slice %dot_general3A_3258 {offsets = [0, 0], sizes = [88, 128], strides = [1, 1]} : vector<88x256xf32> to vector<88x128xf32>
    %slice3A_3260 = vector.extract_strided_slice %dot_general3A_3258 {offsets = [0, 128], sizes = [88, 128], strides = [1, 1]} : vector<88x256xf32> to vector<88x128xf32>
    %max3A_3261 = arith.constant 1.000000e-16 : f32
    %max3A_3262 = vector.broadcast %max3A_3261 : f32 to vector<88x128xf32>
    %max3A_3263 = arith.maximumf %slice3A_3260, %max3A_3262 : vector<88x128xf32>
    %div3A_3264 = arith.divf %slice3A_3259, %max3A_3263 : vector<88x128xf32>
    %get3A_3265 = arith.constant 2552 : index
    %get3A_3266 = arith.constant 384 : index
    %get3A_3267 = vector.load %arg13[%get3A_3265, %get3A_3266] : memref<2816x512xf32, #tpu.memory_space<vmem>>, vector<88x128xf32>
    %add3A_3268 = arith.addf %div3A_3264, %get3A_3267 : vector<88x128xf32>
    %reduce_sum3A_3269 = arith.constant dense<0.000000e+00> : vector<128xf32>
    %reduce_sum3A_3270 = vector.multi_reduction <add>, %add3A_3268, %reduce_sum3A_3269 [0] : vector<88x128xf32> to vector<128xf32>
    %broadcast_in_dim3A_3271 = vector.shape_cast %reduce_sum3A_3270 : vector<128xf32> to vector<1x128xf32>
    %swap3A_3272 = arith.constant 29 : index
    %swap3A_3273 = arith.constant 0 : index
    %swap3A_3274 = vector.load %arg17[%swap3A_3272, %swap3A_3273] : memref<32x128xf32, #tpu.memory_space<vmem>>, vector<1x128xf32>
    tpu.vector_store %arg17[%swap3A_3272, %swap3A_3273], %broadcast_in_dim3A_3271 {strides = array<i32>} : memref<32x128xf32, #tpu.memory_space<vmem>>, vector<1x128xf32>,
    %get3A_3275 = arith.constant 2640 : index
    %get3A_3276 = arith.constant 0 : index
    %get3A_3277 = vector.load %arg13[%get3A_3275, %get3A_3276] : memref<2816x512xf32, #tpu.memory_space<vmem>>, vector<88x128xf32>
    %get3A_3278 = arith.constant 2640 : index
    %get3A_3279 = arith.constant 128 : index
    %get3A_3280 = vector.load %arg13[%get3A_3278, %get3A_3279] : memref<2816x512xf32, #tpu.memory_space<vmem>>, vector<88x128xf32>
    %dot_general3A_3281 = arith.constant dense<0.000000e+00> : vector<88x88xf32>
    %dot_general3A_3282 = tpu.matmul %get3A_3277, %get3A_3280, %dot_general3A_3281 {dimension_numbers = #tpu.dot_dimension_numbers<[1], [1], [0], [0], [0, 0, 1, 0], [], []>, precision = #tpu.contract_precision<fp32>, transpose_lhs_hint = false} : vector<88x128xf32>, vector<88x128xf32>, vector<88x88xf32> -> vector<88x88xf32>
    %get3A_3283 = arith.constant 30 : index
    %get3A_3284 = arith.constant 0 : index
    %get3A_3285 = arith.constant 0 : index
    %get3A_3286 = vector.load %arg16[%get3A_3283, %get3A_3284, %get3A_3285] : memref<32x88x88xf32, #tpu.memory_space<vmem>>, vector<1x88x88xf32>
    %get3A_3287 = vector.shape_cast %get3A_3286 : vector<1x88x88xf32> to vector<88x88xf32>
    %add3A_3288 = arith.addf %dot_general3A_3282, %get3A_3287 : vector<88x88xf32>
    %exp3A_3289 = math.exp %add3A_3288 : vector<88x88xf32>
    %get3A_3290 = arith.constant 2640 : index
    %get3A_3291 = arith.constant 0 : index
    %get3A_3292 = vector.load %arg14[%get3A_3290, %get3A_3291] : memref<2816x256xf32, #tpu.memory_space<vmem>>, vector<88x256xf32>
    %dot_general3A_3293 = arith.constant dense<0.000000e+00> : vector<88x256xf32>
    %dot_general3A_3294 = tpu.matmul %exp3A_3289, %get3A_3292, %dot_general3A_3293 {dimension_numbers = #tpu.dot_dimension_numbers<[1], [0], [0], [1], [0, 0, 1, 1], [], []>, precision = #tpu.contract_precision<fp32>, transpose_lhs_hint = false} : vector<88x88xf32>, vector<88x256xf32>, vector<88x256xf32> -> vector<88x256xf32>
    %slice3A_3295 = vector.extract_strided_slice %dot_general3A_3294 {offsets = [0, 0], sizes = [88, 128], strides = [1, 1]} : vector<88x256xf32> to vector<88x128xf32>
    %slice3A_3296 = vector.extract_strided_slice %dot_general3A_3294 {offsets = [0, 128], sizes = [88, 128], strides = [1, 1]} : vector<88x256xf32> to vector<88x128xf32>
    %max3A_3297 = arith.constant 1.000000e-16 : f32
    %max3A_3298 = vector.broadcast %max3A_3297 : f32 to vector<88x128xf32>
    %max3A_3299 = arith.maximumf %slice3A_3296, %max3A_3298 : vector<88x128xf32>
    %div3A_3300 = arith.divf %slice3A_3295, %max3A_3299 : vector<88x128xf32>
    %get3A_3301 = arith.constant 2640 : index
    %get3A_3302 = arith.constant 384 : index
    %get3A_3303 = vector.load %arg13[%get3A_3301, %get3A_3302] : memref<2816x512xf32, #tpu.memory_space<vmem>>, vector<88x128xf32>
    %add3A_3304 = arith.addf %div3A_3300, %get3A_3303 : vector<88x128xf32>
    %reduce_sum3A_3305 = arith.constant dense<0.000000e+00> : vector<128xf32>
    %reduce_sum3A_3306 = vector.multi_reduction <add>, %add3A_3304, %reduce_sum3A_3305 [0] : vector<88x128xf32> to vector<128xf32>
    %broadcast_in_dim3A_3307 = vector.shape_cast %reduce_sum3A_3306 : vector<128xf32> to vector<1x128xf32>
    %swap3A_3308 = arith.constant 30 : index
    %swap3A_3309 = arith.constant 0 : index
    %swap3A_3310 = vector.load %arg17[%swap3A_3308, %swap3A_3309] : memref<32x128xf32, #tpu.memory_space<vmem>>, vector<1x128xf32>
    tpu.vector_store %arg17[%swap3A_3308, %swap3A_3309], %broadcast_in_dim3A_3307 {strides = array<i32>} : memref<32x128xf32, #tpu.memory_space<vmem>>, vector<1x128xf32>,
    %get3A_3311 = arith.constant 2728 : index
    %get3A_3312 = arith.constant 0 : index
    %get3A_3313 = vector.load %arg13[%get3A_3311, %get3A_3312] : memref<2816x512xf32, #tpu.memory_space<vmem>>, vector<88x128xf32>
    %get3A_3314 = arith.constant 2728 : index
    %get3A_3315 = arith.constant 128 : index
    %get3A_3316 = vector.load %arg13[%get3A_3314, %get3A_3315] : memref<2816x512xf32, #tpu.memory_space<vmem>>, vector<88x128xf32>
    %dot_general3A_3317 = arith.constant dense<0.000000e+00> : vector<88x88xf32>
    %dot_general3A_3318 = tpu.matmul %get3A_3313, %get3A_3316, %dot_general3A_3317 {dimension_numbers = #tpu.dot_dimension_numbers<[1], [1], [0], [0], [0, 0, 1, 0], [], []>, precision = #tpu.contract_precision<fp32>, transpose_lhs_hint = false} : vector<88x128xf32>, vector<88x128xf32>, vector<88x88xf32> -> vector<88x88xf32>
    %get3A_3319 = arith.constant 31 : index
    %get3A_3320 = arith.constant 0 : index
    %get3A_3321 = arith.constant 0 : index
    %get3A_3322 = vector.load %arg16[%get3A_3319, %get3A_3320, %get3A_3321] : memref<32x88x88xf32, #tpu.memory_space<vmem>>, vector<1x88x88xf32>
    %get3A_3323 = vector.shape_cast %get3A_3322 : vector<1x88x88xf32> to vector<88x88xf32>
    %add3A_3324 = arith.addf %dot_general3A_3318, %get3A_3323 : vector<88x88xf32>
    %exp3A_3325 = math.exp %add3A_3324 : vector<88x88xf32>
    %get3A_3326 = arith.constant 2728 : index
    %get3A_3327 = arith.constant 0 : index
    %get3A_3328 = vector.load %arg14[%get3A_3326, %get3A_3327] : memref<2816x256xf32, #tpu.memory_space<vmem>>, vector<88x256xf32>
    %dot_general3A_3329 = arith.constant dense<0.000000e+00> : vector<88x256xf32>
    %dot_general3A_3330 = tpu.matmul %exp3A_3325, %get3A_3328, %dot_general3A_3329 {dimension_numbers = #tpu.dot_dimension_numbers<[1], [0], [0], [1], [0, 0, 1, 1], [], []>, precision = #tpu.contract_precision<fp32>, transpose_lhs_hint = false} : vector<88x88xf32>, vector<88x256xf32>, vector<88x256xf32> -> vector<88x256xf32>
    %slice3A_3331 = vector.extract_strided_slice %dot_general3A_3330 {offsets = [0, 0], sizes = [88, 128], strides = [1, 1]} : vector<88x256xf32> to vector<88x128xf32>
    %slice3A_3332 = vector.extract_strided_slice %dot_general3A_3330 {offsets = [0, 128], sizes = [88, 128], strides = [1, 1]} : vector<88x256xf32> to vector<88x128xf32>
    %max3A_3333 = arith.constant 1.000000e-16 : f32
    %max3A_3334 = vector.broadcast %max3A_3333 : f32 to vector<88x128xf32>
    %max3A_3335 = arith.maximumf %slice3A_3332, %max3A_3334 : vector<88x128xf32>
    %div3A_3336 = arith.divf %slice3A_3331, %max3A_3335 : vector<88x128xf32>
    %get3A_3337 = arith.constant 2728 : index
    %get3A_3338 = arith.constant 384 : index
    %get3A_3339 = vector.load %arg13[%get3A_3337, %get3A_3338] : memref<2816x512xf32, #tpu.memory_space<vmem>>, vector<88x128xf32>
    %add3A_3340 = arith.addf %div3A_3336, %get3A_3339 : vector<88x128xf32>
    %reduce_sum3A_3341 = arith.constant dense<0.000000e+00> : vector<128xf32>
    %reduce_sum3A_3342 = vector.multi_reduction <add>, %add3A_3340, %reduce_sum3A_3341 [0] : vector<88x128xf32> to vector<128xf32>
    %broadcast_in_dim3A_3343 = vector.shape_cast %reduce_sum3A_3342 : vector<128xf32> to vector<1x128xf32>
    %swap3A_3344 = arith.constant 31 : index
    %swap3A_3345 = arith.constant 0 : index
    %swap3A_3346 = vector.load %arg17[%swap3A_3344, %swap3A_3345] : memref<32x128xf32, #tpu.memory_space<vmem>>, vector<1x128xf32>
    tpu.vector_store %arg17[%swap3A_3344, %swap3A_3345], %broadcast_in_dim3A_3343 {strides = array<i32>} : memref<32x128xf32, #tpu.memory_space<vmem>>, vector<1x128xf32>,
    %get3A_3347 = arith.constant 0 : index
    %get3A_3348 = arith.constant 0 : index
    %get3A_3349 = vector.load %arg17[%get3A_3347, %get3A_3348] : memref<32x128xf32, #tpu.memory_space<vmem>>, vector<32x128xf32>
    %get3A_3350 = arith.constant 0 : index
    %get3A_3351 = arith.constant 0 : index
    %get3A_3352 = vector.load %arg10[%get3A_3350, %get3A_3351] : memref<128x10xf32, #tpu.memory_space<vmem>>, vector<128x10xf32>
    %dot_general3A_3353 = arith.constant dense<0.000000e+00> : vector<32x10xf32>
    %dot_general3A_3354 = tpu.matmul %get3A_3349, %get3A_3352, %dot_general3A_3353 {dimension_numbers = #tpu.dot_dimension_numbers<[1], [0], [0], [1], [0, 0, 1, 1], [], []>, precision = #tpu.contract_precision<fp32>, transpose_lhs_hint = false} : vector<32x128xf32>, vector<128x10xf32>, vector<32x10xf32> -> vector<32x10xf32>
    %get3A_3355 = arith.constant 0 : index
    %get3A_3356 = arith.constant 0 : index
    %get3A_3357 = vector.load %arg11[%get3A_3355, %get3A_3356] : memref<1x10xf32, #tpu.memory_space<vmem>>, vector<1x10xf32>
    %add3A_3358 = vector.broadcast %get3A_3357 : vector<1x10xf32> to vector<32x10xf32>
    %add3A_3359 = arith.addf %dot_general3A_3354, %add3A_3358 : vector<32x10xf32>
    %reduce_max3A = arith.constant dense<0xFF800000> : vector<32xf32>
    %reduce_max3A_3360 = vector.multi_reduction <maximumf>, %add3A_3359, %reduce_max3A [1] : vector<32x10xf32> to vector<32xf32>
    %broadcast_in_dim3A_3361 = vector.shape_cast %reduce_max3A_3360 : vector<32xf32> to vector<32x1xf32>
    %sub3A = vector.broadcast %broadcast_in_dim3A_3361 : vector<32x1xf32> to vector<32x10xf32>
    %sub3A_3362 = arith.subf %add3A_3359, %sub3A : vector<32x10xf32>
    %exp3A_3363 = math.exp %sub3A_3362 : vector<32x10xf32>
    %reduce_sum3A_3364 = arith.constant dense<0.000000e+00> : vector<32xf32>
    %reduce_sum3A_3365 = vector.multi_reduction <add>, %exp3A_3363, %reduce_sum3A_3364 [1] : vector<32x10xf32> to vector<32xf32>
    %broadcast_in_dim3A_3366 = vector.shape_cast %reduce_sum3A_3365 : vector<32xf32> to vector<32x1xf32>
    %div3A_3367 = vector.broadcast %broadcast_in_dim3A_3366 : vector<32x1xf32> to vector<32x10xf32>
    %div3A_3368 = arith.divf %exp3A_3363, %div3A_3367 : vector<32x10xf32>
    %swap3A_3369 = arith.constant 0 : index
    %swap3A_3370 = arith.constant 0 : index
    %swap3A_3371 = vector.load %arg12[%swap3A_3369, %swap3A_3370] : memref<32x10xf32, #tpu.memory_space<vmem>>, vector<32x10xf32>
    tpu.vector_store %arg12[%swap3A_3369, %swap3A_3370], %div3A_3368 {strides = array<i32>} : memref<32x10xf32, #tpu.memory_space<vmem>>, vector<32x10xf32>,
    return
  }
  func.func @transform_0(%arg0: i32) -> (i32, i32, i32) {
    %c0_i32 = arith.constant 0 : i32
    %c0_i32_0 = arith.constant 0 : i32
    %c0_i32_1 = arith.constant 0 : i32
    return %arg0, %c0_i32, %c0_i32_0 : i32, i32, i32
  }
  func.func @transform_1(%arg0: i32) -> (i32, i32, i32) {
    %c0_i32 = arith.constant 0 : i32
    %c0_i32_0 = arith.constant 0 : i32
    %c0_i32_1 = arith.constant 0 : i32
    return %arg0, %c0_i32, %c0_i32_0 : i32, i32, i32
  }
  func.func @transform_2(%arg0: i32) -> (i32, i32) {
    %c0_i32 = arith.constant 0 : i32
    %c0_i32_0 = arith.constant 0 : i32
    %c0_i32_1 = arith.constant 0 : i32
    return %c0_i32, %c0_i32_0 : i32, i32
  }
  func.func @transform_3(%arg0: i32) -> (i32, i32) {
    %c0_i32 = arith.constant 0 : i32
    %c0_i32_0 = arith.constant 0 : i32
    %c0_i32_1 = arith.constant 0 : i32
    return %c0_i32, %c0_i32_0 : i32, i32
  }
  func.func @transform_4(%arg0: i32) -> (i32, i32) {
    %c0_i32 = arith.constant 0 : i32
    %c0_i32_0 = arith.constant 0 : i32
    %c0_i32_1 = arith.constant 0 : i32
    return %c0_i32, %c0_i32_0 : i32, i32
  }
  func.func @transform_5(%arg0: i32) -> (i32, i32) {
    %c0_i32 = arith.constant 0 : i32
    %c0_i32_0 = arith.constant 0 : i32
    %c0_i32_1 = arith.constant 0 : i32
    return %c0_i32, %c0_i32_0 : i32, i32
  }
  func.func @transform_6(%arg0: i32) -> (i32, i32) {
    %c0_i32 = arith.constant 0 : i32
    %c0_i32_0 = arith.constant 0 : i32
    %c0_i32_1 = arith.constant 0 : i32
    return %c0_i32, %c0_i32_0 : i32, i32
  }
  func.func @transform_7(%arg0: i32) -> (i32, i32) {
    %c0_i32 = arith.constant 0 : i32
    %c0_i32_0 = arith.constant 0 : i32
    %c0_i32_1 = arith.constant 0 : i32
    return %c0_i32, %c0_i32_0 : i32, i32
  }
  func.func @transform_8(%arg0: i32) -> (i32, i32) {
    %c0_i32 = arith.constant 0 : i32
    %c0_i32_0 = arith.constant 0 : i32
    %c0_i32_1 = arith.constant 0 : i32
    return %c0_i32, %c0_i32_0 : i32, i32
  }
  func.func @transform_9(%arg0: i32) -> (i32, i32) {
    %c0_i32 = arith.constant 0 : i32
    %c0_i32_0 = arith.constant 0 : i32
    %c0_i32_1 = arith.constant 0 : i32
    return %c0_i32, %c0_i32_0 : i32, i32
  }
  func.func @transform_10(%arg0: i32) -> (i32, i32) {
    %c0_i32 = arith.constant 0 : i32
    %c0_i32_0 = arith.constant 0 : i32
    %c0_i32_1 = arith.constant 0 : i32
    return %c0_i32, %c0_i32_0 : i32, i32
  }
  func.func @transform_11(%arg0: i32) -> (i32, i32) {
    %c0_i32 = arith.constant 0 : i32
    %c0_i32_0 = arith.constant 0 : i32
    return %arg0, %c0_i32 : i32, i32
  }
}

</mosaic_0001>

<sc_bundles>
// kernel: kernel.4.cloned.1.call-start
scs
__scs_entry_jumppad:
0x0: {  	(pc) =	sbr.rel $0x88, $3  }
0x1: {  	(tag) =	ssettag $0x0;
	lr =	simm.s32 $0x1  }
0x2: {  	[smem:$0x3F8C] =	sst lr;
	_ =	strace $0xD0000000  }
0x3: {  	_ = 	snop  }
0x4: {  	_ = 	snop  }
0x5: {  	_ = 	snop  }
0x6: {  	_ = 	snop  }
0x7: {  	_ = 	snop  }
__scs_overlays_trampoline_lowered:
0x8: {  	[smem:$0x3F9B] =	sst s0  }
0x9: {  	[smem:$0x3F9C] =	sst s1  }
0xa: {  	[smem:$0x3F9D] =	sst s2  }
0xb: {  	[smem:$0x3F9E] =	sst s3  }
0xc: {  	[smem:$0x3F9F] =	sst s4  }
0xd: {  	[smem:$0x3FA0] =	sst s5  }
0xe: {  	[smem:$0x3FA1] =	sst s6  }
0xf: {  	[smem:$0x3FA2] =	sst s7  }
0x10: {  	[smem:$0x3FA3] =	sst s8  }
0x11: {  	[smem:$0x3FA4] =	sst s9;
	s0 =	simm.s32 @!p0 $0x0  }
0x12: {  	s1 =	sld [smem:$0x3F8A];
	s0 =	simm.s32 @p0 $0x1  }
0x13: {  	[smem:$0x3FA5] =	sst s0;
	s0 =	simm.s32 @!p1 $0x0  }
0x14: {  	s2 =	sld [smem:$0x3F89];
	s0 =	simm.s32 @p1 $0x1  }
0x15: {  	[smem:$0x3FA6] =	sst s0;
	s0 =	simm.s32 @!p2 $0x0  }
0x16: {  	s3 =	sld [smem:$0x3FDB];
	s0 =	simm.s32 @p2 $0x1  }
0x17: {  	s4 =	simm.s32 $0x1BF5;
	[smem:$0x3FA8] =	sst s0  }
0x18: {  	s0 =	sld [smem:$0x3F8B];
	_ =	swait.ge [sflag:s4], $0x0  }
0x19: {  	s7 =	sld [smem:$0x3F8C]  }
0x1a: {  	s8 =	sadd.s32 $0xFFFFE003, lr  }
0x1b: {  	s9 =	sadd.s32 $0xFFFFFEF7, lr;
	s5 =	simm.s32 $0xFFFFFFFF;
	p2 =	slt.u32 s8, $0xFFFFF086  }
0x1c: {  	p1 =	slt.u32 s9, $0xF7A;
	s5 =	simm.s32 @!p2 $0x0  }
0x1d: {  	s5 =	simm.s32 @p1 $0x1;
	p0 =	seq.s32 s7, s2  }
0x1e: {  	s7 =	smul.u32 @!p0 $0xF7A, s2;
	p2 =	seq.s32 @!p0 s5, $0x0  }
0x1f: {  	s9 =	smul.u32 $0xF7A, s1;
	s8 =	simm.s32 @!p0 $0x1BF5;
	p2 =	por !p2, p0  }
0x20: {  	[sflag:s8] =	ssyncset.s32 @!p0 $0xFFFFF086;
	s6 =	sadd.s32 @!p0 s3, s7;
	s7 =	simm.s32 @!p0 $0x108  }
0x21: {  	s3 =	sadd.s32 s3, s9;
	s6 =	sadd.s32 @!p0 $0x88, s6;
	s7 =	simm.s32 @p2 $0x1082  }
0x22: {  	[simem:s7], [sflag:s8] =	dma.local @!p0 [hbm:s6], $0xF7A  }
0x23: {  	s9 =	sor.u32 $0xD0000000, s2;
	s6 =	simm.s32 $0x108;
	_ =	swait.ge @!p0 [sflag:s8], $0x0  }
0x24: {  	s3 =	sadd.s32 $0x88, s3;
	s6 =	simm.s32 @!p1 $0x1082;
	[sflag:s4] =	ssyncset.s32 $0xFFFFF086  }
0x25: {  	[simem:s6], [sflag:s4] =	dma.local [hbm:s3], $0xF7A  }
0x26: {  	[smem:$0x3F8C] =	sst s1;
	(tag) =	ssettag s2;
	_ =	strace s9  }
0x27: {  	s1 =	sld [smem:$0x3F9C]  }
0x28: {  	s2 =	sld [smem:$0x3F9D]  }
0x29: {  	s4 =	sld [smem:$0x3F9F]  }
0x2a: {  	p0 =	seq.s32 s5, $0x0;
	s5 =	sld [smem:$0x3FA0]  }
0x2b: {  	s6 =	sld [smem:$0x3FA1]  }
0x2c: {  	s7 =	sld [smem:$0x3FA2]  }
0x2d: {  	s3 =	simm.s32 $0x108;
	s8 =	sld [smem:$0x3FA3]  }
0x2e: {  	s3 =	simm.s32 @!p0 $0x1082;
	s9 =	sld [smem:$0x3FA4]  }
0x2f: {  	lr =	sadd.s32 s0, s3;
	s0 =	sld [smem:$0x3F9B]  }
0x30: {  	s3 =	sld [smem:$0x3F9E]  }
0x31: {  	[smem:$0x3FA7] =	sst s10  }
0x32: {  	s10 =	sld [smem:$0x3FA5];
	_ =	sdelay $0x3  }
0x33: {  	p0 =	seq.s32 s10, $0x1;
	s10 =	sld [smem:$0x3FA7];
	_ =	sdelay $0x3  }
0x34: {  	[smem:$0x3FA7] =	sst s10  }
0x35: {  	s10 =	sld [smem:$0x3FA6];
	_ =	sdelay $0x3  }
0x36: {  	p1 =	seq.s32 s10, $0x1;
	s10 =	sld [smem:$0x3FA7];
	_ =	sdelay $0x3  }
0x37: {  	[smem:$0x3FA7] =	sst s10  }
0x38: {  	s10 =	sld [smem:$0x3FA8]  }
0x39: {  	_ = 	snop;
	(pc) =	sbr.ind lr, $3  }
0x3a: {  	_ = 	snop  }
0x3b: {  	_ = 	snop  }
0x3c: {  	p2 =	seq.s32 s10, $0x1;
	s10 =	sld [smem:$0x3FA7]  }
0x3d: {  	_ =	shalt  }
0x3e: {  	_ =	shalt  }
0x3f: {  	_ =	shalt  }
0x40: {  	_ =	shalt  }
0x41: {  	_ =	shalt  }
0x42: {  	_ =	shalt  }
0x43: {  	_ =	shalt  }
0x44: {  	_ =	shalt  }
0x45: {  	_ =	shalt  }
0x46: {  	_ =	shalt  }
0x47: {  	_ =	shalt  }
0x48: {  	_ =	shalt  }
0x49: {  	_ =	shalt  }
0x4a: {  	_ =	shalt  }
0x4b: {  	_ =	shalt  }
0x4c: {  	_ =	shalt  }
0x4d: {  	_ =	shalt  }
0x4e: {  	_ =	shalt  }
0x4f: {  	_ =	shalt  }
0x50: {  	_ =	shalt  }
0x51: {  	_ =	shalt  }
0x52: {  	_ =	shalt  }
0x53: {  	_ =	shalt  }
0x54: {  	_ =	shalt  }
0x55: {  	_ =	shalt  }
0x56: {  	_ =	shalt  }
0x57: {  	_ =	shalt  }
0x58: {  	_ =	shalt  }
0x59: {  	_ =	shalt  }
0x5a: {  	_ =	shalt  }
0x5b: {  	_ =	shalt  }
0x5c: {  	_ =	shalt  }
0x5d: {  	_ =	shalt  }
0x5e: {  	_ =	shalt  }
0x5f: {  	_ =	shalt  }
0x60: {  	_ =	shalt  }
0x61: {  	_ =	shalt  }
0x62: {  	_ =	shalt  }
0x63: {  	_ =	shalt  }
0x64: {  	_ =	shalt  }
0x65: {  	_ =	shalt  }
0x66: {  	_ =	shalt  }
0x67: {  	_ =	shalt  }
0x68: {  	_ =	shalt  }
0x69: {  	_ =	shalt  }
0x6a: {  	_ =	shalt  }
0x6b: {  	_ =	shalt  }
0x6c: {  	_ =	shalt  }
0x6d: {  	_ =	shalt  }
0x6e: {  	_ =	shalt  }
0x6f: {  	_ =	shalt  }
0x70: {  	_ =	shalt  }
0x71: {  	_ =	shalt  }
0x72: {  	_ =	shalt  }
0x73: {  	_ =	shalt  }
0x74: {  	_ =	shalt  }
0x75: {  	_ =	shalt  }
0x76: {  	_ =	shalt  }
0x77: {  	_ =	shalt  }
0x78: {  	_ =	shalt  }
0x79: {  	_ =	shalt  }
0x7a: {  	_ =	shalt  }
0x7b: {  	_ =	shalt  }
0x7c: {  	_ =	shalt  }
0x7d: {  	_ =	shalt  }
0x7e: {  	_ =	shalt  }
0x7f: {  	_ =	shalt  }
0x80: {  	_ =	shalt  }
0x81: {  	_ =	shalt  }
0x82: {  	_ =	shalt  }
0x83: {  	_ =	shalt  }
0x84: {  	_ =	shalt  }
0x85: {  	_ =	shalt  }
0x86: {  	_ =	shalt  }
0x87: {  	_ =	shalt  }
.Lfunc_end0:
.L_simem_size_0:
called_computation_lowered:
.L_overlay_start_0:
0x88: {  	s2 =	sld [smem:$0x3FD9]  }
0x89: {  	s3 =	sld [smem:$0x3FFE];
	_ =	sdelay $0x1  }
0x8a: {  	s1 =	srdreg.scid  }
0x8b: {  	s0 =	sand.u32 $0x1, s1  }
0x8c: {  	s16 =	sshll.u32 s0, $0xA;
	s2 =	sadd.s32 s3, s2  }
0x8d: {  	s2 =	sadd.s32 s2, s16  }
0x8e: {  	[smem:$0x3FB3] =	sst s2  }
0x8f: {  	_ = 	snop  }
0x90: {  	(tm) =	ssettm $0x1  }
0x91: {  	s17 =	sld [smem:$0x3FFB];
	_ =	sdelay $0x3  }
0x92: {  	_ =	strace s17  }
0x93: {  	s2 =	sld [smem:$0x3FFC];
	_ =	sdelay $0x3  }
0x94: {  	_ =	strace s2  }
0x95: {  	s2 =	sld [smem:$0x3FFD];
	_ =	sdelay $0x3  }
0x96: {  	_ =	strace s2  }
0x97: {  	_ =	strace $0x8FFFFFFF  }
0x98: {  	s18 =	sld [smem:$0x3FDB];
	_ =	sdelay $0x1  }
0x99: {  	s19 =	simm.s32 $_scs_section_size  }
0x9a: {  	s4 =	simm.s32 $_size__tile_overlayer_lowered;
	s5 =	simm.s32 $_tile_overlayer_lowered  }
0x9b: {  	s22 =	simm.s32 $0x1BFF;
	s21 =	sshll.u32 s5, $0x1;
	s2 =	sadd.s32 s19, s18  }
0x9c: {  	s6 =	simm.s32 $0x0;
	s20 =	sshll.u32 s4, $0x1;
	s4 =	sadd.s32 s21, s2  }
0x9d: {  	[timem:s6], [sflag:s22] =	dma.local [hbm:s4], s20  }
0x9e: {  	_ =	swait.ge [sflag:s22], s20  }
0x9f: {  	s3 =	ssub.s32 $0x0, s20;
	[sflag:s22] =	ssyncset.done $0x0  }
0xa0: {  	[sflag:s22] =	ssyncadd.s32 s3;
	_ =	sdelay $0x1  }
0xa1: {  	s23 =	simm.s32 $0x1B8B  }
0xa2: {  	_ =	swait.ge [sflag:s23], $0x1  }
0xa3: {  	[sflag:s23] =	ssyncset.done $0x0  }
0xa4: {  	s25 =	simm.s32 $0x1B8E;
	s24 =	sld [smem:$0x3FFE];
	[sflag:s23] =	ssyncadd.s32 $0xFFFFFFFF  }
0xa5: {  	s26 =	simm.s32 $execute0_lowered;
	[smem:$0x3FD2] =	sst s25  }
0xa6: {  	s4 =	sshll.u32 s26, $0x1;
	_ =	strace $0x80000046;
	[dreg:$0x1] =	wrdreg $0xFFFFFFFF  }
0xa7: {  	s28 =	simm.s32 $_size_execute0_lowered;
	s2 =	sadd.s32 s2, s4;
	[dreg:$0x0] =	wrdreg $0x0  }
0xa8: {  	s4 =	sshll.u32 s28, $0x1;
	[dreg:$0x2] =	wrdreg s2  }
0xa9: {  	[dreg:$0x3] =	wrdreg s4  }
0xaa: {  	[dreg:$0x4] =	wrdreg $0xC0  }
0xab: {  	_ =	task [dreg:s6], $0x5FFFF  }
0xac: {  	[dreg:$0x1] =	wrdreg $0xFFFFFFFF  }
0xad: {  	[dreg:$0x0] =	wrdreg $0x60  }
0xae: {  	[dreg:$0x2] =	wrdreg s24  }
0xaf: {  	[dreg:$0x3] =	wrdreg $0x9  }
0xb0: {  	_ =	task.clear_ibuf [dreg:s6], $0x4FFFF;
	_ =	strace $0x90000046  }
0xb1: {  	s29 =	simm.s32 $0x9;
	_ =	strace $0x80000048  }
0xb2: {  	_ =	swait.ge [sflag:s29], $0x1  }
0xb3: {  	[sflag:s29] =	ssyncadd.s32 $0xFFFFFFFF  }
0xb4: {  	_ =	strace $0x90000048  }
0xb5: {  	_ =	sfence  }
0xb6: {  	s30 =	sld [smem:$0x0];
	_ =	sdelay $0x2  }
0xb7: {  	s31 =	sshll.u32 s1, $0xD;
	s1 =	sshrl.u32 s1, $0x2  }
0xb8: {  	s3 =	sand.u32 $0x4000, s31;
	s1 =	sadd.s32 s1, s30  }
0xb9: {  	s0 =	sor.u32 s3, s0;
	s1 =	sshll.u32 s1, $0x11  }
0xba: {  	s0 =	sor.u32 s1, s0  }
0xbb: {  	s0 =	sadd.s32 $0x8F2B, s0  }
0xbc: {  	[sflag:s0] =	ssyncadd.remote.s32 $0x1  }
0xbd: {  	_ =	sfence.sel $0xFFFF  }
0xbe: {  	[dreg:$0x0] =	wrdreg $0xFFFFFFFF;
	(pc) =	sbr.abs _section_cstart, $3  }
0xbf: {  	[dreg:$0x1] =	wrdreg $0xFFFFFFFF  }
0xc0: {  	_ =	task.clear_ibuf [dreg:s6], $0x2FFFF;
	_ =	strace $0x9FFFFFFF  }
0xc1: {  	(tm) =	ssettm $0x7FFFFFFF  }
tec
execute0_lowered:
.L_overlay_start_1:
0x0: {  	(tag) =	ssettag $0x1  }
0x1: {  	s2 =	rddreg [dreg:$0x0]  }
0x2: {  	s0 =	rddreg [dreg:$0x1]  }
0x3: {  	s1 =	simm.s32 $0x0;
	s3 =	srdreg.scid;
	s15 =	simm.s32 $0x400  }
0x4: {  	s16 =	simm.s32 $0x0;
	[smem:$0x7FF] =	sst s1;
	s9 =	sadd.s32 $0x3400, s2  }
0x5: {  	s3 =	sand.u32 $0x1, s3;
	s10 =	sadd.s32 $0xD400, s2;
	s2 =	stileid.u32  }
0x6: {  	_ =	strace $0x80000047;
	s4 =	ssub.s32 $0x2, s3;
	s6 =	sshll.u32 s2, $0x3  }
0x7: {  	s7 =	sshll.u32 s3, $0x2;
	s23 =	smul.u32 $0xF400, s2;
	s5 =	sshrl.u32 s4, $0x1  }
0x8: {  	s3 =	sshll.u32 s3, $0x9;
	s6 =	sor.u32 s7, s6;
	s11 =	ssub.s32 s4, s5  }
0x9: {  	s24 =	smul.u32 $0x140, s6;
	s25 =	sor.u32 $0x1, s6;
	s8 =	sor.u32 s3, s23  }
0xa: {  	s29 =	sor.u32 $0x2, s6;
	s13 =	sor.u32 $0x3, s6;
	s12 =	smul.u32 $0x140, s25  }
0xb: {  	s5 =	sshll.u32 s25, $0x7;
	s26 =	sshrl.u32 s8, $0x3;
	s30 =	sshll.u32 s29, $0x7  }
0xc: {  	s14 =	sshll.u32 s13, $0x7;
	s13 =	smul.u32 $0x140, s13;
	s11 =	smax.u32 s11, $0x1  }
0xd: {  	s3 =	sadd.s32 s9, s24;
	s28 =	sand.u32 $0x280, s5;
	s4 =	sadd.s32 s10, s26  }
0xe: {  	s14 =	sand.u32 $0x380, s14;
	s5 =	sadd.s32 s9, s12;
	s8 =	sor.u32 s23, s28  }
0xf: {  	s12 =	smul.u32 $0x140, s29;
	s14 =	sor.u32 s23, s14;
	s8 =	sshrl.u32 s8, $0x3  }
0x10: {  	s31 =	sshrl.u32 s14, $0x3;
	s6 =	sadd.s32 s10, s8;
	s8 =	sand.u32 $0x300, s30  }
0x11: {  	s14 =	simm.s32 $0x80;
	s7 =	sadd.s32 s9, s12;
	s8 =	sor.u32 s23, s8  }
0x12: {  	s9 =	sadd.s32 s9, s13;
	s12 =	simm.s32 $0x1;
	s8 =	sshrl.u32 s8, $0x3  }
0x13: {  	v0 =	vimm.f32 $0.0e+00;
	v1 =	vimm.f32 $1.000000000e+00;
	s13 =	simm.s32 $0xA00;
	s8 =	sadd.s32 s10, s8;
	s10 =	sadd.s32 s10, s31  }
.LBB2_1:
0x14: {  	[tilespmem:s1], [sflag:$0x1] =	stream.linear.gather [hbm4b:s3+s1], $0xA00, $0x38;
	[tilespmem:$0x2880] =	vst v63  }
0x15: {  	_ =	swait.ge [sflag:s12], $0xA00  }
0x16: {  	[sflag:s12] =	ssyncset.done $0x0  }
0x17: {  	s17 =	simm.s32 $0x0;
	[sflag:s12] =	ssyncadd.s32 $0xFFFFF600  }
.LBB2_2:
0x18: {  	p0 =	sne.s32 s17, $0x78C0  }
.Ltmp0:
0x19: {  	_ = 	snop;
	(pc) =	sbr.rel @p0 .LBB2_2-.Ltmp0, $3  }
0x1a: {  	_ =	sdelay $0x1  }
0x1b: {  	s18 =	sshra.s32 s17, $0x2  }
0x1c: {  	s17 =	sadd.s32 $0x40, s17;
	[tilespmem:s18+$0xA00] =	vst v0  }
0x1d: {  	s17 =	simm.s32 $0x0  }
0x1e: {  	s18 =	sand.u32 $0x70, s17;
	s17 =	sand.u32 $0xF00, s17  }
0x1f: {  	s17 =	sor.u32 s18, s17  }
0x20: {  	v2 =	vld [tilespmem:s17+$0x80];
	_ =	sdelay $0x1  }
0x21: {  	v3 =	vld [tilespmem:s17+$0x0];
	_ =	sdelay $0x2  }
0x22: {  	v2 =	vmul.u32 $0x58, v2;
	_ =	sdelay $0x1  }
0x23: {  	v2 =	vadd.s32 v3, v2;
	_ =	sdelay $0x2  }
0x24: {  	s31 =	simm.s32 $0x10;
	s17 =	simm.s32 $0x20  }
0x25: {  	s19 =	sand.u32 $0x70, s31;
	s18 =	simm.s32 $0x20;
	s20 =	sand.u32 $0xF00, s17  }
.LBB2_4:
0x26: {  	p0 =	sne.s32 s18, $0x4D0;
	s19 =	sor.u32 s19, s20;
	[tilespmem:v2+s13+$0x0] =	vst.idx.add.f32.msk $0xffff, v1  }
0x27: {  	v2 =	vld [tilespmem:s19+$0x80];
	_ =	sdelay $0x1  }
0x28: {  	v3 =	vld [tilespmem:s19+$0x0];
	_ =	sdelay $0x2  }
0x29: {  	v2 =	vmul.u32 $0x58, v2;
	_ =	sdelay $0x1  }
.Ltmp1:
0x2a: {  	v2 =	vadd.s32 v3, v2;
	(pc) =	sbr.rel @p0 .LBB2_4-.Ltmp1, $3  }
0x2b: {  	_ =	sdelay $0x1  }
0x2c: {  	s17 =	sadd.s32 $0x20, s17  }
0x2d: {  	s20 =	sand.u32 $0xF00, s17;
	s19 =	sand.u32 $0x70, s18;
	s18 =	sadd.s32 $0x10, s18  }
0x2e: {  	_ =	sdelay $0x3  }
0x2f: {  	s17 =	sor.u32 s19, s20;
	[tilespmem:v2+s13+$0x0] =	vst.idx.add.f32.msk $0xffff, v1  }
0x30: {  	v2 =	vld [tilespmem:s17+$0x80];
	_ =	sdelay $0x1  }
0x31: {  	v3 =	vld [tilespmem:s17+$0x0];
	_ =	sdelay $0x2  }
0x32: {  	v2 =	vmul.u32 $0x58, v2;
	_ =	sdelay $0x1  }
0x33: {  	v2 =	vadd.s32 v3, v2;
	_ =	sdelay $0x4  }
0x34: {  	[tilespmem:v2+s13+$0x0] =	vst.idx.add.f32.msk $0xffff, v1  }
0x35: {  	[hbm4b:s4+s14] =	stream.strided.scatter [tilespmem:s13], [sflag:$0x1], $0x1E80, s15, s14, $0x38;
	[tilespmem:$0x2880] =	vst v63  }
0x36: {  	_ =	swait.ge [sflag:s12], $0x1E80  }
0x37: {  	[sflag:s12] =	ssyncset.done $0x0  }
0x38: {  	s17 =	simm.s32 $0x0;
	[sflag:s12] =	ssyncadd.s32 $0xFFFFE180  }
0x39: {  	[tilespmem:s17], [sflag:$0x1] =	stream.linear.gather [hbm4b:s5+s17], $0xA00, $0x38;
	[tilespmem:$0x2880] =	vst v63  }
0x3a: {  	_ =	swait.ge [sflag:s12], $0xA00  }
0x3b: {  	[sflag:s12] =	ssyncset.done $0x0  }
0x3c: {  	s18 =	simm.s32 $0x40;
	s19 =	simm.s32 $0x0;
	[sflag:s12] =	ssyncadd.s32 $0xFFFFF600  }
.LBB2_6:
0x3d: {  	p0 =	sne.s32 s18, $0x78C0;
	[tilespmem:s19+$0xA00] =	vst v0;
	s19 =	smov.u32 s18;
	s18 =	sadd.s32 $0x40, s18  }
.Ltmp2:
0x3e: {  	(pc) =	sbr.rel @p0 .LBB2_6-.Ltmp2, $2  }
0x3f: {  	_ =	sdelay $0x2  }
0x40: {  	s19 =	sshra.s32 s19, $0x2  }
0x41: {  	s18 =	sand.u32 $0x70, s17;
	s30 =	sand.u32 $0xF00, s17  }
0x42: {  	[tilespmem:s19+$0xA00] =	vst v0;
	s17 =	sor.u32 s18, s30  }
0x43: {  	v2 =	vld [tilespmem:s17+$0x80];
	_ =	sdelay $0x1  }
0x44: {  	v3 =	vld [tilespmem:s17+$0x0];
	_ =	sdelay $0x2  }
0x45: {  	v2 =	vmul.u32 $0x58, v2;
	_ =	sdelay $0x1  }
0x46: {  	v2 =	vadd.s32 v3, v2;
	_ =	sdelay $0x2  }
0x47: {  	s31 =	simm.s32 $0x10;
	s17 =	simm.s32 $0x20  }
0x48: {  	s19 =	sand.u32 $0x70, s31;
	s18 =	simm.s32 $0x20;
	s20 =	sand.u32 $0xF00, s17  }
.LBB2_8:
0x49: {  	p0 =	sne.s32 s18, $0x4D0;
	s19 =	sor.u32 s19, s20;
	[tilespmem:v2+s13+$0x0] =	vst.idx.add.f32.msk $0xffff, v1  }
0x4a: {  	v2 =	vld [tilespmem:s19+$0x80];
	_ =	sdelay $0x1  }
0x4b: {  	v3 =	vld [tilespmem:s19+$0x0];
	_ =	sdelay $0x2  }
0x4c: {  	v2 =	vmul.u32 $0x58, v2;
	_ =	sdelay $0x1  }
.Ltmp3:
0x4d: {  	v2 =	vadd.s32 v3, v2;
	(pc) =	sbr.rel @p0 .LBB2_8-.Ltmp3, $3  }
0x4e: {  	_ =	sdelay $0x1  }
0x4f: {  	s17 =	sadd.s32 $0x20, s17  }
0x50: {  	s20 =	sand.u32 $0xF00, s17;
	s19 =	sand.u32 $0x70, s18;
	s18 =	sadd.s32 $0x10, s18  }
0x51: {  	_ =	sdelay $0x3  }
0x52: {  	s17 =	sor.u32 s19, s20;
	[tilespmem:v2+s13+$0x0] =	vst.idx.add.f32.msk $0xffff, v1  }
0x53: {  	v2 =	vld [tilespmem:s17+$0x80];
	_ =	sdelay $0x1  }
0x54: {  	v3 =	vld [tilespmem:s17+$0x0];
	_ =	sdelay $0x2  }
0x55: {  	v2 =	vmul.u32 $0x58, v2;
	_ =	sdelay $0x1  }
0x56: {  	v2 =	vadd.s32 v3, v2;
	_ =	sdelay $0x4  }
0x57: {  	[tilespmem:v2+s13+$0x0] =	vst.idx.add.f32.msk $0xffff, v1  }
0x58: {  	[hbm4b:s6+s14] =	stream.strided.scatter [tilespmem:s13], [sflag:$0x1], $0x1E80, s15, s14, $0x38;
	[tilespmem:$0x2880] =	vst v63  }
0x59: {  	_ =	swait.ge [sflag:s12], $0x1E80  }
0x5a: {  	[sflag:s12] =	ssyncset.done $0x0  }
0x5b: {  	s17 =	simm.s32 $0x0;
	[sflag:s12] =	ssyncadd.s32 $0xFFFFE180  }
0x5c: {  	[tilespmem:s17], [sflag:$0x1] =	stream.linear.gather [hbm4b:s7+s17], $0xA00, $0x38;
	[tilespmem:$0x2880] =	vst v63  }
0x5d: {  	_ =	swait.ge [sflag:s12], $0xA00  }
0x5e: {  	[sflag:s12] =	ssyncset.done $0x0  }
0x5f: {  	s18 =	simm.s32 $0x40;
	s19 =	simm.s32 $0x0;
	[sflag:s12] =	ssyncadd.s32 $0xFFFFF600  }
.LBB2_10:
0x60: {  	p0 =	sne.s32 s18, $0x78C0;
	[tilespmem:s19+$0xA00] =	vst v0;
	s19 =	smov.u32 s18;
	s18 =	sadd.s32 $0x40, s18  }
.Ltmp4:
0x61: {  	(pc) =	sbr.rel @p0 .LBB2_10-.Ltmp4, $2  }
0x62: {  	_ =	sdelay $0x2  }
0x63: {  	s19 =	sshra.s32 s19, $0x2  }
0x64: {  	s18 =	sand.u32 $0x70, s17;
	s30 =	sand.u32 $0xF00, s17  }
0x65: {  	[tilespmem:s19+$0xA00] =	vst v0;
	s17 =	sor.u32 s18, s30  }
0x66: {  	v2 =	vld [tilespmem:s17+$0x80];
	_ =	sdelay $0x1  }
0x67: {  	v3 =	vld [tilespmem:s17+$0x0];
	_ =	sdelay $0x2  }
0x68: {  	v2 =	vmul.u32 $0x58, v2;
	_ =	sdelay $0x1  }
0x69: {  	v2 =	vadd.s32 v3, v2;
	_ =	sdelay $0x2  }
0x6a: {  	s31 =	simm.s32 $0x10;
	s17 =	simm.s32 $0x20  }
0x6b: {  	s19 =	sand.u32 $0x70, s31;
	s18 =	simm.s32 $0x20;
	s20 =	sand.u32 $0xF00, s17  }
.LBB2_12:
0x6c: {  	p0 =	sne.s32 s18, $0x4D0;
	s19 =	sor.u32 s19, s20;
	[tilespmem:v2+s13+$0x0] =	vst.idx.add.f32.msk $0xffff, v1  }
0x6d: {  	v2 =	vld [tilespmem:s19+$0x80];
	_ =	sdelay $0x1  }
0x6e: {  	v3 =	vld [tilespmem:s19+$0x0];
	_ =	sdelay $0x2  }
0x6f: {  	v2 =	vmul.u32 $0x58, v2;
	_ =	sdelay $0x1  }
.Ltmp5:
0x70: {  	v2 =	vadd.s32 v3, v2;
	(pc) =	sbr.rel @p0 .LBB2_12-.Ltmp5, $3  }
0x71: {  	_ =	sdelay $0x1  }
0x72: {  	s17 =	sadd.s32 $0x20, s17  }
0x73: {  	s20 =	sand.u32 $0xF00, s17;
	s19 =	sand.u32 $0x70, s18;
	s18 =	sadd.s32 $0x10, s18  }
0x74: {  	_ =	sdelay $0x3  }
0x75: {  	s17 =	sor.u32 s19, s20;
	[tilespmem:v2+s13+$0x0] =	vst.idx.add.f32.msk $0xffff, v1  }
0x76: {  	v2 =	vld [tilespmem:s17+$0x80];
	_ =	sdelay $0x1  }
0x77: {  	v3 =	vld [tilespmem:s17+$0x0];
	_ =	sdelay $0x2  }
0x78: {  	v2 =	vmul.u32 $0x58, v2;
	_ =	sdelay $0x1  }
0x79: {  	v2 =	vadd.s32 v3, v2;
	_ =	sdelay $0x4  }
0x7a: {  	[tilespmem:v2+s13+$0x0] =	vst.idx.add.f32.msk $0xffff, v1  }
0x7b: {  	[hbm4b:s8+s14] =	stream.strided.scatter [tilespmem:s13], [sflag:$0x1], $0x1E80, s15, s14, $0x38;
	[tilespmem:$0x2880] =	vst v63  }
0x7c: {  	_ =	swait.ge [sflag:s12], $0x1E80  }
0x7d: {  	[sflag:s12] =	ssyncset.done $0x0  }
0x7e: {  	s17 =	simm.s32 $0x0;
	[sflag:s12] =	ssyncadd.s32 $0xFFFFE180  }
0x7f: {  	[tilespmem:s17], [sflag:$0x1] =	stream.linear.gather [hbm4b:s9+s17], $0xA00, $0x38;
	[tilespmem:$0x2880] =	vst v63  }
0x80: {  	_ =	swait.ge [sflag:s12], $0xA00  }
0x81: {  	[sflag:s12] =	ssyncset.done $0x0  }
0x82: {  	s18 =	simm.s32 $0x40;
	s19 =	simm.s32 $0x0;
	[sflag:s12] =	ssyncadd.s32 $0xFFFFF600  }
.LBB2_14:
0x83: {  	p0 =	sne.s32 s18, $0x78C0;
	[tilespmem:s19+$0xA00] =	vst v0;
	s19 =	smov.u32 s18;
	s18 =	sadd.s32 $0x40, s18  }
.Ltmp6:
0x84: {  	(pc) =	sbr.rel @p0 .LBB2_14-.Ltmp6, $2  }
0x85: {  	_ =	sdelay $0x2  }
0x86: {  	s19 =	sshra.s32 s19, $0x2  }
0x87: {  	s18 =	sand.u32 $0x70, s17;
	s30 =	sand.u32 $0xF00, s17  }
0x88: {  	[tilespmem:s19+$0xA00] =	vst v0;
	s17 =	sor.u32 s18, s30  }
0x89: {  	v2 =	vld [tilespmem:s17+$0x80];
	_ =	sdelay $0x1  }
0x8a: {  	v3 =	vld [tilespmem:s17+$0x0];
	_ =	sdelay $0x2  }
0x8b: {  	v2 =	vmul.u32 $0x58, v2;
	_ =	sdelay $0x1  }
0x8c: {  	v2 =	vadd.s32 v3, v2;
	_ =	sdelay $0x2  }
0x8d: {  	s31 =	simm.s32 $0x10;
	s17 =	simm.s32 $0x20  }
0x8e: {  	s19 =	sand.u32 $0x70, s31;
	s18 =	simm.s32 $0x20;
	s20 =	sand.u32 $0xF00, s17  }
.LBB2_16:
0x8f: {  	p0 =	sne.s32 s18, $0x4D0;
	s19 =	sor.u32 s19, s20;
	[tilespmem:v2+s13+$0x0] =	vst.idx.add.f32.msk $0xffff, v1  }
0x90: {  	v2 =	vld [tilespmem:s19+$0x80];
	_ =	sdelay $0x1  }
0x91: {  	v3 =	vld [tilespmem:s19+$0x0];
	_ =	sdelay $0x2  }
0x92: {  	v2 =	vmul.u32 $0x58, v2;
	_ =	sdelay $0x1  }
.Ltmp7:
0x93: {  	v2 =	vadd.s32 v3, v2;
	(pc) =	sbr.rel @p0 .LBB2_16-.Ltmp7, $3  }
0x94: {  	_ =	sdelay $0x1  }
0x95: {  	s17 =	sadd.s32 $0x20, s17  }
0x96: {  	s20 =	sand.u32 $0xF00, s17;
	s19 =	sand.u32 $0x70, s18;
	s18 =	sadd.s32 $0x10, s18  }
0x97: {  	_ =	sdelay $0x3  }
0x98: {  	s17 =	sor.u32 s19, s20;
	[tilespmem:v2+s13+$0x0] =	vst.idx.add.f32.msk $0xffff, v1  }
0x99: {  	v2 =	vld [tilespmem:s17+$0x80];
	_ =	sdelay $0x1  }
0x9a: {  	v3 =	vld [tilespmem:s17+$0x0];
	_ =	sdelay $0x2  }
0x9b: {  	v2 =	vmul.u32 $0x58, v2;
	_ =	sdelay $0x1  }
0x9c: {  	v2 =	vadd.s32 v3, v2;
	_ =	sdelay $0x2  }
0x9d: {  	s16 =	sadd.s32 $0x1, s16  }
0x9e: {  	p0 =	sne.s32 s16, s11  }
.Ltmp8:
0x9f: {  	[tilespmem:v2+s13+$0x0] =	vst.idx.add.f32.msk $0xffff, v1;
	(pc) =	sbr.rel @p0 .LBB2_1-.Ltmp8, $4  }
0xa0: {  	[hbm4b:s10+s14] =	stream.strided.scatter [tilespmem:s13], [sflag:$0x1], $0x1E80, s15, s14, $0x38;
	[tilespmem:$0x2880] =	vst v63  }
0xa1: {  	_ =	swait.ge [sflag:s12], $0x1E80  }
0xa2: {  	[sflag:s12] =	ssyncset.done $0x0  }
0xa3: {  	[sflag:s12] =	ssyncadd.s32 $0xFFFFE180  }
0xa4: {  	_ =	sfence.sel $0x180000  }
0xa5: {  	[bflag:$0x0] =	sbarrier.arrive $0xFFFF  }
0xa6: {  	p0 =	sne.s32 s2, $0x0;
	_ =	strace $0x90000047  }
0xa7: {  	s0 =	sadd.s32 @!p0 $0x100000, s0;
	[bflag:$0x2] =	sbarrier.arrive $0xFFFF  }
0xa8: {  	[sflag:s0] =	ssyncadd.tile.s32 @!p0 $0x1;
	_ =	shalt  }
.Lfunc_end2:
_tile_overlayer_lowered:
.L_overlay_start_2:
0xa9: {  	(tag) =	ssettag $0x2  }
0xaa: {  	s0 =	rddreg [dreg:$0x0];
	s2 =	stileid.u32  }
0xab: {  	s1 =	rddreg [dreg:$0x1];
	p0 =	sne.s32 s2, $0x0  }
0xac: {  	s3 =	rddreg [dreg:$0x2];
	[bflag:$0x3] =	sbarrier.arrive $0xFFFF;
	s2 =	simm.s32 @!p0 $0x1C01  }
0xad: {  	[timem:s3], [sflag:s2] =	dma.local @!p0 [hbm:s0], s1  }
0xae: {  	s0 =	simm.s32 @!p0 $0x1  }
0xaf: {  	_ =	swait.ge @!p0 [sflag:s0], s1  }
0xb0: {  	s1 =	ssub.s32 @!p0 $0x0, s1;
	[sflag:s0] =	ssyncset.done @!p0 $0x0  }
0xb1: {  	[sflag:s0] =	ssyncadd.s32 @!p0 s1  }
0xb2: {  	[bflag:$0x3] =	sbarrier.arrive $0xFFFF  }
0xb3: {  	_ =	shalt  }

</sc_bundles>
